<compile_context>
chip_gen: v7x
topology: tpu7x:2x2x1
jax: 0.10.2.dev20260603
libtpu: 0.0.44.dev20260713+nightly
codegen_flags: <defaults>
</compile_context>

<pallas_src>
import functools

import jax
import jax.numpy as jnp
from jax import lax
from jax.experimental import pallas as pl
from jax.experimental.pallas import tpu as pltpu
from jax.experimental.pallas import tpu_sc as plsc

N = 10000
N_PAD = 10240
NC = 2
NSUB = 16
CHUNK = 128
CPT = 160
E_PAD = NSUB * CPT * CHUNK
ROWS_PER_TILE = N_PAD // NSUB
DEG_W = 16
DEG_CPT = 80

_MESH = plsc.VectorSubcoreMesh(core_axis_name="c", subcore_axis_name="s")


def _make_sc_scatter(DH):

    @functools.partial(
        pl.kernel,
        out_type=jax.ShapeDtypeStruct((NC, N_PAD, DH), jnp.float32),
        mesh=_MESH,
        scratch_types=[
            pltpu.VMEM((CPT, CHUNK), jnp.int32),
            pltpu.VMEM((CPT, CHUNK), jnp.int32),
            pltpu.VMEM((4, CHUNK, DH), jnp.float32),
            pltpu.VMEM_SHARED((N_PAD, DH), jnp.float32),
            [pltpu.SemaphoreType.DMA] * 4,
            [pltpu.SemaphoreType.DMA] * 4,
        ],
        compiler_params=pltpu.CompilerParams(use_tc_tiling_on_sc=False),
    )
    def scat(table, src3, dst3, zrows, out, src_v, dst_v, rows_v, acc,
             gsems, ssems):
        c = lax.axis_index("c")
        s = lax.axis_index("s")
        row0 = s * ROWS_PER_TILE
        tbl = table.at[c]
        pltpu.sync_copy(zrows, acc.at[pl.ds(row0, ROWS_PER_TILE)])
        pltpu.sync_copy(src3.at[s], src_v)
        pltpu.sync_copy(dst3.at[s], dst_v)
        plsc.subcore_barrier()

        def gcp(j, slot):
            return pltpu.make_async_copy(
                tbl.at[src_v.at[j]], rows_v.at[slot], gsems[slot])

        def scp(j, slot):
            return pltpu.make_async_copy(
                rows_v.at[slot], acc.at[dst_v.at[j]], ssems[slot])

        def sstart(j, slot):
            pltpu.async_copy(rows_v.at[slot], acc.at[dst_v.at[j]],
                             ssems[slot], add=True)

        gcp(0, 0).start()
        gcp(1, 1).start()
        gcp(2, 2).start()
        gcp(0, 0).wait()
        sstart(0, 0)
        gcp(3, 3).start()
        gcp(1, 1).wait()
        sstart(1, 1)

        def body(g, carry):
            j0 = 2 + g * 4
            for i in range(4):
                j = j0 + i
                slot = (2 + i) % 4
                nslot = (slot + 2) % 4
                scp(j - 2, nslot).wait()
                gcp(j + 2, nslot).start()
                gcp(j, slot).wait()
                sstart(j, slot)
            return carry

        lax.fori_loop(0, (CPT - 4) // 4, body, 0)
        for j, slot in ((CPT - 2, (CPT - 2) % 4), (CPT - 1, (CPT - 1) % 4)):
            scp(j - 2, (slot + 2) % 4).wait()
            gcp(j, slot).wait()
            sstart(j, slot)
        scp(CPT - 2, (CPT - 2) % 4).wait()
        scp(CPT - 1, (CPT - 1) % 4).wait()
        plsc.subcore_barrier()
        pltpu.sync_copy(acc.at[pl.ds(row0, ROWS_PER_TILE)],
                        out.at[c, pl.ds(row0, ROWS_PER_TILE)])

    return scat


@functools.partial(
    pl.kernel,
    out_type=jax.ShapeDtypeStruct((NC, N_PAD, DEG_W), jnp.float32),
    mesh=_MESH,
    scratch_types=[
        pltpu.VMEM((DEG_CPT, CHUNK), jnp.int32),
        pltpu.VMEM((CHUNK, DEG_W), jnp.float32),
        pltpu.VMEM_SHARED((N_PAD, DEG_W), jnp.float32),
    ],
    compiler_params=pltpu.CompilerParams(use_tc_tiling_on_sc=False),
)
def _sc_degree(ones_rows, dst3, zrows, out, dst_v, ones_v, acc):
    c = lax.axis_index("c")
    s = lax.axis_index("s")
    wid = s * NC + c
    row0 = s * ROWS_PER_TILE
    pltpu.sync_copy(zrows, acc.at[pl.ds(row0, ROWS_PER_TILE)])
    pltpu.sync_copy(dst3.at[wid], dst_v)
    pltpu.sync_copy(ones_rows, ones_v)
    plsc.subcore_barrier()

    def body(j, carry):
        pltpu.sync_copy(ones_v, acc.at[dst_v.at[j]], add=True)
        return carry

    lax.fori_loop(0, DEG_CPT, body, 0)
    plsc.subcore_barrier()
    pltpu.sync_copy(acc.at[pl.ds(row0, ROWS_PER_TILE)],
                    out.at[c, pl.ds(row0, ROWS_PER_TILE)])


_BLK = 1024


def _rows(D):
    return pl.BlockSpec((_BLK, D), lambda i: (i, 0))


def _crows(DH):
    return pl.BlockSpec((NC, _BLK, DH), lambda i: (0, i, 0))


def _whole(shape):
    return pl.BlockSpec(shape, lambda i: (0,) * len(shape))


def _dinv_of(d0_ref, d1_ref):
    deg = d0_ref[:, :1] + d1_ref[:, :1] + 1.0
    return lax.rsqrt(deg)


def _tc_first(x, w, d0, d1):

    def body(x_ref, w_ref, d0_ref, d1_ref, o_ref):
        dinv = _dinv_of(d0_ref, d1_ref)
        xv = x_ref[...]
        o_ref[0] = jnp.dot(xv, w_ref[:, :64],
                           preferred_element_type=jnp.float32) * dinv
        o_ref[1] = jnp.dot(xv, w_ref[:, 64:],
                           preferred_element_type=jnp.float32) * dinv

    return pl.pallas_call(
        body,
        grid=(N_PAD // _BLK,),
        in_specs=[_rows(128), _whole(w.shape), _rows(DEG_W), _rows(DEG_W)],
        out_specs=_crows(64),
        out_shape=jax.ShapeDtypeStruct((NC, N_PAD, 64), jnp.float32),
    )(x, w, d0, d1)


def _tc_mid(s1, g1, d0, d1, b, w):

    def body(s_ref, g_ref, d0_ref, d1_ref, b_ref, w_ref, o_ref):
        dinv = _dinv_of(d0_ref, d1_ref)
        xa = jnp.maximum(dinv * (s_ref[0] + g_ref[0]) + b_ref[:, :64], 0.0)
        xb = jnp.maximum(dinv * (s_ref[1] + g_ref[1]) + b_ref[:, 64:], 0.0)
        ga = jnp.dot(xa, w_ref[:64], preferred_element_type=jnp.float32)
        gb = jnp.dot(xb, w_ref[64:], preferred_element_type=jnp.float32)
        gsum = ga + gb
        o_ref[0] = gsum[:, :32] * dinv
        o_ref[1] = gsum[:, 32:] * dinv

    return pl.pallas_call(
        body,
        grid=(N_PAD // _BLK,),
        in_specs=[_crows(64), _crows(64), _rows(DEG_W), _rows(DEG_W),
                  _whole(b.shape), _whole(w.shape)],
        out_specs=_crows(32),
        out_shape=jax.ShapeDtypeStruct((NC, N_PAD, 32), jnp.float32),
    )(s1, g1, d0, d1, b, w)


def _tc_mid2(s2, g2, d0, d1, b, w):

    def body(s_ref, g_ref, d0_ref, d1_ref, b_ref, w_ref, h_ref, o_ref):
        dinv = _dinv_of(d0_ref, d1_ref)
        ha = jnp.maximum(dinv * (s_ref[0] + g_ref[0]) + b_ref[:, :32], 0.0)
        hb = jnp.maximum(dinv * (s_ref[1] + g_ref[1]) + b_ref[:, 32:], 0.0)
        h_ref[:, :32] = ha
        h_ref[:, 32:] = hb
        gsum = (jnp.dot(ha, w_ref[:32], preferred_element_type=jnp.float32)
                + jnp.dot(hb, w_ref[32:], preferred_element_type=jnp.float32))
        o_ref[0] = gsum[:, :32] * dinv
        o_ref[1] = gsum[:, 32:] * dinv

    return pl.pallas_call(
        body,
        grid=(N_PAD // _BLK,),
        in_specs=[_crows(32), _crows(32), _rows(DEG_W), _rows(DEG_W),
                  _whole(b.shape), _whole(w.shape)],
        out_specs=[_rows(64), _crows(32)],
        out_shape=[jax.ShapeDtypeStruct((N_PAD, 64), jnp.float32),
                   jax.ShapeDtypeStruct((NC, N_PAD, 32), jnp.float32)],
    )(s2, g2, d0, d1, b, w)


def _tc_last(s3, g3, d0, d1, b):

    def body(s_ref, g_ref, d0_ref, d1_ref, b_ref, o_ref):
        dinv = _dinv_of(d0_ref, d1_ref)
        o_ref[:, :32] = dinv * (s_ref[0] + g_ref[0]) + b_ref[:, :32]
        o_ref[:, 32:] = dinv * (s_ref[1] + g_ref[1]) + b_ref[:, 32:]

    return pl.pallas_call(
        body,
        grid=(N_PAD // _BLK,),
        in_specs=[_crows(32), _crows(32), _rows(DEG_W), _rows(DEG_W),
                  _whole(b.shape)],
        out_specs=_rows(64),
        out_shape=jax.ShapeDtypeStruct((N_PAD, 64), jnp.float32),
    )(s3, g3, d0, d1, b)


_scatter64 = _make_sc_scatter(64)
_scatter32 = _make_sc_scatter(32)


def kernel(x, edge_index, W1, b1, W2, b2, W3, b3):
    src = edge_index[0]
    dst = edge_index[1]
    pad_e = E_PAD - src.shape[0]
    src_p = jnp.concatenate([src, jnp.zeros((pad_e,), src.dtype)])
    dst_p = jnp.concatenate([dst, jnp.full((pad_e,), N, dst.dtype)])
    src3 = src_p.reshape(NSUB, CPT, CHUNK)
    dst3 = dst_p.reshape(NSUB, CPT, CHUNK)
    srcd = src_p.reshape(NC * NSUB, DEG_CPT, CHUNK)
    dstd = dst_p.reshape(NC * NSUB, DEG_CPT, CHUNK)
    del srcd
    x_pad = jnp.zeros((N_PAD, x.shape[1]), jnp.float32).at[:N].set(x)

    ones_rows = jnp.ones((CHUNK, DEG_W), jnp.float32)
    z16 = jnp.zeros((ROWS_PER_TILE, DEG_W), jnp.float32)
    z64 = jnp.zeros((ROWS_PER_TILE, 64), jnp.float32)
    z32 = jnp.zeros((ROWS_PER_TILE, 32), jnp.float32)

    degp = _sc_degree(ones_rows, dstd, z16)
    d0, d1 = degp[0], degp[1]

    g1 = _tc_first(x_pad, W1, d0, d1)
    s1 = _scatter64(g1, src3, dst3, z64)
    g2 = _tc_mid(s1, g1, d0, d1, b1.reshape(1, -1), W2)
    s2 = _scatter32(g2, src3, dst3, z32)
    h_full, g3 = _tc_mid2(s2, g2, d0, d1, b2.reshape(1, -1), W3)
    s3 = _scatter32(g3, src3, dst3, z32)
    out_full = _tc_last(s3, g3, d0, d1, b3.reshape(1, -1))
    return (out_full[:N], h_full[:N])

# --- scband reference (transcript-rebuilt; emitter-appended) ---
"""Pipeline reference for scband-gcn-65609920414386 (READ-ONLY COPY).

The authoritative reference and input builder live on the scoring server;
editing this copy changes nothing except your own understanding.
"""

import jax, jax.numpy as jnp
import numpy as np

N = 10000
E = 320000
D_IN = 128
H1 = 128
H2 = 64
D_OUT = 64


def gcn_conv(x, edge_index, W, b):
    n = x.shape[0]
    loop = jnp.arange(n, dtype=edge_index.dtype)
    src = jnp.concatenate([edge_index[0], loop])
    dst = jnp.concatenate([edge_index[1], loop])
    h = x @ W
    ones = jnp.ones(src.shape[0], dtype=h.dtype)
    deg = jnp.zeros(n, dtype=h.dtype).at[dst].add(ones)
    dinv = jnp.where(deg > 0, jax.lax.rsqrt(jnp.maximum(deg, 1e-12)), 0.0)
    norm = dinv[src] * dinv[dst]
    msg = h[src] * norm[:, None]
    out = jnp.zeros((n, h.shape[1]), dtype=h.dtype).at[dst].add(msg)
    return out + b


def setup_inputs(seed: int = 0):
    key = jax.random.key(seed)
    ks = jax.random.split(key, 8)
    x = jax.random.normal(ks[0], (N, D_IN), dtype=jnp.float32)
    edge_index = jax.random.randint(ks[1], (2, E), 0, N, dtype=jnp.int32)
    W1 = jax.random.normal(ks[2], (D_IN, H1), dtype=jnp.float32) * (1.0 / np.sqrt(D_IN))
    b1 = jnp.zeros((H1,), dtype=jnp.float32)
    W2 = jax.random.normal(ks[3], (H1, H2), dtype=jnp.float32) * (1.0 / np.sqrt(H1))
    b2 = jnp.zeros((H2,), dtype=jnp.float32)
    W3 = jax.random.normal(ks[4], (H2, D_OUT), dtype=jnp.float32) * (1.0 / np.sqrt(H2))
    b3 = jnp.zeros((D_OUT,), dtype=jnp.float32)
    return {"x": x, "edge_index": edge_index, "W1": W1, "b1": b1, "W2": W2, "b2": b2, "W3": W3, "b3": b3}


def reference(x, edge_index, W1, b1, W2, b2, W3, b3):
    x1 = jax.nn.relu(gcn_conv(x, edge_index, W1, b1))
    h = jax.nn.relu(gcn_conv(x1, edge_index, W2, b2))
    out = gcn_conv(h, edge_index, W3, b3)
    return (out, h)

if __name__ == "__main__":
    import jax
    _d = setup_inputs()
    print(jax.jit(kernel)(*tuple(_d.values())))

</pallas_src>

<mosaic_0001>
#map = affine_map<(d0, d1) -> (0, 0)>
#map1 = affine_map<(d0, d1) -> (0, 0, 0)>
module attributes {stable_mosaic.version = 14 : i64} {
  func.func @_sc_degree(%arg0: i32, %arg1: i32, %arg2: memref<128x16xf32, #tpu.memory_space<hbm>>, %arg3: memref<32x80x128xi32, #tpu.memory_space<hbm>>, %arg4: memref<640x16xf32, #tpu.memory_space<hbm>>, %arg5: memref<2x10240x16xf32, #tpu.memory_space<hbm>>, %arg6: memref<80x128xi32, #tpu.memory_space<vmem>>, %arg7: memref<128x16xf32, #tpu.memory_space<vmem>>, %arg8: memref<10240x16xf32, #tpu.memory_space<vmem_shared>>) attributes {dimension_semantics = [#tpu.dimension_semantics<core_parallel>, #tpu.dimension_semantics<subcore_parallel>], iteration_bounds = array<i64: 2, 16>, scalar_prefetch = 0 : i64, scratch_operands = 3 : i64, tpu.core_type = #tpu.core_type<sc_vector_subcore>, window_params = [{transform_indices = #map}, {transform_indices = #map1}, {transform_indices = #map}, {transform_indices = #map1}]} {
    %mul3A = arith.constant 2 : i32
    %mul3A_0 = arith.muli %arg1, %mul3A : i32
    %add3A = arith.addi %mul3A_0, %arg0 : i32
    %mul3A_1 = arith.constant 640 : i32
    %mul3A_2 = arith.muli %arg1, %mul3A_1 : i32
    "tpu.region"() ({
      %run_scoped3A = tpu.sem_alloc : memref<!tpu.dma_semaphore, #tpu.memory_space<semaphore_mem>>
      %dma_start3A = arith.constant 0 : i32
      %dma_start3A_9 = tpu.memref_slice %arg8[%mul3A_2, %dma_start3A] : memref<10240x16xf32, #tpu.memory_space<vmem_shared>> -> memref<640x16xf32, #tpu.memory_space<vmem_shared>>
      tpu.enqueue_dma source(%arg4 : memref<640x16xf32, #tpu.memory_space<hbm>>) target(%dma_start3A_9 : memref<640x16xf32, #tpu.memory_space<vmem_shared>>) target_semaphore(%run_scoped3A : memref<!tpu.dma_semaphore, #tpu.memory_space<semaphore_mem>>)
      %dma_wait3A = arith.constant 0 : i32
      %dma_wait3A_10 = tpu.memref_slice %arg8[%mul3A_2, %dma_wait3A] : memref<10240x16xf32, #tpu.memory_space<vmem_shared>> -> memref<640x16xf32, #tpu.memory_space<vmem_shared>>
      tpu.wait_dma2 semaphore(%run_scoped3A : memref<!tpu.dma_semaphore, #tpu.memory_space<semaphore_mem>>) src(%arg4 : memref<640x16xf32, #tpu.memory_space<hbm>>) dst(%dma_wait3A_10 : memref<640x16xf32, #tpu.memory_space<vmem_shared>>)
      tpu.yield
    }) : () -> ()
    "tpu.region"() ({
      %run_scoped3A = tpu.sem_alloc : memref<!tpu.dma_semaphore, #tpu.memory_space<semaphore_mem>>
      %dma_start3A = arith.constant 0 : i32
      %dma_start3A_9 = arith.constant 0 : i32
      %dma_start3A_10 = tpu.memref_slice %arg3[%add3A, %dma_start3A, %dma_start3A_9] : memref<32x80x128xi32, #tpu.memory_space<hbm>> -> memref<1x80x128xi32, #tpu.memory_space<hbm>>
      %dma_start3A_11 = tpu.memref_squeeze %dma_start3A_10 : memref<1x80x128xi32, #tpu.memory_space<hbm>> -> memref<80x128xi32, #tpu.memory_space<hbm>>
      %dma_start3A_12 = arith.constant 0 : i32
      %dma_start3A_13 = arith.constant 0 : i32
      %dma_start3A_14 = tpu.memref_slice %arg3[%add3A, %dma_start3A_12, %dma_start3A_13] : memref<32x80x128xi32, #tpu.memory_space<hbm>> -> memref<1x80x128xi32, #tpu.memory_space<hbm>>
      %dma_start3A_15 = tpu.memref_squeeze %dma_start3A_14 : memref<1x80x128xi32, #tpu.memory_space<hbm>> -> memref<80x128xi32, #tpu.memory_space<hbm>>
      tpu.enqueue_dma source(%dma_start3A_15 : memref<80x128xi32, #tpu.memory_space<hbm>>) target(%arg6 : memref<80x128xi32, #tpu.memory_space<vmem>>) target_semaphore(%run_scoped3A : memref<!tpu.dma_semaphore, #tpu.memory_space<semaphore_mem>>)
      %dma_wait3A = arith.constant 0 : i32
      %dma_wait3A_16 = arith.constant 0 : i32
      %dma_wait3A_17 = tpu.memref_slice %arg3[%add3A, %dma_wait3A, %dma_wait3A_16] : memref<32x80x128xi32, #tpu.memory_space<hbm>> -> memref<1x80x128xi32, #tpu.memory_space<hbm>>
      %dma_wait3A_18 = tpu.memref_squeeze %dma_wait3A_17 : memref<1x80x128xi32, #tpu.memory_space<hbm>> -> memref<80x128xi32, #tpu.memory_space<hbm>>
      %dma_wait3A_19 = arith.constant 0 : i32
      %dma_wait3A_20 = arith.constant 0 : i32
      %dma_wait3A_21 = tpu.memref_slice %arg3[%add3A, %dma_wait3A_19, %dma_wait3A_20] : memref<32x80x128xi32, #tpu.memory_space<hbm>> -> memref<1x80x128xi32, #tpu.memory_space<hbm>>
      %dma_wait3A_22 = tpu.memref_squeeze %dma_wait3A_21 : memref<1x80x128xi32, #tpu.memory_space<hbm>> -> memref<80x128xi32, #tpu.memory_space<hbm>>
      tpu.wait_dma2 semaphore(%run_scoped3A : memref<!tpu.dma_semaphore, #tpu.memory_space<semaphore_mem>>) src(%dma_wait3A_22 : memref<80x128xi32, #tpu.memory_space<hbm>>) dst(%arg6 : memref<80x128xi32, #tpu.memory_space<vmem>>)
      tpu.yield
    }) : () -> ()
    "tpu.region"() ({
      %run_scoped3A = tpu.sem_alloc : memref<!tpu.dma_semaphore, #tpu.memory_space<semaphore_mem>>
      tpu.enqueue_dma source(%arg2 : memref<128x16xf32, #tpu.memory_space<hbm>>) target(%arg7 : memref<128x16xf32, #tpu.memory_space<vmem>>) target_semaphore(%run_scoped3A : memref<!tpu.dma_semaphore, #tpu.memory_space<semaphore_mem>>)
      tpu.wait_dma2 semaphore(%run_scoped3A : memref<!tpu.dma_semaphore, #tpu.memory_space<semaphore_mem>>) src(%arg2 : memref<128x16xf32, #tpu.memory_space<hbm>>) dst(%arg7 : memref<128x16xf32, #tpu.memory_space<vmem>>)
      tpu.yield
    }) : () -> ()
    %barrier3A = arith.constant 0 : index
    tpu.barrier barrier_id(%barrier3A)
    %scan3A = arith.constant 0 : i32
    %scan3A_3 = arith.constant 0 : i32
    %scan3A_4 = arith.constant 80 : i32
    %scan3A_5 = arith.addi %scan3A_3, %scan3A_4 : i32
    %scan3A_6 = arith.constant 1 : i32
    scf.for %scan3A_9 = %scan3A_3 to %scan3A_5 step %scan3A_6  : i32 {
      "tpu.region"() ({
        %run_scoped3A = tpu.sem_alloc : memref<!tpu.dma_semaphore, #tpu.memory_space<semaphore_mem>>
        %dma_start3A = arith.constant 0 : i32
        %dma_start3A_10 = tpu.memref_slice %arg6[%scan3A_9, %dma_start3A] : memref<80x128xi32, #tpu.memory_space<vmem>> -> memref<1x128xi32, #tpu.memory_space<vmem>>
        %dma_start3A_11 = tpu.memref_squeeze %dma_start3A_10 : memref<1x128xi32, #tpu.memory_space<vmem>> -> memref<128xi32, #tpu.memory_space<vmem>>
        %dma_start3A_12 = arith.constant 0 : i32
        %dma_start3A_13 = arith.constant 0 : i32
        %dma_start3A_14 = tpu.memref_slice %arg8[%dma_start3A_12, %dma_start3A_13] : memref<10240x16xf32, #tpu.memory_space<vmem_shared>> -> memref<10240x16xf32, #tpu.memory_space<vmem_shared>>
        tpu.enqueue_indirect_dma source(%arg7 : memref<128x16xf32, #tpu.memory_space<vmem>>) target(%dma_start3A_14 : memref<10240x16xf32, #tpu.memory_space<vmem_shared>>) offsets(%dma_start3A_11 : memref<128xi32, #tpu.memory_space<vmem>>) semaphore(%run_scoped3A : memref<!tpu.dma_semaphore, #tpu.memory_space<semaphore_mem>>) {add = true}
        %dma_wait3A = arith.constant 0 : i32
        %dma_wait3A_15 = tpu.memref_slice %arg6[%scan3A_9, %dma_wait3A] : memref<80x128xi32, #tpu.memory_space<vmem>> -> memref<1x128xi32, #tpu.memory_space<vmem>>
        %dma_wait3A_16 = tpu.memref_squeeze %dma_wait3A_15 : memref<1x128xi32, #tpu.memory_space<vmem>> -> memref<128xi32, #tpu.memory_space<vmem>>
        %dma_wait3A_17 = arith.constant 0 : i32
        %dma_wait3A_18 = arith.constant 0 : i32
        %dma_wait3A_19 = tpu.memref_slice %arg8[%dma_wait3A_17, %dma_wait3A_18] : memref<10240x16xf32, #tpu.memory_space<vmem_shared>> -> memref<10240x16xf32, #tpu.memory_space<vmem_shared>>
        tpu.wait_indirect_dma semaphore(%run_scoped3A : memref<!tpu.dma_semaphore, #tpu.memory_space<semaphore_mem>>) src(%arg7 : memref<128x16xf32, #tpu.memory_space<vmem>>) dst(%dma_wait3A_19 : memref<10240x16xf32, #tpu.memory_space<vmem_shared>>)
        tpu.yield
      }) : () -> ()
    }
    %scan3A_7 = arith.constant 80 : i32
    %barrier3A_8 = arith.constant 0 : index
    tpu.barrier barrier_id(%barrier3A_8)
    "tpu.region"() ({
      %run_scoped3A = tpu.sem_alloc : memref<!tpu.dma_semaphore, #tpu.memory_space<semaphore_mem>>
      %dma_start3A = arith.constant 0 : i32
      %dma_start3A_9 = tpu.memref_slice %arg5[%arg0, %mul3A_2, %dma_start3A] : memref<2x10240x16xf32, #tpu.memory_space<hbm>> -> memref<1x640x16xf32, #tpu.memory_space<hbm>>
      %dma_start3A_10 = tpu.memref_squeeze %dma_start3A_9 : memref<1x640x16xf32, #tpu.memory_space<hbm>> -> memref<640x16xf32, #tpu.memory_space<hbm>>
      %dma_start3A_11 = arith.constant 0 : i32
      %dma_start3A_12 = tpu.memref_slice %arg8[%mul3A_2, %dma_start3A_11] : memref<10240x16xf32, #tpu.memory_space<vmem_shared>> -> memref<640x16xf32, #tpu.memory_space<vmem_shared>>
      tpu.enqueue_dma source(%dma_start3A_12 : memref<640x16xf32, #tpu.memory_space<vmem_shared>>) target(%dma_start3A_10 : memref<640x16xf32, #tpu.memory_space<hbm>>) target_semaphore(%run_scoped3A : memref<!tpu.dma_semaphore, #tpu.memory_space<semaphore_mem>>)
      %dma_wait3A = arith.constant 0 : i32
      %dma_wait3A_13 = tpu.memref_slice %arg5[%arg0, %mul3A_2, %dma_wait3A] : memref<2x10240x16xf32, #tpu.memory_space<hbm>> -> memref<1x640x16xf32, #tpu.memory_space<hbm>>
      %dma_wait3A_14 = tpu.memref_squeeze %dma_wait3A_13 : memref<1x640x16xf32, #tpu.memory_space<hbm>> -> memref<640x16xf32, #tpu.memory_space<hbm>>
      %dma_wait3A_15 = arith.constant 0 : i32
      %dma_wait3A_16 = tpu.memref_slice %arg8[%mul3A_2, %dma_wait3A_15] : memref<10240x16xf32, #tpu.memory_space<vmem_shared>> -> memref<640x16xf32, #tpu.memory_space<vmem_shared>>
      tpu.wait_dma2 semaphore(%run_scoped3A : memref<!tpu.dma_semaphore, #tpu.memory_space<semaphore_mem>>) src(%dma_wait3A_16 : memref<640x16xf32, #tpu.memory_space<vmem_shared>>) dst(%dma_wait3A_14 : memref<640x16xf32, #tpu.memory_space<hbm>>)
      tpu.yield
    }) : () -> ()
    return
  }
}

#map = affine_map<(d0, d1) -> (0, 0, 0)>
#map1 = affine_map<(d0, d1) -> (0, 0)>
module attributes {stable_mosaic.version = 14 : i64} {
  func.func @scat(%arg0: i32, %arg1: i32, %arg2: memref<2x10240x64xf32, #tpu.memory_space<hbm>>, %arg3: memref<16x160x128xi32, #tpu.memory_space<hbm>>, %arg4: memref<16x160x128xi32, #tpu.memory_space<hbm>>, %arg5: memref<640x64xf32, #tpu.memory_space<hbm>>, %arg6: memref<2x10240x64xf32, #tpu.memory_space<hbm>>, %arg7: memref<160x128xi32, #tpu.memory_space<vmem>>, %arg8: memref<160x128xi32, #tpu.memory_space<vmem>>, %arg9: memref<4x128x64xf32, #tpu.memory_space<vmem>>, %arg10: memref<10240x64xf32, #tpu.memory_space<vmem_shared>>, %arg11: memref<!tpu.dma_semaphore, #tpu.memory_space<semaphore_mem>>, %arg12: memref<!tpu.dma_semaphore, #tpu.memory_space<semaphore_mem>>, %arg13: memref<!tpu.dma_semaphore, #tpu.memory_space<semaphore_mem>>, %arg14: memref<!tpu.dma_semaphore, #tpu.memory_space<semaphore_mem>>, %arg15: memref<!tpu.dma_semaphore, #tpu.memory_space<semaphore_mem>>, %arg16: memref<!tpu.dma_semaphore, #tpu.memory_space<semaphore_mem>>, %arg17: memref<!tpu.dma_semaphore, #tpu.memory_space<semaphore_mem>>, %arg18: memref<!tpu.dma_semaphore, #tpu.memory_space<semaphore_mem>>) attributes {dimension_semantics = [#tpu.dimension_semantics<core_parallel>, #tpu.dimension_semantics<subcore_parallel>], iteration_bounds = array<i64: 2, 16>, scalar_prefetch = 0 : i64, scratch_operands = 12 : i64, tpu.core_type = #tpu.core_type<sc_vector_subcore>, window_params = [{transform_indices = #map}, {transform_indices = #map}, {transform_indices = #map}, {transform_indices = #map1}, {transform_indices = #map}]} {
    %mul3A = arith.constant 640 : i32
    %mul3A_0 = arith.muli %arg1, %mul3A : i32
    "tpu.region"() ({
      %run_scoped3A = tpu.sem_alloc : memref<!tpu.dma_semaphore, #tpu.memory_space<semaphore_mem>>
      %dma_start3A_229 = arith.constant 0 : i32
      %dma_start3A_230 = tpu.memref_slice %arg10[%mul3A_0, %dma_start3A_229] : memref<10240x64xf32, #tpu.memory_space<vmem_shared>> -> memref<640x64xf32, #tpu.memory_space<vmem_shared>>
      tpu.enqueue_dma source(%arg5 : memref<640x64xf32, #tpu.memory_space<hbm>>) target(%dma_start3A_230 : memref<640x64xf32, #tpu.memory_space<vmem_shared>>) target_semaphore(%run_scoped3A : memref<!tpu.dma_semaphore, #tpu.memory_space<semaphore_mem>>)
      %dma_wait3A_231 = arith.constant 0 : i32
      %dma_wait3A_232 = tpu.memref_slice %arg10[%mul3A_0, %dma_wait3A_231] : memref<10240x64xf32, #tpu.memory_space<vmem_shared>> -> memref<640x64xf32, #tpu.memory_space<vmem_shared>>
      tpu.wait_dma2 semaphore(%run_scoped3A : memref<!tpu.dma_semaphore, #tpu.memory_space<semaphore_mem>>) src(%arg5 : memref<640x64xf32, #tpu.memory_space<hbm>>) dst(%dma_wait3A_232 : memref<640x64xf32, #tpu.memory_space<vmem_shared>>)
      tpu.yield
    }) : () -> ()
    "tpu.region"() ({
      %run_scoped3A = tpu.sem_alloc : memref<!tpu.dma_semaphore, #tpu.memory_space<semaphore_mem>>
      %dma_start3A_229 = arith.constant 0 : i32
      %dma_start3A_230 = arith.constant 0 : i32
      %dma_start3A_231 = tpu.memref_slice %arg3[%arg1, %dma_start3A_229, %dma_start3A_230] : memref<16x160x128xi32, #tpu.memory_space<hbm>> -> memref<1x160x128xi32, #tpu.memory_space<hbm>>
      %dma_start3A_232 = tpu.memref_squeeze %dma_start3A_231 : memref<1x160x128xi32, #tpu.memory_space<hbm>> -> memref<160x128xi32, #tpu.memory_space<hbm>>
      %dma_start3A_233 = arith.constant 0 : i32
      %dma_start3A_234 = arith.constant 0 : i32
      %dma_start3A_235 = tpu.memref_slice %arg3[%arg1, %dma_start3A_233, %dma_start3A_234] : memref<16x160x128xi32, #tpu.memory_space<hbm>> -> memref<1x160x128xi32, #tpu.memory_space<hbm>>
      %dma_start3A_236 = tpu.memref_squeeze %dma_start3A_235 : memref<1x160x128xi32, #tpu.memory_space<hbm>> -> memref<160x128xi32, #tpu.memory_space<hbm>>
      tpu.enqueue_dma source(%dma_start3A_236 : memref<160x128xi32, #tpu.memory_space<hbm>>) target(%arg7 : memref<160x128xi32, #tpu.memory_space<vmem>>) target_semaphore(%run_scoped3A : memref<!tpu.dma_semaphore, #tpu.memory_space<semaphore_mem>>)
      %dma_wait3A_237 = arith.constant 0 : i32
      %dma_wait3A_238 = arith.constant 0 : i32
      %dma_wait3A_239 = tpu.memref_slice %arg3[%arg1, %dma_wait3A_237, %dma_wait3A_238] : memref<16x160x128xi32, #tpu.memory_space<hbm>> -> memref<1x160x128xi32, #tpu.memory_space<hbm>>
      %dma_wait3A_240 = tpu.memref_squeeze %dma_wait3A_239 : memref<1x160x128xi32, #tpu.memory_space<hbm>> -> memref<160x128xi32, #tpu.memory_space<hbm>>
      %dma_wait3A_241 = arith.constant 0 : i32
      %dma_wait3A_242 = arith.constant 0 : i32
      %dma_wait3A_243 = tpu.memref_slice %arg3[%arg1, %dma_wait3A_241, %dma_wait3A_242] : memref<16x160x128xi32, #tpu.memory_space<hbm>> -> memref<1x160x128xi32, #tpu.memory_space<hbm>>
      %dma_wait3A_244 = tpu.memref_squeeze %dma_wait3A_243 : memref<1x160x128xi32, #tpu.memory_space<hbm>> -> memref<160x128xi32, #tpu.memory_space<hbm>>
      tpu.wait_dma2 semaphore(%run_scoped3A : memref<!tpu.dma_semaphore, #tpu.memory_space<semaphore_mem>>) src(%dma_wait3A_244 : memref<160x128xi32, #tpu.memory_space<hbm>>) dst(%arg7 : memref<160x128xi32, #tpu.memory_space<vmem>>)
      tpu.yield
    }) : () -> ()
    "tpu.region"() ({
      %run_scoped3A = tpu.sem_alloc : memref<!tpu.dma_semaphore, #tpu.memory_space<semaphore_mem>>
      %dma_start3A_229 = arith.constant 0 : i32
      %dma_start3A_230 = arith.constant 0 : i32
      %dma_start3A_231 = tpu.memref_slice %arg4[%arg1, %dma_start3A_229, %dma_start3A_230] : memref<16x160x128xi32, #tpu.memory_space<hbm>> -> memref<1x160x128xi32, #tpu.memory_space<hbm>>
      %dma_start3A_232 = tpu.memref_squeeze %dma_start3A_231 : memref<1x160x128xi32, #tpu.memory_space<hbm>> -> memref<160x128xi32, #tpu.memory_space<hbm>>
      %dma_start3A_233 = arith.constant 0 : i32
      %dma_start3A_234 = arith.constant 0 : i32
      %dma_start3A_235 = tpu.memref_slice %arg4[%arg1, %dma_start3A_233, %dma_start3A_234] : memref<16x160x128xi32, #tpu.memory_space<hbm>> -> memref<1x160x128xi32, #tpu.memory_space<hbm>>
      %dma_start3A_236 = tpu.memref_squeeze %dma_start3A_235 : memref<1x160x128xi32, #tpu.memory_space<hbm>> -> memref<160x128xi32, #tpu.memory_space<hbm>>
      tpu.enqueue_dma source(%dma_start3A_236 : memref<160x128xi32, #tpu.memory_space<hbm>>) target(%arg8 : memref<160x128xi32, #tpu.memory_space<vmem>>) target_semaphore(%run_scoped3A : memref<!tpu.dma_semaphore, #tpu.memory_space<semaphore_mem>>)
      %dma_wait3A_237 = arith.constant 0 : i32
      %dma_wait3A_238 = arith.constant 0 : i32
      %dma_wait3A_239 = tpu.memref_slice %arg4[%arg1, %dma_wait3A_237, %dma_wait3A_238] : memref<16x160x128xi32, #tpu.memory_space<hbm>> -> memref<1x160x128xi32, #tpu.memory_space<hbm>>
      %dma_wait3A_240 = tpu.memref_squeeze %dma_wait3A_239 : memref<1x160x128xi32, #tpu.memory_space<hbm>> -> memref<160x128xi32, #tpu.memory_space<hbm>>
      %dma_wait3A_241 = arith.constant 0 : i32
      %dma_wait3A_242 = arith.constant 0 : i32
      %dma_wait3A_243 = tpu.memref_slice %arg4[%arg1, %dma_wait3A_241, %dma_wait3A_242] : memref<16x160x128xi32, #tpu.memory_space<hbm>> -> memref<1x160x128xi32, #tpu.memory_space<hbm>>
      %dma_wait3A_244 = tpu.memref_squeeze %dma_wait3A_243 : memref<1x160x128xi32, #tpu.memory_space<hbm>> -> memref<160x128xi32, #tpu.memory_space<hbm>>
      tpu.wait_dma2 semaphore(%run_scoped3A : memref<!tpu.dma_semaphore, #tpu.memory_space<semaphore_mem>>) src(%dma_wait3A_244 : memref<160x128xi32, #tpu.memory_space<hbm>>) dst(%arg8 : memref<160x128xi32, #tpu.memory_space<vmem>>)
      tpu.yield
    }) : () -> ()
    %barrier3A = arith.constant 0 : index
    tpu.barrier barrier_id(%barrier3A)
    %dma_start3A = arith.constant 0 : i32
    %dma_start3A_1 = arith.constant 0 : i32
    %dma_start3A_2 = arith.constant 0 : i32
    %dma_start3A_3 = arith.constant 0 : i32
    %dma_start3A_4 = tpu.memref_slice %arg9[%dma_start3A_1, %dma_start3A_2, %dma_start3A_3] : memref<4x128x64xf32, #tpu.memory_space<vmem>> -> memref<1x128x64xf32, #tpu.memory_space<vmem>>
    %dma_start3A_5 = tpu.memref_squeeze %dma_start3A_4 : memref<1x128x64xf32, #tpu.memory_space<vmem>> -> memref<128x64xf32, #tpu.memory_space<vmem>>
    %dma_start3A_6 = arith.constant 0 : i32
    %dma_start3A_7 = tpu.memref_slice %arg7[%dma_start3A, %dma_start3A_6] : memref<160x128xi32, #tpu.memory_space<vmem>> -> memref<1x128xi32, #tpu.memory_space<vmem>>
    %dma_start3A_8 = tpu.memref_squeeze %dma_start3A_7 : memref<1x128xi32, #tpu.memory_space<vmem>> -> memref<128xi32, #tpu.memory_space<vmem>>
    %dma_start3A_9 = arith.constant 0 : i32
    %dma_start3A_10 = arith.constant 0 : i32
    %dma_start3A_11 = tpu.memref_slice %arg2[%arg0, %dma_start3A_9, %dma_start3A_10] : memref<2x10240x64xf32, #tpu.memory_space<hbm>> -> memref<1x10240x64xf32, #tpu.memory_space<hbm>>
    %dma_start3A_12 = tpu.memref_squeeze %dma_start3A_11 : memref<1x10240x64xf32, #tpu.memory_space<hbm>> -> memref<10240x64xf32, #tpu.memory_space<hbm>>
    %dma_start3A_13 = arith.constant 0 : i32
    %dma_start3A_14 = arith.constant 0 : i32
    %dma_start3A_15 = tpu.memref_slice %dma_start3A_12[%dma_start3A_13, %dma_start3A_14] : memref<10240x64xf32, #tpu.memory_space<hbm>> -> memref<10240x64xf32, #tpu.memory_space<hbm>>
    tpu.enqueue_indirect_dma source(%dma_start3A_15 : memref<10240x64xf32, #tpu.memory_space<hbm>>) target(%dma_start3A_5 : memref<128x64xf32, #tpu.memory_space<vmem>>) offsets(%dma_start3A_8 : memref<128xi32, #tpu.memory_space<vmem>>) semaphore(%arg11 : memref<!tpu.dma_semaphore, #tpu.memory_space<semaphore_mem>>)
    %dma_start3A_16 = arith.constant 1 : i32
    %dma_start3A_17 = arith.constant 1 : i32
    %dma_start3A_18 = arith.constant 0 : i32
    %dma_start3A_19 = arith.constant 0 : i32
    %dma_start3A_20 = tpu.memref_slice %arg9[%dma_start3A_17, %dma_start3A_18, %dma_start3A_19] : memref<4x128x64xf32, #tpu.memory_space<vmem>> -> memref<1x128x64xf32, #tpu.memory_space<vmem>>
    %dma_start3A_21 = tpu.memref_squeeze %dma_start3A_20 : memref<1x128x64xf32, #tpu.memory_space<vmem>> -> memref<128x64xf32, #tpu.memory_space<vmem>>
    %dma_start3A_22 = arith.constant 0 : i32
    %dma_start3A_23 = tpu.memref_slice %arg7[%dma_start3A_16, %dma_start3A_22] : memref<160x128xi32, #tpu.memory_space<vmem>> -> memref<1x128xi32, #tpu.memory_space<vmem>>
    %dma_start3A_24 = tpu.memref_squeeze %dma_start3A_23 : memref<1x128xi32, #tpu.memory_space<vmem>> -> memref<128xi32, #tpu.memory_space<vmem>>
    %dma_start3A_25 = arith.constant 0 : i32
    %dma_start3A_26 = arith.constant 0 : i32
    %dma_start3A_27 = tpu.memref_slice %arg2[%arg0, %dma_start3A_25, %dma_start3A_26] : memref<2x10240x64xf32, #tpu.memory_space<hbm>> -> memref<1x10240x64xf32, #tpu.memory_space<hbm>>
    %dma_start3A_28 = tpu.memref_squeeze %dma_start3A_27 : memref<1x10240x64xf32, #tpu.memory_space<hbm>> -> memref<10240x64xf32, #tpu.memory_space<hbm>>
    %dma_start3A_29 = arith.constant 0 : i32
    %dma_start3A_30 = arith.constant 0 : i32
    %dma_start3A_31 = tpu.memref_slice %dma_start3A_28[%dma_start3A_29, %dma_start3A_30] : memref<10240x64xf32, #tpu.memory_space<hbm>> -> memref<10240x64xf32, #tpu.memory_space<hbm>>
    tpu.enqueue_indirect_dma source(%dma_start3A_31 : memref<10240x64xf32, #tpu.memory_space<hbm>>) target(%dma_start3A_21 : memref<128x64xf32, #tpu.memory_space<vmem>>) offsets(%dma_start3A_24 : memref<128xi32, #tpu.memory_space<vmem>>) semaphore(%arg12 : memref<!tpu.dma_semaphore, #tpu.memory_space<semaphore_mem>>)
    %dma_start3A_32 = arith.constant 2 : i32
    %dma_start3A_33 = arith.constant 2 : i32
    %dma_start3A_34 = arith.constant 0 : i32
    %dma_start3A_35 = arith.constant 0 : i32
    %dma_start3A_36 = tpu.memref_slice %arg9[%dma_start3A_33, %dma_start3A_34, %dma_start3A_35] : memref<4x128x64xf32, #tpu.memory_space<vmem>> -> memref<1x128x64xf32, #tpu.memory_space<vmem>>
    %dma_start3A_37 = tpu.memref_squeeze %dma_start3A_36 : memref<1x128x64xf32, #tpu.memory_space<vmem>> -> memref<128x64xf32, #tpu.memory_space<vmem>>
    %dma_start3A_38 = arith.constant 0 : i32
    %dma_start3A_39 = tpu.memref_slice %arg7[%dma_start3A_32, %dma_start3A_38] : memref<160x128xi32, #tpu.memory_space<vmem>> -> memref<1x128xi32, #tpu.memory_space<vmem>>
    %dma_start3A_40 = tpu.memref_squeeze %dma_start3A_39 : memref<1x128xi32, #tpu.memory_space<vmem>> -> memref<128xi32, #tpu.memory_space<vmem>>
    %dma_start3A_41 = arith.constant 0 : i32
    %dma_start3A_42 = arith.constant 0 : i32
    %dma_start3A_43 = tpu.memref_slice %arg2[%arg0, %dma_start3A_41, %dma_start3A_42] : memref<2x10240x64xf32, #tpu.memory_space<hbm>> -> memref<1x10240x64xf32, #tpu.memory_space<hbm>>
    %dma_start3A_44 = tpu.memref_squeeze %dma_start3A_43 : memref<1x10240x64xf32, #tpu.memory_space<hbm>> -> memref<10240x64xf32, #tpu.memory_space<hbm>>
    %dma_start3A_45 = arith.constant 0 : i32
    %dma_start3A_46 = arith.constant 0 : i32
    %dma_start3A_47 = tpu.memref_slice %dma_start3A_44[%dma_start3A_45, %dma_start3A_46] : memref<10240x64xf32, #tpu.memory_space<hbm>> -> memref<10240x64xf32, #tpu.memory_space<hbm>>
    tpu.enqueue_indirect_dma source(%dma_start3A_47 : memref<10240x64xf32, #tpu.memory_space<hbm>>) target(%dma_start3A_37 : memref<128x64xf32, #tpu.memory_space<vmem>>) offsets(%dma_start3A_40 : memref<128xi32, #tpu.memory_space<vmem>>) semaphore(%arg13 : memref<!tpu.dma_semaphore, #tpu.memory_space<semaphore_mem>>)
    %dma_wait3A = arith.constant 0 : i32
    %dma_wait3A_48 = arith.constant 0 : i32
    %dma_wait3A_49 = arith.constant 0 : i32
    %dma_wait3A_50 = arith.constant 0 : i32
    %dma_wait3A_51 = tpu.memref_slice %arg9[%dma_wait3A_48, %dma_wait3A_49, %dma_wait3A_50] : memref<4x128x64xf32, #tpu.memory_space<vmem>> -> memref<1x128x64xf32, #tpu.memory_space<vmem>>
    %dma_wait3A_52 = tpu.memref_squeeze %dma_wait3A_51 : memref<1x128x64xf32, #tpu.memory_space<vmem>> -> memref<128x64xf32, #tpu.memory_space<vmem>>
    %dma_wait3A_53 = arith.constant 0 : i32
    %dma_wait3A_54 = tpu.memref_slice %arg7[%dma_wait3A, %dma_wait3A_53] : memref<160x128xi32, #tpu.memory_space<vmem>> -> memref<1x128xi32, #tpu.memory_space<vmem>>
    %dma_wait3A_55 = tpu.memref_squeeze %dma_wait3A_54 : memref<1x128xi32, #tpu.memory_space<vmem>> -> memref<128xi32, #tpu.memory_space<vmem>>
    %dma_wait3A_56 = arith.constant 0 : i32
    %dma_wait3A_57 = arith.constant 0 : i32
    %dma_wait3A_58 = tpu.memref_slice %arg2[%arg0, %dma_wait3A_56, %dma_wait3A_57] : memref<2x10240x64xf32, #tpu.memory_space<hbm>> -> memref<1x10240x64xf32, #tpu.memory_space<hbm>>
    %dma_wait3A_59 = tpu.memref_squeeze %dma_wait3A_58 : memref<1x10240x64xf32, #tpu.memory_space<hbm>> -> memref<10240x64xf32, #tpu.memory_space<hbm>>
    %dma_wait3A_60 = arith.constant 0 : i32
    %dma_wait3A_61 = arith.constant 0 : i32
    %dma_wait3A_62 = tpu.memref_slice %dma_wait3A_59[%dma_wait3A_60, %dma_wait3A_61] : memref<10240x64xf32, #tpu.memory_space<hbm>> -> memref<10240x64xf32, #tpu.memory_space<hbm>>
    tpu.wait_indirect_dma semaphore(%arg11 : memref<!tpu.dma_semaphore, #tpu.memory_space<semaphore_mem>>) src(%dma_wait3A_62 : memref<10240x64xf32, #tpu.memory_space<hbm>>) dst(%dma_wait3A_52 : memref<128x64xf32, #tpu.memory_space<vmem>>)
    %dma_start3A_63 = arith.constant 0 : i32
    %dma_start3A_64 = arith.constant 0 : i32
    %dma_start3A_65 = arith.constant 0 : i32
    %dma_start3A_66 = arith.constant 0 : i32
    %dma_start3A_67 = tpu.memref_slice %arg9[%dma_start3A_63, %dma_start3A_65, %dma_start3A_66] : memref<4x128x64xf32, #tpu.memory_space<vmem>> -> memref<1x128x64xf32, #tpu.memory_space<vmem>>
    %dma_start3A_68 = tpu.memref_squeeze %dma_start3A_67 : memref<1x128x64xf32, #tpu.memory_space<vmem>> -> memref<128x64xf32, #tpu.memory_space<vmem>>
    %dma_start3A_69 = arith.constant 0 : i32
    %dma_start3A_70 = tpu.memref_slice %arg8[%dma_start3A_64, %dma_start3A_69] : memref<160x128xi32, #tpu.memory_space<vmem>> -> memref<1x128xi32, #tpu.memory_space<vmem>>
    %dma_start3A_71 = tpu.memref_squeeze %dma_start3A_70 : memref<1x128xi32, #tpu.memory_space<vmem>> -> memref<128xi32, #tpu.memory_space<vmem>>
    %dma_start3A_72 = arith.constant 0 : i32
    %dma_start3A_73 = arith.constant 0 : i32
    %dma_start3A_74 = tpu.memref_slice %arg10[%dma_start3A_72, %dma_start3A_73] : memref<10240x64xf32, #tpu.memory_space<vmem_shared>> -> memref<10240x64xf32, #tpu.memory_space<vmem_shared>>
    tpu.enqueue_indirect_dma source(%dma_start3A_68 : memref<128x64xf32, #tpu.memory_space<vmem>>) target(%dma_start3A_74 : memref<10240x64xf32, #tpu.memory_space<vmem_shared>>) offsets(%dma_start3A_71 : memref<128xi32, #tpu.memory_space<vmem>>) semaphore(%arg15 : memref<!tpu.dma_semaphore, #tpu.memory_space<semaphore_mem>>) {add = true}
    %dma_start3A_75 = arith.constant 3 : i32
    %dma_start3A_76 = arith.constant 3 : i32
    %dma_start3A_77 = arith.constant 0 : i32
    %dma_start3A_78 = arith.constant 0 : i32
    %dma_start3A_79 = tpu.memref_slice %arg9[%dma_start3A_76, %dma_start3A_77, %dma_start3A_78] : memref<4x128x64xf32, #tpu.memory_space<vmem>> -> memref<1x128x64xf32, #tpu.memory_space<vmem>>
    %dma_start3A_80 = tpu.memref_squeeze %dma_start3A_79 : memref<1x128x64xf32, #tpu.memory_space<vmem>> -> memref<128x64xf32, #tpu.memory_space<vmem>>
    %dma_start3A_81 = arith.constant 0 : i32
    %dma_start3A_82 = tpu.memref_slice %arg7[%dma_start3A_75, %dma_start3A_81] : memref<160x128xi32, #tpu.memory_space<vmem>> -> memref<1x128xi32, #tpu.memory_space<vmem>>
    %dma_start3A_83 = tpu.memref_squeeze %dma_start3A_82 : memref<1x128xi32, #tpu.memory_space<vmem>> -> memref<128xi32, #tpu.memory_space<vmem>>
    %dma_start3A_84 = arith.constant 0 : i32
    %dma_start3A_85 = arith.constant 0 : i32
    %dma_start3A_86 = tpu.memref_slice %arg2[%arg0, %dma_start3A_84, %dma_start3A_85] : memref<2x10240x64xf32, #tpu.memory_space<hbm>> -> memref<1x10240x64xf32, #tpu.memory_space<hbm>>
    %dma_start3A_87 = tpu.memref_squeeze %dma_start3A_86 : memref<1x10240x64xf32, #tpu.memory_space<hbm>> -> memref<10240x64xf32, #tpu.memory_space<hbm>>
    %dma_start3A_88 = arith.constant 0 : i32
    %dma_start3A_89 = arith.constant 0 : i32
    %dma_start3A_90 = tpu.memref_slice %dma_start3A_87[%dma_start3A_88, %dma_start3A_89] : memref<10240x64xf32, #tpu.memory_space<hbm>> -> memref<10240x64xf32, #tpu.memory_space<hbm>>
    tpu.enqueue_indirect_dma source(%dma_start3A_90 : memref<10240x64xf32, #tpu.memory_space<hbm>>) target(%dma_start3A_80 : memref<128x64xf32, #tpu.memory_space<vmem>>) offsets(%dma_start3A_83 : memref<128xi32, #tpu.memory_space<vmem>>) semaphore(%arg14 : memref<!tpu.dma_semaphore, #tpu.memory_space<semaphore_mem>>)
    %dma_wait3A_91 = arith.constant 1 : i32
    %dma_wait3A_92 = arith.constant 1 : i32
    %dma_wait3A_93 = arith.constant 0 : i32
    %dma_wait3A_94 = arith.constant 0 : i32
    %dma_wait3A_95 = tpu.memref_slice %arg9[%dma_wait3A_92, %dma_wait3A_93, %dma_wait3A_94] : memref<4x128x64xf32, #tpu.memory_space<vmem>> -> memref<1x128x64xf32, #tpu.memory_space<vmem>>
    %dma_wait3A_96 = tpu.memref_squeeze %dma_wait3A_95 : memref<1x128x64xf32, #tpu.memory_space<vmem>> -> memref<128x64xf32, #tpu.memory_space<vmem>>
    %dma_wait3A_97 = arith.constant 0 : i32
    %dma_wait3A_98 = tpu.memref_slice %arg7[%dma_wait3A_91, %dma_wait3A_97] : memref<160x128xi32, #tpu.memory_space<vmem>> -> memref<1x128xi32, #tpu.memory_space<vmem>>
    %dma_wait3A_99 = tpu.memref_squeeze %dma_wait3A_98 : memref<1x128xi32, #tpu.memory_space<vmem>> -> memref<128xi32, #tpu.memory_space<vmem>>
    %dma_wait3A_100 = arith.constant 0 : i32
    %dma_wait3A_101 = arith.constant 0 : i32
    %dma_wait3A_102 = tpu.memref_slice %arg2[%arg0, %dma_wait3A_100, %dma_wait3A_101] : memref<2x10240x64xf32, #tpu.memory_space<hbm>> -> memref<1x10240x64xf32, #tpu.memory_space<hbm>>
    %dma_wait3A_103 = tpu.memref_squeeze %dma_wait3A_102 : memref<1x10240x64xf32, #tpu.memory_space<hbm>> -> memref<10240x64xf32, #tpu.memory_space<hbm>>
    %dma_wait3A_104 = arith.constant 0 : i32
    %dma_wait3A_105 = arith.constant 0 : i32
    %dma_wait3A_106 = tpu.memref_slice %dma_wait3A_103[%dma_wait3A_104, %dma_wait3A_105] : memref<10240x64xf32, #tpu.memory_space<hbm>> -> memref<10240x64xf32, #tpu.memory_space<hbm>>
    tpu.wait_indirect_dma semaphore(%arg12 : memref<!tpu.dma_semaphore, #tpu.memory_space<semaphore_mem>>) src(%dma_wait3A_106 : memref<10240x64xf32, #tpu.memory_space<hbm>>) dst(%dma_wait3A_96 : memref<128x64xf32, #tpu.memory_space<vmem>>)
    %dma_start3A_107 = arith.constant 1 : i32
    %dma_start3A_108 = arith.constant 1 : i32
    %dma_start3A_109 = arith.constant 0 : i32
    %dma_start3A_110 = arith.constant 0 : i32
    %dma_start3A_111 = tpu.memref_slice %arg9[%dma_start3A_107, %dma_start3A_109, %dma_start3A_110] : memref<4x128x64xf32, #tpu.memory_space<vmem>> -> memref<1x128x64xf32, #tpu.memory_space<vmem>>
    %dma_start3A_112 = tpu.memref_squeeze %dma_start3A_111 : memref<1x128x64xf32, #tpu.memory_space<vmem>> -> memref<128x64xf32, #tpu.memory_space<vmem>>
    %dma_start3A_113 = arith.constant 0 : i32
    %dma_start3A_114 = tpu.memref_slice %arg8[%dma_start3A_108, %dma_start3A_113] : memref<160x128xi32, #tpu.memory_space<vmem>> -> memref<1x128xi32, #tpu.memory_space<vmem>>
    %dma_start3A_115 = tpu.memref_squeeze %dma_start3A_114 : memref<1x128xi32, #tpu.memory_space<vmem>> -> memref<128xi32, #tpu.memory_space<vmem>>
    %dma_start3A_116 = arith.constant 0 : i32
    %dma_start3A_117 = arith.constant 0 : i32
    %dma_start3A_118 = tpu.memref_slice %arg10[%dma_start3A_116, %dma_start3A_117] : memref<10240x64xf32, #tpu.memory_space<vmem_shared>> -> memref<10240x64xf32, #tpu.memory_space<vmem_shared>>
    tpu.enqueue_indirect_dma source(%dma_start3A_112 : memref<128x64xf32, #tpu.memory_space<vmem>>) target(%dma_start3A_118 : memref<10240x64xf32, #tpu.memory_space<vmem_shared>>) offsets(%dma_start3A_115 : memref<128xi32, #tpu.memory_space<vmem>>) semaphore(%arg16 : memref<!tpu.dma_semaphore, #tpu.memory_space<semaphore_mem>>) {add = true}
    %scan3A = arith.constant 0 : i32
    %scan3A_119 = arith.constant 0 : i32
    %scan3A_120 = arith.constant 39 : i32
    %scan3A_121 = arith.addi %scan3A_119, %scan3A_120 : i32
    %scan3A_122 = arith.constant 1 : i32
    scf.for %scan3A_229 = %scan3A_119 to %scan3A_121 step %scan3A_122  : i32 {
      %mul3A_230 = arith.constant 4 : i32
      %mul3A_231 = arith.muli %scan3A_229, %mul3A_230 : i32
      %add3A = arith.constant 2 : i32
      %add3A_232 = arith.addi %add3A, %mul3A_231 : i32
      %add3A_233 = arith.constant 0 : i32
      %add3A_234 = arith.addi %add3A_232, %add3A_233 : i32
      %sub3A = arith.constant 2 : i32
      %sub3A_235 = arith.subi %add3A_234, %sub3A : i32
      %dma_wait3A_236 = arith.constant 0 : i32
      %dma_wait3A_237 = arith.constant 0 : i32
      %dma_wait3A_238 = arith.constant 0 : i32
      %dma_wait3A_239 = tpu.memref_slice %arg9[%dma_wait3A_236, %dma_wait3A_237, %dma_wait3A_238] : memref<4x128x64xf32, #tpu.memory_space<vmem>> -> memref<1x128x64xf32, #tpu.memory_space<vmem>>
      %dma_wait3A_240 = tpu.memref_squeeze %dma_wait3A_239 : memref<1x128x64xf32, #tpu.memory_space<vmem>> -> memref<128x64xf32, #tpu.memory_space<vmem>>
      %dma_wait3A_241 = arith.constant 0 : i32
      %dma_wait3A_242 = tpu.memref_slice %arg8[%sub3A_235, %dma_wait3A_241] : memref<160x128xi32, #tpu.memory_space<vmem>> -> memref<1x128xi32, #tpu.memory_space<vmem>>
      %dma_wait3A_243 = tpu.memref_squeeze %dma_wait3A_242 : memref<1x128xi32, #tpu.memory_space<vmem>> -> memref<128xi32, #tpu.memory_space<vmem>>
      %dma_wait3A_244 = arith.constant 0 : i32
      %dma_wait3A_245 = arith.constant 0 : i32
      %dma_wait3A_246 = tpu.memref_slice %arg10[%dma_wait3A_244, %dma_wait3A_245] : memref<10240x64xf32, #tpu.memory_space<vmem_shared>> -> memref<10240x64xf32, #tpu.memory_space<vmem_shared>>
      tpu.wait_indirect_dma semaphore(%arg15 : memref<!tpu.dma_semaphore, #tpu.memory_space<semaphore_mem>>) src(%dma_wait3A_240 : memref<128x64xf32, #tpu.memory_space<vmem>>) dst(%dma_wait3A_246 : memref<10240x64xf32, #tpu.memory_space<vmem_shared>>)
      %add3A_247 = arith.constant 2 : i32
      %add3A_248 = arith.addi %add3A_234, %add3A_247 : i32
      %dma_start3A_249 = arith.constant 0 : i32
      %dma_start3A_250 = arith.constant 0 : i32
      %dma_start3A_251 = arith.constant 0 : i32
      %dma_start3A_252 = tpu.memref_slice %arg9[%dma_start3A_249, %dma_start3A_250, %dma_start3A_251] : memref<4x128x64xf32, #tpu.memory_space<vmem>> -> memref<1x128x64xf32, #tpu.memory_space<vmem>>
      %dma_start3A_253 = tpu.memref_squeeze %dma_start3A_252 : memref<1x128x64xf32, #tpu.memory_space<vmem>> -> memref<128x64xf32, #tpu.memory_space<vmem>>
      %dma_start3A_254 = arith.constant 0 : i32
      %dma_start3A_255 = tpu.memref_slice %arg7[%add3A_248, %dma_start3A_254] : memref<160x128xi32, #tpu.memory_space<vmem>> -> memref<1x128xi32, #tpu.memory_space<vmem>>
      %dma_start3A_256 = tpu.memref_squeeze %dma_start3A_255 : memref<1x128xi32, #tpu.memory_space<vmem>> -> memref<128xi32, #tpu.memory_space<vmem>>
      %dma_start3A_257 = arith.constant 0 : i32
      %dma_start3A_258 = arith.constant 0 : i32
      %dma_start3A_259 = tpu.memref_slice %arg2[%arg0, %dma_start3A_257, %dma_start3A_258] : memref<2x10240x64xf32, #tpu.memory_space<hbm>> -> memref<1x10240x64xf32, #tpu.memory_space<hbm>>
      %dma_start3A_260 = tpu.memref_squeeze %dma_start3A_259 : memref<1x10240x64xf32, #tpu.memory_space<hbm>> -> memref<10240x64xf32, #tpu.memory_space<hbm>>
      %dma_start3A_261 = arith.constant 0 : i32
      %dma_start3A_262 = arith.constant 0 : i32
      %dma_start3A_263 = tpu.memref_slice %dma_start3A_260[%dma_start3A_261, %dma_start3A_262] : memref<10240x64xf32, #tpu.memory_space<hbm>> -> memref<10240x64xf32, #tpu.memory_space<hbm>>
      tpu.enqueue_indirect_dma source(%dma_start3A_263 : memref<10240x64xf32, #tpu.memory_space<hbm>>) target(%dma_start3A_253 : memref<128x64xf32, #tpu.memory_space<vmem>>) offsets(%dma_start3A_256 : memref<128xi32, #tpu.memory_space<vmem>>) semaphore(%arg11 : memref<!tpu.dma_semaphore, #tpu.memory_space<semaphore_mem>>)
      %dma_wait3A_264 = arith.constant 2 : i32
      %dma_wait3A_265 = arith.constant 0 : i32
      %dma_wait3A_266 = arith.constant 0 : i32
      %dma_wait3A_267 = tpu.memref_slice %arg9[%dma_wait3A_264, %dma_wait3A_265, %dma_wait3A_266] : memref<4x128x64xf32, #tpu.memory_space<vmem>> -> memref<1x128x64xf32, #tpu.memory_space<vmem>>
      %dma_wait3A_268 = tpu.memref_squeeze %dma_wait3A_267 : memref<1x128x64xf32, #tpu.memory_space<vmem>> -> memref<128x64xf32, #tpu.memory_space<vmem>>
      %dma_wait3A_269 = arith.constant 0 : i32
      %dma_wait3A_270 = tpu.memref_slice %arg7[%add3A_234, %dma_wait3A_269] : memref<160x128xi32, #tpu.memory_space<vmem>> -> memref<1x128xi32, #tpu.memory_space<vmem>>
      %dma_wait3A_271 = tpu.memref_squeeze %dma_wait3A_270 : memref<1x128xi32, #tpu.memory_space<vmem>> -> memref<128xi32, #tpu.memory_space<vmem>>
      %dma_wait3A_272 = arith.constant 0 : i32
      %dma_wait3A_273 = arith.constant 0 : i32
      %dma_wait3A_274 = tpu.memref_slice %arg2[%arg0, %dma_wait3A_272, %dma_wait3A_273] : memref<2x10240x64xf32, #tpu.memory_space<hbm>> -> memref<1x10240x64xf32, #tpu.memory_space<hbm>>
      %dma_wait3A_275 = tpu.memref_squeeze %dma_wait3A_274 : memref<1x10240x64xf32, #tpu.memory_space<hbm>> -> memref<10240x64xf32, #tpu.memory_space<hbm>>
      %dma_wait3A_276 = arith.constant 0 : i32
      %dma_wait3A_277 = arith.constant 0 : i32
      %dma_wait3A_278 = tpu.memref_slice %dma_wait3A_275[%dma_wait3A_276, %dma_wait3A_277] : memref<10240x64xf32, #tpu.memory_space<hbm>> -> memref<10240x64xf32, #tpu.memory_space<hbm>>
      tpu.wait_indirect_dma semaphore(%arg13 : memref<!tpu.dma_semaphore, #tpu.memory_space<semaphore_mem>>) src(%dma_wait3A_278 : memref<10240x64xf32, #tpu.memory_space<hbm>>) dst(%dma_wait3A_268 : memref<128x64xf32, #tpu.memory_space<vmem>>)
      %dma_start3A_279 = arith.constant 2 : i32
      %dma_start3A_280 = arith.constant 0 : i32
      %dma_start3A_281 = arith.constant 0 : i32
      %dma_start3A_282 = tpu.memref_slice %arg9[%dma_start3A_279, %dma_start3A_280, %dma_start3A_281] : memref<4x128x64xf32, #tpu.memory_space<vmem>> -> memref<1x128x64xf32, #tpu.memory_space<vmem>>
      %dma_start3A_283 = tpu.memref_squeeze %dma_start3A_282 : memref<1x128x64xf32, #tpu.memory_space<vmem>> -> memref<128x64xf32, #tpu.memory_space<vmem>>
      %dma_start3A_284 = arith.constant 0 : i32
      %dma_start3A_285 = tpu.memref_slice %arg8[%add3A_234, %dma_start3A_284] : memref<160x128xi32, #tpu.memory_space<vmem>> -> memref<1x128xi32, #tpu.memory_space<vmem>>
      %dma_start3A_286 = tpu.memref_squeeze %dma_start3A_285 : memref<1x128xi32, #tpu.memory_space<vmem>> -> memref<128xi32, #tpu.memory_space<vmem>>
      %dma_start3A_287 = arith.constant 0 : i32
      %dma_start3A_288 = arith.constant 0 : i32
      %dma_start3A_289 = tpu.memref_slice %arg10[%dma_start3A_287, %dma_start3A_288] : memref<10240x64xf32, #tpu.memory_space<vmem_shared>> -> memref<10240x64xf32, #tpu.memory_space<vmem_shared>>
      tpu.enqueue_indirect_dma source(%dma_start3A_283 : memref<128x64xf32, #tpu.memory_space<vmem>>) target(%dma_start3A_289 : memref<10240x64xf32, #tpu.memory_space<vmem_shared>>) offsets(%dma_start3A_286 : memref<128xi32, #tpu.memory_space<vmem>>) semaphore(%arg17 : memref<!tpu.dma_semaphore, #tpu.memory_space<semaphore_mem>>) {add = true}
      %add3A_290 = arith.constant 1 : i32
      %add3A_291 = arith.addi %add3A_232, %add3A_290 : i32
      %sub3A_292 = arith.constant 2 : i32
      %sub3A_293 = arith.subi %add3A_291, %sub3A_292 : i32
      %dma_wait3A_294 = arith.constant 1 : i32
      %dma_wait3A_295 = arith.constant 0 : i32
      %dma_wait3A_296 = arith.constant 0 : i32
      %dma_wait3A_297 = tpu.memref_slice %arg9[%dma_wait3A_294, %dma_wait3A_295, %dma_wait3A_296] : memref<4x128x64xf32, #tpu.memory_space<vmem>> -> memref<1x128x64xf32, #tpu.memory_space<vmem>>
      %dma_wait3A_298 = tpu.memref_squeeze %dma_wait3A_297 : memref<1x128x64xf32, #tpu.memory_space<vmem>> -> memref<128x64xf32, #tpu.memory_space<vmem>>
      %dma_wait3A_299 = arith.constant 0 : i32
      %dma_wait3A_300 = tpu.memref_slice %arg8[%sub3A_293, %dma_wait3A_299] : memref<160x128xi32, #tpu.memory_space<vmem>> -> memref<1x128xi32, #tpu.memory_space<vmem>>
      %dma_wait3A_301 = tpu.memref_squeeze %dma_wait3A_300 : memref<1x128xi32, #tpu.memory_space<vmem>> -> memref<128xi32, #tpu.memory_space<vmem>>
      %dma_wait3A_302 = arith.constant 0 : i32
      %dma_wait3A_303 = arith.constant 0 : i32
      %dma_wait3A_304 = tpu.memref_slice %arg10[%dma_wait3A_302, %dma_wait3A_303] : memref<10240x64xf32, #tpu.memory_space<vmem_shared>> -> memref<10240x64xf32, #tpu.memory_space<vmem_shared>>
      tpu.wait_indirect_dma semaphore(%arg16 : memref<!tpu.dma_semaphore, #tpu.memory_space<semaphore_mem>>) src(%dma_wait3A_298 : memref<128x64xf32, #tpu.memory_space<vmem>>) dst(%dma_wait3A_304 : memref<10240x64xf32, #tpu.memory_space<vmem_shared>>)
      %add3A_305 = arith.constant 2 : i32
      %add3A_306 = arith.addi %add3A_291, %add3A_305 : i32
      %dma_start3A_307 = arith.constant 1 : i32
      %dma_start3A_308 = arith.constant 0 : i32
      %dma_start3A_309 = arith.constant 0 : i32
      %dma_start3A_310 = tpu.memref_slice %arg9[%dma_start3A_307, %dma_start3A_308, %dma_start3A_309] : memref<4x128x64xf32, #tpu.memory_space<vmem>> -> memref<1x128x64xf32, #tpu.memory_space<vmem>>
      %dma_start3A_311 = tpu.memref_squeeze %dma_start3A_310 : memref<1x128x64xf32, #tpu.memory_space<vmem>> -> memref<128x64xf32, #tpu.memory_space<vmem>>
      %dma_start3A_312 = arith.constant 0 : i32
      %dma_start3A_313 = tpu.memref_slice %arg7[%add3A_306, %dma_start3A_312] : memref<160x128xi32, #tpu.memory_space<vmem>> -> memref<1x128xi32, #tpu.memory_space<vmem>>
      %dma_start3A_314 = tpu.memref_squeeze %dma_start3A_313 : memref<1x128xi32, #tpu.memory_space<vmem>> -> memref<128xi32, #tpu.memory_space<vmem>>
      %dma_start3A_315 = arith.constant 0 : i32
      %dma_start3A_316 = arith.constant 0 : i32
      %dma_start3A_317 = tpu.memref_slice %arg2[%arg0, %dma_start3A_315, %dma_start3A_316] : memref<2x10240x64xf32, #tpu.memory_space<hbm>> -> memref<1x10240x64xf32, #tpu.memory_space<hbm>>
      %dma_start3A_318 = tpu.memref_squeeze %dma_start3A_317 : memref<1x10240x64xf32, #tpu.memory_space<hbm>> -> memref<10240x64xf32, #tpu.memory_space<hbm>>
      %dma_start3A_319 = arith.constant 0 : i32
      %dma_start3A_320 = arith.constant 0 : i32
      %dma_start3A_321 = tpu.memref_slice %dma_start3A_318[%dma_start3A_319, %dma_start3A_320] : memref<10240x64xf32, #tpu.memory_space<hbm>> -> memref<10240x64xf32, #tpu.memory_space<hbm>>
      tpu.enqueue_indirect_dma source(%dma_start3A_321 : memref<10240x64xf32, #tpu.memory_space<hbm>>) target(%dma_start3A_311 : memref<128x64xf32, #tpu.memory_space<vmem>>) offsets(%dma_start3A_314 : memref<128xi32, #tpu.memory_space<vmem>>) semaphore(%arg12 : memref<!tpu.dma_semaphore, #tpu.memory_space<semaphore_mem>>)
      %dma_wait3A_322 = arith.constant 3 : i32
      %dma_wait3A_323 = arith.constant 0 : i32
      %dma_wait3A_324 = arith.constant 0 : i32
      %dma_wait3A_325 = tpu.memref_slice %arg9[%dma_wait3A_322, %dma_wait3A_323, %dma_wait3A_324] : memref<4x128x64xf32, #tpu.memory_space<vmem>> -> memref<1x128x64xf32, #tpu.memory_space<vmem>>
      %dma_wait3A_326 = tpu.memref_squeeze %dma_wait3A_325 : memref<1x128x64xf32, #tpu.memory_space<vmem>> -> memref<128x64xf32, #tpu.memory_space<vmem>>
      %dma_wait3A_327 = arith.constant 0 : i32
      %dma_wait3A_328 = tpu.memref_slice %arg7[%add3A_291, %dma_wait3A_327] : memref<160x128xi32, #tpu.memory_space<vmem>> -> memref<1x128xi32, #tpu.memory_space<vmem>>
      %dma_wait3A_329 = tpu.memref_squeeze %dma_wait3A_328 : memref<1x128xi32, #tpu.memory_space<vmem>> -> memref<128xi32, #tpu.memory_space<vmem>>
      %dma_wait3A_330 = arith.constant 0 : i32
      %dma_wait3A_331 = arith.constant 0 : i32
      %dma_wait3A_332 = tpu.memref_slice %arg2[%arg0, %dma_wait3A_330, %dma_wait3A_331] : memref<2x10240x64xf32, #tpu.memory_space<hbm>> -> memref<1x10240x64xf32, #tpu.memory_space<hbm>>
      %dma_wait3A_333 = tpu.memref_squeeze %dma_wait3A_332 : memref<1x10240x64xf32, #tpu.memory_space<hbm>> -> memref<10240x64xf32, #tpu.memory_space<hbm>>
      %dma_wait3A_334 = arith.constant 0 : i32
      %dma_wait3A_335 = arith.constant 0 : i32
      %dma_wait3A_336 = tpu.memref_slice %dma_wait3A_333[%dma_wait3A_334, %dma_wait3A_335] : memref<10240x64xf32, #tpu.memory_space<hbm>> -> memref<10240x64xf32, #tpu.memory_space<hbm>>
      tpu.wait_indirect_dma semaphore(%arg14 : memref<!tpu.dma_semaphore, #tpu.memory_space<semaphore_mem>>) src(%dma_wait3A_336 : memref<10240x64xf32, #tpu.memory_space<hbm>>) dst(%dma_wait3A_326 : memref<128x64xf32, #tpu.memory_space<vmem>>)
      %dma_start3A_337 = arith.constant 3 : i32
      %dma_start3A_338 = arith.constant 0 : i32
      %dma_start3A_339 = arith.constant 0 : i32
      %dma_start3A_340 = tpu.memref_slice %arg9[%dma_start3A_337, %dma_start3A_338, %dma_start3A_339] : memref<4x128x64xf32, #tpu.memory_space<vmem>> -> memref<1x128x64xf32, #tpu.memory_space<vmem>>
      %dma_start3A_341 = tpu.memref_squeeze %dma_start3A_340 : memref<1x128x64xf32, #tpu.memory_space<vmem>> -> memref<128x64xf32, #tpu.memory_space<vmem>>
      %dma_start3A_342 = arith.constant 0 : i32
      %dma_start3A_343 = tpu.memref_slice %arg8[%add3A_291, %dma_start3A_342] : memref<160x128xi32, #tpu.memory_space<vmem>> -> memref<1x128xi32, #tpu.memory_space<vmem>>
      %dma_start3A_344 = tpu.memref_squeeze %dma_start3A_343 : memref<1x128xi32, #tpu.memory_space<vmem>> -> memref<128xi32, #tpu.memory_space<vmem>>
      %dma_start3A_345 = arith.constant 0 : i32
      %dma_start3A_346 = arith.constant 0 : i32
      %dma_start3A_347 = tpu.memref_slice %arg10[%dma_start3A_345, %dma_start3A_346] : memref<10240x64xf32, #tpu.memory_space<vmem_shared>> -> memref<10240x64xf32, #tpu.memory_space<vmem_shared>>
      tpu.enqueue_indirect_dma source(%dma_start3A_341 : memref<128x64xf32, #tpu.memory_space<vmem>>) target(%dma_start3A_347 : memref<10240x64xf32, #tpu.memory_space<vmem_shared>>) offsets(%dma_start3A_344 : memref<128xi32, #tpu.memory_space<vmem>>) semaphore(%arg18 : memref<!tpu.dma_semaphore, #tpu.memory_space<semaphore_mem>>) {add = true}
      %add3A_348 = arith.constant 2 : i32
      %add3A_349 = arith.addi %add3A_232, %add3A_348 : i32
      %sub3A_350 = arith.constant 2 : i32
      %sub3A_351 = arith.subi %add3A_349, %sub3A_350 : i32
      %dma_wait3A_352 = arith.constant 2 : i32
      %dma_wait3A_353 = arith.constant 0 : i32
      %dma_wait3A_354 = arith.constant 0 : i32
      %dma_wait3A_355 = tpu.memref_slice %arg9[%dma_wait3A_352, %dma_wait3A_353, %dma_wait3A_354] : memref<4x128x64xf32, #tpu.memory_space<vmem>> -> memref<1x128x64xf32, #tpu.memory_space<vmem>>
      %dma_wait3A_356 = tpu.memref_squeeze %dma_wait3A_355 : memref<1x128x64xf32, #tpu.memory_space<vmem>> -> memref<128x64xf32, #tpu.memory_space<vmem>>
      %dma_wait3A_357 = arith.constant 0 : i32
      %dma_wait3A_358 = tpu.memref_slice %arg8[%sub3A_351, %dma_wait3A_357] : memref<160x128xi32, #tpu.memory_space<vmem>> -> memref<1x128xi32, #tpu.memory_space<vmem>>
      %dma_wait3A_359 = tpu.memref_squeeze %dma_wait3A_358 : memref<1x128xi32, #tpu.memory_space<vmem>> -> memref<128xi32, #tpu.memory_space<vmem>>
      %dma_wait3A_360 = arith.constant 0 : i32
      %dma_wait3A_361 = arith.constant 0 : i32
      %dma_wait3A_362 = tpu.memref_slice %arg10[%dma_wait3A_360, %dma_wait3A_361] : memref<10240x64xf32, #tpu.memory_space<vmem_shared>> -> memref<10240x64xf32, #tpu.memory_space<vmem_shared>>
      tpu.wait_indirect_dma semaphore(%arg17 : memref<!tpu.dma_semaphore, #tpu.memory_space<semaphore_mem>>) src(%dma_wait3A_356 : memref<128x64xf32, #tpu.memory_space<vmem>>) dst(%dma_wait3A_362 : memref<10240x64xf32, #tpu.memory_space<vmem_shared>>)
      %add3A_363 = arith.constant 2 : i32
      %add3A_364 = arith.addi %add3A_349, %add3A_363 : i32
      %dma_start3A_365 = arith.constant 2 : i32
      %dma_start3A_366 = arith.constant 0 : i32
      %dma_start3A_367 = arith.constant 0 : i32
      %dma_start3A_368 = tpu.memref_slice %arg9[%dma_start3A_365, %dma_start3A_366, %dma_start3A_367] : memref<4x128x64xf32, #tpu.memory_space<vmem>> -> memref<1x128x64xf32, #tpu.memory_space<vmem>>
      %dma_start3A_369 = tpu.memref_squeeze %dma_start3A_368 : memref<1x128x64xf32, #tpu.memory_space<vmem>> -> memref<128x64xf32, #tpu.memory_space<vmem>>
      %dma_start3A_370 = arith.constant 0 : i32
      %dma_start3A_371 = tpu.memref_slice %arg7[%add3A_364, %dma_start3A_370] : memref<160x128xi32, #tpu.memory_space<vmem>> -> memref<1x128xi32, #tpu.memory_space<vmem>>
      %dma_start3A_372 = tpu.memref_squeeze %dma_start3A_371 : memref<1x128xi32, #tpu.memory_space<vmem>> -> memref<128xi32, #tpu.memory_space<vmem>>
      %dma_start3A_373 = arith.constant 0 : i32
      %dma_start3A_374 = arith.constant 0 : i32
      %dma_start3A_375 = tpu.memref_slice %arg2[%arg0, %dma_start3A_373, %dma_start3A_374] : memref<2x10240x64xf32, #tpu.memory_space<hbm>> -> memref<1x10240x64xf32, #tpu.memory_space<hbm>>
      %dma_start3A_376 = tpu.memref_squeeze %dma_start3A_375 : memref<1x10240x64xf32, #tpu.memory_space<hbm>> -> memref<10240x64xf32, #tpu.memory_space<hbm>>
      %dma_start3A_377 = arith.constant 0 : i32
      %dma_start3A_378 = arith.constant 0 : i32
      %dma_start3A_379 = tpu.memref_slice %dma_start3A_376[%dma_start3A_377, %dma_start3A_378] : memref<10240x64xf32, #tpu.memory_space<hbm>> -> memref<10240x64xf32, #tpu.memory_space<hbm>>
      tpu.enqueue_indirect_dma source(%dma_start3A_379 : memref<10240x64xf32, #tpu.memory_space<hbm>>) target(%dma_start3A_369 : memref<128x64xf32, #tpu.memory_space<vmem>>) offsets(%dma_start3A_372 : memref<128xi32, #tpu.memory_space<vmem>>) semaphore(%arg13 : memref<!tpu.dma_semaphore, #tpu.memory_space<semaphore_mem>>)
      %dma_wait3A_380 = arith.constant 0 : i32
      %dma_wait3A_381 = arith.constant 0 : i32
      %dma_wait3A_382 = arith.constant 0 : i32
      %dma_wait3A_383 = tpu.memref_slice %arg9[%dma_wait3A_380, %dma_wait3A_381, %dma_wait3A_382] : memref<4x128x64xf32, #tpu.memory_space<vmem>> -> memref<1x128x64xf32, #tpu.memory_space<vmem>>
      %dma_wait3A_384 = tpu.memref_squeeze %dma_wait3A_383 : memref<1x128x64xf32, #tpu.memory_space<vmem>> -> memref<128x64xf32, #tpu.memory_space<vmem>>
      %dma_wait3A_385 = arith.constant 0 : i32
      %dma_wait3A_386 = tpu.memref_slice %arg7[%add3A_349, %dma_wait3A_385] : memref<160x128xi32, #tpu.memory_space<vmem>> -> memref<1x128xi32, #tpu.memory_space<vmem>>
      %dma_wait3A_387 = tpu.memref_squeeze %dma_wait3A_386 : memref<1x128xi32, #tpu.memory_space<vmem>> -> memref<128xi32, #tpu.memory_space<vmem>>
      %dma_wait3A_388 = arith.constant 0 : i32
      %dma_wait3A_389 = arith.constant 0 : i32
      %dma_wait3A_390 = tpu.memref_slice %arg2[%arg0, %dma_wait3A_388, %dma_wait3A_389] : memref<2x10240x64xf32, #tpu.memory_space<hbm>> -> memref<1x10240x64xf32, #tpu.memory_space<hbm>>
      %dma_wait3A_391 = tpu.memref_squeeze %dma_wait3A_390 : memref<1x10240x64xf32, #tpu.memory_space<hbm>> -> memref<10240x64xf32, #tpu.memory_space<hbm>>
      %dma_wait3A_392 = arith.constant 0 : i32
      %dma_wait3A_393 = arith.constant 0 : i32
      %dma_wait3A_394 = tpu.memref_slice %dma_wait3A_391[%dma_wait3A_392, %dma_wait3A_393] : memref<10240x64xf32, #tpu.memory_space<hbm>> -> memref<10240x64xf32, #tpu.memory_space<hbm>>
      tpu.wait_indirect_dma semaphore(%arg11 : memref<!tpu.dma_semaphore, #tpu.memory_space<semaphore_mem>>) src(%dma_wait3A_394 : memref<10240x64xf32, #tpu.memory_space<hbm>>) dst(%dma_wait3A_384 : memref<128x64xf32, #tpu.memory_space<vmem>>)
      %dma_start3A_395 = arith.constant 0 : i32
      %dma_start3A_396 = arith.constant 0 : i32
      %dma_start3A_397 = arith.constant 0 : i32
      %dma_start3A_398 = tpu.memref_slice %arg9[%dma_start3A_395, %dma_start3A_396, %dma_start3A_397] : memref<4x128x64xf32, #tpu.memory_space<vmem>> -> memref<1x128x64xf32, #tpu.memory_space<vmem>>
      %dma_start3A_399 = tpu.memref_squeeze %dma_start3A_398 : memref<1x128x64xf32, #tpu.memory_space<vmem>> -> memref<128x64xf32, #tpu.memory_space<vmem>>
      %dma_start3A_400 = arith.constant 0 : i32
      %dma_start3A_401 = tpu.memref_slice %arg8[%add3A_349, %dma_start3A_400] : memref<160x128xi32, #tpu.memory_space<vmem>> -> memref<1x128xi32, #tpu.memory_space<vmem>>
      %dma_start3A_402 = tpu.memref_squeeze %dma_start3A_401 : memref<1x128xi32, #tpu.memory_space<vmem>> -> memref<128xi32, #tpu.memory_space<vmem>>
      %dma_start3A_403 = arith.constant 0 : i32
      %dma_start3A_404 = arith.constant 0 : i32
      %dma_start3A_405 = tpu.memref_slice %arg10[%dma_start3A_403, %dma_start3A_404] : memref<10240x64xf32, #tpu.memory_space<vmem_shared>> -> memref<10240x64xf32, #tpu.memory_space<vmem_shared>>
      tpu.enqueue_indirect_dma source(%dma_start3A_399 : memref<128x64xf32, #tpu.memory_space<vmem>>) target(%dma_start3A_405 : memref<10240x64xf32, #tpu.memory_space<vmem_shared>>) offsets(%dma_start3A_402 : memref<128xi32, #tpu.memory_space<vmem>>) semaphore(%arg15 : memref<!tpu.dma_semaphore, #tpu.memory_space<semaphore_mem>>) {add = true}
      %add3A_406 = arith.constant 3 : i32
      %add3A_407 = arith.addi %add3A_232, %add3A_406 : i32
      %sub3A_408 = arith.constant 2 : i32
      %sub3A_409 = arith.subi %add3A_407, %sub3A_408 : i32
      %dma_wait3A_410 = arith.constant 3 : i32
      %dma_wait3A_411 = arith.constant 0 : i32
      %dma_wait3A_412 = arith.constant 0 : i32
      %dma_wait3A_413 = tpu.memref_slice %arg9[%dma_wait3A_410, %dma_wait3A_411, %dma_wait3A_412] : memref<4x128x64xf32, #tpu.memory_space<vmem>> -> memref<1x128x64xf32, #tpu.memory_space<vmem>>
      %dma_wait3A_414 = tpu.memref_squeeze %dma_wait3A_413 : memref<1x128x64xf32, #tpu.memory_space<vmem>> -> memref<128x64xf32, #tpu.memory_space<vmem>>
      %dma_wait3A_415 = arith.constant 0 : i32
      %dma_wait3A_416 = tpu.memref_slice %arg8[%sub3A_409, %dma_wait3A_415] : memref<160x128xi32, #tpu.memory_space<vmem>> -> memref<1x128xi32, #tpu.memory_space<vmem>>
      %dma_wait3A_417 = tpu.memref_squeeze %dma_wait3A_416 : memref<1x128xi32, #tpu.memory_space<vmem>> -> memref<128xi32, #tpu.memory_space<vmem>>
      %dma_wait3A_418 = arith.constant 0 : i32
      %dma_wait3A_419 = arith.constant 0 : i32
      %dma_wait3A_420 = tpu.memref_slice %arg10[%dma_wait3A_418, %dma_wait3A_419] : memref<10240x64xf32, #tpu.memory_space<vmem_shared>> -> memref<10240x64xf32, #tpu.memory_space<vmem_shared>>
      tpu.wait_indirect_dma semaphore(%arg18 : memref<!tpu.dma_semaphore, #tpu.memory_space<semaphore_mem>>) src(%dma_wait3A_414 : memref<128x64xf32, #tpu.memory_space<vmem>>) dst(%dma_wait3A_420 : memref<10240x64xf32, #tpu.memory_space<vmem_shared>>)
      %add3A_421 = arith.constant 2 : i32
      %add3A_422 = arith.addi %add3A_407, %add3A_421 : i32
      %dma_start3A_423 = arith.constant 3 : i32
      %dma_start3A_424 = arith.constant 0 : i32
      %dma_start3A_425 = arith.constant 0 : i32
      %dma_start3A_426 = tpu.memref_slice %arg9[%dma_start3A_423, %dma_start3A_424, %dma_start3A_425] : memref<4x128x64xf32, #tpu.memory_space<vmem>> -> memref<1x128x64xf32, #tpu.memory_space<vmem>>
      %dma_start3A_427 = tpu.memref_squeeze %dma_start3A_426 : memref<1x128x64xf32, #tpu.memory_space<vmem>> -> memref<128x64xf32, #tpu.memory_space<vmem>>
      %dma_start3A_428 = arith.constant 0 : i32
      %dma_start3A_429 = tpu.memref_slice %arg7[%add3A_422, %dma_start3A_428] : memref<160x128xi32, #tpu.memory_space<vmem>> -> memref<1x128xi32, #tpu.memory_space<vmem>>
      %dma_start3A_430 = tpu.memref_squeeze %dma_start3A_429 : memref<1x128xi32, #tpu.memory_space<vmem>> -> memref<128xi32, #tpu.memory_space<vmem>>
      %dma_start3A_431 = arith.constant 0 : i32
      %dma_start3A_432 = arith.constant 0 : i32
      %dma_start3A_433 = tpu.memref_slice %arg2[%arg0, %dma_start3A_431, %dma_start3A_432] : memref<2x10240x64xf32, #tpu.memory_space<hbm>> -> memref<1x10240x64xf32, #tpu.memory_space<hbm>>
      %dma_start3A_434 = tpu.memref_squeeze %dma_start3A_433 : memref<1x10240x64xf32, #tpu.memory_space<hbm>> -> memref<10240x64xf32, #tpu.memory_space<hbm>>
      %dma_start3A_435 = arith.constant 0 : i32
      %dma_start3A_436 = arith.constant 0 : i32
      %dma_start3A_437 = tpu.memref_slice %dma_start3A_434[%dma_start3A_435, %dma_start3A_436] : memref<10240x64xf32, #tpu.memory_space<hbm>> -> memref<10240x64xf32, #tpu.memory_space<hbm>>
      tpu.enqueue_indirect_dma source(%dma_start3A_437 : memref<10240x64xf32, #tpu.memory_space<hbm>>) target(%dma_start3A_427 : memref<128x64xf32, #tpu.memory_space<vmem>>) offsets(%dma_start3A_430 : memref<128xi32, #tpu.memory_space<vmem>>) semaphore(%arg14 : memref<!tpu.dma_semaphore, #tpu.memory_space<semaphore_mem>>)
      %dma_wait3A_438 = arith.constant 1 : i32
      %dma_wait3A_439 = arith.constant 0 : i32
      %dma_wait3A_440 = arith.constant 0 : i32
      %dma_wait3A_441 = tpu.memref_slice %arg9[%dma_wait3A_438, %dma_wait3A_439, %dma_wait3A_440] : memref<4x128x64xf32, #tpu.memory_space<vmem>> -> memref<1x128x64xf32, #tpu.memory_space<vmem>>
      %dma_wait3A_442 = tpu.memref_squeeze %dma_wait3A_441 : memref<1x128x64xf32, #tpu.memory_space<vmem>> -> memref<128x64xf32, #tpu.memory_space<vmem>>
      %dma_wait3A_443 = arith.constant 0 : i32
      %dma_wait3A_444 = tpu.memref_slice %arg7[%add3A_407, %dma_wait3A_443] : memref<160x128xi32, #tpu.memory_space<vmem>> -> memref<1x128xi32, #tpu.memory_space<vmem>>
      %dma_wait3A_445 = tpu.memref_squeeze %dma_wait3A_444 : memref<1x128xi32, #tpu.memory_space<vmem>> -> memref<128xi32, #tpu.memory_space<vmem>>
      %dma_wait3A_446 = arith.constant 0 : i32
      %dma_wait3A_447 = arith.constant 0 : i32
      %dma_wait3A_448 = tpu.memref_slice %arg2[%arg0, %dma_wait3A_446, %dma_wait3A_447] : memref<2x10240x64xf32, #tpu.memory_space<hbm>> -> memref<1x10240x64xf32, #tpu.memory_space<hbm>>
      %dma_wait3A_449 = tpu.memref_squeeze %dma_wait3A_448 : memref<1x10240x64xf32, #tpu.memory_space<hbm>> -> memref<10240x64xf32, #tpu.memory_space<hbm>>
      %dma_wait3A_450 = arith.constant 0 : i32
      %dma_wait3A_451 = arith.constant 0 : i32
      %dma_wait3A_452 = tpu.memref_slice %dma_wait3A_449[%dma_wait3A_450, %dma_wait3A_451] : memref<10240x64xf32, #tpu.memory_space<hbm>> -> memref<10240x64xf32, #tpu.memory_space<hbm>>
      tpu.wait_indirect_dma semaphore(%arg12 : memref<!tpu.dma_semaphore, #tpu.memory_space<semaphore_mem>>) src(%dma_wait3A_452 : memref<10240x64xf32, #tpu.memory_space<hbm>>) dst(%dma_wait3A_442 : memref<128x64xf32, #tpu.memory_space<vmem>>)
      %dma_start3A_453 = arith.constant 1 : i32
      %dma_start3A_454 = arith.constant 0 : i32
      %dma_start3A_455 = arith.constant 0 : i32
      %dma_start3A_456 = tpu.memref_slice %arg9[%dma_start3A_453, %dma_start3A_454, %dma_start3A_455] : memref<4x128x64xf32, #tpu.memory_space<vmem>> -> memref<1x128x64xf32, #tpu.memory_space<vmem>>
      %dma_start3A_457 = tpu.memref_squeeze %dma_start3A_456 : memref<1x128x64xf32, #tpu.memory_space<vmem>> -> memref<128x64xf32, #tpu.memory_space<vmem>>
      %dma_start3A_458 = arith.constant 0 : i32
      %dma_start3A_459 = tpu.memref_slice %arg8[%add3A_407, %dma_start3A_458] : memref<160x128xi32, #tpu.memory_space<vmem>> -> memref<1x128xi32, #tpu.memory_space<vmem>>
      %dma_start3A_460 = tpu.memref_squeeze %dma_start3A_459 : memref<1x128xi32, #tpu.memory_space<vmem>> -> memref<128xi32, #tpu.memory_space<vmem>>
      %dma_start3A_461 = arith.constant 0 : i32
      %dma_start3A_462 = arith.constant 0 : i32
      %dma_start3A_463 = tpu.memref_slice %arg10[%dma_start3A_461, %dma_start3A_462] : memref<10240x64xf32, #tpu.memory_space<vmem_shared>> -> memref<10240x64xf32, #tpu.memory_space<vmem_shared>>
      tpu.enqueue_indirect_dma source(%dma_start3A_457 : memref<128x64xf32, #tpu.memory_space<vmem>>) target(%dma_start3A_463 : memref<10240x64xf32, #tpu.memory_space<vmem_shared>>) offsets(%dma_start3A_460 : memref<128xi32, #tpu.memory_space<vmem>>) semaphore(%arg16 : memref<!tpu.dma_semaphore, #tpu.memory_space<semaphore_mem>>) {add = true}
    }
    %scan3A_123 = arith.constant 39 : i32
    %dma_wait3A_124 = arith.constant 0 : i32
    %dma_wait3A_125 = arith.constant 156 : i32
    %dma_wait3A_126 = arith.constant 0 : i32
    %dma_wait3A_127 = arith.constant 0 : i32
    %dma_wait3A_128 = tpu.memref_slice %arg9[%dma_wait3A_124, %dma_wait3A_126, %dma_wait3A_127] : memref<4x128x64xf32, #tpu.memory_space<vmem>> -> memref<1x128x64xf32, #tpu.memory_space<vmem>>
    %dma_wait3A_129 = tpu.memref_squeeze %dma_wait3A_128 : memref<1x128x64xf32, #tpu.memory_space<vmem>> -> memref<128x64xf32, #tpu.memory_space<vmem>>
    %dma_wait3A_130 = arith.constant 0 : i32
    %dma_wait3A_131 = tpu.memref_slice %arg8[%dma_wait3A_125, %dma_wait3A_130] : memref<160x128xi32, #tpu.memory_space<vmem>> -> memref<1x128xi32, #tpu.memory_space<vmem>>
    %dma_wait3A_132 = tpu.memref_squeeze %dma_wait3A_131 : memref<1x128xi32, #tpu.memory_space<vmem>> -> memref<128xi32, #tpu.memory_space<vmem>>
    %dma_wait3A_133 = arith.constant 0 : i32
    %dma_wait3A_134 = arith.constant 0 : i32
    %dma_wait3A_135 = tpu.memref_slice %arg10[%dma_wait3A_133, %dma_wait3A_134] : memref<10240x64xf32, #tpu.memory_space<vmem_shared>> -> memref<10240x64xf32, #tpu.memory_space<vmem_shared>>
    tpu.wait_indirect_dma semaphore(%arg15 : memref<!tpu.dma_semaphore, #tpu.memory_space<semaphore_mem>>) src(%dma_wait3A_129 : memref<128x64xf32, #tpu.memory_space<vmem>>) dst(%dma_wait3A_135 : memref<10240x64xf32, #tpu.memory_space<vmem_shared>>)
    %dma_wait3A_136 = arith.constant 158 : i32
    %dma_wait3A_137 = arith.constant 2 : i32
    %dma_wait3A_138 = arith.constant 0 : i32
    %dma_wait3A_139 = arith.constant 0 : i32
    %dma_wait3A_140 = tpu.memref_slice %arg9[%dma_wait3A_137, %dma_wait3A_138, %dma_wait3A_139] : memref<4x128x64xf32, #tpu.memory_space<vmem>> -> memref<1x128x64xf32, #tpu.memory_space<vmem>>
    %dma_wait3A_141 = tpu.memref_squeeze %dma_wait3A_140 : memref<1x128x64xf32, #tpu.memory_space<vmem>> -> memref<128x64xf32, #tpu.memory_space<vmem>>
    %dma_wait3A_142 = arith.constant 0 : i32
    %dma_wait3A_143 = tpu.memref_slice %arg7[%dma_wait3A_136, %dma_wait3A_142] : memref<160x128xi32, #tpu.memory_space<vmem>> -> memref<1x128xi32, #tpu.memory_space<vmem>>
    %dma_wait3A_144 = tpu.memref_squeeze %dma_wait3A_143 : memref<1x128xi32, #tpu.memory_space<vmem>> -> memref<128xi32, #tpu.memory_space<vmem>>
    %dma_wait3A_145 = arith.constant 0 : i32
    %dma_wait3A_146 = arith.constant 0 : i32
    %dma_wait3A_147 = tpu.memref_slice %arg2[%arg0, %dma_wait3A_145, %dma_wait3A_146] : memref<2x10240x64xf32, #tpu.memory_space<hbm>> -> memref<1x10240x64xf32, #tpu.memory_space<hbm>>
    %dma_wait3A_148 = tpu.memref_squeeze %dma_wait3A_147 : memref<1x10240x64xf32, #tpu.memory_space<hbm>> -> memref<10240x64xf32, #tpu.memory_space<hbm>>
    %dma_wait3A_149 = arith.constant 0 : i32
    %dma_wait3A_150 = arith.constant 0 : i32
    %dma_wait3A_151 = tpu.memref_slice %dma_wait3A_148[%dma_wait3A_149, %dma_wait3A_150] : memref<10240x64xf32, #tpu.memory_space<hbm>> -> memref<10240x64xf32, #tpu.memory_space<hbm>>
    tpu.wait_indirect_dma semaphore(%arg13 : memref<!tpu.dma_semaphore, #tpu.memory_space<semaphore_mem>>) src(%dma_wait3A_151 : memref<10240x64xf32, #tpu.memory_space<hbm>>) dst(%dma_wait3A_141 : memref<128x64xf32, #tpu.memory_space<vmem>>)
    %dma_start3A_152 = arith.constant 2 : i32
    %dma_start3A_153 = arith.constant 158 : i32
    %dma_start3A_154 = arith.constant 0 : i32
    %dma_start3A_155 = arith.constant 0 : i32
    %dma_start3A_156 = tpu.memref_slice %arg9[%dma_start3A_152, %dma_start3A_154, %dma_start3A_155] : memref<4x128x64xf32, #tpu.memory_space<vmem>> -> memref<1x128x64xf32, #tpu.memory_space<vmem>>
    %dma_start3A_157 = tpu.memref_squeeze %dma_start3A_156 : memref<1x128x64xf32, #tpu.memory_space<vmem>> -> memref<128x64xf32, #tpu.memory_space<vmem>>
    %dma_start3A_158 = arith.constant 0 : i32
    %dma_start3A_159 = tpu.memref_slice %arg8[%dma_start3A_153, %dma_start3A_158] : memref<160x128xi32, #tpu.memory_space<vmem>> -> memref<1x128xi32, #tpu.memory_space<vmem>>
    %dma_start3A_160 = tpu.memref_squeeze %dma_start3A_159 : memref<1x128xi32, #tpu.memory_space<vmem>> -> memref<128xi32, #tpu.memory_space<vmem>>
    %dma_start3A_161 = arith.constant 0 : i32
    %dma_start3A_162 = arith.constant 0 : i32
    %dma_start3A_163 = tpu.memref_slice %arg10[%dma_start3A_161, %dma_start3A_162] : memref<10240x64xf32, #tpu.memory_space<vmem_shared>> -> memref<10240x64xf32, #tpu.memory_space<vmem_shared>>
    tpu.enqueue_indirect_dma source(%dma_start3A_157 : memref<128x64xf32, #tpu.memory_space<vmem>>) target(%dma_start3A_163 : memref<10240x64xf32, #tpu.memory_space<vmem_shared>>) offsets(%dma_start3A_160 : memref<128xi32, #tpu.memory_space<vmem>>) semaphore(%arg17 : memref<!tpu.dma_semaphore, #tpu.memory_space<semaphore_mem>>) {add = true}
    %dma_wait3A_164 = arith.constant 1 : i32
    %dma_wait3A_165 = arith.constant 157 : i32
    %dma_wait3A_166 = arith.constant 0 : i32
    %dma_wait3A_167 = arith.constant 0 : i32
    %dma_wait3A_168 = tpu.memref_slice %arg9[%dma_wait3A_164, %dma_wait3A_166, %dma_wait3A_167] : memref<4x128x64xf32, #tpu.memory_space<vmem>> -> memref<1x128x64xf32, #tpu.memory_space<vmem>>
    %dma_wait3A_169 = tpu.memref_squeeze %dma_wait3A_168 : memref<1x128x64xf32, #tpu.memory_space<vmem>> -> memref<128x64xf32, #tpu.memory_space<vmem>>
    %dma_wait3A_170 = arith.constant 0 : i32
    %dma_wait3A_171 = tpu.memref_slice %arg8[%dma_wait3A_165, %dma_wait3A_170] : memref<160x128xi32, #tpu.memory_space<vmem>> -> memref<1x128xi32, #tpu.memory_space<vmem>>
    %dma_wait3A_172 = tpu.memref_squeeze %dma_wait3A_171 : memref<1x128xi32, #tpu.memory_space<vmem>> -> memref<128xi32, #tpu.memory_space<vmem>>
    %dma_wait3A_173 = arith.constant 0 : i32
    %dma_wait3A_174 = arith.constant 0 : i32
    %dma_wait3A_175 = tpu.memref_slice %arg10[%dma_wait3A_173, %dma_wait3A_174] : memref<10240x64xf32, #tpu.memory_space<vmem_shared>> -> memref<10240x64xf32, #tpu.memory_space<vmem_shared>>
    tpu.wait_indirect_dma semaphore(%arg16 : memref<!tpu.dma_semaphore, #tpu.memory_space<semaphore_mem>>) src(%dma_wait3A_169 : memref<128x64xf32, #tpu.memory_space<vmem>>) dst(%dma_wait3A_175 : memref<10240x64xf32, #tpu.memory_space<vmem_shared>>)
    %dma_wait3A_176 = arith.constant 159 : i32
    %dma_wait3A_177 = arith.constant 3 : i32
    %dma_wait3A_178 = arith.constant 0 : i32
    %dma_wait3A_179 = arith.constant 0 : i32
    %dma_wait3A_180 = tpu.memref_slice %arg9[%dma_wait3A_177, %dma_wait3A_178, %dma_wait3A_179] : memref<4x128x64xf32, #tpu.memory_space<vmem>> -> memref<1x128x64xf32, #tpu.memory_space<vmem>>
    %dma_wait3A_181 = tpu.memref_squeeze %dma_wait3A_180 : memref<1x128x64xf32, #tpu.memory_space<vmem>> -> memref<128x64xf32, #tpu.memory_space<vmem>>
    %dma_wait3A_182 = arith.constant 0 : i32
    %dma_wait3A_183 = tpu.memref_slice %arg7[%dma_wait3A_176, %dma_wait3A_182] : memref<160x128xi32, #tpu.memory_space<vmem>> -> memref<1x128xi32, #tpu.memory_space<vmem>>
    %dma_wait3A_184 = tpu.memref_squeeze %dma_wait3A_183 : memref<1x128xi32, #tpu.memory_space<vmem>> -> memref<128xi32, #tpu.memory_space<vmem>>
    %dma_wait3A_185 = arith.constant 0 : i32
    %dma_wait3A_186 = arith.constant 0 : i32
    %dma_wait3A_187 = tpu.memref_slice %arg2[%arg0, %dma_wait3A_185, %dma_wait3A_186] : memref<2x10240x64xf32, #tpu.memory_space<hbm>> -> memref<1x10240x64xf32, #tpu.memory_space<hbm>>
    %dma_wait3A_188 = tpu.memref_squeeze %dma_wait3A_187 : memref<1x10240x64xf32, #tpu.memory_space<hbm>> -> memref<10240x64xf32, #tpu.memory_space<hbm>>
    %dma_wait3A_189 = arith.constant 0 : i32
    %dma_wait3A_190 = arith.constant 0 : i32
    %dma_wait3A_191 = tpu.memref_slice %dma_wait3A_188[%dma_wait3A_189, %dma_wait3A_190] : memref<10240x64xf32, #tpu.memory_space<hbm>> -> memref<10240x64xf32, #tpu.memory_space<hbm>>
    tpu.wait_indirect_dma semaphore(%arg14 : memref<!tpu.dma_semaphore, #tpu.memory_space<semaphore_mem>>) src(%dma_wait3A_191 : memref<10240x64xf32, #tpu.memory_space<hbm>>) dst(%dma_wait3A_181 : memref<128x64xf32, #tpu.memory_space<vmem>>)
    %dma_start3A_192 = arith.constant 3 : i32
    %dma_start3A_193 = arith.constant 159 : i32
    %dma_start3A_194 = arith.constant 0 : i32
    %dma_start3A_195 = arith.constant 0 : i32
    %dma_start3A_196 = tpu.memref_slice %arg9[%dma_start3A_192, %dma_start3A_194, %dma_start3A_195] : memref<4x128x64xf32, #tpu.memory_space<vmem>> -> memref<1x128x64xf32, #tpu.memory_space<vmem>>
    %dma_start3A_197 = tpu.memref_squeeze %dma_start3A_196 : memref<1x128x64xf32, #tpu.memory_space<vmem>> -> memref<128x64xf32, #tpu.memory_space<vmem>>
    %dma_start3A_198 = arith.constant 0 : i32
    %dma_start3A_199 = tpu.memref_slice %arg8[%dma_start3A_193, %dma_start3A_198] : memref<160x128xi32, #tpu.memory_space<vmem>> -> memref<1x128xi32, #tpu.memory_space<vmem>>
    %dma_start3A_200 = tpu.memref_squeeze %dma_start3A_199 : memref<1x128xi32, #tpu.memory_space<vmem>> -> memref<128xi32, #tpu.memory_space<vmem>>
    %dma_start3A_201 = arith.constant 0 : i32
    %dma_start3A_202 = arith.constant 0 : i32
    %dma_start3A_203 = tpu.memref_slice %arg10[%dma_start3A_201, %dma_start3A_202] : memref<10240x64xf32, #tpu.memory_space<vmem_shared>> -> memref<10240x64xf32, #tpu.memory_space<vmem_shared>>
    tpu.enqueue_indirect_dma source(%dma_start3A_197 : memref<128x64xf32, #tpu.memory_space<vmem>>) target(%dma_start3A_203 : memref<10240x64xf32, #tpu.memory_space<vmem_shared>>) offsets(%dma_start3A_200 : memref<128xi32, #tpu.memory_space<vmem>>) semaphore(%arg18 : memref<!tpu.dma_semaphore, #tpu.memory_space<semaphore_mem>>) {add = true}
    %dma_wait3A_204 = arith.constant 2 : i32
    %dma_wait3A_205 = arith.constant 158 : i32
    %dma_wait3A_206 = arith.constant 0 : i32
    %dma_wait3A_207 = arith.constant 0 : i32
    %dma_wait3A_208 = tpu.memref_slice %arg9[%dma_wait3A_204, %dma_wait3A_206, %dma_wait3A_207] : memref<4x128x64xf32, #tpu.memory_space<vmem>> -> memref<1x128x64xf32, #tpu.memory_space<vmem>>
    %dma_wait3A_209 = tpu.memref_squeeze %dma_wait3A_208 : memref<1x128x64xf32, #tpu.memory_space<vmem>> -> memref<128x64xf32, #tpu.memory_space<vmem>>
    %dma_wait3A_210 = arith.constant 0 : i32
    %dma_wait3A_211 = tpu.memref_slice %arg8[%dma_wait3A_205, %dma_wait3A_210] : memref<160x128xi32, #tpu.memory_space<vmem>> -> memref<1x128xi32, #tpu.memory_space<vmem>>
    %dma_wait3A_212 = tpu.memref_squeeze %dma_wait3A_211 : memref<1x128xi32, #tpu.memory_space<vmem>> -> memref<128xi32, #tpu.memory_space<vmem>>
    %dma_wait3A_213 = arith.constant 0 : i32
    %dma_wait3A_214 = arith.constant 0 : i32
    %dma_wait3A_215 = tpu.memref_slice %arg10[%dma_wait3A_213, %dma_wait3A_214] : memref<10240x64xf32, #tpu.memory_space<vmem_shared>> -> memref<10240x64xf32, #tpu.memory_space<vmem_shared>>
    tpu.wait_indirect_dma semaphore(%arg17 : memref<!tpu.dma_semaphore, #tpu.memory_space<semaphore_mem>>) src(%dma_wait3A_209 : memref<128x64xf32, #tpu.memory_space<vmem>>) dst(%dma_wait3A_215 : memref<10240x64xf32, #tpu.memory_space<vmem_shared>>)
    %dma_wait3A_216 = arith.constant 3 : i32
    %dma_wait3A_217 = arith.constant 159 : i32
    %dma_wait3A_218 = arith.constant 0 : i32
    %dma_wait3A_219 = arith.constant 0 : i32
    %dma_wait3A_220 = tpu.memref_slice %arg9[%dma_wait3A_216, %dma_wait3A_218, %dma_wait3A_219] : memref<4x128x64xf32, #tpu.memory_space<vmem>> -> memref<1x128x64xf32, #tpu.memory_space<vmem>>
    %dma_wait3A_221 = tpu.memref_squeeze %dma_wait3A_220 : memref<1x128x64xf32, #tpu.memory_space<vmem>> -> memref<128x64xf32, #tpu.memory_space<vmem>>
    %dma_wait3A_222 = arith.constant 0 : i32
    %dma_wait3A_223 = tpu.memref_slice %arg8[%dma_wait3A_217, %dma_wait3A_222] : memref<160x128xi32, #tpu.memory_space<vmem>> -> memref<1x128xi32, #tpu.memory_space<vmem>>
    %dma_wait3A_224 = tpu.memref_squeeze %dma_wait3A_223 : memref<1x128xi32, #tpu.memory_space<vmem>> -> memref<128xi32, #tpu.memory_space<vmem>>
    %dma_wait3A_225 = arith.constant 0 : i32
    %dma_wait3A_226 = arith.constant 0 : i32
    %dma_wait3A_227 = tpu.memref_slice %arg10[%dma_wait3A_225, %dma_wait3A_226] : memref<10240x64xf32, #tpu.memory_space<vmem_shared>> -> memref<10240x64xf32, #tpu.memory_space<vmem_shared>>
    tpu.wait_indirect_dma semaphore(%arg18 : memref<!tpu.dma_semaphore, #tpu.memory_space<semaphore_mem>>) src(%dma_wait3A_221 : memref<128x64xf32, #tpu.memory_space<vmem>>) dst(%dma_wait3A_227 : memref<10240x64xf32, #tpu.memory_space<vmem_shared>>)
    %barrier3A_228 = arith.constant 0 : index
    tpu.barrier barrier_id(%barrier3A_228)
    "tpu.region"() ({
      %run_scoped3A = tpu.sem_alloc : memref<!tpu.dma_semaphore, #tpu.memory_space<semaphore_mem>>
      %dma_start3A_229 = arith.constant 0 : i32
      %dma_start3A_230 = tpu.memref_slice %arg6[%arg0, %mul3A_0, %dma_start3A_229] : memref<2x10240x64xf32, #tpu.memory_space<hbm>> -> memref<1x640x64xf32, #tpu.memory_space<hbm>>
      %dma_start3A_231 = tpu.memref_squeeze %dma_start3A_230 : memref<1x640x64xf32, #tpu.memory_space<hbm>> -> memref<640x64xf32, #tpu.memory_space<hbm>>
      %dma_start3A_232 = arith.constant 0 : i32
      %dma_start3A_233 = tpu.memref_slice %arg10[%mul3A_0, %dma_start3A_232] : memref<10240x64xf32, #tpu.memory_space<vmem_shared>> -> memref<640x64xf32, #tpu.memory_space<vmem_shared>>
      tpu.enqueue_dma source(%dma_start3A_233 : memref<640x64xf32, #tpu.memory_space<vmem_shared>>) target(%dma_start3A_231 : memref<640x64xf32, #tpu.memory_space<hbm>>) target_semaphore(%run_scoped3A : memref<!tpu.dma_semaphore, #tpu.memory_space<semaphore_mem>>)
      %dma_wait3A_234 = arith.constant 0 : i32
      %dma_wait3A_235 = tpu.memref_slice %arg6[%arg0, %mul3A_0, %dma_wait3A_234] : memref<2x10240x64xf32, #tpu.memory_space<hbm>> -> memref<1x640x64xf32, #tpu.memory_space<hbm>>
      %dma_wait3A_236 = tpu.memref_squeeze %dma_wait3A_235 : memref<1x640x64xf32, #tpu.memory_space<hbm>> -> memref<640x64xf32, #tpu.memory_space<hbm>>
      %dma_wait3A_237 = arith.constant 0 : i32
      %dma_wait3A_238 = tpu.memref_slice %arg10[%mul3A_0, %dma_wait3A_237] : memref<10240x64xf32, #tpu.memory_space<vmem_shared>> -> memref<640x64xf32, #tpu.memory_space<vmem_shared>>
      tpu.wait_dma2 semaphore(%run_scoped3A : memref<!tpu.dma_semaphore, #tpu.memory_space<semaphore_mem>>) src(%dma_wait3A_238 : memref<640x64xf32, #tpu.memory_space<vmem_shared>>) dst(%dma_wait3A_236 : memref<640x64xf32, #tpu.memory_space<hbm>>)
      tpu.yield
    }) : () -> ()
    return
  }
}

#map = affine_map<(d0, d1) -> (0, 0, 0)>
#map1 = affine_map<(d0, d1) -> (0, 0)>
module attributes {stable_mosaic.version = 14 : i64} {
  func.func @scat(%arg0: i32, %arg1: i32, %arg2: memref<2x10240x32xf32, #tpu.memory_space<hbm>>, %arg3: memref<16x160x128xi32, #tpu.memory_space<hbm>>, %arg4: memref<16x160x128xi32, #tpu.memory_space<hbm>>, %arg5: memref<640x32xf32, #tpu.memory_space<hbm>>, %arg6: memref<2x10240x32xf32, #tpu.memory_space<hbm>>, %arg7: memref<160x128xi32, #tpu.memory_space<vmem>>, %arg8: memref<160x128xi32, #tpu.memory_space<vmem>>, %arg9: memref<4x128x32xf32, #tpu.memory_space<vmem>>, %arg10: memref<10240x32xf32, #tpu.memory_space<vmem_shared>>, %arg11: memref<!tpu.dma_semaphore, #tpu.memory_space<semaphore_mem>>, %arg12: memref<!tpu.dma_semaphore, #tpu.memory_space<semaphore_mem>>, %arg13: memref<!tpu.dma_semaphore, #tpu.memory_space<semaphore_mem>>, %arg14: memref<!tpu.dma_semaphore, #tpu.memory_space<semaphore_mem>>, %arg15: memref<!tpu.dma_semaphore, #tpu.memory_space<semaphore_mem>>, %arg16: memref<!tpu.dma_semaphore, #tpu.memory_space<semaphore_mem>>, %arg17: memref<!tpu.dma_semaphore, #tpu.memory_space<semaphore_mem>>, %arg18: memref<!tpu.dma_semaphore, #tpu.memory_space<semaphore_mem>>) attributes {dimension_semantics = [#tpu.dimension_semantics<core_parallel>, #tpu.dimension_semantics<subcore_parallel>], iteration_bounds = array<i64: 2, 16>, scalar_prefetch = 0 : i64, scratch_operands = 12 : i64, tpu.core_type = #tpu.core_type<sc_vector_subcore>, window_params = [{transform_indices = #map}, {transform_indices = #map}, {transform_indices = #map}, {transform_indices = #map1}, {transform_indices = #map}]} {
    %mul3A = arith.constant 640 : i32
    %mul3A_0 = arith.muli %arg1, %mul3A : i32
    "tpu.region"() ({
      %run_scoped3A = tpu.sem_alloc : memref<!tpu.dma_semaphore, #tpu.memory_space<semaphore_mem>>
      %dma_start3A_229 = arith.constant 0 : i32
      %dma_start3A_230 = tpu.memref_slice %arg10[%mul3A_0, %dma_start3A_229] : memref<10240x32xf32, #tpu.memory_space<vmem_shared>> -> memref<640x32xf32, #tpu.memory_space<vmem_shared>>
      tpu.enqueue_dma source(%arg5 : memref<640x32xf32, #tpu.memory_space<hbm>>) target(%dma_start3A_230 : memref<640x32xf32, #tpu.memory_space<vmem_shared>>) target_semaphore(%run_scoped3A : memref<!tpu.dma_semaphore, #tpu.memory_space<semaphore_mem>>)
      %dma_wait3A_231 = arith.constant 0 : i32
      %dma_wait3A_232 = tpu.memref_slice %arg10[%mul3A_0, %dma_wait3A_231] : memref<10240x32xf32, #tpu.memory_space<vmem_shared>> -> memref<640x32xf32, #tpu.memory_space<vmem_shared>>
      tpu.wait_dma2 semaphore(%run_scoped3A : memref<!tpu.dma_semaphore, #tpu.memory_space<semaphore_mem>>) src(%arg5 : memref<640x32xf32, #tpu.memory_space<hbm>>) dst(%dma_wait3A_232 : memref<640x32xf32, #tpu.memory_space<vmem_shared>>)
      tpu.yield
    }) : () -> ()
    "tpu.region"() ({
      %run_scoped3A = tpu.sem_alloc : memref<!tpu.dma_semaphore, #tpu.memory_space<semaphore_mem>>
      %dma_start3A_229 = arith.constant 0 : i32
      %dma_start3A_230 = arith.constant 0 : i32
      %dma_start3A_231 = tpu.memref_slice %arg3[%arg1, %dma_start3A_229, %dma_start3A_230] : memref<16x160x128xi32, #tpu.memory_space<hbm>> -> memref<1x160x128xi32, #tpu.memory_space<hbm>>
      %dma_start3A_232 = tpu.memref_squeeze %dma_start3A_231 : memref<1x160x128xi32, #tpu.memory_space<hbm>> -> memref<160x128xi32, #tpu.memory_space<hbm>>
      %dma_start3A_233 = arith.constant 0 : i32
      %dma_start3A_234 = arith.constant 0 : i32
      %dma_start3A_235 = tpu.memref_slice %arg3[%arg1, %dma_start3A_233, %dma_start3A_234] : memref<16x160x128xi32, #tpu.memory_space<hbm>> -> memref<1x160x128xi32, #tpu.memory_space<hbm>>
      %dma_start3A_236 = tpu.memref_squeeze %dma_start3A_235 : memref<1x160x128xi32, #tpu.memory_space<hbm>> -> memref<160x128xi32, #tpu.memory_space<hbm>>
      tpu.enqueue_dma source(%dma_start3A_236 : memref<160x128xi32, #tpu.memory_space<hbm>>) target(%arg7 : memref<160x128xi32, #tpu.memory_space<vmem>>) target_semaphore(%run_scoped3A : memref<!tpu.dma_semaphore, #tpu.memory_space<semaphore_mem>>)
      %dma_wait3A_237 = arith.constant 0 : i32
      %dma_wait3A_238 = arith.constant 0 : i32
      %dma_wait3A_239 = tpu.memref_slice %arg3[%arg1, %dma_wait3A_237, %dma_wait3A_238] : memref<16x160x128xi32, #tpu.memory_space<hbm>> -> memref<1x160x128xi32, #tpu.memory_space<hbm>>
      %dma_wait3A_240 = tpu.memref_squeeze %dma_wait3A_239 : memref<1x160x128xi32, #tpu.memory_space<hbm>> -> memref<160x128xi32, #tpu.memory_space<hbm>>
      %dma_wait3A_241 = arith.constant 0 : i32
      %dma_wait3A_242 = arith.constant 0 : i32
      %dma_wait3A_243 = tpu.memref_slice %arg3[%arg1, %dma_wait3A_241, %dma_wait3A_242] : memref<16x160x128xi32, #tpu.memory_space<hbm>> -> memref<1x160x128xi32, #tpu.memory_space<hbm>>
      %dma_wait3A_244 = tpu.memref_squeeze %dma_wait3A_243 : memref<1x160x128xi32, #tpu.memory_space<hbm>> -> memref<160x128xi32, #tpu.memory_space<hbm>>
      tpu.wait_dma2 semaphore(%run_scoped3A : memref<!tpu.dma_semaphore, #tpu.memory_space<semaphore_mem>>) src(%dma_wait3A_244 : memref<160x128xi32, #tpu.memory_space<hbm>>) dst(%arg7 : memref<160x128xi32, #tpu.memory_space<vmem>>)
      tpu.yield
    }) : () -> ()
    "tpu.region"() ({
      %run_scoped3A = tpu.sem_alloc : memref<!tpu.dma_semaphore, #tpu.memory_space<semaphore_mem>>
      %dma_start3A_229 = arith.constant 0 : i32
      %dma_start3A_230 = arith.constant 0 : i32
      %dma_start3A_231 = tpu.memref_slice %arg4[%arg1, %dma_start3A_229, %dma_start3A_230] : memref<16x160x128xi32, #tpu.memory_space<hbm>> -> memref<1x160x128xi32, #tpu.memory_space<hbm>>
      %dma_start3A_232 = tpu.memref_squeeze %dma_start3A_231 : memref<1x160x128xi32, #tpu.memory_space<hbm>> -> memref<160x128xi32, #tpu.memory_space<hbm>>
      %dma_start3A_233 = arith.constant 0 : i32
      %dma_start3A_234 = arith.constant 0 : i32
      %dma_start3A_235 = tpu.memref_slice %arg4[%arg1, %dma_start3A_233, %dma_start3A_234] : memref<16x160x128xi32, #tpu.memory_space<hbm>> -> memref<1x160x128xi32, #tpu.memory_space<hbm>>
      %dma_start3A_236 = tpu.memref_squeeze %dma_start3A_235 : memref<1x160x128xi32, #tpu.memory_space<hbm>> -> memref<160x128xi32, #tpu.memory_space<hbm>>
      tpu.enqueue_dma source(%dma_start3A_236 : memref<160x128xi32, #tpu.memory_space<hbm>>) target(%arg8 : memref<160x128xi32, #tpu.memory_space<vmem>>) target_semaphore(%run_scoped3A : memref<!tpu.dma_semaphore, #tpu.memory_space<semaphore_mem>>)
      %dma_wait3A_237 = arith.constant 0 : i32
      %dma_wait3A_238 = arith.constant 0 : i32
      %dma_wait3A_239 = tpu.memref_slice %arg4[%arg1, %dma_wait3A_237, %dma_wait3A_238] : memref<16x160x128xi32, #tpu.memory_space<hbm>> -> memref<1x160x128xi32, #tpu.memory_space<hbm>>
      %dma_wait3A_240 = tpu.memref_squeeze %dma_wait3A_239 : memref<1x160x128xi32, #tpu.memory_space<hbm>> -> memref<160x128xi32, #tpu.memory_space<hbm>>
      %dma_wait3A_241 = arith.constant 0 : i32
      %dma_wait3A_242 = arith.constant 0 : i32
      %dma_wait3A_243 = tpu.memref_slice %arg4[%arg1, %dma_wait3A_241, %dma_wait3A_242] : memref<16x160x128xi32, #tpu.memory_space<hbm>> -> memref<1x160x128xi32, #tpu.memory_space<hbm>>
      %dma_wait3A_244 = tpu.memref_squeeze %dma_wait3A_243 : memref<1x160x128xi32, #tpu.memory_space<hbm>> -> memref<160x128xi32, #tpu.memory_space<hbm>>
      tpu.wait_dma2 semaphore(%run_scoped3A : memref<!tpu.dma_semaphore, #tpu.memory_space<semaphore_mem>>) src(%dma_wait3A_244 : memref<160x128xi32, #tpu.memory_space<hbm>>) dst(%arg8 : memref<160x128xi32, #tpu.memory_space<vmem>>)
      tpu.yield
    }) : () -> ()
    %barrier3A = arith.constant 0 : index
    tpu.barrier barrier_id(%barrier3A)
    %dma_start3A = arith.constant 0 : i32
    %dma_start3A_1 = arith.constant 0 : i32
    %dma_start3A_2 = arith.constant 0 : i32
    %dma_start3A_3 = arith.constant 0 : i32
    %dma_start3A_4 = tpu.memref_slice %arg9[%dma_start3A_1, %dma_start3A_2, %dma_start3A_3] : memref<4x128x32xf32, #tpu.memory_space<vmem>> -> memref<1x128x32xf32, #tpu.memory_space<vmem>>
    %dma_start3A_5 = tpu.memref_squeeze %dma_start3A_4 : memref<1x128x32xf32, #tpu.memory_space<vmem>> -> memref<128x32xf32, #tpu.memory_space<vmem>>
    %dma_start3A_6 = arith.constant 0 : i32
    %dma_start3A_7 = tpu.memref_slice %arg7[%dma_start3A, %dma_start3A_6] : memref<160x128xi32, #tpu.memory_space<vmem>> -> memref<1x128xi32, #tpu.memory_space<vmem>>
    %dma_start3A_8 = tpu.memref_squeeze %dma_start3A_7 : memref<1x128xi32, #tpu.memory_space<vmem>> -> memref<128xi32, #tpu.memory_space<vmem>>
    %dma_start3A_9 = arith.constant 0 : i32
    %dma_start3A_10 = arith.constant 0 : i32
    %dma_start3A_11 = tpu.memref_slice %arg2[%arg0, %dma_start3A_9, %dma_start3A_10] : memref<2x10240x32xf32, #tpu.memory_space<hbm>> -> memref<1x10240x32xf32, #tpu.memory_space<hbm>>
    %dma_start3A_12 = tpu.memref_squeeze %dma_start3A_11 : memref<1x10240x32xf32, #tpu.memory_space<hbm>> -> memref<10240x32xf32, #tpu.memory_space<hbm>>
    %dma_start3A_13 = arith.constant 0 : i32
    %dma_start3A_14 = arith.constant 0 : i32
    %dma_start3A_15 = tpu.memref_slice %dma_start3A_12[%dma_start3A_13, %dma_start3A_14] : memref<10240x32xf32, #tpu.memory_space<hbm>> -> memref<10240x32xf32, #tpu.memory_space<hbm>>
    tpu.enqueue_indirect_dma source(%dma_start3A_15 : memref<10240x32xf32, #tpu.memory_space<hbm>>) target(%dma_start3A_5 : memref<128x32xf32, #tpu.memory_space<vmem>>) offsets(%dma_start3A_8 : memref<128xi32, #tpu.memory_space<vmem>>) semaphore(%arg11 : memref<!tpu.dma_semaphore, #tpu.memory_space<semaphore_mem>>)
    %dma_start3A_16 = arith.constant 1 : i32
    %dma_start3A_17 = arith.constant 1 : i32
    %dma_start3A_18 = arith.constant 0 : i32
    %dma_start3A_19 = arith.constant 0 : i32
    %dma_start3A_20 = tpu.memref_slice %arg9[%dma_start3A_17, %dma_start3A_18, %dma_start3A_19] : memref<4x128x32xf32, #tpu.memory_space<vmem>> -> memref<1x128x32xf32, #tpu.memory_space<vmem>>
    %dma_start3A_21 = tpu.memref_squeeze %dma_start3A_20 : memref<1x128x32xf32, #tpu.memory_space<vmem>> -> memref<128x32xf32, #tpu.memory_space<vmem>>
    %dma_start3A_22 = arith.constant 0 : i32
    %dma_start3A_23 = tpu.memref_slice %arg7[%dma_start3A_16, %dma_start3A_22] : memref<160x128xi32, #tpu.memory_space<vmem>> -> memref<1x128xi32, #tpu.memory_space<vmem>>
    %dma_start3A_24 = tpu.memref_squeeze %dma_start3A_23 : memref<1x128xi32, #tpu.memory_space<vmem>> -> memref<128xi32, #tpu.memory_space<vmem>>
    %dma_start3A_25 = arith.constant 0 : i32
    %dma_start3A_26 = arith.constant 0 : i32
    %dma_start3A_27 = tpu.memref_slice %arg2[%arg0, %dma_start3A_25, %dma_start3A_26] : memref<2x10240x32xf32, #tpu.memory_space<hbm>> -> memref<1x10240x32xf32, #tpu.memory_space<hbm>>
    %dma_start3A_28 = tpu.memref_squeeze %dma_start3A_27 : memref<1x10240x32xf32, #tpu.memory_space<hbm>> -> memref<10240x32xf32, #tpu.memory_space<hbm>>
    %dma_start3A_29 = arith.constant 0 : i32
    %dma_start3A_30 = arith.constant 0 : i32
    %dma_start3A_31 = tpu.memref_slice %dma_start3A_28[%dma_start3A_29, %dma_start3A_30] : memref<10240x32xf32, #tpu.memory_space<hbm>> -> memref<10240x32xf32, #tpu.memory_space<hbm>>
    tpu.enqueue_indirect_dma source(%dma_start3A_31 : memref<10240x32xf32, #tpu.memory_space<hbm>>) target(%dma_start3A_21 : memref<128x32xf32, #tpu.memory_space<vmem>>) offsets(%dma_start3A_24 : memref<128xi32, #tpu.memory_space<vmem>>) semaphore(%arg12 : memref<!tpu.dma_semaphore, #tpu.memory_space<semaphore_mem>>)
    %dma_start3A_32 = arith.constant 2 : i32
    %dma_start3A_33 = arith.constant 2 : i32
    %dma_start3A_34 = arith.constant 0 : i32
    %dma_start3A_35 = arith.constant 0 : i32
    %dma_start3A_36 = tpu.memref_slice %arg9[%dma_start3A_33, %dma_start3A_34, %dma_start3A_35] : memref<4x128x32xf32, #tpu.memory_space<vmem>> -> memref<1x128x32xf32, #tpu.memory_space<vmem>>
    %dma_start3A_37 = tpu.memref_squeeze %dma_start3A_36 : memref<1x128x32xf32, #tpu.memory_space<vmem>> -> memref<128x32xf32, #tpu.memory_space<vmem>>
    %dma_start3A_38 = arith.constant 0 : i32
    %dma_start3A_39 = tpu.memref_slice %arg7[%dma_start3A_32, %dma_start3A_38] : memref<160x128xi32, #tpu.memory_space<vmem>> -> memref<1x128xi32, #tpu.memory_space<vmem>>
    %dma_start3A_40 = tpu.memref_squeeze %dma_start3A_39 : memref<1x128xi32, #tpu.memory_space<vmem>> -> memref<128xi32, #tpu.memory_space<vmem>>
    %dma_start3A_41 = arith.constant 0 : i32
    %dma_start3A_42 = arith.constant 0 : i32
    %dma_start3A_43 = tpu.memref_slice %arg2[%arg0, %dma_start3A_41, %dma_start3A_42] : memref<2x10240x32xf32, #tpu.memory_space<hbm>> -> memref<1x10240x32xf32, #tpu.memory_space<hbm>>
    %dma_start3A_44 = tpu.memref_squeeze %dma_start3A_43 : memref<1x10240x32xf32, #tpu.memory_space<hbm>> -> memref<10240x32xf32, #tpu.memory_space<hbm>>
    %dma_start3A_45 = arith.constant 0 : i32
    %dma_start3A_46 = arith.constant 0 : i32
    %dma_start3A_47 = tpu.memref_slice %dma_start3A_44[%dma_start3A_45, %dma_start3A_46] : memref<10240x32xf32, #tpu.memory_space<hbm>> -> memref<10240x32xf32, #tpu.memory_space<hbm>>
    tpu.enqueue_indirect_dma source(%dma_start3A_47 : memref<10240x32xf32, #tpu.memory_space<hbm>>) target(%dma_start3A_37 : memref<128x32xf32, #tpu.memory_space<vmem>>) offsets(%dma_start3A_40 : memref<128xi32, #tpu.memory_space<vmem>>) semaphore(%arg13 : memref<!tpu.dma_semaphore, #tpu.memory_space<semaphore_mem>>)
    %dma_wait3A = arith.constant 0 : i32
    %dma_wait3A_48 = arith.constant 0 : i32
    %dma_wait3A_49 = arith.constant 0 : i32
    %dma_wait3A_50 = arith.constant 0 : i32
    %dma_wait3A_51 = tpu.memref_slice %arg9[%dma_wait3A_48, %dma_wait3A_49, %dma_wait3A_50] : memref<4x128x32xf32, #tpu.memory_space<vmem>> -> memref<1x128x32xf32, #tpu.memory_space<vmem>>
    %dma_wait3A_52 = tpu.memref_squeeze %dma_wait3A_51 : memref<1x128x32xf32, #tpu.memory_space<vmem>> -> memref<128x32xf32, #tpu.memory_space<vmem>>
    %dma_wait3A_53 = arith.constant 0 : i32
    %dma_wait3A_54 = tpu.memref_slice %arg7[%dma_wait3A, %dma_wait3A_53] : memref<160x128xi32, #tpu.memory_space<vmem>> -> memref<1x128xi32, #tpu.memory_space<vmem>>
    %dma_wait3A_55 = tpu.memref_squeeze %dma_wait3A_54 : memref<1x128xi32, #tpu.memory_space<vmem>> -> memref<128xi32, #tpu.memory_space<vmem>>
    %dma_wait3A_56 = arith.constant 0 : i32
    %dma_wait3A_57 = arith.constant 0 : i32
    %dma_wait3A_58 = tpu.memref_slice %arg2[%arg0, %dma_wait3A_56, %dma_wait3A_57] : memref<2x10240x32xf32, #tpu.memory_space<hbm>> -> memref<1x10240x32xf32, #tpu.memory_space<hbm>>
    %dma_wait3A_59 = tpu.memref_squeeze %dma_wait3A_58 : memref<1x10240x32xf32, #tpu.memory_space<hbm>> -> memref<10240x32xf32, #tpu.memory_space<hbm>>
    %dma_wait3A_60 = arith.constant 0 : i32
    %dma_wait3A_61 = arith.constant 0 : i32
    %dma_wait3A_62 = tpu.memref_slice %dma_wait3A_59[%dma_wait3A_60, %dma_wait3A_61] : memref<10240x32xf32, #tpu.memory_space<hbm>> -> memref<10240x32xf32, #tpu.memory_space<hbm>>
    tpu.wait_indirect_dma semaphore(%arg11 : memref<!tpu.dma_semaphore, #tpu.memory_space<semaphore_mem>>) src(%dma_wait3A_62 : memref<10240x32xf32, #tpu.memory_space<hbm>>) dst(%dma_wait3A_52 : memref<128x32xf32, #tpu.memory_space<vmem>>)
    %dma_start3A_63 = arith.constant 0 : i32
    %dma_start3A_64 = arith.constant 0 : i32
    %dma_start3A_65 = arith.constant 0 : i32
    %dma_start3A_66 = arith.constant 0 : i32
    %dma_start3A_67 = tpu.memref_slice %arg9[%dma_start3A_63, %dma_start3A_65, %dma_start3A_66] : memref<4x128x32xf32, #tpu.memory_space<vmem>> -> memref<1x128x32xf32, #tpu.memory_space<vmem>>
    %dma_start3A_68 = tpu.memref_squeeze %dma_start3A_67 : memref<1x128x32xf32, #tpu.memory_space<vmem>> -> memref<128x32xf32, #tpu.memory_space<vmem>>
    %dma_start3A_69 = arith.constant 0 : i32
    %dma_start3A_70 = tpu.memref_slice %arg8[%dma_start3A_64, %dma_start3A_69] : memref<160x128xi32, #tpu.memory_space<vmem>> -> memref<1x128xi32, #tpu.memory_space<vmem>>
    %dma_start3A_71 = tpu.memref_squeeze %dma_start3A_70 : memref<1x128xi32, #tpu.memory_space<vmem>> -> memref<128xi32, #tpu.memory_space<vmem>>
    %dma_start3A_72 = arith.constant 0 : i32
    %dma_start3A_73 = arith.constant 0 : i32
    %dma_start3A_74 = tpu.memref_slice %arg10[%dma_start3A_72, %dma_start3A_73] : memref<10240x32xf32, #tpu.memory_space<vmem_shared>> -> memref<10240x32xf32, #tpu.memory_space<vmem_shared>>
    tpu.enqueue_indirect_dma source(%dma_start3A_68 : memref<128x32xf32, #tpu.memory_space<vmem>>) target(%dma_start3A_74 : memref<10240x32xf32, #tpu.memory_space<vmem_shared>>) offsets(%dma_start3A_71 : memref<128xi32, #tpu.memory_space<vmem>>) semaphore(%arg15 : memref<!tpu.dma_semaphore, #tpu.memory_space<semaphore_mem>>) {add = true}
    %dma_start3A_75 = arith.constant 3 : i32
    %dma_start3A_76 = arith.constant 3 : i32
    %dma_start3A_77 = arith.constant 0 : i32
    %dma_start3A_78 = arith.constant 0 : i32
    %dma_start3A_79 = tpu.memref_slice %arg9[%dma_start3A_76, %dma_start3A_77, %dma_start3A_78] : memref<4x128x32xf32, #tpu.memory_space<vmem>> -> memref<1x128x32xf32, #tpu.memory_space<vmem>>
    %dma_start3A_80 = tpu.memref_squeeze %dma_start3A_79 : memref<1x128x32xf32, #tpu.memory_space<vmem>> -> memref<128x32xf32, #tpu.memory_space<vmem>>
    %dma_start3A_81 = arith.constant 0 : i32
    %dma_start3A_82 = tpu.memref_slice %arg7[%dma_start3A_75, %dma_start3A_81] : memref<160x128xi32, #tpu.memory_space<vmem>> -> memref<1x128xi32, #tpu.memory_space<vmem>>
    %dma_start3A_83 = tpu.memref_squeeze %dma_start3A_82 : memref<1x128xi32, #tpu.memory_space<vmem>> -> memref<128xi32, #tpu.memory_space<vmem>>
    %dma_start3A_84 = arith.constant 0 : i32
    %dma_start3A_85 = arith.constant 0 : i32
    %dma_start3A_86 = tpu.memref_slice %arg2[%arg0, %dma_start3A_84, %dma_start3A_85] : memref<2x10240x32xf32, #tpu.memory_space<hbm>> -> memref<1x10240x32xf32, #tpu.memory_space<hbm>>
    %dma_start3A_87 = tpu.memref_squeeze %dma_start3A_86 : memref<1x10240x32xf32, #tpu.memory_space<hbm>> -> memref<10240x32xf32, #tpu.memory_space<hbm>>
    %dma_start3A_88 = arith.constant 0 : i32
    %dma_start3A_89 = arith.constant 0 : i32
    %dma_start3A_90 = tpu.memref_slice %dma_start3A_87[%dma_start3A_88, %dma_start3A_89] : memref<10240x32xf32, #tpu.memory_space<hbm>> -> memref<10240x32xf32, #tpu.memory_space<hbm>>
    tpu.enqueue_indirect_dma source(%dma_start3A_90 : memref<10240x32xf32, #tpu.memory_space<hbm>>) target(%dma_start3A_80 : memref<128x32xf32, #tpu.memory_space<vmem>>) offsets(%dma_start3A_83 : memref<128xi32, #tpu.memory_space<vmem>>) semaphore(%arg14 : memref<!tpu.dma_semaphore, #tpu.memory_space<semaphore_mem>>)
    %dma_wait3A_91 = arith.constant 1 : i32
    %dma_wait3A_92 = arith.constant 1 : i32
    %dma_wait3A_93 = arith.constant 0 : i32
    %dma_wait3A_94 = arith.constant 0 : i32
    %dma_wait3A_95 = tpu.memref_slice %arg9[%dma_wait3A_92, %dma_wait3A_93, %dma_wait3A_94] : memref<4x128x32xf32, #tpu.memory_space<vmem>> -> memref<1x128x32xf32, #tpu.memory_space<vmem>>
    %dma_wait3A_96 = tpu.memref_squeeze %dma_wait3A_95 : memref<1x128x32xf32, #tpu.memory_space<vmem>> -> memref<128x32xf32, #tpu.memory_space<vmem>>
    %dma_wait3A_97 = arith.constant 0 : i32
    %dma_wait3A_98 = tpu.memref_slice %arg7[%dma_wait3A_91, %dma_wait3A_97] : memref<160x128xi32, #tpu.memory_space<vmem>> -> memref<1x128xi32, #tpu.memory_space<vmem>>
    %dma_wait3A_99 = tpu.memref_squeeze %dma_wait3A_98 : memref<1x128xi32, #tpu.memory_space<vmem>> -> memref<128xi32, #tpu.memory_space<vmem>>
    %dma_wait3A_100 = arith.constant 0 : i32
    %dma_wait3A_101 = arith.constant 0 : i32
    %dma_wait3A_102 = tpu.memref_slice %arg2[%arg0, %dma_wait3A_100, %dma_wait3A_101] : memref<2x10240x32xf32, #tpu.memory_space<hbm>> -> memref<1x10240x32xf32, #tpu.memory_space<hbm>>
    %dma_wait3A_103 = tpu.memref_squeeze %dma_wait3A_102 : memref<1x10240x32xf32, #tpu.memory_space<hbm>> -> memref<10240x32xf32, #tpu.memory_space<hbm>>
    %dma_wait3A_104 = arith.constant 0 : i32
    %dma_wait3A_105 = arith.constant 0 : i32
    %dma_wait3A_106 = tpu.memref_slice %dma_wait3A_103[%dma_wait3A_104, %dma_wait3A_105] : memref<10240x32xf32, #tpu.memory_space<hbm>> -> memref<10240x32xf32, #tpu.memory_space<hbm>>
    tpu.wait_indirect_dma semaphore(%arg12 : memref<!tpu.dma_semaphore, #tpu.memory_space<semaphore_mem>>) src(%dma_wait3A_106 : memref<10240x32xf32, #tpu.memory_space<hbm>>) dst(%dma_wait3A_96 : memref<128x32xf32, #tpu.memory_space<vmem>>)
    %dma_start3A_107 = arith.constant 1 : i32
    %dma_start3A_108 = arith.constant 1 : i32
    %dma_start3A_109 = arith.constant 0 : i32
    %dma_start3A_110 = arith.constant 0 : i32
    %dma_start3A_111 = tpu.memref_slice %arg9[%dma_start3A_107, %dma_start3A_109, %dma_start3A_110] : memref<4x128x32xf32, #tpu.memory_space<vmem>> -> memref<1x128x32xf32, #tpu.memory_space<vmem>>
    %dma_start3A_112 = tpu.memref_squeeze %dma_start3A_111 : memref<1x128x32xf32, #tpu.memory_space<vmem>> -> memref<128x32xf32, #tpu.memory_space<vmem>>
    %dma_start3A_113 = arith.constant 0 : i32
    %dma_start3A_114 = tpu.memref_slice %arg8[%dma_start3A_108, %dma_start3A_113] : memref<160x128xi32, #tpu.memory_space<vmem>> -> memref<1x128xi32, #tpu.memory_space<vmem>>
    %dma_start3A_115 = tpu.memref_squeeze %dma_start3A_114 : memref<1x128xi32, #tpu.memory_space<vmem>> -> memref<128xi32, #tpu.memory_space<vmem>>
    %dma_start3A_116 = arith.constant 0 : i32
    %dma_start3A_117 = arith.constant 0 : i32
    %dma_start3A_118 = tpu.memref_slice %arg10[%dma_start3A_116, %dma_start3A_117] : memref<10240x32xf32, #tpu.memory_space<vmem_shared>> -> memref<10240x32xf32, #tpu.memory_space<vmem_shared>>
    tpu.enqueue_indirect_dma source(%dma_start3A_112 : memref<128x32xf32, #tpu.memory_space<vmem>>) target(%dma_start3A_118 : memref<10240x32xf32, #tpu.memory_space<vmem_shared>>) offsets(%dma_start3A_115 : memref<128xi32, #tpu.memory_space<vmem>>) semaphore(%arg16 : memref<!tpu.dma_semaphore, #tpu.memory_space<semaphore_mem>>) {add = true}
    %scan3A = arith.constant 0 : i32
    %scan3A_119 = arith.constant 0 : i32
    %scan3A_120 = arith.constant 39 : i32
    %scan3A_121 = arith.addi %scan3A_119, %scan3A_120 : i32
    %scan3A_122 = arith.constant 1 : i32
    scf.for %scan3A_229 = %scan3A_119 to %scan3A_121 step %scan3A_122  : i32 {
      %mul3A_230 = arith.constant 4 : i32
      %mul3A_231 = arith.muli %scan3A_229, %mul3A_230 : i32
      %add3A = arith.constant 2 : i32
      %add3A_232 = arith.addi %add3A, %mul3A_231 : i32
      %add3A_233 = arith.constant 0 : i32
      %add3A_234 = arith.addi %add3A_232, %add3A_233 : i32
      %sub3A = arith.constant 2 : i32
      %sub3A_235 = arith.subi %add3A_234, %sub3A : i32
      %dma_wait3A_236 = arith.constant 0 : i32
      %dma_wait3A_237 = arith.constant 0 : i32
      %dma_wait3A_238 = arith.constant 0 : i32
      %dma_wait3A_239 = tpu.memref_slice %arg9[%dma_wait3A_236, %dma_wait3A_237, %dma_wait3A_238] : memref<4x128x32xf32, #tpu.memory_space<vmem>> -> memref<1x128x32xf32, #tpu.memory_space<vmem>>
      %dma_wait3A_240 = tpu.memref_squeeze %dma_wait3A_239 : memref<1x128x32xf32, #tpu.memory_space<vmem>> -> memref<128x32xf32, #tpu.memory_space<vmem>>
      %dma_wait3A_241 = arith.constant 0 : i32
      %dma_wait3A_242 = tpu.memref_slice %arg8[%sub3A_235, %dma_wait3A_241] : memref<160x128xi32, #tpu.memory_space<vmem>> -> memref<1x128xi32, #tpu.memory_space<vmem>>
      %dma_wait3A_243 = tpu.memref_squeeze %dma_wait3A_242 : memref<1x128xi32, #tpu.memory_space<vmem>> -> memref<128xi32, #tpu.memory_space<vmem>>
      %dma_wait3A_244 = arith.constant 0 : i32
      %dma_wait3A_245 = arith.constant 0 : i32
      %dma_wait3A_246 = tpu.memref_slice %arg10[%dma_wait3A_244, %dma_wait3A_245] : memref<10240x32xf32, #tpu.memory_space<vmem_shared>> -> memref<10240x32xf32, #tpu.memory_space<vmem_shared>>
      tpu.wait_indirect_dma semaphore(%arg15 : memref<!tpu.dma_semaphore, #tpu.memory_space<semaphore_mem>>) src(%dma_wait3A_240 : memref<128x32xf32, #tpu.memory_space<vmem>>) dst(%dma_wait3A_246 : memref<10240x32xf32, #tpu.memory_space<vmem_shared>>)
      %add3A_247 = arith.constant 2 : i32
      %add3A_248 = arith.addi %add3A_234, %add3A_247 : i32
      %dma_start3A_249 = arith.constant 0 : i32
      %dma_start3A_250 = arith.constant 0 : i32
      %dma_start3A_251 = arith.constant 0 : i32
      %dma_start3A_252 = tpu.memref_slice %arg9[%dma_start3A_249, %dma_start3A_250, %dma_start3A_251] : memref<4x128x32xf32, #tpu.memory_space<vmem>> -> memref<1x128x32xf32, #tpu.memory_space<vmem>>
      %dma_start3A_253 = tpu.memref_squeeze %dma_start3A_252 : memref<1x128x32xf32, #tpu.memory_space<vmem>> -> memref<128x32xf32, #tpu.memory_space<vmem>>
      %dma_start3A_254 = arith.constant 0 : i32
      %dma_start3A_255 = tpu.memref_slice %arg7[%add3A_248, %dma_start3A_254] : memref<160x128xi32, #tpu.memory_space<vmem>> -> memref<1x128xi32, #tpu.memory_space<vmem>>
      %dma_start3A_256 = tpu.memref_squeeze %dma_start3A_255 : memref<1x128xi32, #tpu.memory_space<vmem>> -> memref<128xi32, #tpu.memory_space<vmem>>
      %dma_start3A_257 = arith.constant 0 : i32
      %dma_start3A_258 = arith.constant 0 : i32
      %dma_start3A_259 = tpu.memref_slice %arg2[%arg0, %dma_start3A_257, %dma_start3A_258] : memref<2x10240x32xf32, #tpu.memory_space<hbm>> -> memref<1x10240x32xf32, #tpu.memory_space<hbm>>
      %dma_start3A_260 = tpu.memref_squeeze %dma_start3A_259 : memref<1x10240x32xf32, #tpu.memory_space<hbm>> -> memref<10240x32xf32, #tpu.memory_space<hbm>>
      %dma_start3A_261 = arith.constant 0 : i32
      %dma_start3A_262 = arith.constant 0 : i32
      %dma_start3A_263 = tpu.memref_slice %dma_start3A_260[%dma_start3A_261, %dma_start3A_262] : memref<10240x32xf32, #tpu.memory_space<hbm>> -> memref<10240x32xf32, #tpu.memory_space<hbm>>
      tpu.enqueue_indirect_dma source(%dma_start3A_263 : memref<10240x32xf32, #tpu.memory_space<hbm>>) target(%dma_start3A_253 : memref<128x32xf32, #tpu.memory_space<vmem>>) offsets(%dma_start3A_256 : memref<128xi32, #tpu.memory_space<vmem>>) semaphore(%arg11 : memref<!tpu.dma_semaphore, #tpu.memory_space<semaphore_mem>>)
      %dma_wait3A_264 = arith.constant 2 : i32
      %dma_wait3A_265 = arith.constant 0 : i32
      %dma_wait3A_266 = arith.constant 0 : i32
      %dma_wait3A_267 = tpu.memref_slice %arg9[%dma_wait3A_264, %dma_wait3A_265, %dma_wait3A_266] : memref<4x128x32xf32, #tpu.memory_space<vmem>> -> memref<1x128x32xf32, #tpu.memory_space<vmem>>
      %dma_wait3A_268 = tpu.memref_squeeze %dma_wait3A_267 : memref<1x128x32xf32, #tpu.memory_space<vmem>> -> memref<128x32xf32, #tpu.memory_space<vmem>>
      %dma_wait3A_269 = arith.constant 0 : i32
      %dma_wait3A_270 = tpu.memref_slice %arg7[%add3A_234, %dma_wait3A_269] : memref<160x128xi32, #tpu.memory_space<vmem>> -> memref<1x128xi32, #tpu.memory_space<vmem>>
      %dma_wait3A_271 = tpu.memref_squeeze %dma_wait3A_270 : memref<1x128xi32, #tpu.memory_space<vmem>> -> memref<128xi32, #tpu.memory_space<vmem>>
      %dma_wait3A_272 = arith.constant 0 : i32
      %dma_wait3A_273 = arith.constant 0 : i32
      %dma_wait3A_274 = tpu.memref_slice %arg2[%arg0, %dma_wait3A_272, %dma_wait3A_273] : memref<2x10240x32xf32, #tpu.memory_space<hbm>> -> memref<1x10240x32xf32, #tpu.memory_space<hbm>>
      %dma_wait3A_275 = tpu.memref_squeeze %dma_wait3A_274 : memref<1x10240x32xf32, #tpu.memory_space<hbm>> -> memref<10240x32xf32, #tpu.memory_space<hbm>>
      %dma_wait3A_276 = arith.constant 0 : i32
      %dma_wait3A_277 = arith.constant 0 : i32
      %dma_wait3A_278 = tpu.memref_slice %dma_wait3A_275[%dma_wait3A_276, %dma_wait3A_277] : memref<10240x32xf32, #tpu.memory_space<hbm>> -> memref<10240x32xf32, #tpu.memory_space<hbm>>
      tpu.wait_indirect_dma semaphore(%arg13 : memref<!tpu.dma_semaphore, #tpu.memory_space<semaphore_mem>>) src(%dma_wait3A_278 : memref<10240x32xf32, #tpu.memory_space<hbm>>) dst(%dma_wait3A_268 : memref<128x32xf32, #tpu.memory_space<vmem>>)
      %dma_start3A_279 = arith.constant 2 : i32
      %dma_start3A_280 = arith.constant 0 : i32
      %dma_start3A_281 = arith.constant 0 : i32
      %dma_start3A_282 = tpu.memref_slice %arg9[%dma_start3A_279, %dma_start3A_280, %dma_start3A_281] : memref<4x128x32xf32, #tpu.memory_space<vmem>> -> memref<1x128x32xf32, #tpu.memory_space<vmem>>
      %dma_start3A_283 = tpu.memref_squeeze %dma_start3A_282 : memref<1x128x32xf32, #tpu.memory_space<vmem>> -> memref<128x32xf32, #tpu.memory_space<vmem>>
      %dma_start3A_284 = arith.constant 0 : i32
      %dma_start3A_285 = tpu.memref_slice %arg8[%add3A_234, %dma_start3A_284] : memref<160x128xi32, #tpu.memory_space<vmem>> -> memref<1x128xi32, #tpu.memory_space<vmem>>
      %dma_start3A_286 = tpu.memref_squeeze %dma_start3A_285 : memref<1x128xi32, #tpu.memory_space<vmem>> -> memref<128xi32, #tpu.memory_space<vmem>>
      %dma_start3A_287 = arith.constant 0 : i32
      %dma_start3A_288 = arith.constant 0 : i32
      %dma_start3A_289 = tpu.memref_slice %arg10[%dma_start3A_287, %dma_start3A_288] : memref<10240x32xf32, #tpu.memory_space<vmem_shared>> -> memref<10240x32xf32, #tpu.memory_space<vmem_shared>>
      tpu.enqueue_indirect_dma source(%dma_start3A_283 : memref<128x32xf32, #tpu.memory_space<vmem>>) target(%dma_start3A_289 : memref<10240x32xf32, #tpu.memory_space<vmem_shared>>) offsets(%dma_start3A_286 : memref<128xi32, #tpu.memory_space<vmem>>) semaphore(%arg17 : memref<!tpu.dma_semaphore, #tpu.memory_space<semaphore_mem>>) {add = true}
      %add3A_290 = arith.constant 1 : i32
      %add3A_291 = arith.addi %add3A_232, %add3A_290 : i32
      %sub3A_292 = arith.constant 2 : i32
      %sub3A_293 = arith.subi %add3A_291, %sub3A_292 : i32
      %dma_wait3A_294 = arith.constant 1 : i32
      %dma_wait3A_295 = arith.constant 0 : i32
      %dma_wait3A_296 = arith.constant 0 : i32
      %dma_wait3A_297 = tpu.memref_slice %arg9[%dma_wait3A_294, %dma_wait3A_295, %dma_wait3A_296] : memref<4x128x32xf32, #tpu.memory_space<vmem>> -> memref<1x128x32xf32, #tpu.memory_space<vmem>>
      %dma_wait3A_298 = tpu.memref_squeeze %dma_wait3A_297 : memref<1x128x32xf32, #tpu.memory_space<vmem>> -> memref<128x32xf32, #tpu.memory_space<vmem>>
      %dma_wait3A_299 = arith.constant 0 : i32
      %dma_wait3A_300 = tpu.memref_slice %arg8[%sub3A_293, %dma_wait3A_299] : memref<160x128xi32, #tpu.memory_space<vmem>> -> memref<1x128xi32, #tpu.memory_space<vmem>>
      %dma_wait3A_301 = tpu.memref_squeeze %dma_wait3A_300 : memref<1x128xi32, #tpu.memory_space<vmem>> -> memref<128xi32, #tpu.memory_space<vmem>>
      %dma_wait3A_302 = arith.constant 0 : i32
      %dma_wait3A_303 = arith.constant 0 : i32
      %dma_wait3A_304 = tpu.memref_slice %arg10[%dma_wait3A_302, %dma_wait3A_303] : memref<10240x32xf32, #tpu.memory_space<vmem_shared>> -> memref<10240x32xf32, #tpu.memory_space<vmem_shared>>
      tpu.wait_indirect_dma semaphore(%arg16 : memref<!tpu.dma_semaphore, #tpu.memory_space<semaphore_mem>>) src(%dma_wait3A_298 : memref<128x32xf32, #tpu.memory_space<vmem>>) dst(%dma_wait3A_304 : memref<10240x32xf32, #tpu.memory_space<vmem_shared>>)
      %add3A_305 = arith.constant 2 : i32
      %add3A_306 = arith.addi %add3A_291, %add3A_305 : i32
      %dma_start3A_307 = arith.constant 1 : i32
      %dma_start3A_308 = arith.constant 0 : i32
      %dma_start3A_309 = arith.constant 0 : i32
      %dma_start3A_310 = tpu.memref_slice %arg9[%dma_start3A_307, %dma_start3A_308, %dma_start3A_309] : memref<4x128x32xf32, #tpu.memory_space<vmem>> -> memref<1x128x32xf32, #tpu.memory_space<vmem>>
      %dma_start3A_311 = tpu.memref_squeeze %dma_start3A_310 : memref<1x128x32xf32, #tpu.memory_space<vmem>> -> memref<128x32xf32, #tpu.memory_space<vmem>>
      %dma_start3A_312 = arith.constant 0 : i32
      %dma_start3A_313 = tpu.memref_slice %arg7[%add3A_306, %dma_start3A_312] : memref<160x128xi32, #tpu.memory_space<vmem>> -> memref<1x128xi32, #tpu.memory_space<vmem>>
      %dma_start3A_314 = tpu.memref_squeeze %dma_start3A_313 : memref<1x128xi32, #tpu.memory_space<vmem>> -> memref<128xi32, #tpu.memory_space<vmem>>
      %dma_start3A_315 = arith.constant 0 : i32
      %dma_start3A_316 = arith.constant 0 : i32
      %dma_start3A_317 = tpu.memref_slice %arg2[%arg0, %dma_start3A_315, %dma_start3A_316] : memref<2x10240x32xf32, #tpu.memory_space<hbm>> -> memref<1x10240x32xf32, #tpu.memory_space<hbm>>
      %dma_start3A_318 = tpu.memref_squeeze %dma_start3A_317 : memref<1x10240x32xf32, #tpu.memory_space<hbm>> -> memref<10240x32xf32, #tpu.memory_space<hbm>>
      %dma_start3A_319 = arith.constant 0 : i32
      %dma_start3A_320 = arith.constant 0 : i32
      %dma_start3A_321 = tpu.memref_slice %dma_start3A_318[%dma_start3A_319, %dma_start3A_320] : memref<10240x32xf32, #tpu.memory_space<hbm>> -> memref<10240x32xf32, #tpu.memory_space<hbm>>
      tpu.enqueue_indirect_dma source(%dma_start3A_321 : memref<10240x32xf32, #tpu.memory_space<hbm>>) target(%dma_start3A_311 : memref<128x32xf32, #tpu.memory_space<vmem>>) offsets(%dma_start3A_314 : memref<128xi32, #tpu.memory_space<vmem>>) semaphore(%arg12 : memref<!tpu.dma_semaphore, #tpu.memory_space<semaphore_mem>>)
      %dma_wait3A_322 = arith.constant 3 : i32
      %dma_wait3A_323 = arith.constant 0 : i32
      %dma_wait3A_324 = arith.constant 0 : i32
      %dma_wait3A_325 = tpu.memref_slice %arg9[%dma_wait3A_322, %dma_wait3A_323, %dma_wait3A_324] : memref<4x128x32xf32, #tpu.memory_space<vmem>> -> memref<1x128x32xf32, #tpu.memory_space<vmem>>
      %dma_wait3A_326 = tpu.memref_squeeze %dma_wait3A_325 : memref<1x128x32xf32, #tpu.memory_space<vmem>> -> memref<128x32xf32, #tpu.memory_space<vmem>>
      %dma_wait3A_327 = arith.constant 0 : i32
      %dma_wait3A_328 = tpu.memref_slice %arg7[%add3A_291, %dma_wait3A_327] : memref<160x128xi32, #tpu.memory_space<vmem>> -> memref<1x128xi32, #tpu.memory_space<vmem>>
      %dma_wait3A_329 = tpu.memref_squeeze %dma_wait3A_328 : memref<1x128xi32, #tpu.memory_space<vmem>> -> memref<128xi32, #tpu.memory_space<vmem>>
      %dma_wait3A_330 = arith.constant 0 : i32
      %dma_wait3A_331 = arith.constant 0 : i32
      %dma_wait3A_332 = tpu.memref_slice %arg2[%arg0, %dma_wait3A_330, %dma_wait3A_331] : memref<2x10240x32xf32, #tpu.memory_space<hbm>> -> memref<1x10240x32xf32, #tpu.memory_space<hbm>>
      %dma_wait3A_333 = tpu.memref_squeeze %dma_wait3A_332 : memref<1x10240x32xf32, #tpu.memory_space<hbm>> -> memref<10240x32xf32, #tpu.memory_space<hbm>>
      %dma_wait3A_334 = arith.constant 0 : i32
      %dma_wait3A_335 = arith.constant 0 : i32
      %dma_wait3A_336 = tpu.memref_slice %dma_wait3A_333[%dma_wait3A_334, %dma_wait3A_335] : memref<10240x32xf32, #tpu.memory_space<hbm>> -> memref<10240x32xf32, #tpu.memory_space<hbm>>
      tpu.wait_indirect_dma semaphore(%arg14 : memref<!tpu.dma_semaphore, #tpu.memory_space<semaphore_mem>>) src(%dma_wait3A_336 : memref<10240x32xf32, #tpu.memory_space<hbm>>) dst(%dma_wait3A_326 : memref<128x32xf32, #tpu.memory_space<vmem>>)
      %dma_start3A_337 = arith.constant 3 : i32
      %dma_start3A_338 = arith.constant 0 : i32
      %dma_start3A_339 = arith.constant 0 : i32
      %dma_start3A_340 = tpu.memref_slice %arg9[%dma_start3A_337, %dma_start3A_338, %dma_start3A_339] : memref<4x128x32xf32, #tpu.memory_space<vmem>> -> memref<1x128x32xf32, #tpu.memory_space<vmem>>
      %dma_start3A_341 = tpu.memref_squeeze %dma_start3A_340 : memref<1x128x32xf32, #tpu.memory_space<vmem>> -> memref<128x32xf32, #tpu.memory_space<vmem>>
      %dma_start3A_342 = arith.constant 0 : i32
      %dma_start3A_343 = tpu.memref_slice %arg8[%add3A_291, %dma_start3A_342] : memref<160x128xi32, #tpu.memory_space<vmem>> -> memref<1x128xi32, #tpu.memory_space<vmem>>
      %dma_start3A_344 = tpu.memref_squeeze %dma_start3A_343 : memref<1x128xi32, #tpu.memory_space<vmem>> -> memref<128xi32, #tpu.memory_space<vmem>>
      %dma_start3A_345 = arith.constant 0 : i32
      %dma_start3A_346 = arith.constant 0 : i32
      %dma_start3A_347 = tpu.memref_slice %arg10[%dma_start3A_345, %dma_start3A_346] : memref<10240x32xf32, #tpu.memory_space<vmem_shared>> -> memref<10240x32xf32, #tpu.memory_space<vmem_shared>>
      tpu.enqueue_indirect_dma source(%dma_start3A_341 : memref<128x32xf32, #tpu.memory_space<vmem>>) target(%dma_start3A_347 : memref<10240x32xf32, #tpu.memory_space<vmem_shared>>) offsets(%dma_start3A_344 : memref<128xi32, #tpu.memory_space<vmem>>) semaphore(%arg18 : memref<!tpu.dma_semaphore, #tpu.memory_space<semaphore_mem>>) {add = true}
      %add3A_348 = arith.constant 2 : i32
      %add3A_349 = arith.addi %add3A_232, %add3A_348 : i32
      %sub3A_350 = arith.constant 2 : i32
      %sub3A_351 = arith.subi %add3A_349, %sub3A_350 : i32
      %dma_wait3A_352 = arith.constant 2 : i32
      %dma_wait3A_353 = arith.constant 0 : i32
      %dma_wait3A_354 = arith.constant 0 : i32
      %dma_wait3A_355 = tpu.memref_slice %arg9[%dma_wait3A_352, %dma_wait3A_353, %dma_wait3A_354] : memref<4x128x32xf32, #tpu.memory_space<vmem>> -> memref<1x128x32xf32, #tpu.memory_space<vmem>>
      %dma_wait3A_356 = tpu.memref_squeeze %dma_wait3A_355 : memref<1x128x32xf32, #tpu.memory_space<vmem>> -> memref<128x32xf32, #tpu.memory_space<vmem>>
      %dma_wait3A_357 = arith.constant 0 : i32
      %dma_wait3A_358 = tpu.memref_slice %arg8[%sub3A_351, %dma_wait3A_357] : memref<160x128xi32, #tpu.memory_space<vmem>> -> memref<1x128xi32, #tpu.memory_space<vmem>>
      %dma_wait3A_359 = tpu.memref_squeeze %dma_wait3A_358 : memref<1x128xi32, #tpu.memory_space<vmem>> -> memref<128xi32, #tpu.memory_space<vmem>>
      %dma_wait3A_360 = arith.constant 0 : i32
      %dma_wait3A_361 = arith.constant 0 : i32
      %dma_wait3A_362 = tpu.memref_slice %arg10[%dma_wait3A_360, %dma_wait3A_361] : memref<10240x32xf32, #tpu.memory_space<vmem_shared>> -> memref<10240x32xf32, #tpu.memory_space<vmem_shared>>
      tpu.wait_indirect_dma semaphore(%arg17 : memref<!tpu.dma_semaphore, #tpu.memory_space<semaphore_mem>>) src(%dma_wait3A_356 : memref<128x32xf32, #tpu.memory_space<vmem>>) dst(%dma_wait3A_362 : memref<10240x32xf32, #tpu.memory_space<vmem_shared>>)
      %add3A_363 = arith.constant 2 : i32
      %add3A_364 = arith.addi %add3A_349, %add3A_363 : i32
      %dma_start3A_365 = arith.constant 2 : i32
      %dma_start3A_366 = arith.constant 0 : i32
      %dma_start3A_367 = arith.constant 0 : i32
      %dma_start3A_368 = tpu.memref_slice %arg9[%dma_start3A_365, %dma_start3A_366, %dma_start3A_367] : memref<4x128x32xf32, #tpu.memory_space<vmem>> -> memref<1x128x32xf32, #tpu.memory_space<vmem>>
      %dma_start3A_369 = tpu.memref_squeeze %dma_start3A_368 : memref<1x128x32xf32, #tpu.memory_space<vmem>> -> memref<128x32xf32, #tpu.memory_space<vmem>>
      %dma_start3A_370 = arith.constant 0 : i32
      %dma_start3A_371 = tpu.memref_slice %arg7[%add3A_364, %dma_start3A_370] : memref<160x128xi32, #tpu.memory_space<vmem>> -> memref<1x128xi32, #tpu.memory_space<vmem>>
      %dma_start3A_372 = tpu.memref_squeeze %dma_start3A_371 : memref<1x128xi32, #tpu.memory_space<vmem>> -> memref<128xi32, #tpu.memory_space<vmem>>
      %dma_start3A_373 = arith.constant 0 : i32
      %dma_start3A_374 = arith.constant 0 : i32
      %dma_start3A_375 = tpu.memref_slice %arg2[%arg0, %dma_start3A_373, %dma_start3A_374] : memref<2x10240x32xf32, #tpu.memory_space<hbm>> -> memref<1x10240x32xf32, #tpu.memory_space<hbm>>
      %dma_start3A_376 = tpu.memref_squeeze %dma_start3A_375 : memref<1x10240x32xf32, #tpu.memory_space<hbm>> -> memref<10240x32xf32, #tpu.memory_space<hbm>>
      %dma_start3A_377 = arith.constant 0 : i32
      %dma_start3A_378 = arith.constant 0 : i32
      %dma_start3A_379 = tpu.memref_slice %dma_start3A_376[%dma_start3A_377, %dma_start3A_378] : memref<10240x32xf32, #tpu.memory_space<hbm>> -> memref<10240x32xf32, #tpu.memory_space<hbm>>
      tpu.enqueue_indirect_dma source(%dma_start3A_379 : memref<10240x32xf32, #tpu.memory_space<hbm>>) target(%dma_start3A_369 : memref<128x32xf32, #tpu.memory_space<vmem>>) offsets(%dma_start3A_372 : memref<128xi32, #tpu.memory_space<vmem>>) semaphore(%arg13 : memref<!tpu.dma_semaphore, #tpu.memory_space<semaphore_mem>>)
      %dma_wait3A_380 = arith.constant 0 : i32
      %dma_wait3A_381 = arith.constant 0 : i32
      %dma_wait3A_382 = arith.constant 0 : i32
      %dma_wait3A_383 = tpu.memref_slice %arg9[%dma_wait3A_380, %dma_wait3A_381, %dma_wait3A_382] : memref<4x128x32xf32, #tpu.memory_space<vmem>> -> memref<1x128x32xf32, #tpu.memory_space<vmem>>
      %dma_wait3A_384 = tpu.memref_squeeze %dma_wait3A_383 : memref<1x128x32xf32, #tpu.memory_space<vmem>> -> memref<128x32xf32, #tpu.memory_space<vmem>>
      %dma_wait3A_385 = arith.constant 0 : i32
      %dma_wait3A_386 = tpu.memref_slice %arg7[%add3A_349, %dma_wait3A_385] : memref<160x128xi32, #tpu.memory_space<vmem>> -> memref<1x128xi32, #tpu.memory_space<vmem>>
      %dma_wait3A_387 = tpu.memref_squeeze %dma_wait3A_386 : memref<1x128xi32, #tpu.memory_space<vmem>> -> memref<128xi32, #tpu.memory_space<vmem>>
      %dma_wait3A_388 = arith.constant 0 : i32
      %dma_wait3A_389 = arith.constant 0 : i32
      %dma_wait3A_390 = tpu.memref_slice %arg2[%arg0, %dma_wait3A_388, %dma_wait3A_389] : memref<2x10240x32xf32, #tpu.memory_space<hbm>> -> memref<1x10240x32xf32, #tpu.memory_space<hbm>>
      %dma_wait3A_391 = tpu.memref_squeeze %dma_wait3A_390 : memref<1x10240x32xf32, #tpu.memory_space<hbm>> -> memref<10240x32xf32, #tpu.memory_space<hbm>>
      %dma_wait3A_392 = arith.constant 0 : i32
      %dma_wait3A_393 = arith.constant 0 : i32
      %dma_wait3A_394 = tpu.memref_slice %dma_wait3A_391[%dma_wait3A_392, %dma_wait3A_393] : memref<10240x32xf32, #tpu.memory_space<hbm>> -> memref<10240x32xf32, #tpu.memory_space<hbm>>
      tpu.wait_indirect_dma semaphore(%arg11 : memref<!tpu.dma_semaphore, #tpu.memory_space<semaphore_mem>>) src(%dma_wait3A_394 : memref<10240x32xf32, #tpu.memory_space<hbm>>) dst(%dma_wait3A_384 : memref<128x32xf32, #tpu.memory_space<vmem>>)
      %dma_start3A_395 = arith.constant 0 : i32
      %dma_start3A_396 = arith.constant 0 : i32
      %dma_start3A_397 = arith.constant 0 : i32
      %dma_start3A_398 = tpu.memref_slice %arg9[%dma_start3A_395, %dma_start3A_396, %dma_start3A_397] : memref<4x128x32xf32, #tpu.memory_space<vmem>> -> memref<1x128x32xf32, #tpu.memory_space<vmem>>
      %dma_start3A_399 = tpu.memref_squeeze %dma_start3A_398 : memref<1x128x32xf32, #tpu.memory_space<vmem>> -> memref<128x32xf32, #tpu.memory_space<vmem>>
      %dma_start3A_400 = arith.constant 0 : i32
      %dma_start3A_401 = tpu.memref_slice %arg8[%add3A_349, %dma_start3A_400] : memref<160x128xi32, #tpu.memory_space<vmem>> -> memref<1x128xi32, #tpu.memory_space<vmem>>
      %dma_start3A_402 = tpu.memref_squeeze %dma_start3A_401 : memref<1x128xi32, #tpu.memory_space<vmem>> -> memref<128xi32, #tpu.memory_space<vmem>>
      %dma_start3A_403 = arith.constant 0 : i32
      %dma_start3A_404 = arith.constant 0 : i32
      %dma_start3A_405 = tpu.memref_slice %arg10[%dma_start3A_403, %dma_start3A_404] : memref<10240x32xf32, #tpu.memory_space<vmem_shared>> -> memref<10240x32xf32, #tpu.memory_space<vmem_shared>>
      tpu.enqueue_indirect_dma source(%dma_start3A_399 : memref<128x32xf32, #tpu.memory_space<vmem>>) target(%dma_start3A_405 : memref<10240x32xf32, #tpu.memory_space<vmem_shared>>) offsets(%dma_start3A_402 : memref<128xi32, #tpu.memory_space<vmem>>) semaphore(%arg15 : memref<!tpu.dma_semaphore, #tpu.memory_space<semaphore_mem>>) {add = true}
      %add3A_406 = arith.constant 3 : i32
      %add3A_407 = arith.addi %add3A_232, %add3A_406 : i32
      %sub3A_408 = arith.constant 2 : i32
      %sub3A_409 = arith.subi %add3A_407, %sub3A_408 : i32
      %dma_wait3A_410 = arith.constant 3 : i32
      %dma_wait3A_411 = arith.constant 0 : i32
      %dma_wait3A_412 = arith.constant 0 : i32
      %dma_wait3A_413 = tpu.memref_slice %arg9[%dma_wait3A_410, %dma_wait3A_411, %dma_wait3A_412] : memref<4x128x32xf32, #tpu.memory_space<vmem>> -> memref<1x128x32xf32, #tpu.memory_space<vmem>>
      %dma_wait3A_414 = tpu.memref_squeeze %dma_wait3A_413 : memref<1x128x32xf32, #tpu.memory_space<vmem>> -> memref<128x32xf32, #tpu.memory_space<vmem>>
      %dma_wait3A_415 = arith.constant 0 : i32
      %dma_wait3A_416 = tpu.memref_slice %arg8[%sub3A_409, %dma_wait3A_415] : memref<160x128xi32, #tpu.memory_space<vmem>> -> memref<1x128xi32, #tpu.memory_space<vmem>>
      %dma_wait3A_417 = tpu.memref_squeeze %dma_wait3A_416 : memref<1x128xi32, #tpu.memory_space<vmem>> -> memref<128xi32, #tpu.memory_space<vmem>>
      %dma_wait3A_418 = arith.constant 0 : i32
      %dma_wait3A_419 = arith.constant 0 : i32
      %dma_wait3A_420 = tpu.memref_slice %arg10[%dma_wait3A_418, %dma_wait3A_419] : memref<10240x32xf32, #tpu.memory_space<vmem_shared>> -> memref<10240x32xf32, #tpu.memory_space<vmem_shared>>
      tpu.wait_indirect_dma semaphore(%arg18 : memref<!tpu.dma_semaphore, #tpu.memory_space<semaphore_mem>>) src(%dma_wait3A_414 : memref<128x32xf32, #tpu.memory_space<vmem>>) dst(%dma_wait3A_420 : memref<10240x32xf32, #tpu.memory_space<vmem_shared>>)
      %add3A_421 = arith.constant 2 : i32
      %add3A_422 = arith.addi %add3A_407, %add3A_421 : i32
      %dma_start3A_423 = arith.constant 3 : i32
      %dma_start3A_424 = arith.constant 0 : i32
      %dma_start3A_425 = arith.constant 0 : i32
      %dma_start3A_426 = tpu.memref_slice %arg9[%dma_start3A_423, %dma_start3A_424, %dma_start3A_425] : memref<4x128x32xf32, #tpu.memory_space<vmem>> -> memref<1x128x32xf32, #tpu.memory_space<vmem>>
      %dma_start3A_427 = tpu.memref_squeeze %dma_start3A_426 : memref<1x128x32xf32, #tpu.memory_space<vmem>> -> memref<128x32xf32, #tpu.memory_space<vmem>>
      %dma_start3A_428 = arith.constant 0 : i32
      %dma_start3A_429 = tpu.memref_slice %arg7[%add3A_422, %dma_start3A_428] : memref<160x128xi32, #tpu.memory_space<vmem>> -> memref<1x128xi32, #tpu.memory_space<vmem>>
      %dma_start3A_430 = tpu.memref_squeeze %dma_start3A_429 : memref<1x128xi32, #tpu.memory_space<vmem>> -> memref<128xi32, #tpu.memory_space<vmem>>
      %dma_start3A_431 = arith.constant 0 : i32
      %dma_start3A_432 = arith.constant 0 : i32
      %dma_start3A_433 = tpu.memref_slice %arg2[%arg0, %dma_start3A_431, %dma_start3A_432] : memref<2x10240x32xf32, #tpu.memory_space<hbm>> -> memref<1x10240x32xf32, #tpu.memory_space<hbm>>
      %dma_start3A_434 = tpu.memref_squeeze %dma_start3A_433 : memref<1x10240x32xf32, #tpu.memory_space<hbm>> -> memref<10240x32xf32, #tpu.memory_space<hbm>>
      %dma_start3A_435 = arith.constant 0 : i32
      %dma_start3A_436 = arith.constant 0 : i32
      %dma_start3A_437 = tpu.memref_slice %dma_start3A_434[%dma_start3A_435, %dma_start3A_436] : memref<10240x32xf32, #tpu.memory_space<hbm>> -> memref<10240x32xf32, #tpu.memory_space<hbm>>
      tpu.enqueue_indirect_dma source(%dma_start3A_437 : memref<10240x32xf32, #tpu.memory_space<hbm>>) target(%dma_start3A_427 : memref<128x32xf32, #tpu.memory_space<vmem>>) offsets(%dma_start3A_430 : memref<128xi32, #tpu.memory_space<vmem>>) semaphore(%arg14 : memref<!tpu.dma_semaphore, #tpu.memory_space<semaphore_mem>>)
      %dma_wait3A_438 = arith.constant 1 : i32
      %dma_wait3A_439 = arith.constant 0 : i32
      %dma_wait3A_440 = arith.constant 0 : i32
      %dma_wait3A_441 = tpu.memref_slice %arg9[%dma_wait3A_438, %dma_wait3A_439, %dma_wait3A_440] : memref<4x128x32xf32, #tpu.memory_space<vmem>> -> memref<1x128x32xf32, #tpu.memory_space<vmem>>
      %dma_wait3A_442 = tpu.memref_squeeze %dma_wait3A_441 : memref<1x128x32xf32, #tpu.memory_space<vmem>> -> memref<128x32xf32, #tpu.memory_space<vmem>>
      %dma_wait3A_443 = arith.constant 0 : i32
      %dma_wait3A_444 = tpu.memref_slice %arg7[%add3A_407, %dma_wait3A_443] : memref<160x128xi32, #tpu.memory_space<vmem>> -> memref<1x128xi32, #tpu.memory_space<vmem>>
      %dma_wait3A_445 = tpu.memref_squeeze %dma_wait3A_444 : memref<1x128xi32, #tpu.memory_space<vmem>> -> memref<128xi32, #tpu.memory_space<vmem>>
      %dma_wait3A_446 = arith.constant 0 : i32
      %dma_wait3A_447 = arith.constant 0 : i32
      %dma_wait3A_448 = tpu.memref_slice %arg2[%arg0, %dma_wait3A_446, %dma_wait3A_447] : memref<2x10240x32xf32, #tpu.memory_space<hbm>> -> memref<1x10240x32xf32, #tpu.memory_space<hbm>>
      %dma_wait3A_449 = tpu.memref_squeeze %dma_wait3A_448 : memref<1x10240x32xf32, #tpu.memory_space<hbm>> -> memref<10240x32xf32, #tpu.memory_space<hbm>>
      %dma_wait3A_450 = arith.constant 0 : i32
      %dma_wait3A_451 = arith.constant 0 : i32
      %dma_wait3A_452 = tpu.memref_slice %dma_wait3A_449[%dma_wait3A_450, %dma_wait3A_451] : memref<10240x32xf32, #tpu.memory_space<hbm>> -> memref<10240x32xf32, #tpu.memory_space<hbm>>
      tpu.wait_indirect_dma semaphore(%arg12 : memref<!tpu.dma_semaphore, #tpu.memory_space<semaphore_mem>>) src(%dma_wait3A_452 : memref<10240x32xf32, #tpu.memory_space<hbm>>) dst(%dma_wait3A_442 : memref<128x32xf32, #tpu.memory_space<vmem>>)
      %dma_start3A_453 = arith.constant 1 : i32
      %dma_start3A_454 = arith.constant 0 : i32
      %dma_start3A_455 = arith.constant 0 : i32
      %dma_start3A_456 = tpu.memref_slice %arg9[%dma_start3A_453, %dma_start3A_454, %dma_start3A_455] : memref<4x128x32xf32, #tpu.memory_space<vmem>> -> memref<1x128x32xf32, #tpu.memory_space<vmem>>
      %dma_start3A_457 = tpu.memref_squeeze %dma_start3A_456 : memref<1x128x32xf32, #tpu.memory_space<vmem>> -> memref<128x32xf32, #tpu.memory_space<vmem>>
      %dma_start3A_458 = arith.constant 0 : i32
      %dma_start3A_459 = tpu.memref_slice %arg8[%add3A_407, %dma_start3A_458] : memref<160x128xi32, #tpu.memory_space<vmem>> -> memref<1x128xi32, #tpu.memory_space<vmem>>
      %dma_start3A_460 = tpu.memref_squeeze %dma_start3A_459 : memref<1x128xi32, #tpu.memory_space<vmem>> -> memref<128xi32, #tpu.memory_space<vmem>>
      %dma_start3A_461 = arith.constant 0 : i32
      %dma_start3A_462 = arith.constant 0 : i32
      %dma_start3A_463 = tpu.memref_slice %arg10[%dma_start3A_461, %dma_start3A_462] : memref<10240x32xf32, #tpu.memory_space<vmem_shared>> -> memref<10240x32xf32, #tpu.memory_space<vmem_shared>>
      tpu.enqueue_indirect_dma source(%dma_start3A_457 : memref<128x32xf32, #tpu.memory_space<vmem>>) target(%dma_start3A_463 : memref<10240x32xf32, #tpu.memory_space<vmem_shared>>) offsets(%dma_start3A_460 : memref<128xi32, #tpu.memory_space<vmem>>) semaphore(%arg16 : memref<!tpu.dma_semaphore, #tpu.memory_space<semaphore_mem>>) {add = true}
    }
    %scan3A_123 = arith.constant 39 : i32
    %dma_wait3A_124 = arith.constant 0 : i32
    %dma_wait3A_125 = arith.constant 156 : i32
    %dma_wait3A_126 = arith.constant 0 : i32
    %dma_wait3A_127 = arith.constant 0 : i32
    %dma_wait3A_128 = tpu.memref_slice %arg9[%dma_wait3A_124, %dma_wait3A_126, %dma_wait3A_127] : memref<4x128x32xf32, #tpu.memory_space<vmem>> -> memref<1x128x32xf32, #tpu.memory_space<vmem>>
    %dma_wait3A_129 = tpu.memref_squeeze %dma_wait3A_128 : memref<1x128x32xf32, #tpu.memory_space<vmem>> -> memref<128x32xf32, #tpu.memory_space<vmem>>
    %dma_wait3A_130 = arith.constant 0 : i32
    %dma_wait3A_131 = tpu.memref_slice %arg8[%dma_wait3A_125, %dma_wait3A_130] : memref<160x128xi32, #tpu.memory_space<vmem>> -> memref<1x128xi32, #tpu.memory_space<vmem>>
    %dma_wait3A_132 = tpu.memref_squeeze %dma_wait3A_131 : memref<1x128xi32, #tpu.memory_space<vmem>> -> memref<128xi32, #tpu.memory_space<vmem>>
    %dma_wait3A_133 = arith.constant 0 : i32
    %dma_wait3A_134 = arith.constant 0 : i32
    %dma_wait3A_135 = tpu.memref_slice %arg10[%dma_wait3A_133, %dma_wait3A_134] : memref<10240x32xf32, #tpu.memory_space<vmem_shared>> -> memref<10240x32xf32, #tpu.memory_space<vmem_shared>>
    tpu.wait_indirect_dma semaphore(%arg15 : memref<!tpu.dma_semaphore, #tpu.memory_space<semaphore_mem>>) src(%dma_wait3A_129 : memref<128x32xf32, #tpu.memory_space<vmem>>) dst(%dma_wait3A_135 : memref<10240x32xf32, #tpu.memory_space<vmem_shared>>)
    %dma_wait3A_136 = arith.constant 158 : i32
    %dma_wait3A_137 = arith.constant 2 : i32
    %dma_wait3A_138 = arith.constant 0 : i32
    %dma_wait3A_139 = arith.constant 0 : i32
    %dma_wait3A_140 = tpu.memref_slice %arg9[%dma_wait3A_137, %dma_wait3A_138, %dma_wait3A_139] : memref<4x128x32xf32, #tpu.memory_space<vmem>> -> memref<1x128x32xf32, #tpu.memory_space<vmem>>
    %dma_wait3A_141 = tpu.memref_squeeze %dma_wait3A_140 : memref<1x128x32xf32, #tpu.memory_space<vmem>> -> memref<128x32xf32, #tpu.memory_space<vmem>>
    %dma_wait3A_142 = arith.constant 0 : i32
    %dma_wait3A_143 = tpu.memref_slice %arg7[%dma_wait3A_136, %dma_wait3A_142] : memref<160x128xi32, #tpu.memory_space<vmem>> -> memref<1x128xi32, #tpu.memory_space<vmem>>
    %dma_wait3A_144 = tpu.memref_squeeze %dma_wait3A_143 : memref<1x128xi32, #tpu.memory_space<vmem>> -> memref<128xi32, #tpu.memory_space<vmem>>
    %dma_wait3A_145 = arith.constant 0 : i32
    %dma_wait3A_146 = arith.constant 0 : i32
    %dma_wait3A_147 = tpu.memref_slice %arg2[%arg0, %dma_wait3A_145, %dma_wait3A_146] : memref<2x10240x32xf32, #tpu.memory_space<hbm>> -> memref<1x10240x32xf32, #tpu.memory_space<hbm>>
    %dma_wait3A_148 = tpu.memref_squeeze %dma_wait3A_147 : memref<1x10240x32xf32, #tpu.memory_space<hbm>> -> memref<10240x32xf32, #tpu.memory_space<hbm>>
    %dma_wait3A_149 = arith.constant 0 : i32
    %dma_wait3A_150 = arith.constant 0 : i32
    %dma_wait3A_151 = tpu.memref_slice %dma_wait3A_148[%dma_wait3A_149, %dma_wait3A_150] : memref<10240x32xf32, #tpu.memory_space<hbm>> -> memref<10240x32xf32, #tpu.memory_space<hbm>>
    tpu.wait_indirect_dma semaphore(%arg13 : memref<!tpu.dma_semaphore, #tpu.memory_space<semaphore_mem>>) src(%dma_wait3A_151 : memref<10240x32xf32, #tpu.memory_space<hbm>>) dst(%dma_wait3A_141 : memref<128x32xf32, #tpu.memory_space<vmem>>)
    %dma_start3A_152 = arith.constant 2 : i32
    %dma_start3A_153 = arith.constant 158 : i32
    %dma_start3A_154 = arith.constant 0 : i32
    %dma_start3A_155 = arith.constant 0 : i32
    %dma_start3A_156 = tpu.memref_slice %arg9[%dma_start3A_152, %dma_start3A_154, %dma_start3A_155] : memref<4x128x32xf32, #tpu.memory_space<vmem>> -> memref<1x128x32xf32, #tpu.memory_space<vmem>>
    %dma_start3A_157 = tpu.memref_squeeze %dma_start3A_156 : memref<1x128x32xf32, #tpu.memory_space<vmem>> -> memref<128x32xf32, #tpu.memory_space<vmem>>
    %dma_start3A_158 = arith.constant 0 : i32
    %dma_start3A_159 = tpu.memref_slice %arg8[%dma_start3A_153, %dma_start3A_158] : memref<160x128xi32, #tpu.memory_space<vmem>> -> memref<1x128xi32, #tpu.memory_space<vmem>>
    %dma_start3A_160 = tpu.memref_squeeze %dma_start3A_159 : memref<1x128xi32, #tpu.memory_space<vmem>> -> memref<128xi32, #tpu.memory_space<vmem>>
    %dma_start3A_161 = arith.constant 0 : i32
    %dma_start3A_162 = arith.constant 0 : i32
    %dma_start3A_163 = tpu.memref_slice %arg10[%dma_start3A_161, %dma_start3A_162] : memref<10240x32xf32, #tpu.memory_space<vmem_shared>> -> memref<10240x32xf32, #tpu.memory_space<vmem_shared>>
    tpu.enqueue_indirect_dma source(%dma_start3A_157 : memref<128x32xf32, #tpu.memory_space<vmem>>) target(%dma_start3A_163 : memref<10240x32xf32, #tpu.memory_space<vmem_shared>>) offsets(%dma_start3A_160 : memref<128xi32, #tpu.memory_space<vmem>>) semaphore(%arg17 : memref<!tpu.dma_semaphore, #tpu.memory_space<semaphore_mem>>) {add = true}
    %dma_wait3A_164 = arith.constant 1 : i32
    %dma_wait3A_165 = arith.constant 157 : i32
    %dma_wait3A_166 = arith.constant 0 : i32
    %dma_wait3A_167 = arith.constant 0 : i32
    %dma_wait3A_168 = tpu.memref_slice %arg9[%dma_wait3A_164, %dma_wait3A_166, %dma_wait3A_167] : memref<4x128x32xf32, #tpu.memory_space<vmem>> -> memref<1x128x32xf32, #tpu.memory_space<vmem>>
    %dma_wait3A_169 = tpu.memref_squeeze %dma_wait3A_168 : memref<1x128x32xf32, #tpu.memory_space<vmem>> -> memref<128x32xf32, #tpu.memory_space<vmem>>
    %dma_wait3A_170 = arith.constant 0 : i32
    %dma_wait3A_171 = tpu.memref_slice %arg8[%dma_wait3A_165, %dma_wait3A_170] : memref<160x128xi32, #tpu.memory_space<vmem>> -> memref<1x128xi32, #tpu.memory_space<vmem>>
    %dma_wait3A_172 = tpu.memref_squeeze %dma_wait3A_171 : memref<1x128xi32, #tpu.memory_space<vmem>> -> memref<128xi32, #tpu.memory_space<vmem>>
    %dma_wait3A_173 = arith.constant 0 : i32
    %dma_wait3A_174 = arith.constant 0 : i32
    %dma_wait3A_175 = tpu.memref_slice %arg10[%dma_wait3A_173, %dma_wait3A_174] : memref<10240x32xf32, #tpu.memory_space<vmem_shared>> -> memref<10240x32xf32, #tpu.memory_space<vmem_shared>>
    tpu.wait_indirect_dma semaphore(%arg16 : memref<!tpu.dma_semaphore, #tpu.memory_space<semaphore_mem>>) src(%dma_wait3A_169 : memref<128x32xf32, #tpu.memory_space<vmem>>) dst(%dma_wait3A_175 : memref<10240x32xf32, #tpu.memory_space<vmem_shared>>)
    %dma_wait3A_176 = arith.constant 159 : i32
    %dma_wait3A_177 = arith.constant 3 : i32
    %dma_wait3A_178 = arith.constant 0 : i32
    %dma_wait3A_179 = arith.constant 0 : i32
    %dma_wait3A_180 = tpu.memref_slice %arg9[%dma_wait3A_177, %dma_wait3A_178, %dma_wait3A_179] : memref<4x128x32xf32, #tpu.memory_space<vmem>> -> memref<1x128x32xf32, #tpu.memory_space<vmem>>
    %dma_wait3A_181 = tpu.memref_squeeze %dma_wait3A_180 : memref<1x128x32xf32, #tpu.memory_space<vmem>> -> memref<128x32xf32, #tpu.memory_space<vmem>>
    %dma_wait3A_182 = arith.constant 0 : i32
    %dma_wait3A_183 = tpu.memref_slice %arg7[%dma_wait3A_176, %dma_wait3A_182] : memref<160x128xi32, #tpu.memory_space<vmem>> -> memref<1x128xi32, #tpu.memory_space<vmem>>
    %dma_wait3A_184 = tpu.memref_squeeze %dma_wait3A_183 : memref<1x128xi32, #tpu.memory_space<vmem>> -> memref<128xi32, #tpu.memory_space<vmem>>
    %dma_wait3A_185 = arith.constant 0 : i32
    %dma_wait3A_186 = arith.constant 0 : i32
    %dma_wait3A_187 = tpu.memref_slice %arg2[%arg0, %dma_wait3A_185, %dma_wait3A_186] : memref<2x10240x32xf32, #tpu.memory_space<hbm>> -> memref<1x10240x32xf32, #tpu.memory_space<hbm>>
    %dma_wait3A_188 = tpu.memref_squeeze %dma_wait3A_187 : memref<1x10240x32xf32, #tpu.memory_space<hbm>> -> memref<10240x32xf32, #tpu.memory_space<hbm>>
    %dma_wait3A_189 = arith.constant 0 : i32
    %dma_wait3A_190 = arith.constant 0 : i32
    %dma_wait3A_191 = tpu.memref_slice %dma_wait3A_188[%dma_wait3A_189, %dma_wait3A_190] : memref<10240x32xf32, #tpu.memory_space<hbm>> -> memref<10240x32xf32, #tpu.memory_space<hbm>>
    tpu.wait_indirect_dma semaphore(%arg14 : memref<!tpu.dma_semaphore, #tpu.memory_space<semaphore_mem>>) src(%dma_wait3A_191 : memref<10240x32xf32, #tpu.memory_space<hbm>>) dst(%dma_wait3A_181 : memref<128x32xf32, #tpu.memory_space<vmem>>)
    %dma_start3A_192 = arith.constant 3 : i32
    %dma_start3A_193 = arith.constant 159 : i32
    %dma_start3A_194 = arith.constant 0 : i32
    %dma_start3A_195 = arith.constant 0 : i32
    %dma_start3A_196 = tpu.memref_slice %arg9[%dma_start3A_192, %dma_start3A_194, %dma_start3A_195] : memref<4x128x32xf32, #tpu.memory_space<vmem>> -> memref<1x128x32xf32, #tpu.memory_space<vmem>>
    %dma_start3A_197 = tpu.memref_squeeze %dma_start3A_196 : memref<1x128x32xf32, #tpu.memory_space<vmem>> -> memref<128x32xf32, #tpu.memory_space<vmem>>
    %dma_start3A_198 = arith.constant 0 : i32
    %dma_start3A_199 = tpu.memref_slice %arg8[%dma_start3A_193, %dma_start3A_198] : memref<160x128xi32, #tpu.memory_space<vmem>> -> memref<1x128xi32, #tpu.memory_space<vmem>>
    %dma_start3A_200 = tpu.memref_squeeze %dma_start3A_199 : memref<1x128xi32, #tpu.memory_space<vmem>> -> memref<128xi32, #tpu.memory_space<vmem>>
    %dma_start3A_201 = arith.constant 0 : i32
    %dma_start3A_202 = arith.constant 0 : i32
    %dma_start3A_203 = tpu.memref_slice %arg10[%dma_start3A_201, %dma_start3A_202] : memref<10240x32xf32, #tpu.memory_space<vmem_shared>> -> memref<10240x32xf32, #tpu.memory_space<vmem_shared>>
    tpu.enqueue_indirect_dma source(%dma_start3A_197 : memref<128x32xf32, #tpu.memory_space<vmem>>) target(%dma_start3A_203 : memref<10240x32xf32, #tpu.memory_space<vmem_shared>>) offsets(%dma_start3A_200 : memref<128xi32, #tpu.memory_space<vmem>>) semaphore(%arg18 : memref<!tpu.dma_semaphore, #tpu.memory_space<semaphore_mem>>) {add = true}
    %dma_wait3A_204 = arith.constant 2 : i32
    %dma_wait3A_205 = arith.constant 158 : i32
    %dma_wait3A_206 = arith.constant 0 : i32
    %dma_wait3A_207 = arith.constant 0 : i32
    %dma_wait3A_208 = tpu.memref_slice %arg9[%dma_wait3A_204, %dma_wait3A_206, %dma_wait3A_207] : memref<4x128x32xf32, #tpu.memory_space<vmem>> -> memref<1x128x32xf32, #tpu.memory_space<vmem>>
    %dma_wait3A_209 = tpu.memref_squeeze %dma_wait3A_208 : memref<1x128x32xf32, #tpu.memory_space<vmem>> -> memref<128x32xf32, #tpu.memory_space<vmem>>
    %dma_wait3A_210 = arith.constant 0 : i32
    %dma_wait3A_211 = tpu.memref_slice %arg8[%dma_wait3A_205, %dma_wait3A_210] : memref<160x128xi32, #tpu.memory_space<vmem>> -> memref<1x128xi32, #tpu.memory_space<vmem>>
    %dma_wait3A_212 = tpu.memref_squeeze %dma_wait3A_211 : memref<1x128xi32, #tpu.memory_space<vmem>> -> memref<128xi32, #tpu.memory_space<vmem>>
    %dma_wait3A_213 = arith.constant 0 : i32
    %dma_wait3A_214 = arith.constant 0 : i32
    %dma_wait3A_215 = tpu.memref_slice %arg10[%dma_wait3A_213, %dma_wait3A_214] : memref<10240x32xf32, #tpu.memory_space<vmem_shared>> -> memref<10240x32xf32, #tpu.memory_space<vmem_shared>>
    tpu.wait_indirect_dma semaphore(%arg17 : memref<!tpu.dma_semaphore, #tpu.memory_space<semaphore_mem>>) src(%dma_wait3A_209 : memref<128x32xf32, #tpu.memory_space<vmem>>) dst(%dma_wait3A_215 : memref<10240x32xf32, #tpu.memory_space<vmem_shared>>)
    %dma_wait3A_216 = arith.constant 3 : i32
    %dma_wait3A_217 = arith.constant 159 : i32
    %dma_wait3A_218 = arith.constant 0 : i32
    %dma_wait3A_219 = arith.constant 0 : i32
    %dma_wait3A_220 = tpu.memref_slice %arg9[%dma_wait3A_216, %dma_wait3A_218, %dma_wait3A_219] : memref<4x128x32xf32, #tpu.memory_space<vmem>> -> memref<1x128x32xf32, #tpu.memory_space<vmem>>
    %dma_wait3A_221 = tpu.memref_squeeze %dma_wait3A_220 : memref<1x128x32xf32, #tpu.memory_space<vmem>> -> memref<128x32xf32, #tpu.memory_space<vmem>>
    %dma_wait3A_222 = arith.constant 0 : i32
    %dma_wait3A_223 = tpu.memref_slice %arg8[%dma_wait3A_217, %dma_wait3A_222] : memref<160x128xi32, #tpu.memory_space<vmem>> -> memref<1x128xi32, #tpu.memory_space<vmem>>
    %dma_wait3A_224 = tpu.memref_squeeze %dma_wait3A_223 : memref<1x128xi32, #tpu.memory_space<vmem>> -> memref<128xi32, #tpu.memory_space<vmem>>
    %dma_wait3A_225 = arith.constant 0 : i32
    %dma_wait3A_226 = arith.constant 0 : i32
    %dma_wait3A_227 = tpu.memref_slice %arg10[%dma_wait3A_225, %dma_wait3A_226] : memref<10240x32xf32, #tpu.memory_space<vmem_shared>> -> memref<10240x32xf32, #tpu.memory_space<vmem_shared>>
    tpu.wait_indirect_dma semaphore(%arg18 : memref<!tpu.dma_semaphore, #tpu.memory_space<semaphore_mem>>) src(%dma_wait3A_221 : memref<128x32xf32, #tpu.memory_space<vmem>>) dst(%dma_wait3A_227 : memref<10240x32xf32, #tpu.memory_space<vmem_shared>>)
    %barrier3A_228 = arith.constant 0 : index
    tpu.barrier barrier_id(%barrier3A_228)
    "tpu.region"() ({
      %run_scoped3A = tpu.sem_alloc : memref<!tpu.dma_semaphore, #tpu.memory_space<semaphore_mem>>
      %dma_start3A_229 = arith.constant 0 : i32
      %dma_start3A_230 = tpu.memref_slice %arg6[%arg0, %mul3A_0, %dma_start3A_229] : memref<2x10240x32xf32, #tpu.memory_space<hbm>> -> memref<1x640x32xf32, #tpu.memory_space<hbm>>
      %dma_start3A_231 = tpu.memref_squeeze %dma_start3A_230 : memref<1x640x32xf32, #tpu.memory_space<hbm>> -> memref<640x32xf32, #tpu.memory_space<hbm>>
      %dma_start3A_232 = arith.constant 0 : i32
      %dma_start3A_233 = tpu.memref_slice %arg10[%mul3A_0, %dma_start3A_232] : memref<10240x32xf32, #tpu.memory_space<vmem_shared>> -> memref<640x32xf32, #tpu.memory_space<vmem_shared>>
      tpu.enqueue_dma source(%dma_start3A_233 : memref<640x32xf32, #tpu.memory_space<vmem_shared>>) target(%dma_start3A_231 : memref<640x32xf32, #tpu.memory_space<hbm>>) target_semaphore(%run_scoped3A : memref<!tpu.dma_semaphore, #tpu.memory_space<semaphore_mem>>)
      %dma_wait3A_234 = arith.constant 0 : i32
      %dma_wait3A_235 = tpu.memref_slice %arg6[%arg0, %mul3A_0, %dma_wait3A_234] : memref<2x10240x32xf32, #tpu.memory_space<hbm>> -> memref<1x640x32xf32, #tpu.memory_space<hbm>>
      %dma_wait3A_236 = tpu.memref_squeeze %dma_wait3A_235 : memref<1x640x32xf32, #tpu.memory_space<hbm>> -> memref<640x32xf32, #tpu.memory_space<hbm>>
      %dma_wait3A_237 = arith.constant 0 : i32
      %dma_wait3A_238 = tpu.memref_slice %arg10[%mul3A_0, %dma_wait3A_237] : memref<10240x32xf32, #tpu.memory_space<vmem_shared>> -> memref<640x32xf32, #tpu.memory_space<vmem_shared>>
      tpu.wait_dma2 semaphore(%run_scoped3A : memref<!tpu.dma_semaphore, #tpu.memory_space<semaphore_mem>>) src(%dma_wait3A_238 : memref<640x32xf32, #tpu.memory_space<vmem_shared>>) dst(%dma_wait3A_236 : memref<640x32xf32, #tpu.memory_space<hbm>>)
      tpu.yield
    }) : () -> ()
    return
  }
}

#map = affine_map<(d0, d1) -> (0, 0, 0)>
#map1 = affine_map<(d0, d1) -> (0, 0)>
module attributes {stable_mosaic.version = 14 : i64} {
  func.func @scat(%arg0: i32, %arg1: i32, %arg2: memref<2x10240x32xf32, #tpu.memory_space<hbm>>, %arg3: memref<16x160x128xi32, #tpu.memory_space<hbm>>, %arg4: memref<16x160x128xi32, #tpu.memory_space<hbm>>, %arg5: memref<640x32xf32, #tpu.memory_space<hbm>>, %arg6: memref<2x10240x32xf32, #tpu.memory_space<hbm>>, %arg7: memref<160x128xi32, #tpu.memory_space<vmem>>, %arg8: memref<160x128xi32, #tpu.memory_space<vmem>>, %arg9: memref<4x128x32xf32, #tpu.memory_space<vmem>>, %arg10: memref<10240x32xf32, #tpu.memory_space<vmem_shared>>, %arg11: memref<!tpu.dma_semaphore, #tpu.memory_space<semaphore_mem>>, %arg12: memref<!tpu.dma_semaphore, #tpu.memory_space<semaphore_mem>>, %arg13: memref<!tpu.dma_semaphore, #tpu.memory_space<semaphore_mem>>, %arg14: memref<!tpu.dma_semaphore, #tpu.memory_space<semaphore_mem>>, %arg15: memref<!tpu.dma_semaphore, #tpu.memory_space<semaphore_mem>>, %arg16: memref<!tpu.dma_semaphore, #tpu.memory_space<semaphore_mem>>, %arg17: memref<!tpu.dma_semaphore, #tpu.memory_space<semaphore_mem>>, %arg18: memref<!tpu.dma_semaphore, #tpu.memory_space<semaphore_mem>>) attributes {dimension_semantics = [#tpu.dimension_semantics<core_parallel>, #tpu.dimension_semantics<subcore_parallel>], iteration_bounds = array<i64: 2, 16>, scalar_prefetch = 0 : i64, scratch_operands = 12 : i64, tpu.core_type = #tpu.core_type<sc_vector_subcore>, window_params = [{transform_indices = #map}, {transform_indices = #map}, {transform_indices = #map}, {transform_indices = #map1}, {transform_indices = #map}]} {
    %mul3A = arith.constant 640 : i32
    %mul3A_0 = arith.muli %arg1, %mul3A : i32
    "tpu.region"() ({
      %run_scoped3A = tpu.sem_alloc : memref<!tpu.dma_semaphore, #tpu.memory_space<semaphore_mem>>
      %dma_start3A_229 = arith.constant 0 : i32
      %dma_start3A_230 = tpu.memref_slice %arg10[%mul3A_0, %dma_start3A_229] : memref<10240x32xf32, #tpu.memory_space<vmem_shared>> -> memref<640x32xf32, #tpu.memory_space<vmem_shared>>
      tpu.enqueue_dma source(%arg5 : memref<640x32xf32, #tpu.memory_space<hbm>>) target(%dma_start3A_230 : memref<640x32xf32, #tpu.memory_space<vmem_shared>>) target_semaphore(%run_scoped3A : memref<!tpu.dma_semaphore, #tpu.memory_space<semaphore_mem>>)
      %dma_wait3A_231 = arith.constant 0 : i32
      %dma_wait3A_232 = tpu.memref_slice %arg10[%mul3A_0, %dma_wait3A_231] : memref<10240x32xf32, #tpu.memory_space<vmem_shared>> -> memref<640x32xf32, #tpu.memory_space<vmem_shared>>
      tpu.wait_dma2 semaphore(%run_scoped3A : memref<!tpu.dma_semaphore, #tpu.memory_space<semaphore_mem>>) src(%arg5 : memref<640x32xf32, #tpu.memory_space<hbm>>) dst(%dma_wait3A_232 : memref<640x32xf32, #tpu.memory_space<vmem_shared>>)
      tpu.yield
    }) : () -> ()
    "tpu.region"() ({
      %run_scoped3A = tpu.sem_alloc : memref<!tpu.dma_semaphore, #tpu.memory_space<semaphore_mem>>
      %dma_start3A_229 = arith.constant 0 : i32
      %dma_start3A_230 = arith.constant 0 : i32
      %dma_start3A_231 = tpu.memref_slice %arg3[%arg1, %dma_start3A_229, %dma_start3A_230] : memref<16x160x128xi32, #tpu.memory_space<hbm>> -> memref<1x160x128xi32, #tpu.memory_space<hbm>>
      %dma_start3A_232 = tpu.memref_squeeze %dma_start3A_231 : memref<1x160x128xi32, #tpu.memory_space<hbm>> -> memref<160x128xi32, #tpu.memory_space<hbm>>
      %dma_start3A_233 = arith.constant 0 : i32
      %dma_start3A_234 = arith.constant 0 : i32
      %dma_start3A_235 = tpu.memref_slice %arg3[%arg1, %dma_start3A_233, %dma_start3A_234] : memref<16x160x128xi32, #tpu.memory_space<hbm>> -> memref<1x160x128xi32, #tpu.memory_space<hbm>>
      %dma_start3A_236 = tpu.memref_squeeze %dma_start3A_235 : memref<1x160x128xi32, #tpu.memory_space<hbm>> -> memref<160x128xi32, #tpu.memory_space<hbm>>
      tpu.enqueue_dma source(%dma_start3A_236 : memref<160x128xi32, #tpu.memory_space<hbm>>) target(%arg7 : memref<160x128xi32, #tpu.memory_space<vmem>>) target_semaphore(%run_scoped3A : memref<!tpu.dma_semaphore, #tpu.memory_space<semaphore_mem>>)
      %dma_wait3A_237 = arith.constant 0 : i32
      %dma_wait3A_238 = arith.constant 0 : i32
      %dma_wait3A_239 = tpu.memref_slice %arg3[%arg1, %dma_wait3A_237, %dma_wait3A_238] : memref<16x160x128xi32, #tpu.memory_space<hbm>> -> memref<1x160x128xi32, #tpu.memory_space<hbm>>
      %dma_wait3A_240 = tpu.memref_squeeze %dma_wait3A_239 : memref<1x160x128xi32, #tpu.memory_space<hbm>> -> memref<160x128xi32, #tpu.memory_space<hbm>>
      %dma_wait3A_241 = arith.constant 0 : i32
      %dma_wait3A_242 = arith.constant 0 : i32
      %dma_wait3A_243 = tpu.memref_slice %arg3[%arg1, %dma_wait3A_241, %dma_wait3A_242] : memref<16x160x128xi32, #tpu.memory_space<hbm>> -> memref<1x160x128xi32, #tpu.memory_space<hbm>>
      %dma_wait3A_244 = tpu.memref_squeeze %dma_wait3A_243 : memref<1x160x128xi32, #tpu.memory_space<hbm>> -> memref<160x128xi32, #tpu.memory_space<hbm>>
      tpu.wait_dma2 semaphore(%run_scoped3A : memref<!tpu.dma_semaphore, #tpu.memory_space<semaphore_mem>>) src(%dma_wait3A_244 : memref<160x128xi32, #tpu.memory_space<hbm>>) dst(%arg7 : memref<160x128xi32, #tpu.memory_space<vmem>>)
      tpu.yield
    }) : () -> ()
    "tpu.region"() ({
      %run_scoped3A = tpu.sem_alloc : memref<!tpu.dma_semaphore, #tpu.memory_space<semaphore_mem>>
      %dma_start3A_229 = arith.constant 0 : i32
      %dma_start3A_230 = arith.constant 0 : i32
      %dma_start3A_231 = tpu.memref_slice %arg4[%arg1, %dma_start3A_229, %dma_start3A_230] : memref<16x160x128xi32, #tpu.memory_space<hbm>> -> memref<1x160x128xi32, #tpu.memory_space<hbm>>
      %dma_start3A_232 = tpu.memref_squeeze %dma_start3A_231 : memref<1x160x128xi32, #tpu.memory_space<hbm>> -> memref<160x128xi32, #tpu.memory_space<hbm>>
      %dma_start3A_233 = arith.constant 0 : i32
      %dma_start3A_234 = arith.constant 0 : i32
      %dma_start3A_235 = tpu.memref_slice %arg4[%arg1, %dma_start3A_233, %dma_start3A_234] : memref<16x160x128xi32, #tpu.memory_space<hbm>> -> memref<1x160x128xi32, #tpu.memory_space<hbm>>
      %dma_start3A_236 = tpu.memref_squeeze %dma_start3A_235 : memref<1x160x128xi32, #tpu.memory_space<hbm>> -> memref<160x128xi32, #tpu.memory_space<hbm>>
      tpu.enqueue_dma source(%dma_start3A_236 : memref<160x128xi32, #tpu.memory_space<hbm>>) target(%arg8 : memref<160x128xi32, #tpu.memory_space<vmem>>) target_semaphore(%run_scoped3A : memref<!tpu.dma_semaphore, #tpu.memory_space<semaphore_mem>>)
      %dma_wait3A_237 = arith.constant 0 : i32
      %dma_wait3A_238 = arith.constant 0 : i32
      %dma_wait3A_239 = tpu.memref_slice %arg4[%arg1, %dma_wait3A_237, %dma_wait3A_238] : memref<16x160x128xi32, #tpu.memory_space<hbm>> -> memref<1x160x128xi32, #tpu.memory_space<hbm>>
      %dma_wait3A_240 = tpu.memref_squeeze %dma_wait3A_239 : memref<1x160x128xi32, #tpu.memory_space<hbm>> -> memref<160x128xi32, #tpu.memory_space<hbm>>
      %dma_wait3A_241 = arith.constant 0 : i32
      %dma_wait3A_242 = arith.constant 0 : i32
      %dma_wait3A_243 = tpu.memref_slice %arg4[%arg1, %dma_wait3A_241, %dma_wait3A_242] : memref<16x160x128xi32, #tpu.memory_space<hbm>> -> memref<1x160x128xi32, #tpu.memory_space<hbm>>
      %dma_wait3A_244 = tpu.memref_squeeze %dma_wait3A_243 : memref<1x160x128xi32, #tpu.memory_space<hbm>> -> memref<160x128xi32, #tpu.memory_space<hbm>>
      tpu.wait_dma2 semaphore(%run_scoped3A : memref<!tpu.dma_semaphore, #tpu.memory_space<semaphore_mem>>) src(%dma_wait3A_244 : memref<160x128xi32, #tpu.memory_space<hbm>>) dst(%arg8 : memref<160x128xi32, #tpu.memory_space<vmem>>)
      tpu.yield
    }) : () -> ()
    %barrier3A = arith.constant 0 : index
    tpu.barrier barrier_id(%barrier3A)
    %dma_start3A = arith.constant 0 : i32
    %dma_start3A_1 = arith.constant 0 : i32
    %dma_start3A_2 = arith.constant 0 : i32
    %dma_start3A_3 = arith.constant 0 : i32
    %dma_start3A_4 = tpu.memref_slice %arg9[%dma_start3A_1, %dma_start3A_2, %dma_start3A_3] : memref<4x128x32xf32, #tpu.memory_space<vmem>> -> memref<1x128x32xf32, #tpu.memory_space<vmem>>
    %dma_start3A_5 = tpu.memref_squeeze %dma_start3A_4 : memref<1x128x32xf32, #tpu.memory_space<vmem>> -> memref<128x32xf32, #tpu.memory_space<vmem>>
    %dma_start3A_6 = arith.constant 0 : i32
    %dma_start3A_7 = tpu.memref_slice %arg7[%dma_start3A, %dma_start3A_6] : memref<160x128xi32, #tpu.memory_space<vmem>> -> memref<1x128xi32, #tpu.memory_space<vmem>>
    %dma_start3A_8 = tpu.memref_squeeze %dma_start3A_7 : memref<1x128xi32, #tpu.memory_space<vmem>> -> memref<128xi32, #tpu.memory_space<vmem>>
    %dma_start3A_9 = arith.constant 0 : i32
    %dma_start3A_10 = arith.constant 0 : i32
    %dma_start3A_11 = tpu.memref_slice %arg2[%arg0, %dma_start3A_9, %dma_start3A_10] : memref<2x10240x32xf32, #tpu.memory_space<hbm>> -> memref<1x10240x32xf32, #tpu.memory_space<hbm>>
    %dma_start3A_12 = tpu.memref_squeeze %dma_start3A_11 : memref<1x10240x32xf32, #tpu.memory_space<hbm>> -> memref<10240x32xf32, #tpu.memory_space<hbm>>
    %dma_start3A_13 = arith.constant 0 : i32
    %dma_start3A_14 = arith.constant 0 : i32
    %dma_start3A_15 = tpu.memref_slice %dma_start3A_12[%dma_start3A_13, %dma_start3A_14] : memref<10240x32xf32, #tpu.memory_space<hbm>> -> memref<10240x32xf32, #tpu.memory_space<hbm>>
    tpu.enqueue_indirect_dma source(%dma_start3A_15 : memref<10240x32xf32, #tpu.memory_space<hbm>>) target(%dma_start3A_5 : memref<128x32xf32, #tpu.memory_space<vmem>>) offsets(%dma_start3A_8 : memref<128xi32, #tpu.memory_space<vmem>>) semaphore(%arg11 : memref<!tpu.dma_semaphore, #tpu.memory_space<semaphore_mem>>)
    %dma_start3A_16 = arith.constant 1 : i32
    %dma_start3A_17 = arith.constant 1 : i32
    %dma_start3A_18 = arith.constant 0 : i32
    %dma_start3A_19 = arith.constant 0 : i32
    %dma_start3A_20 = tpu.memref_slice %arg9[%dma_start3A_17, %dma_start3A_18, %dma_start3A_19] : memref<4x128x32xf32, #tpu.memory_space<vmem>> -> memref<1x128x32xf32, #tpu.memory_space<vmem>>
    %dma_start3A_21 = tpu.memref_squeeze %dma_start3A_20 : memref<1x128x32xf32, #tpu.memory_space<vmem>> -> memref<128x32xf32, #tpu.memory_space<vmem>>
    %dma_start3A_22 = arith.constant 0 : i32
    %dma_start3A_23 = tpu.memref_slice %arg7[%dma_start3A_16, %dma_start3A_22] : memref<160x128xi32, #tpu.memory_space<vmem>> -> memref<1x128xi32, #tpu.memory_space<vmem>>
    %dma_start3A_24 = tpu.memref_squeeze %dma_start3A_23 : memref<1x128xi32, #tpu.memory_space<vmem>> -> memref<128xi32, #tpu.memory_space<vmem>>
    %dma_start3A_25 = arith.constant 0 : i32
    %dma_start3A_26 = arith.constant 0 : i32
    %dma_start3A_27 = tpu.memref_slice %arg2[%arg0, %dma_start3A_25, %dma_start3A_26] : memref<2x10240x32xf32, #tpu.memory_space<hbm>> -> memref<1x10240x32xf32, #tpu.memory_space<hbm>>
    %dma_start3A_28 = tpu.memref_squeeze %dma_start3A_27 : memref<1x10240x32xf32, #tpu.memory_space<hbm>> -> memref<10240x32xf32, #tpu.memory_space<hbm>>
    %dma_start3A_29 = arith.constant 0 : i32
    %dma_start3A_30 = arith.constant 0 : i32
    %dma_start3A_31 = tpu.memref_slice %dma_start3A_28[%dma_start3A_29, %dma_start3A_30] : memref<10240x32xf32, #tpu.memory_space<hbm>> -> memref<10240x32xf32, #tpu.memory_space<hbm>>
    tpu.enqueue_indirect_dma source(%dma_start3A_31 : memref<10240x32xf32, #tpu.memory_space<hbm>>) target(%dma_start3A_21 : memref<128x32xf32, #tpu.memory_space<vmem>>) offsets(%dma_start3A_24 : memref<128xi32, #tpu.memory_space<vmem>>) semaphore(%arg12 : memref<!tpu.dma_semaphore, #tpu.memory_space<semaphore_mem>>)
    %dma_start3A_32 = arith.constant 2 : i32
    %dma_start3A_33 = arith.constant 2 : i32
    %dma_start3A_34 = arith.constant 0 : i32
    %dma_start3A_35 = arith.constant 0 : i32
    %dma_start3A_36 = tpu.memref_slice %arg9[%dma_start3A_33, %dma_start3A_34, %dma_start3A_35] : memref<4x128x32xf32, #tpu.memory_space<vmem>> -> memref<1x128x32xf32, #tpu.memory_space<vmem>>
    %dma_start3A_37 = tpu.memref_squeeze %dma_start3A_36 : memref<1x128x32xf32, #tpu.memory_space<vmem>> -> memref<128x32xf32, #tpu.memory_space<vmem>>
    %dma_start3A_38 = arith.constant 0 : i32
    %dma_start3A_39 = tpu.memref_slice %arg7[%dma_start3A_32, %dma_start3A_38] : memref<160x128xi32, #tpu.memory_space<vmem>> -> memref<1x128xi32, #tpu.memory_space<vmem>>
    %dma_start3A_40 = tpu.memref_squeeze %dma_start3A_39 : memref<1x128xi32, #tpu.memory_space<vmem>> -> memref<128xi32, #tpu.memory_space<vmem>>
    %dma_start3A_41 = arith.constant 0 : i32
    %dma_start3A_42 = arith.constant 0 : i32
    %dma_start3A_43 = tpu.memref_slice %arg2[%arg0, %dma_start3A_41, %dma_start3A_42] : memref<2x10240x32xf32, #tpu.memory_space<hbm>> -> memref<1x10240x32xf32, #tpu.memory_space<hbm>>
    %dma_start3A_44 = tpu.memref_squeeze %dma_start3A_43 : memref<1x10240x32xf32, #tpu.memory_space<hbm>> -> memref<10240x32xf32, #tpu.memory_space<hbm>>
    %dma_start3A_45 = arith.constant 0 : i32
    %dma_start3A_46 = arith.constant 0 : i32
    %dma_start3A_47 = tpu.memref_slice %dma_start3A_44[%dma_start3A_45, %dma_start3A_46] : memref<10240x32xf32, #tpu.memory_space<hbm>> -> memref<10240x32xf32, #tpu.memory_space<hbm>>
    tpu.enqueue_indirect_dma source(%dma_start3A_47 : memref<10240x32xf32, #tpu.memory_space<hbm>>) target(%dma_start3A_37 : memref<128x32xf32, #tpu.memory_space<vmem>>) offsets(%dma_start3A_40 : memref<128xi32, #tpu.memory_space<vmem>>) semaphore(%arg13 : memref<!tpu.dma_semaphore, #tpu.memory_space<semaphore_mem>>)
    %dma_wait3A = arith.constant 0 : i32
    %dma_wait3A_48 = arith.constant 0 : i32
    %dma_wait3A_49 = arith.constant 0 : i32
    %dma_wait3A_50 = arith.constant 0 : i32
    %dma_wait3A_51 = tpu.memref_slice %arg9[%dma_wait3A_48, %dma_wait3A_49, %dma_wait3A_50] : memref<4x128x32xf32, #tpu.memory_space<vmem>> -> memref<1x128x32xf32, #tpu.memory_space<vmem>>
    %dma_wait3A_52 = tpu.memref_squeeze %dma_wait3A_51 : memref<1x128x32xf32, #tpu.memory_space<vmem>> -> memref<128x32xf32, #tpu.memory_space<vmem>>
    %dma_wait3A_53 = arith.constant 0 : i32
    %dma_wait3A_54 = tpu.memref_slice %arg7[%dma_wait3A, %dma_wait3A_53] : memref<160x128xi32, #tpu.memory_space<vmem>> -> memref<1x128xi32, #tpu.memory_space<vmem>>
    %dma_wait3A_55 = tpu.memref_squeeze %dma_wait3A_54 : memref<1x128xi32, #tpu.memory_space<vmem>> -> memref<128xi32, #tpu.memory_space<vmem>>
    %dma_wait3A_56 = arith.constant 0 : i32
    %dma_wait3A_57 = arith.constant 0 : i32
    %dma_wait3A_58 = tpu.memref_slice %arg2[%arg0, %dma_wait3A_56, %dma_wait3A_57] : memref<2x10240x32xf32, #tpu.memory_space<hbm>> -> memref<1x10240x32xf32, #tpu.memory_space<hbm>>
    %dma_wait3A_59 = tpu.memref_squeeze %dma_wait3A_58 : memref<1x10240x32xf32, #tpu.memory_space<hbm>> -> memref<10240x32xf32, #tpu.memory_space<hbm>>
    %dma_wait3A_60 = arith.constant 0 : i32
    %dma_wait3A_61 = arith.constant 0 : i32
    %dma_wait3A_62 = tpu.memref_slice %dma_wait3A_59[%dma_wait3A_60, %dma_wait3A_61] : memref<10240x32xf32, #tpu.memory_space<hbm>> -> memref<10240x32xf32, #tpu.memory_space<hbm>>
    tpu.wait_indirect_dma semaphore(%arg11 : memref<!tpu.dma_semaphore, #tpu.memory_space<semaphore_mem>>) src(%dma_wait3A_62 : memref<10240x32xf32, #tpu.memory_space<hbm>>) dst(%dma_wait3A_52 : memref<128x32xf32, #tpu.memory_space<vmem>>)
    %dma_start3A_63 = arith.constant 0 : i32
    %dma_start3A_64 = arith.constant 0 : i32
    %dma_start3A_65 = arith.constant 0 : i32
    %dma_start3A_66 = arith.constant 0 : i32
    %dma_start3A_67 = tpu.memref_slice %arg9[%dma_start3A_63, %dma_start3A_65, %dma_start3A_66] : memref<4x128x32xf32, #tpu.memory_space<vmem>> -> memref<1x128x32xf32, #tpu.memory_space<vmem>>
    %dma_start3A_68 = tpu.memref_squeeze %dma_start3A_67 : memref<1x128x32xf32, #tpu.memory_space<vmem>> -> memref<128x32xf32, #tpu.memory_space<vmem>>
    %dma_start3A_69 = arith.constant 0 : i32
    %dma_start3A_70 = tpu.memref_slice %arg8[%dma_start3A_64, %dma_start3A_69] : memref<160x128xi32, #tpu.memory_space<vmem>> -> memref<1x128xi32, #tpu.memory_space<vmem>>
    %dma_start3A_71 = tpu.memref_squeeze %dma_start3A_70 : memref<1x128xi32, #tpu.memory_space<vmem>> -> memref<128xi32, #tpu.memory_space<vmem>>
    %dma_start3A_72 = arith.constant 0 : i32
    %dma_start3A_73 = arith.constant 0 : i32
    %dma_start3A_74 = tpu.memref_slice %arg10[%dma_start3A_72, %dma_start3A_73] : memref<10240x32xf32, #tpu.memory_space<vmem_shared>> -> memref<10240x32xf32, #tpu.memory_space<vmem_shared>>
    tpu.enqueue_indirect_dma source(%dma_start3A_68 : memref<128x32xf32, #tpu.memory_space<vmem>>) target(%dma_start3A_74 : memref<10240x32xf32, #tpu.memory_space<vmem_shared>>) offsets(%dma_start3A_71 : memref<128xi32, #tpu.memory_space<vmem>>) semaphore(%arg15 : memref<!tpu.dma_semaphore, #tpu.memory_space<semaphore_mem>>) {add = true}
    %dma_start3A_75 = arith.constant 3 : i32
    %dma_start3A_76 = arith.constant 3 : i32
    %dma_start3A_77 = arith.constant 0 : i32
    %dma_start3A_78 = arith.constant 0 : i32
    %dma_start3A_79 = tpu.memref_slice %arg9[%dma_start3A_76, %dma_start3A_77, %dma_start3A_78] : memref<4x128x32xf32, #tpu.memory_space<vmem>> -> memref<1x128x32xf32, #tpu.memory_space<vmem>>
    %dma_start3A_80 = tpu.memref_squeeze %dma_start3A_79 : memref<1x128x32xf32, #tpu.memory_space<vmem>> -> memref<128x32xf32, #tpu.memory_space<vmem>>
    %dma_start3A_81 = arith.constant 0 : i32
    %dma_start3A_82 = tpu.memref_slice %arg7[%dma_start3A_75, %dma_start3A_81] : memref<160x128xi32, #tpu.memory_space<vmem>> -> memref<1x128xi32, #tpu.memory_space<vmem>>
    %dma_start3A_83 = tpu.memref_squeeze %dma_start3A_82 : memref<1x128xi32, #tpu.memory_space<vmem>> -> memref<128xi32, #tpu.memory_space<vmem>>
    %dma_start3A_84 = arith.constant 0 : i32
    %dma_start3A_85 = arith.constant 0 : i32
    %dma_start3A_86 = tpu.memref_slice %arg2[%arg0, %dma_start3A_84, %dma_start3A_85] : memref<2x10240x32xf32, #tpu.memory_space<hbm>> -> memref<1x10240x32xf32, #tpu.memory_space<hbm>>
    %dma_start3A_87 = tpu.memref_squeeze %dma_start3A_86 : memref<1x10240x32xf32, #tpu.memory_space<hbm>> -> memref<10240x32xf32, #tpu.memory_space<hbm>>
    %dma_start3A_88 = arith.constant 0 : i32
    %dma_start3A_89 = arith.constant 0 : i32
    %dma_start3A_90 = tpu.memref_slice %dma_start3A_87[%dma_start3A_88, %dma_start3A_89] : memref<10240x32xf32, #tpu.memory_space<hbm>> -> memref<10240x32xf32, #tpu.memory_space<hbm>>
    tpu.enqueue_indirect_dma source(%dma_start3A_90 : memref<10240x32xf32, #tpu.memory_space<hbm>>) target(%dma_start3A_80 : memref<128x32xf32, #tpu.memory_space<vmem>>) offsets(%dma_start3A_83 : memref<128xi32, #tpu.memory_space<vmem>>) semaphore(%arg14 : memref<!tpu.dma_semaphore, #tpu.memory_space<semaphore_mem>>)
    %dma_wait3A_91 = arith.constant 1 : i32
    %dma_wait3A_92 = arith.constant 1 : i32
    %dma_wait3A_93 = arith.constant 0 : i32
    %dma_wait3A_94 = arith.constant 0 : i32
    %dma_wait3A_95 = tpu.memref_slice %arg9[%dma_wait3A_92, %dma_wait3A_93, %dma_wait3A_94] : memref<4x128x32xf32, #tpu.memory_space<vmem>> -> memref<1x128x32xf32, #tpu.memory_space<vmem>>
    %dma_wait3A_96 = tpu.memref_squeeze %dma_wait3A_95 : memref<1x128x32xf32, #tpu.memory_space<vmem>> -> memref<128x32xf32, #tpu.memory_space<vmem>>
    %dma_wait3A_97 = arith.constant 0 : i32
    %dma_wait3A_98 = tpu.memref_slice %arg7[%dma_wait3A_91, %dma_wait3A_97] : memref<160x128xi32, #tpu.memory_space<vmem>> -> memref<1x128xi32, #tpu.memory_space<vmem>>
    %dma_wait3A_99 = tpu.memref_squeeze %dma_wait3A_98 : memref<1x128xi32, #tpu.memory_space<vmem>> -> memref<128xi32, #tpu.memory_space<vmem>>
    %dma_wait3A_100 = arith.constant 0 : i32
    %dma_wait3A_101 = arith.constant 0 : i32
    %dma_wait3A_102 = tpu.memref_slice %arg2[%arg0, %dma_wait3A_100, %dma_wait3A_101] : memref<2x10240x32xf32, #tpu.memory_space<hbm>> -> memref<1x10240x32xf32, #tpu.memory_space<hbm>>
    %dma_wait3A_103 = tpu.memref_squeeze %dma_wait3A_102 : memref<1x10240x32xf32, #tpu.memory_space<hbm>> -> memref<10240x32xf32, #tpu.memory_space<hbm>>
    %dma_wait3A_104 = arith.constant 0 : i32
    %dma_wait3A_105 = arith.constant 0 : i32
    %dma_wait3A_106 = tpu.memref_slice %dma_wait3A_103[%dma_wait3A_104, %dma_wait3A_105] : memref<10240x32xf32, #tpu.memory_space<hbm>> -> memref<10240x32xf32, #tpu.memory_space<hbm>>
    tpu.wait_indirect_dma semaphore(%arg12 : memref<!tpu.dma_semaphore, #tpu.memory_space<semaphore_mem>>) src(%dma_wait3A_106 : memref<10240x32xf32, #tpu.memory_space<hbm>>) dst(%dma_wait3A_96 : memref<128x32xf32, #tpu.memory_space<vmem>>)
    %dma_start3A_107 = arith.constant 1 : i32
    %dma_start3A_108 = arith.constant 1 : i32
    %dma_start3A_109 = arith.constant 0 : i32
    %dma_start3A_110 = arith.constant 0 : i32
    %dma_start3A_111 = tpu.memref_slice %arg9[%dma_start3A_107, %dma_start3A_109, %dma_start3A_110] : memref<4x128x32xf32, #tpu.memory_space<vmem>> -> memref<1x128x32xf32, #tpu.memory_space<vmem>>
    %dma_start3A_112 = tpu.memref_squeeze %dma_start3A_111 : memref<1x128x32xf32, #tpu.memory_space<vmem>> -> memref<128x32xf32, #tpu.memory_space<vmem>>
    %dma_start3A_113 = arith.constant 0 : i32
    %dma_start3A_114 = tpu.memref_slice %arg8[%dma_start3A_108, %dma_start3A_113] : memref<160x128xi32, #tpu.memory_space<vmem>> -> memref<1x128xi32, #tpu.memory_space<vmem>>
    %dma_start3A_115 = tpu.memref_squeeze %dma_start3A_114 : memref<1x128xi32, #tpu.memory_space<vmem>> -> memref<128xi32, #tpu.memory_space<vmem>>
    %dma_start3A_116 = arith.constant 0 : i32
    %dma_start3A_117 = arith.constant 0 : i32
    %dma_start3A_118 = tpu.memref_slice %arg10[%dma_start3A_116, %dma_start3A_117] : memref<10240x32xf32, #tpu.memory_space<vmem_shared>> -> memref<10240x32xf32, #tpu.memory_space<vmem_shared>>
    tpu.enqueue_indirect_dma source(%dma_start3A_112 : memref<128x32xf32, #tpu.memory_space<vmem>>) target(%dma_start3A_118 : memref<10240x32xf32, #tpu.memory_space<vmem_shared>>) offsets(%dma_start3A_115 : memref<128xi32, #tpu.memory_space<vmem>>) semaphore(%arg16 : memref<!tpu.dma_semaphore, #tpu.memory_space<semaphore_mem>>) {add = true}
    %scan3A = arith.constant 0 : i32
    %scan3A_119 = arith.constant 0 : i32
    %scan3A_120 = arith.constant 39 : i32
    %scan3A_121 = arith.addi %scan3A_119, %scan3A_120 : i32
    %scan3A_122 = arith.constant 1 : i32
    scf.for %scan3A_229 = %scan3A_119 to %scan3A_121 step %scan3A_122  : i32 {
      %mul3A_230 = arith.constant 4 : i32
      %mul3A_231 = arith.muli %scan3A_229, %mul3A_230 : i32
      %add3A = arith.constant 2 : i32
      %add3A_232 = arith.addi %add3A, %mul3A_231 : i32
      %add3A_233 = arith.constant 0 : i32
      %add3A_234 = arith.addi %add3A_232, %add3A_233 : i32
      %sub3A = arith.constant 2 : i32
      %sub3A_235 = arith.subi %add3A_234, %sub3A : i32
      %dma_wait3A_236 = arith.constant 0 : i32
      %dma_wait3A_237 = arith.constant 0 : i32
      %dma_wait3A_238 = arith.constant 0 : i32
      %dma_wait3A_239 = tpu.memref_slice %arg9[%dma_wait3A_236, %dma_wait3A_237, %dma_wait3A_238] : memref<4x128x32xf32, #tpu.memory_space<vmem>> -> memref<1x128x32xf32, #tpu.memory_space<vmem>>
      %dma_wait3A_240 = tpu.memref_squeeze %dma_wait3A_239 : memref<1x128x32xf32, #tpu.memory_space<vmem>> -> memref<128x32xf32, #tpu.memory_space<vmem>>
      %dma_wait3A_241 = arith.constant 0 : i32
      %dma_wait3A_242 = tpu.memref_slice %arg8[%sub3A_235, %dma_wait3A_241] : memref<160x128xi32, #tpu.memory_space<vmem>> -> memref<1x128xi32, #tpu.memory_space<vmem>>
      %dma_wait3A_243 = tpu.memref_squeeze %dma_wait3A_242 : memref<1x128xi32, #tpu.memory_space<vmem>> -> memref<128xi32, #tpu.memory_space<vmem>>
      %dma_wait3A_244 = arith.constant 0 : i32
      %dma_wait3A_245 = arith.constant 0 : i32
      %dma_wait3A_246 = tpu.memref_slice %arg10[%dma_wait3A_244, %dma_wait3A_245] : memref<10240x32xf32, #tpu.memory_space<vmem_shared>> -> memref<10240x32xf32, #tpu.memory_space<vmem_shared>>
      tpu.wait_indirect_dma semaphore(%arg15 : memref<!tpu.dma_semaphore, #tpu.memory_space<semaphore_mem>>) src(%dma_wait3A_240 : memref<128x32xf32, #tpu.memory_space<vmem>>) dst(%dma_wait3A_246 : memref<10240x32xf32, #tpu.memory_space<vmem_shared>>)
      %add3A_247 = arith.constant 2 : i32
      %add3A_248 = arith.addi %add3A_234, %add3A_247 : i32
      %dma_start3A_249 = arith.constant 0 : i32
      %dma_start3A_250 = arith.constant 0 : i32
      %dma_start3A_251 = arith.constant 0 : i32
      %dma_start3A_252 = tpu.memref_slice %arg9[%dma_start3A_249, %dma_start3A_250, %dma_start3A_251] : memref<4x128x32xf32, #tpu.memory_space<vmem>> -> memref<1x128x32xf32, #tpu.memory_space<vmem>>
      %dma_start3A_253 = tpu.memref_squeeze %dma_start3A_252 : memref<1x128x32xf32, #tpu.memory_space<vmem>> -> memref<128x32xf32, #tpu.memory_space<vmem>>
      %dma_start3A_254 = arith.constant 0 : i32
      %dma_start3A_255 = tpu.memref_slice %arg7[%add3A_248, %dma_start3A_254] : memref<160x128xi32, #tpu.memory_space<vmem>> -> memref<1x128xi32, #tpu.memory_space<vmem>>
      %dma_start3A_256 = tpu.memref_squeeze %dma_start3A_255 : memref<1x128xi32, #tpu.memory_space<vmem>> -> memref<128xi32, #tpu.memory_space<vmem>>
      %dma_start3A_257 = arith.constant 0 : i32
      %dma_start3A_258 = arith.constant 0 : i32
      %dma_start3A_259 = tpu.memref_slice %arg2[%arg0, %dma_start3A_257, %dma_start3A_258] : memref<2x10240x32xf32, #tpu.memory_space<hbm>> -> memref<1x10240x32xf32, #tpu.memory_space<hbm>>
      %dma_start3A_260 = tpu.memref_squeeze %dma_start3A_259 : memref<1x10240x32xf32, #tpu.memory_space<hbm>> -> memref<10240x32xf32, #tpu.memory_space<hbm>>
      %dma_start3A_261 = arith.constant 0 : i32
      %dma_start3A_262 = arith.constant 0 : i32
      %dma_start3A_263 = tpu.memref_slice %dma_start3A_260[%dma_start3A_261, %dma_start3A_262] : memref<10240x32xf32, #tpu.memory_space<hbm>> -> memref<10240x32xf32, #tpu.memory_space<hbm>>
      tpu.enqueue_indirect_dma source(%dma_start3A_263 : memref<10240x32xf32, #tpu.memory_space<hbm>>) target(%dma_start3A_253 : memref<128x32xf32, #tpu.memory_space<vmem>>) offsets(%dma_start3A_256 : memref<128xi32, #tpu.memory_space<vmem>>) semaphore(%arg11 : memref<!tpu.dma_semaphore, #tpu.memory_space<semaphore_mem>>)
      %dma_wait3A_264 = arith.constant 2 : i32
      %dma_wait3A_265 = arith.constant 0 : i32
      %dma_wait3A_266 = arith.constant 0 : i32
      %dma_wait3A_267 = tpu.memref_slice %arg9[%dma_wait3A_264, %dma_wait3A_265, %dma_wait3A_266] : memref<4x128x32xf32, #tpu.memory_space<vmem>> -> memref<1x128x32xf32, #tpu.memory_space<vmem>>
      %dma_wait3A_268 = tpu.memref_squeeze %dma_wait3A_267 : memref<1x128x32xf32, #tpu.memory_space<vmem>> -> memref<128x32xf32, #tpu.memory_space<vmem>>
      %dma_wait3A_269 = arith.constant 0 : i32
      %dma_wait3A_270 = tpu.memref_slice %arg7[%add3A_234, %dma_wait3A_269] : memref<160x128xi32, #tpu.memory_space<vmem>> -> memref<1x128xi32, #tpu.memory_space<vmem>>
      %dma_wait3A_271 = tpu.memref_squeeze %dma_wait3A_270 : memref<1x128xi32, #tpu.memory_space<vmem>> -> memref<128xi32, #tpu.memory_space<vmem>>
      %dma_wait3A_272 = arith.constant 0 : i32
      %dma_wait3A_273 = arith.constant 0 : i32
      %dma_wait3A_274 = tpu.memref_slice %arg2[%arg0, %dma_wait3A_272, %dma_wait3A_273] : memref<2x10240x32xf32, #tpu.memory_space<hbm>> -> memref<1x10240x32xf32, #tpu.memory_space<hbm>>
      %dma_wait3A_275 = tpu.memref_squeeze %dma_wait3A_274 : memref<1x10240x32xf32, #tpu.memory_space<hbm>> -> memref<10240x32xf32, #tpu.memory_space<hbm>>
      %dma_wait3A_276 = arith.constant 0 : i32
      %dma_wait3A_277 = arith.constant 0 : i32
      %dma_wait3A_278 = tpu.memref_slice %dma_wait3A_275[%dma_wait3A_276, %dma_wait3A_277] : memref<10240x32xf32, #tpu.memory_space<hbm>> -> memref<10240x32xf32, #tpu.memory_space<hbm>>
      tpu.wait_indirect_dma semaphore(%arg13 : memref<!tpu.dma_semaphore, #tpu.memory_space<semaphore_mem>>) src(%dma_wait3A_278 : memref<10240x32xf32, #tpu.memory_space<hbm>>) dst(%dma_wait3A_268 : memref<128x32xf32, #tpu.memory_space<vmem>>)
      %dma_start3A_279 = arith.constant 2 : i32
      %dma_start3A_280 = arith.constant 0 : i32
      %dma_start3A_281 = arith.constant 0 : i32
      %dma_start3A_282 = tpu.memref_slice %arg9[%dma_start3A_279, %dma_start3A_280, %dma_start3A_281] : memref<4x128x32xf32, #tpu.memory_space<vmem>> -> memref<1x128x32xf32, #tpu.memory_space<vmem>>
      %dma_start3A_283 = tpu.memref_squeeze %dma_start3A_282 : memref<1x128x32xf32, #tpu.memory_space<vmem>> -> memref<128x32xf32, #tpu.memory_space<vmem>>
      %dma_start3A_284 = arith.constant 0 : i32
      %dma_start3A_285 = tpu.memref_slice %arg8[%add3A_234, %dma_start3A_284] : memref<160x128xi32, #tpu.memory_space<vmem>> -> memref<1x128xi32, #tpu.memory_space<vmem>>
      %dma_start3A_286 = tpu.memref_squeeze %dma_start3A_285 : memref<1x128xi32, #tpu.memory_space<vmem>> -> memref<128xi32, #tpu.memory_space<vmem>>
      %dma_start3A_287 = arith.constant 0 : i32
      %dma_start3A_288 = arith.constant 0 : i32
      %dma_start3A_289 = tpu.memref_slice %arg10[%dma_start3A_287, %dma_start3A_288] : memref<10240x32xf32, #tpu.memory_space<vmem_shared>> -> memref<10240x32xf32, #tpu.memory_space<vmem_shared>>
      tpu.enqueue_indirect_dma source(%dma_start3A_283 : memref<128x32xf32, #tpu.memory_space<vmem>>) target(%dma_start3A_289 : memref<10240x32xf32, #tpu.memory_space<vmem_shared>>) offsets(%dma_start3A_286 : memref<128xi32, #tpu.memory_space<vmem>>) semaphore(%arg17 : memref<!tpu.dma_semaphore, #tpu.memory_space<semaphore_mem>>) {add = true}
      %add3A_290 = arith.constant 1 : i32
      %add3A_291 = arith.addi %add3A_232, %add3A_290 : i32
      %sub3A_292 = arith.constant 2 : i32
      %sub3A_293 = arith.subi %add3A_291, %sub3A_292 : i32
      %dma_wait3A_294 = arith.constant 1 : i32
      %dma_wait3A_295 = arith.constant 0 : i32
      %dma_wait3A_296 = arith.constant 0 : i32
      %dma_wait3A_297 = tpu.memref_slice %arg9[%dma_wait3A_294, %dma_wait3A_295, %dma_wait3A_296] : memref<4x128x32xf32, #tpu.memory_space<vmem>> -> memref<1x128x32xf32, #tpu.memory_space<vmem>>
      %dma_wait3A_298 = tpu.memref_squeeze %dma_wait3A_297 : memref<1x128x32xf32, #tpu.memory_space<vmem>> -> memref<128x32xf32, #tpu.memory_space<vmem>>
      %dma_wait3A_299 = arith.constant 0 : i32
      %dma_wait3A_300 = tpu.memref_slice %arg8[%sub3A_293, %dma_wait3A_299] : memref<160x128xi32, #tpu.memory_space<vmem>> -> memref<1x128xi32, #tpu.memory_space<vmem>>
      %dma_wait3A_301 = tpu.memref_squeeze %dma_wait3A_300 : memref<1x128xi32, #tpu.memory_space<vmem>> -> memref<128xi32, #tpu.memory_space<vmem>>
      %dma_wait3A_302 = arith.constant 0 : i32
      %dma_wait3A_303 = arith.constant 0 : i32
      %dma_wait3A_304 = tpu.memref_slice %arg10[%dma_wait3A_302, %dma_wait3A_303] : memref<10240x32xf32, #tpu.memory_space<vmem_shared>> -> memref<10240x32xf32, #tpu.memory_space<vmem_shared>>
      tpu.wait_indirect_dma semaphore(%arg16 : memref<!tpu.dma_semaphore, #tpu.memory_space<semaphore_mem>>) src(%dma_wait3A_298 : memref<128x32xf32, #tpu.memory_space<vmem>>) dst(%dma_wait3A_304 : memref<10240x32xf32, #tpu.memory_space<vmem_shared>>)
      %add3A_305 = arith.constant 2 : i32
      %add3A_306 = arith.addi %add3A_291, %add3A_305 : i32
      %dma_start3A_307 = arith.constant 1 : i32
      %dma_start3A_308 = arith.constant 0 : i32
      %dma_start3A_309 = arith.constant 0 : i32
      %dma_start3A_310 = tpu.memref_slice %arg9[%dma_start3A_307, %dma_start3A_308, %dma_start3A_309] : memref<4x128x32xf32, #tpu.memory_space<vmem>> -> memref<1x128x32xf32, #tpu.memory_space<vmem>>
      %dma_start3A_311 = tpu.memref_squeeze %dma_start3A_310 : memref<1x128x32xf32, #tpu.memory_space<vmem>> -> memref<128x32xf32, #tpu.memory_space<vmem>>
      %dma_start3A_312 = arith.constant 0 : i32
      %dma_start3A_313 = tpu.memref_slice %arg7[%add3A_306, %dma_start3A_312] : memref<160x128xi32, #tpu.memory_space<vmem>> -> memref<1x128xi32, #tpu.memory_space<vmem>>
      %dma_start3A_314 = tpu.memref_squeeze %dma_start3A_313 : memref<1x128xi32, #tpu.memory_space<vmem>> -> memref<128xi32, #tpu.memory_space<vmem>>
      %dma_start3A_315 = arith.constant 0 : i32
      %dma_start3A_316 = arith.constant 0 : i32
      %dma_start3A_317 = tpu.memref_slice %arg2[%arg0, %dma_start3A_315, %dma_start3A_316] : memref<2x10240x32xf32, #tpu.memory_space<hbm>> -> memref<1x10240x32xf32, #tpu.memory_space<hbm>>
      %dma_start3A_318 = tpu.memref_squeeze %dma_start3A_317 : memref<1x10240x32xf32, #tpu.memory_space<hbm>> -> memref<10240x32xf32, #tpu.memory_space<hbm>>
      %dma_start3A_319 = arith.constant 0 : i32
      %dma_start3A_320 = arith.constant 0 : i32
      %dma_start3A_321 = tpu.memref_slice %dma_start3A_318[%dma_start3A_319, %dma_start3A_320] : memref<10240x32xf32, #tpu.memory_space<hbm>> -> memref<10240x32xf32, #tpu.memory_space<hbm>>
      tpu.enqueue_indirect_dma source(%dma_start3A_321 : memref<10240x32xf32, #tpu.memory_space<hbm>>) target(%dma_start3A_311 : memref<128x32xf32, #tpu.memory_space<vmem>>) offsets(%dma_start3A_314 : memref<128xi32, #tpu.memory_space<vmem>>) semaphore(%arg12 : memref<!tpu.dma_semaphore, #tpu.memory_space<semaphore_mem>>)
      %dma_wait3A_322 = arith.constant 3 : i32
      %dma_wait3A_323 = arith.constant 0 : i32
      %dma_wait3A_324 = arith.constant 0 : i32
      %dma_wait3A_325 = tpu.memref_slice %arg9[%dma_wait3A_322, %dma_wait3A_323, %dma_wait3A_324] : memref<4x128x32xf32, #tpu.memory_space<vmem>> -> memref<1x128x32xf32, #tpu.memory_space<vmem>>
      %dma_wait3A_326 = tpu.memref_squeeze %dma_wait3A_325 : memref<1x128x32xf32, #tpu.memory_space<vmem>> -> memref<128x32xf32, #tpu.memory_space<vmem>>
      %dma_wait3A_327 = arith.constant 0 : i32
      %dma_wait3A_328 = tpu.memref_slice %arg7[%add3A_291, %dma_wait3A_327] : memref<160x128xi32, #tpu.memory_space<vmem>> -> memref<1x128xi32, #tpu.memory_space<vmem>>
      %dma_wait3A_329 = tpu.memref_squeeze %dma_wait3A_328 : memref<1x128xi32, #tpu.memory_space<vmem>> -> memref<128xi32, #tpu.memory_space<vmem>>
      %dma_wait3A_330 = arith.constant 0 : i32
      %dma_wait3A_331 = arith.constant 0 : i32
      %dma_wait3A_332 = tpu.memref_slice %arg2[%arg0, %dma_wait3A_330, %dma_wait3A_331] : memref<2x10240x32xf32, #tpu.memory_space<hbm>> -> memref<1x10240x32xf32, #tpu.memory_space<hbm>>
      %dma_wait3A_333 = tpu.memref_squeeze %dma_wait3A_332 : memref<1x10240x32xf32, #tpu.memory_space<hbm>> -> memref<10240x32xf32, #tpu.memory_space<hbm>>
      %dma_wait3A_334 = arith.constant 0 : i32
      %dma_wait3A_335 = arith.constant 0 : i32
      %dma_wait3A_336 = tpu.memref_slice %dma_wait3A_333[%dma_wait3A_334, %dma_wait3A_335] : memref<10240x32xf32, #tpu.memory_space<hbm>> -> memref<10240x32xf32, #tpu.memory_space<hbm>>
      tpu.wait_indirect_dma semaphore(%arg14 : memref<!tpu.dma_semaphore, #tpu.memory_space<semaphore_mem>>) src(%dma_wait3A_336 : memref<10240x32xf32, #tpu.memory_space<hbm>>) dst(%dma_wait3A_326 : memref<128x32xf32, #tpu.memory_space<vmem>>)
      %dma_start3A_337 = arith.constant 3 : i32
      %dma_start3A_338 = arith.constant 0 : i32
      %dma_start3A_339 = arith.constant 0 : i32
      %dma_start3A_340 = tpu.memref_slice %arg9[%dma_start3A_337, %dma_start3A_338, %dma_start3A_339] : memref<4x128x32xf32, #tpu.memory_space<vmem>> -> memref<1x128x32xf32, #tpu.memory_space<vmem>>
      %dma_start3A_341 = tpu.memref_squeeze %dma_start3A_340 : memref<1x128x32xf32, #tpu.memory_space<vmem>> -> memref<128x32xf32, #tpu.memory_space<vmem>>
      %dma_start3A_342 = arith.constant 0 : i32
      %dma_start3A_343 = tpu.memref_slice %arg8[%add3A_291, %dma_start3A_342] : memref<160x128xi32, #tpu.memory_space<vmem>> -> memref<1x128xi32, #tpu.memory_space<vmem>>
      %dma_start3A_344 = tpu.memref_squeeze %dma_start3A_343 : memref<1x128xi32, #tpu.memory_space<vmem>> -> memref<128xi32, #tpu.memory_space<vmem>>
      %dma_start3A_345 = arith.constant 0 : i32
      %dma_start3A_346 = arith.constant 0 : i32
      %dma_start3A_347 = tpu.memref_slice %arg10[%dma_start3A_345, %dma_start3A_346] : memref<10240x32xf32, #tpu.memory_space<vmem_shared>> -> memref<10240x32xf32, #tpu.memory_space<vmem_shared>>
      tpu.enqueue_indirect_dma source(%dma_start3A_341 : memref<128x32xf32, #tpu.memory_space<vmem>>) target(%dma_start3A_347 : memref<10240x32xf32, #tpu.memory_space<vmem_shared>>) offsets(%dma_start3A_344 : memref<128xi32, #tpu.memory_space<vmem>>) semaphore(%arg18 : memref<!tpu.dma_semaphore, #tpu.memory_space<semaphore_mem>>) {add = true}
      %add3A_348 = arith.constant 2 : i32
      %add3A_349 = arith.addi %add3A_232, %add3A_348 : i32
      %sub3A_350 = arith.constant 2 : i32
      %sub3A_351 = arith.subi %add3A_349, %sub3A_350 : i32
      %dma_wait3A_352 = arith.constant 2 : i32
      %dma_wait3A_353 = arith.constant 0 : i32
      %dma_wait3A_354 = arith.constant 0 : i32
      %dma_wait3A_355 = tpu.memref_slice %arg9[%dma_wait3A_352, %dma_wait3A_353, %dma_wait3A_354] : memref<4x128x32xf32, #tpu.memory_space<vmem>> -> memref<1x128x32xf32, #tpu.memory_space<vmem>>
      %dma_wait3A_356 = tpu.memref_squeeze %dma_wait3A_355 : memref<1x128x32xf32, #tpu.memory_space<vmem>> -> memref<128x32xf32, #tpu.memory_space<vmem>>
      %dma_wait3A_357 = arith.constant 0 : i32
      %dma_wait3A_358 = tpu.memref_slice %arg8[%sub3A_351, %dma_wait3A_357] : memref<160x128xi32, #tpu.memory_space<vmem>> -> memref<1x128xi32, #tpu.memory_space<vmem>>
      %dma_wait3A_359 = tpu.memref_squeeze %dma_wait3A_358 : memref<1x128xi32, #tpu.memory_space<vmem>> -> memref<128xi32, #tpu.memory_space<vmem>>
      %dma_wait3A_360 = arith.constant 0 : i32
      %dma_wait3A_361 = arith.constant 0 : i32
      %dma_wait3A_362 = tpu.memref_slice %arg10[%dma_wait3A_360, %dma_wait3A_361] : memref<10240x32xf32, #tpu.memory_space<vmem_shared>> -> memref<10240x32xf32, #tpu.memory_space<vmem_shared>>
      tpu.wait_indirect_dma semaphore(%arg17 : memref<!tpu.dma_semaphore, #tpu.memory_space<semaphore_mem>>) src(%dma_wait3A_356 : memref<128x32xf32, #tpu.memory_space<vmem>>) dst(%dma_wait3A_362 : memref<10240x32xf32, #tpu.memory_space<vmem_shared>>)
      %add3A_363 = arith.constant 2 : i32
      %add3A_364 = arith.addi %add3A_349, %add3A_363 : i32
      %dma_start3A_365 = arith.constant 2 : i32
      %dma_start3A_366 = arith.constant 0 : i32
      %dma_start3A_367 = arith.constant 0 : i32
      %dma_start3A_368 = tpu.memref_slice %arg9[%dma_start3A_365, %dma_start3A_366, %dma_start3A_367] : memref<4x128x32xf32, #tpu.memory_space<vmem>> -> memref<1x128x32xf32, #tpu.memory_space<vmem>>
      %dma_start3A_369 = tpu.memref_squeeze %dma_start3A_368 : memref<1x128x32xf32, #tpu.memory_space<vmem>> -> memref<128x32xf32, #tpu.memory_space<vmem>>
      %dma_start3A_370 = arith.constant 0 : i32
      %dma_start3A_371 = tpu.memref_slice %arg7[%add3A_364, %dma_start3A_370] : memref<160x128xi32, #tpu.memory_space<vmem>> -> memref<1x128xi32, #tpu.memory_space<vmem>>
      %dma_start3A_372 = tpu.memref_squeeze %dma_start3A_371 : memref<1x128xi32, #tpu.memory_space<vmem>> -> memref<128xi32, #tpu.memory_space<vmem>>
      %dma_start3A_373 = arith.constant 0 : i32
      %dma_start3A_374 = arith.constant 0 : i32
      %dma_start3A_375 = tpu.memref_slice %arg2[%arg0, %dma_start3A_373, %dma_start3A_374] : memref<2x10240x32xf32, #tpu.memory_space<hbm>> -> memref<1x10240x32xf32, #tpu.memory_space<hbm>>
      %dma_start3A_376 = tpu.memref_squeeze %dma_start3A_375 : memref<1x10240x32xf32, #tpu.memory_space<hbm>> -> memref<10240x32xf32, #tpu.memory_space<hbm>>
      %dma_start3A_377 = arith.constant 0 : i32
      %dma_start3A_378 = arith.constant 0 : i32
      %dma_start3A_379 = tpu.memref_slice %dma_start3A_376[%dma_start3A_377, %dma_start3A_378] : memref<10240x32xf32, #tpu.memory_space<hbm>> -> memref<10240x32xf32, #tpu.memory_space<hbm>>
      tpu.enqueue_indirect_dma source(%dma_start3A_379 : memref<10240x32xf32, #tpu.memory_space<hbm>>) target(%dma_start3A_369 : memref<128x32xf32, #tpu.memory_space<vmem>>) offsets(%dma_start3A_372 : memref<128xi32, #tpu.memory_space<vmem>>) semaphore(%arg13 : memref<!tpu.dma_semaphore, #tpu.memory_space<semaphore_mem>>)
      %dma_wait3A_380 = arith.constant 0 : i32
      %dma_wait3A_381 = arith.constant 0 : i32
      %dma_wait3A_382 = arith.constant 0 : i32
      %dma_wait3A_383 = tpu.memref_slice %arg9[%dma_wait3A_380, %dma_wait3A_381, %dma_wait3A_382] : memref<4x128x32xf32, #tpu.memory_space<vmem>> -> memref<1x128x32xf32, #tpu.memory_space<vmem>>
      %dma_wait3A_384 = tpu.memref_squeeze %dma_wait3A_383 : memref<1x128x32xf32, #tpu.memory_space<vmem>> -> memref<128x32xf32, #tpu.memory_space<vmem>>
      %dma_wait3A_385 = arith.constant 0 : i32
      %dma_wait3A_386 = tpu.memref_slice %arg7[%add3A_349, %dma_wait3A_385] : memref<160x128xi32, #tpu.memory_space<vmem>> -> memref<1x128xi32, #tpu.memory_space<vmem>>
      %dma_wait3A_387 = tpu.memref_squeeze %dma_wait3A_386 : memref<1x128xi32, #tpu.memory_space<vmem>> -> memref<128xi32, #tpu.memory_space<vmem>>
      %dma_wait3A_388 = arith.constant 0 : i32
      %dma_wait3A_389 = arith.constant 0 : i32
      %dma_wait3A_390 = tpu.memref_slice %arg2[%arg0, %dma_wait3A_388, %dma_wait3A_389] : memref<2x10240x32xf32, #tpu.memory_space<hbm>> -> memref<1x10240x32xf32, #tpu.memory_space<hbm>>
      %dma_wait3A_391 = tpu.memref_squeeze %dma_wait3A_390 : memref<1x10240x32xf32, #tpu.memory_space<hbm>> -> memref<10240x32xf32, #tpu.memory_space<hbm>>
      %dma_wait3A_392 = arith.constant 0 : i32
      %dma_wait3A_393 = arith.constant 0 : i32
      %dma_wait3A_394 = tpu.memref_slice %dma_wait3A_391[%dma_wait3A_392, %dma_wait3A_393] : memref<10240x32xf32, #tpu.memory_space<hbm>> -> memref<10240x32xf32, #tpu.memory_space<hbm>>
      tpu.wait_indirect_dma semaphore(%arg11 : memref<!tpu.dma_semaphore, #tpu.memory_space<semaphore_mem>>) src(%dma_wait3A_394 : memref<10240x32xf32, #tpu.memory_space<hbm>>) dst(%dma_wait3A_384 : memref<128x32xf32, #tpu.memory_space<vmem>>)
      %dma_start3A_395 = arith.constant 0 : i32
      %dma_start3A_396 = arith.constant 0 : i32
      %dma_start3A_397 = arith.constant 0 : i32
      %dma_start3A_398 = tpu.memref_slice %arg9[%dma_start3A_395, %dma_start3A_396, %dma_start3A_397] : memref<4x128x32xf32, #tpu.memory_space<vmem>> -> memref<1x128x32xf32, #tpu.memory_space<vmem>>
      %dma_start3A_399 = tpu.memref_squeeze %dma_start3A_398 : memref<1x128x32xf32, #tpu.memory_space<vmem>> -> memref<128x32xf32, #tpu.memory_space<vmem>>
      %dma_start3A_400 = arith.constant 0 : i32
      %dma_start3A_401 = tpu.memref_slice %arg8[%add3A_349, %dma_start3A_400] : memref<160x128xi32, #tpu.memory_space<vmem>> -> memref<1x128xi32, #tpu.memory_space<vmem>>
      %dma_start3A_402 = tpu.memref_squeeze %dma_start3A_401 : memref<1x128xi32, #tpu.memory_space<vmem>> -> memref<128xi32, #tpu.memory_space<vmem>>
      %dma_start3A_403 = arith.constant 0 : i32
      %dma_start3A_404 = arith.constant 0 : i32
      %dma_start3A_405 = tpu.memref_slice %arg10[%dma_start3A_403, %dma_start3A_404] : memref<10240x32xf32, #tpu.memory_space<vmem_shared>> -> memref<10240x32xf32, #tpu.memory_space<vmem_shared>>
      tpu.enqueue_indirect_dma source(%dma_start3A_399 : memref<128x32xf32, #tpu.memory_space<vmem>>) target(%dma_start3A_405 : memref<10240x32xf32, #tpu.memory_space<vmem_shared>>) offsets(%dma_start3A_402 : memref<128xi32, #tpu.memory_space<vmem>>) semaphore(%arg15 : memref<!tpu.dma_semaphore, #tpu.memory_space<semaphore_mem>>) {add = true}
      %add3A_406 = arith.constant 3 : i32
      %add3A_407 = arith.addi %add3A_232, %add3A_406 : i32
      %sub3A_408 = arith.constant 2 : i32
      %sub3A_409 = arith.subi %add3A_407, %sub3A_408 : i32
      %dma_wait3A_410 = arith.constant 3 : i32
      %dma_wait3A_411 = arith.constant 0 : i32
      %dma_wait3A_412 = arith.constant 0 : i32
      %dma_wait3A_413 = tpu.memref_slice %arg9[%dma_wait3A_410, %dma_wait3A_411, %dma_wait3A_412] : memref<4x128x32xf32, #tpu.memory_space<vmem>> -> memref<1x128x32xf32, #tpu.memory_space<vmem>>
      %dma_wait3A_414 = tpu.memref_squeeze %dma_wait3A_413 : memref<1x128x32xf32, #tpu.memory_space<vmem>> -> memref<128x32xf32, #tpu.memory_space<vmem>>
      %dma_wait3A_415 = arith.constant 0 : i32
      %dma_wait3A_416 = tpu.memref_slice %arg8[%sub3A_409, %dma_wait3A_415] : memref<160x128xi32, #tpu.memory_space<vmem>> -> memref<1x128xi32, #tpu.memory_space<vmem>>
      %dma_wait3A_417 = tpu.memref_squeeze %dma_wait3A_416 : memref<1x128xi32, #tpu.memory_space<vmem>> -> memref<128xi32, #tpu.memory_space<vmem>>
      %dma_wait3A_418 = arith.constant 0 : i32
      %dma_wait3A_419 = arith.constant 0 : i32
      %dma_wait3A_420 = tpu.memref_slice %arg10[%dma_wait3A_418, %dma_wait3A_419] : memref<10240x32xf32, #tpu.memory_space<vmem_shared>> -> memref<10240x32xf32, #tpu.memory_space<vmem_shared>>
      tpu.wait_indirect_dma semaphore(%arg18 : memref<!tpu.dma_semaphore, #tpu.memory_space<semaphore_mem>>) src(%dma_wait3A_414 : memref<128x32xf32, #tpu.memory_space<vmem>>) dst(%dma_wait3A_420 : memref<10240x32xf32, #tpu.memory_space<vmem_shared>>)
      %add3A_421 = arith.constant 2 : i32
      %add3A_422 = arith.addi %add3A_407, %add3A_421 : i32
      %dma_start3A_423 = arith.constant 3 : i32
      %dma_start3A_424 = arith.constant 0 : i32
      %dma_start3A_425 = arith.constant 0 : i32
      %dma_start3A_426 = tpu.memref_slice %arg9[%dma_start3A_423, %dma_start3A_424, %dma_start3A_425] : memref<4x128x32xf32, #tpu.memory_space<vmem>> -> memref<1x128x32xf32, #tpu.memory_space<vmem>>
      %dma_start3A_427 = tpu.memref_squeeze %dma_start3A_426 : memref<1x128x32xf32, #tpu.memory_space<vmem>> -> memref<128x32xf32, #tpu.memory_space<vmem>>
      %dma_start3A_428 = arith.constant 0 : i32
      %dma_start3A_429 = tpu.memref_slice %arg7[%add3A_422, %dma_start3A_428] : memref<160x128xi32, #tpu.memory_space<vmem>> -> memref<1x128xi32, #tpu.memory_space<vmem>>
      %dma_start3A_430 = tpu.memref_squeeze %dma_start3A_429 : memref<1x128xi32, #tpu.memory_space<vmem>> -> memref<128xi32, #tpu.memory_space<vmem>>
      %dma_start3A_431 = arith.constant 0 : i32
      %dma_start3A_432 = arith.constant 0 : i32
      %dma_start3A_433 = tpu.memref_slice %arg2[%arg0, %dma_start3A_431, %dma_start3A_432] : memref<2x10240x32xf32, #tpu.memory_space<hbm>> -> memref<1x10240x32xf32, #tpu.memory_space<hbm>>
      %dma_start3A_434 = tpu.memref_squeeze %dma_start3A_433 : memref<1x10240x32xf32, #tpu.memory_space<hbm>> -> memref<10240x32xf32, #tpu.memory_space<hbm>>
      %dma_start3A_435 = arith.constant 0 : i32
      %dma_start3A_436 = arith.constant 0 : i32
      %dma_start3A_437 = tpu.memref_slice %dma_start3A_434[%dma_start3A_435, %dma_start3A_436] : memref<10240x32xf32, #tpu.memory_space<hbm>> -> memref<10240x32xf32, #tpu.memory_space<hbm>>
      tpu.enqueue_indirect_dma source(%dma_start3A_437 : memref<10240x32xf32, #tpu.memory_space<hbm>>) target(%dma_start3A_427 : memref<128x32xf32, #tpu.memory_space<vmem>>) offsets(%dma_start3A_430 : memref<128xi32, #tpu.memory_space<vmem>>) semaphore(%arg14 : memref<!tpu.dma_semaphore, #tpu.memory_space<semaphore_mem>>)
      %dma_wait3A_438 = arith.constant 1 : i32
      %dma_wait3A_439 = arith.constant 0 : i32
      %dma_wait3A_440 = arith.constant 0 : i32
      %dma_wait3A_441 = tpu.memref_slice %arg9[%dma_wait3A_438, %dma_wait3A_439, %dma_wait3A_440] : memref<4x128x32xf32, #tpu.memory_space<vmem>> -> memref<1x128x32xf32, #tpu.memory_space<vmem>>
      %dma_wait3A_442 = tpu.memref_squeeze %dma_wait3A_441 : memref<1x128x32xf32, #tpu.memory_space<vmem>> -> memref<128x32xf32, #tpu.memory_space<vmem>>
      %dma_wait3A_443 = arith.constant 0 : i32
      %dma_wait3A_444 = tpu.memref_slice %arg7[%add3A_407, %dma_wait3A_443] : memref<160x128xi32, #tpu.memory_space<vmem>> -> memref<1x128xi32, #tpu.memory_space<vmem>>
      %dma_wait3A_445 = tpu.memref_squeeze %dma_wait3A_444 : memref<1x128xi32, #tpu.memory_space<vmem>> -> memref<128xi32, #tpu.memory_space<vmem>>
      %dma_wait3A_446 = arith.constant 0 : i32
      %dma_wait3A_447 = arith.constant 0 : i32
      %dma_wait3A_448 = tpu.memref_slice %arg2[%arg0, %dma_wait3A_446, %dma_wait3A_447] : memref<2x10240x32xf32, #tpu.memory_space<hbm>> -> memref<1x10240x32xf32, #tpu.memory_space<hbm>>
      %dma_wait3A_449 = tpu.memref_squeeze %dma_wait3A_448 : memref<1x10240x32xf32, #tpu.memory_space<hbm>> -> memref<10240x32xf32, #tpu.memory_space<hbm>>
      %dma_wait3A_450 = arith.constant 0 : i32
      %dma_wait3A_451 = arith.constant 0 : i32
      %dma_wait3A_452 = tpu.memref_slice %dma_wait3A_449[%dma_wait3A_450, %dma_wait3A_451] : memref<10240x32xf32, #tpu.memory_space<hbm>> -> memref<10240x32xf32, #tpu.memory_space<hbm>>
      tpu.wait_indirect_dma semaphore(%arg12 : memref<!tpu.dma_semaphore, #tpu.memory_space<semaphore_mem>>) src(%dma_wait3A_452 : memref<10240x32xf32, #tpu.memory_space<hbm>>) dst(%dma_wait3A_442 : memref<128x32xf32, #tpu.memory_space<vmem>>)
      %dma_start3A_453 = arith.constant 1 : i32
      %dma_start3A_454 = arith.constant 0 : i32
      %dma_start3A_455 = arith.constant 0 : i32
      %dma_start3A_456 = tpu.memref_slice %arg9[%dma_start3A_453, %dma_start3A_454, %dma_start3A_455] : memref<4x128x32xf32, #tpu.memory_space<vmem>> -> memref<1x128x32xf32, #tpu.memory_space<vmem>>
      %dma_start3A_457 = tpu.memref_squeeze %dma_start3A_456 : memref<1x128x32xf32, #tpu.memory_space<vmem>> -> memref<128x32xf32, #tpu.memory_space<vmem>>
      %dma_start3A_458 = arith.constant 0 : i32
      %dma_start3A_459 = tpu.memref_slice %arg8[%add3A_407, %dma_start3A_458] : memref<160x128xi32, #tpu.memory_space<vmem>> -> memref<1x128xi32, #tpu.memory_space<vmem>>
      %dma_start3A_460 = tpu.memref_squeeze %dma_start3A_459 : memref<1x128xi32, #tpu.memory_space<vmem>> -> memref<128xi32, #tpu.memory_space<vmem>>
      %dma_start3A_461 = arith.constant 0 : i32
      %dma_start3A_462 = arith.constant 0 : i32
      %dma_start3A_463 = tpu.memref_slice %arg10[%dma_start3A_461, %dma_start3A_462] : memref<10240x32xf32, #tpu.memory_space<vmem_shared>> -> memref<10240x32xf32, #tpu.memory_space<vmem_shared>>
      tpu.enqueue_indirect_dma source(%dma_start3A_457 : memref<128x32xf32, #tpu.memory_space<vmem>>) target(%dma_start3A_463 : memref<10240x32xf32, #tpu.memory_space<vmem_shared>>) offsets(%dma_start3A_460 : memref<128xi32, #tpu.memory_space<vmem>>) semaphore(%arg16 : memref<!tpu.dma_semaphore, #tpu.memory_space<semaphore_mem>>) {add = true}
    }
    %scan3A_123 = arith.constant 39 : i32
    %dma_wait3A_124 = arith.constant 0 : i32
    %dma_wait3A_125 = arith.constant 156 : i32
    %dma_wait3A_126 = arith.constant 0 : i32
    %dma_wait3A_127 = arith.constant 0 : i32
    %dma_wait3A_128 = tpu.memref_slice %arg9[%dma_wait3A_124, %dma_wait3A_126, %dma_wait3A_127] : memref<4x128x32xf32, #tpu.memory_space<vmem>> -> memref<1x128x32xf32, #tpu.memory_space<vmem>>
    %dma_wait3A_129 = tpu.memref_squeeze %dma_wait3A_128 : memref<1x128x32xf32, #tpu.memory_space<vmem>> -> memref<128x32xf32, #tpu.memory_space<vmem>>
    %dma_wait3A_130 = arith.constant 0 : i32
    %dma_wait3A_131 = tpu.memref_slice %arg8[%dma_wait3A_125, %dma_wait3A_130] : memref<160x128xi32, #tpu.memory_space<vmem>> -> memref<1x128xi32, #tpu.memory_space<vmem>>
    %dma_wait3A_132 = tpu.memref_squeeze %dma_wait3A_131 : memref<1x128xi32, #tpu.memory_space<vmem>> -> memref<128xi32, #tpu.memory_space<vmem>>
    %dma_wait3A_133 = arith.constant 0 : i32
    %dma_wait3A_134 = arith.constant 0 : i32
    %dma_wait3A_135 = tpu.memref_slice %arg10[%dma_wait3A_133, %dma_wait3A_134] : memref<10240x32xf32, #tpu.memory_space<vmem_shared>> -> memref<10240x32xf32, #tpu.memory_space<vmem_shared>>
    tpu.wait_indirect_dma semaphore(%arg15 : memref<!tpu.dma_semaphore, #tpu.memory_space<semaphore_mem>>) src(%dma_wait3A_129 : memref<128x32xf32, #tpu.memory_space<vmem>>) dst(%dma_wait3A_135 : memref<10240x32xf32, #tpu.memory_space<vmem_shared>>)
    %dma_wait3A_136 = arith.constant 158 : i32
    %dma_wait3A_137 = arith.constant 2 : i32
    %dma_wait3A_138 = arith.constant 0 : i32
    %dma_wait3A_139 = arith.constant 0 : i32
    %dma_wait3A_140 = tpu.memref_slice %arg9[%dma_wait3A_137, %dma_wait3A_138, %dma_wait3A_139] : memref<4x128x32xf32, #tpu.memory_space<vmem>> -> memref<1x128x32xf32, #tpu.memory_space<vmem>>
    %dma_wait3A_141 = tpu.memref_squeeze %dma_wait3A_140 : memref<1x128x32xf32, #tpu.memory_space<vmem>> -> memref<128x32xf32, #tpu.memory_space<vmem>>
    %dma_wait3A_142 = arith.constant 0 : i32
    %dma_wait3A_143 = tpu.memref_slice %arg7[%dma_wait3A_136, %dma_wait3A_142] : memref<160x128xi32, #tpu.memory_space<vmem>> -> memref<1x128xi32, #tpu.memory_space<vmem>>
    %dma_wait3A_144 = tpu.memref_squeeze %dma_wait3A_143 : memref<1x128xi32, #tpu.memory_space<vmem>> -> memref<128xi32, #tpu.memory_space<vmem>>
    %dma_wait3A_145 = arith.constant 0 : i32
    %dma_wait3A_146 = arith.constant 0 : i32
    %dma_wait3A_147 = tpu.memref_slice %arg2[%arg0, %dma_wait3A_145, %dma_wait3A_146] : memref<2x10240x32xf32, #tpu.memory_space<hbm>> -> memref<1x10240x32xf32, #tpu.memory_space<hbm>>
    %dma_wait3A_148 = tpu.memref_squeeze %dma_wait3A_147 : memref<1x10240x32xf32, #tpu.memory_space<hbm>> -> memref<10240x32xf32, #tpu.memory_space<hbm>>
    %dma_wait3A_149 = arith.constant 0 : i32
    %dma_wait3A_150 = arith.constant 0 : i32
    %dma_wait3A_151 = tpu.memref_slice %dma_wait3A_148[%dma_wait3A_149, %dma_wait3A_150] : memref<10240x32xf32, #tpu.memory_space<hbm>> -> memref<10240x32xf32, #tpu.memory_space<hbm>>
    tpu.wait_indirect_dma semaphore(%arg13 : memref<!tpu.dma_semaphore, #tpu.memory_space<semaphore_mem>>) src(%dma_wait3A_151 : memref<10240x32xf32, #tpu.memory_space<hbm>>) dst(%dma_wait3A_141 : memref<128x32xf32, #tpu.memory_space<vmem>>)
    %dma_start3A_152 = arith.constant 2 : i32
    %dma_start3A_153 = arith.constant 158 : i32
    %dma_start3A_154 = arith.constant 0 : i32
    %dma_start3A_155 = arith.constant 0 : i32
    %dma_start3A_156 = tpu.memref_slice %arg9[%dma_start3A_152, %dma_start3A_154, %dma_start3A_155] : memref<4x128x32xf32, #tpu.memory_space<vmem>> -> memref<1x128x32xf32, #tpu.memory_space<vmem>>
    %dma_start3A_157 = tpu.memref_squeeze %dma_start3A_156 : memref<1x128x32xf32, #tpu.memory_space<vmem>> -> memref<128x32xf32, #tpu.memory_space<vmem>>
    %dma_start3A_158 = arith.constant 0 : i32
    %dma_start3A_159 = tpu.memref_slice %arg8[%dma_start3A_153, %dma_start3A_158] : memref<160x128xi32, #tpu.memory_space<vmem>> -> memref<1x128xi32, #tpu.memory_space<vmem>>
    %dma_start3A_160 = tpu.memref_squeeze %dma_start3A_159 : memref<1x128xi32, #tpu.memory_space<vmem>> -> memref<128xi32, #tpu.memory_space<vmem>>
    %dma_start3A_161 = arith.constant 0 : i32
    %dma_start3A_162 = arith.constant 0 : i32
    %dma_start3A_163 = tpu.memref_slice %arg10[%dma_start3A_161, %dma_start3A_162] : memref<10240x32xf32, #tpu.memory_space<vmem_shared>> -> memref<10240x32xf32, #tpu.memory_space<vmem_shared>>
    tpu.enqueue_indirect_dma source(%dma_start3A_157 : memref<128x32xf32, #tpu.memory_space<vmem>>) target(%dma_start3A_163 : memref<10240x32xf32, #tpu.memory_space<vmem_shared>>) offsets(%dma_start3A_160 : memref<128xi32, #tpu.memory_space<vmem>>) semaphore(%arg17 : memref<!tpu.dma_semaphore, #tpu.memory_space<semaphore_mem>>) {add = true}
    %dma_wait3A_164 = arith.constant 1 : i32
    %dma_wait3A_165 = arith.constant 157 : i32
    %dma_wait3A_166 = arith.constant 0 : i32
    %dma_wait3A_167 = arith.constant 0 : i32
    %dma_wait3A_168 = tpu.memref_slice %arg9[%dma_wait3A_164, %dma_wait3A_166, %dma_wait3A_167] : memref<4x128x32xf32, #tpu.memory_space<vmem>> -> memref<1x128x32xf32, #tpu.memory_space<vmem>>
    %dma_wait3A_169 = tpu.memref_squeeze %dma_wait3A_168 : memref<1x128x32xf32, #tpu.memory_space<vmem>> -> memref<128x32xf32, #tpu.memory_space<vmem>>
    %dma_wait3A_170 = arith.constant 0 : i32
    %dma_wait3A_171 = tpu.memref_slice %arg8[%dma_wait3A_165, %dma_wait3A_170] : memref<160x128xi32, #tpu.memory_space<vmem>> -> memref<1x128xi32, #tpu.memory_space<vmem>>
    %dma_wait3A_172 = tpu.memref_squeeze %dma_wait3A_171 : memref<1x128xi32, #tpu.memory_space<vmem>> -> memref<128xi32, #tpu.memory_space<vmem>>
    %dma_wait3A_173 = arith.constant 0 : i32
    %dma_wait3A_174 = arith.constant 0 : i32
    %dma_wait3A_175 = tpu.memref_slice %arg10[%dma_wait3A_173, %dma_wait3A_174] : memref<10240x32xf32, #tpu.memory_space<vmem_shared>> -> memref<10240x32xf32, #tpu.memory_space<vmem_shared>>
    tpu.wait_indirect_dma semaphore(%arg16 : memref<!tpu.dma_semaphore, #tpu.memory_space<semaphore_mem>>) src(%dma_wait3A_169 : memref<128x32xf32, #tpu.memory_space<vmem>>) dst(%dma_wait3A_175 : memref<10240x32xf32, #tpu.memory_space<vmem_shared>>)
    %dma_wait3A_176 = arith.constant 159 : i32
    %dma_wait3A_177 = arith.constant 3 : i32
    %dma_wait3A_178 = arith.constant 0 : i32
    %dma_wait3A_179 = arith.constant 0 : i32
    %dma_wait3A_180 = tpu.memref_slice %arg9[%dma_wait3A_177, %dma_wait3A_178, %dma_wait3A_179] : memref<4x128x32xf32, #tpu.memory_space<vmem>> -> memref<1x128x32xf32, #tpu.memory_space<vmem>>
    %dma_wait3A_181 = tpu.memref_squeeze %dma_wait3A_180 : memref<1x128x32xf32, #tpu.memory_space<vmem>> -> memref<128x32xf32, #tpu.memory_space<vmem>>
    %dma_wait3A_182 = arith.constant 0 : i32
    %dma_wait3A_183 = tpu.memref_slice %arg7[%dma_wait3A_176, %dma_wait3A_182] : memref<160x128xi32, #tpu.memory_space<vmem>> -> memref<1x128xi32, #tpu.memory_space<vmem>>
    %dma_wait3A_184 = tpu.memref_squeeze %dma_wait3A_183 : memref<1x128xi32, #tpu.memory_space<vmem>> -> memref<128xi32, #tpu.memory_space<vmem>>
    %dma_wait3A_185 = arith.constant 0 : i32
    %dma_wait3A_186 = arith.constant 0 : i32
    %dma_wait3A_187 = tpu.memref_slice %arg2[%arg0, %dma_wait3A_185, %dma_wait3A_186] : memref<2x10240x32xf32, #tpu.memory_space<hbm>> -> memref<1x10240x32xf32, #tpu.memory_space<hbm>>
    %dma_wait3A_188 = tpu.memref_squeeze %dma_wait3A_187 : memref<1x10240x32xf32, #tpu.memory_space<hbm>> -> memref<10240x32xf32, #tpu.memory_space<hbm>>
    %dma_wait3A_189 = arith.constant 0 : i32
    %dma_wait3A_190 = arith.constant 0 : i32
    %dma_wait3A_191 = tpu.memref_slice %dma_wait3A_188[%dma_wait3A_189, %dma_wait3A_190] : memref<10240x32xf32, #tpu.memory_space<hbm>> -> memref<10240x32xf32, #tpu.memory_space<hbm>>
    tpu.wait_indirect_dma semaphore(%arg14 : memref<!tpu.dma_semaphore, #tpu.memory_space<semaphore_mem>>) src(%dma_wait3A_191 : memref<10240x32xf32, #tpu.memory_space<hbm>>) dst(%dma_wait3A_181 : memref<128x32xf32, #tpu.memory_space<vmem>>)
    %dma_start3A_192 = arith.constant 3 : i32
    %dma_start3A_193 = arith.constant 159 : i32
    %dma_start3A_194 = arith.constant 0 : i32
    %dma_start3A_195 = arith.constant 0 : i32
    %dma_start3A_196 = tpu.memref_slice %arg9[%dma_start3A_192, %dma_start3A_194, %dma_start3A_195] : memref<4x128x32xf32, #tpu.memory_space<vmem>> -> memref<1x128x32xf32, #tpu.memory_space<vmem>>
    %dma_start3A_197 = tpu.memref_squeeze %dma_start3A_196 : memref<1x128x32xf32, #tpu.memory_space<vmem>> -> memref<128x32xf32, #tpu.memory_space<vmem>>
    %dma_start3A_198 = arith.constant 0 : i32
    %dma_start3A_199 = tpu.memref_slice %arg8[%dma_start3A_193, %dma_start3A_198] : memref<160x128xi32, #tpu.memory_space<vmem>> -> memref<1x128xi32, #tpu.memory_space<vmem>>
    %dma_start3A_200 = tpu.memref_squeeze %dma_start3A_199 : memref<1x128xi32, #tpu.memory_space<vmem>> -> memref<128xi32, #tpu.memory_space<vmem>>
    %dma_start3A_201 = arith.constant 0 : i32
    %dma_start3A_202 = arith.constant 0 : i32
    %dma_start3A_203 = tpu.memref_slice %arg10[%dma_start3A_201, %dma_start3A_202] : memref<10240x32xf32, #tpu.memory_space<vmem_shared>> -> memref<10240x32xf32, #tpu.memory_space<vmem_shared>>
    tpu.enqueue_indirect_dma source(%dma_start3A_197 : memref<128x32xf32, #tpu.memory_space<vmem>>) target(%dma_start3A_203 : memref<10240x32xf32, #tpu.memory_space<vmem_shared>>) offsets(%dma_start3A_200 : memref<128xi32, #tpu.memory_space<vmem>>) semaphore(%arg18 : memref<!tpu.dma_semaphore, #tpu.memory_space<semaphore_mem>>) {add = true}
    %dma_wait3A_204 = arith.constant 2 : i32
    %dma_wait3A_205 = arith.constant 158 : i32
    %dma_wait3A_206 = arith.constant 0 : i32
    %dma_wait3A_207 = arith.constant 0 : i32
    %dma_wait3A_208 = tpu.memref_slice %arg9[%dma_wait3A_204, %dma_wait3A_206, %dma_wait3A_207] : memref<4x128x32xf32, #tpu.memory_space<vmem>> -> memref<1x128x32xf32, #tpu.memory_space<vmem>>
    %dma_wait3A_209 = tpu.memref_squeeze %dma_wait3A_208 : memref<1x128x32xf32, #tpu.memory_space<vmem>> -> memref<128x32xf32, #tpu.memory_space<vmem>>
    %dma_wait3A_210 = arith.constant 0 : i32
    %dma_wait3A_211 = tpu.memref_slice %arg8[%dma_wait3A_205, %dma_wait3A_210] : memref<160x128xi32, #tpu.memory_space<vmem>> -> memref<1x128xi32, #tpu.memory_space<vmem>>
    %dma_wait3A_212 = tpu.memref_squeeze %dma_wait3A_211 : memref<1x128xi32, #tpu.memory_space<vmem>> -> memref<128xi32, #tpu.memory_space<vmem>>
    %dma_wait3A_213 = arith.constant 0 : i32
    %dma_wait3A_214 = arith.constant 0 : i32
    %dma_wait3A_215 = tpu.memref_slice %arg10[%dma_wait3A_213, %dma_wait3A_214] : memref<10240x32xf32, #tpu.memory_space<vmem_shared>> -> memref<10240x32xf32, #tpu.memory_space<vmem_shared>>
    tpu.wait_indirect_dma semaphore(%arg17 : memref<!tpu.dma_semaphore, #tpu.memory_space<semaphore_mem>>) src(%dma_wait3A_209 : memref<128x32xf32, #tpu.memory_space<vmem>>) dst(%dma_wait3A_215 : memref<10240x32xf32, #tpu.memory_space<vmem_shared>>)
    %dma_wait3A_216 = arith.constant 3 : i32
    %dma_wait3A_217 = arith.constant 159 : i32
    %dma_wait3A_218 = arith.constant 0 : i32
    %dma_wait3A_219 = arith.constant 0 : i32
    %dma_wait3A_220 = tpu.memref_slice %arg9[%dma_wait3A_216, %dma_wait3A_218, %dma_wait3A_219] : memref<4x128x32xf32, #tpu.memory_space<vmem>> -> memref<1x128x32xf32, #tpu.memory_space<vmem>>
    %dma_wait3A_221 = tpu.memref_squeeze %dma_wait3A_220 : memref<1x128x32xf32, #tpu.memory_space<vmem>> -> memref<128x32xf32, #tpu.memory_space<vmem>>
    %dma_wait3A_222 = arith.constant 0 : i32
    %dma_wait3A_223 = tpu.memref_slice %arg8[%dma_wait3A_217, %dma_wait3A_222] : memref<160x128xi32, #tpu.memory_space<vmem>> -> memref<1x128xi32, #tpu.memory_space<vmem>>
    %dma_wait3A_224 = tpu.memref_squeeze %dma_wait3A_223 : memref<1x128xi32, #tpu.memory_space<vmem>> -> memref<128xi32, #tpu.memory_space<vmem>>
    %dma_wait3A_225 = arith.constant 0 : i32
    %dma_wait3A_226 = arith.constant 0 : i32
    %dma_wait3A_227 = tpu.memref_slice %arg10[%dma_wait3A_225, %dma_wait3A_226] : memref<10240x32xf32, #tpu.memory_space<vmem_shared>> -> memref<10240x32xf32, #tpu.memory_space<vmem_shared>>
    tpu.wait_indirect_dma semaphore(%arg18 : memref<!tpu.dma_semaphore, #tpu.memory_space<semaphore_mem>>) src(%dma_wait3A_221 : memref<128x32xf32, #tpu.memory_space<vmem>>) dst(%dma_wait3A_227 : memref<10240x32xf32, #tpu.memory_space<vmem_shared>>)
    %barrier3A_228 = arith.constant 0 : index
    tpu.barrier barrier_id(%barrier3A_228)
    "tpu.region"() ({
      %run_scoped3A = tpu.sem_alloc : memref<!tpu.dma_semaphore, #tpu.memory_space<semaphore_mem>>
      %dma_start3A_229 = arith.constant 0 : i32
      %dma_start3A_230 = tpu.memref_slice %arg6[%arg0, %mul3A_0, %dma_start3A_229] : memref<2x10240x32xf32, #tpu.memory_space<hbm>> -> memref<1x640x32xf32, #tpu.memory_space<hbm>>
      %dma_start3A_231 = tpu.memref_squeeze %dma_start3A_230 : memref<1x640x32xf32, #tpu.memory_space<hbm>> -> memref<640x32xf32, #tpu.memory_space<hbm>>
      %dma_start3A_232 = arith.constant 0 : i32
      %dma_start3A_233 = tpu.memref_slice %arg10[%mul3A_0, %dma_start3A_232] : memref<10240x32xf32, #tpu.memory_space<vmem_shared>> -> memref<640x32xf32, #tpu.memory_space<vmem_shared>>
      tpu.enqueue_dma source(%dma_start3A_233 : memref<640x32xf32, #tpu.memory_space<vmem_shared>>) target(%dma_start3A_231 : memref<640x32xf32, #tpu.memory_space<hbm>>) target_semaphore(%run_scoped3A : memref<!tpu.dma_semaphore, #tpu.memory_space<semaphore_mem>>)
      %dma_wait3A_234 = arith.constant 0 : i32
      %dma_wait3A_235 = tpu.memref_slice %arg6[%arg0, %mul3A_0, %dma_wait3A_234] : memref<2x10240x32xf32, #tpu.memory_space<hbm>> -> memref<1x640x32xf32, #tpu.memory_space<hbm>>
      %dma_wait3A_236 = tpu.memref_squeeze %dma_wait3A_235 : memref<1x640x32xf32, #tpu.memory_space<hbm>> -> memref<640x32xf32, #tpu.memory_space<hbm>>
      %dma_wait3A_237 = arith.constant 0 : i32
      %dma_wait3A_238 = tpu.memref_slice %arg10[%mul3A_0, %dma_wait3A_237] : memref<10240x32xf32, #tpu.memory_space<vmem_shared>> -> memref<640x32xf32, #tpu.memory_space<vmem_shared>>
      tpu.wait_dma2 semaphore(%run_scoped3A : memref<!tpu.dma_semaphore, #tpu.memory_space<semaphore_mem>>) src(%dma_wait3A_238 : memref<640x32xf32, #tpu.memory_space<vmem_shared>>) dst(%dma_wait3A_236 : memref<640x32xf32, #tpu.memory_space<hbm>>)
      tpu.yield
    }) : () -> ()
    return
  }
}

module attributes {stable_mosaic.version = 14 : i64} {
  func.func @body(%arg0: i32, %arg1: memref<1024x128xf32, #tpu.memory_space<vmem>>, %arg2: memref<128x128xf32, #tpu.memory_space<vmem>>, %arg3: memref<1024x16xf32, #tpu.memory_space<vmem>>, %arg4: memref<1024x16xf32, #tpu.memory_space<vmem>>, %arg5: memref<2x1024x64xf32, #tpu.memory_space<vmem>>) attributes {dimension_semantics = [#tpu.dimension_semantics<arbitrary>], iteration_bounds = array<i64: 10>, scalar_prefetch = 0 : i64, scratch_operands = 0 : i64, tpu.core_type = #tpu.core_type<tc>, window_params = [{transform_indices = @transform_0, window_bounds = array<i64: 1024, 128>}, {pipeline_mode = #tpu.pipeline_mode<synchronous>, transform_indices = @transform_1, window_bounds = array<i64: 128, 128>}, {transform_indices = @transform_2, window_bounds = array<i64: 1024, 16>}, {transform_indices = @transform_3, window_bounds = array<i64: 1024, 16>}, {transform_indices = @transform_4, window_bounds = array<i64: 2, 1024, 64>}]} {
    %get3A = arith.constant 0 : index
    %get3A_0 = arith.constant 0 : index
    %get3A_1 = vector.load %arg3[%get3A, %get3A_0] : memref<1024x16xf32, #tpu.memory_space<vmem>>, vector<1024x1xf32>
    %get3A_2 = arith.constant 0 : index
    %get3A_3 = arith.constant 0 : index
    %get3A_4 = vector.load %arg4[%get3A_2, %get3A_3] : memref<1024x16xf32, #tpu.memory_space<vmem>>, vector<1024x1xf32>
    %add3A = arith.addf %get3A_1, %get3A_4 : vector<1024x1xf32>
    %add3A_5 = arith.constant 1.000000e+00 : f32
    %add3A_6 = vector.broadcast %add3A_5 : f32 to vector<1024x1xf32>
    %add3A_7 = arith.addf %add3A, %add3A_6 : vector<1024x1xf32>
    %rsqrt3A = math.rsqrt %add3A_7 : vector<1024x1xf32>
    %get3A_8 = arith.constant 0 : index
    %get3A_9 = arith.constant 0 : index
    %get3A_10 = vector.load %arg1[%get3A_8, %get3A_9] : memref<1024x128xf32, #tpu.memory_space<vmem>>, vector<1024x128xf32>
    %get3A_11 = arith.constant 0 : index
    %get3A_12 = arith.constant 0 : index
    %get3A_13 = vector.load %arg2[%get3A_11, %get3A_12] : memref<128x128xf32, #tpu.memory_space<vmem>>, vector<128x64xf32>
    %dot_general3A = arith.constant dense<0.000000e+00> : vector<1024x64xf32>
    %dot_general3A_14 = tpu.matmul %get3A_10, %get3A_13, %dot_general3A {dimension_numbers = #tpu.dot_dimension_numbers<[1], [0], [0], [1], [0, 0, 1, 1], [], []>, transpose_lhs_hint = false} : vector<1024x128xf32>, vector<128x64xf32>, vector<1024x64xf32> -> vector<1024x64xf32>
    %mul3A = vector.broadcast %rsqrt3A : vector<1024x1xf32> to vector<1024x64xf32>
    %mul3A_15 = arith.mulf %dot_general3A_14, %mul3A : vector<1024x64xf32>
    %swap3A = arith.constant 0 : index
    %swap3A_16 = arith.constant 0 : index
    %swap3A_17 = arith.constant 0 : index
    %swap3A_18 = vector.load %arg5[%swap3A, %swap3A_16, %swap3A_17] : memref<2x1024x64xf32, #tpu.memory_space<vmem>>, vector<1x1024x64xf32>
    %swap3A_19 = vector.shape_cast %swap3A_18 : vector<1x1024x64xf32> to vector<1024x64xf32>
    %swap3A_20 = vector.shape_cast %mul3A_15 : vector<1024x64xf32> to vector<1x1024x64xf32>
    tpu.vector_store %arg5[%swap3A, %swap3A_16, %swap3A_17], %swap3A_20 {strides = array<i32>} : memref<2x1024x64xf32, #tpu.memory_space<vmem>>, vector<1x1024x64xf32>,
    %get3A_21 = arith.constant 0 : index
    %get3A_22 = arith.constant 64 : index
    %get3A_23 = vector.load %arg2[%get3A_21, %get3A_22] : memref<128x128xf32, #tpu.memory_space<vmem>>, vector<128x64xf32>
    %dot_general3A_24 = arith.constant dense<0.000000e+00> : vector<1024x64xf32>
    %dot_general3A_25 = tpu.matmul %get3A_10, %get3A_23, %dot_general3A_24 {dimension_numbers = #tpu.dot_dimension_numbers<[1], [0], [0], [1], [0, 0, 1, 1], [], []>, transpose_lhs_hint = false} : vector<1024x128xf32>, vector<128x64xf32>, vector<1024x64xf32> -> vector<1024x64xf32>
    %mul3A_26 = vector.broadcast %rsqrt3A : vector<1024x1xf32> to vector<1024x64xf32>
    %mul3A_27 = arith.mulf %dot_general3A_25, %mul3A_26 : vector<1024x64xf32>
    %swap3A_28 = arith.constant 1 : index
    %swap3A_29 = arith.constant 0 : index
    %swap3A_30 = arith.constant 0 : index
    %swap3A_31 = vector.load %arg5[%swap3A_28, %swap3A_29, %swap3A_30] : memref<2x1024x64xf32, #tpu.memory_space<vmem>>, vector<1x1024x64xf32>
    %swap3A_32 = vector.shape_cast %swap3A_31 : vector<1x1024x64xf32> to vector<1024x64xf32>
    %swap3A_33 = vector.shape_cast %mul3A_27 : vector<1024x64xf32> to vector<1x1024x64xf32>
    tpu.vector_store %arg5[%swap3A_28, %swap3A_29, %swap3A_30], %swap3A_33 {strides = array<i32>} : memref<2x1024x64xf32, #tpu.memory_space<vmem>>, vector<1x1024x64xf32>,
    return
  }
  func.func @transform_0(%arg0: i32) -> (i32, i32) {
    %c0_i32 = arith.constant 0 : i32
    %c0_i32_0 = arith.constant 0 : i32
    return %arg0, %c0_i32 : i32, i32
  }
  func.func @transform_1(%arg0: i32) -> (i32, i32) {
    %c0_i32 = arith.constant 0 : i32
    %c0_i32_0 = arith.constant 0 : i32
    %c0_i32_1 = arith.constant 0 : i32
    return %c0_i32, %c0_i32_0 : i32, i32
  }
  func.func @transform_2(%arg0: i32) -> (i32, i32) {
    %c0_i32 = arith.constant 0 : i32
    %c0_i32_0 = arith.constant 0 : i32
    return %arg0, %c0_i32 : i32, i32
  }
  func.func @transform_3(%arg0: i32) -> (i32, i32) {
    %c0_i32 = arith.constant 0 : i32
    %c0_i32_0 = arith.constant 0 : i32
    return %arg0, %c0_i32 : i32, i32
  }
  func.func @transform_4(%arg0: i32) -> (i32, i32, i32) {
    %c0_i32 = arith.constant 0 : i32
    %c0_i32_0 = arith.constant 0 : i32
    %c0_i32_1 = arith.constant 0 : i32
    return %c0_i32, %arg0, %c0_i32_0 : i32, i32, i32
  }
}

module attributes {stable_mosaic.version = 14 : i64} {
  func.func @body(%arg0: i32, %arg1: memref<2x1024x64xf32, #tpu.memory_space<vmem>>, %arg2: memref<2x1024x64xf32, #tpu.memory_space<vmem>>, %arg3: memref<1024x16xf32, #tpu.memory_space<vmem>>, %arg4: memref<1024x16xf32, #tpu.memory_space<vmem>>, %arg5: memref<1x128xf32, #tpu.memory_space<vmem>>, %arg6: memref<128x64xf32, #tpu.memory_space<vmem>>, %arg7: memref<2x1024x32xf32, #tpu.memory_space<vmem>>) attributes {dimension_semantics = [#tpu.dimension_semantics<arbitrary>], iteration_bounds = array<i64: 10>, scalar_prefetch = 0 : i64, scratch_operands = 0 : i64, tpu.core_type = #tpu.core_type<tc>, window_params = [{transform_indices = @transform_0, window_bounds = array<i64: 2, 1024, 64>}, {transform_indices = @transform_1, window_bounds = array<i64: 2, 1024, 64>}, {transform_indices = @transform_2, window_bounds = array<i64: 1024, 16>}, {transform_indices = @transform_3, window_bounds = array<i64: 1024, 16>}, {pipeline_mode = #tpu.pipeline_mode<synchronous>, transform_indices = @transform_4, window_bounds = array<i64: 1, 128>}, {pipeline_mode = #tpu.pipeline_mode<synchronous>, transform_indices = @transform_5, window_bounds = array<i64: 128, 64>}, {transform_indices = @transform_6, window_bounds = array<i64: 2, 1024, 32>}]} {
    %get3A = arith.constant 0 : index
    %get3A_0 = arith.constant 0 : index
    %get3A_1 = vector.load %arg3[%get3A, %get3A_0] : memref<1024x16xf32, #tpu.memory_space<vmem>>, vector<1024x1xf32>
    %get3A_2 = arith.constant 0 : index
    %get3A_3 = arith.constant 0 : index
    %get3A_4 = vector.load %arg4[%get3A_2, %get3A_3] : memref<1024x16xf32, #tpu.memory_space<vmem>>, vector<1024x1xf32>
    %add3A = arith.addf %get3A_1, %get3A_4 : vector<1024x1xf32>
    %add3A_5 = arith.constant 1.000000e+00 : f32
    %add3A_6 = vector.broadcast %add3A_5 : f32 to vector<1024x1xf32>
    %add3A_7 = arith.addf %add3A, %add3A_6 : vector<1024x1xf32>
    %rsqrt3A = math.rsqrt %add3A_7 : vector<1024x1xf32>
    %get3A_8 = arith.constant 0 : index
    %get3A_9 = arith.constant 0 : index
    %get3A_10 = arith.constant 0 : index
    %get3A_11 = vector.load %arg1[%get3A_8, %get3A_9, %get3A_10] : memref<2x1024x64xf32, #tpu.memory_space<vmem>>, vector<1x1024x64xf32>
    %get3A_12 = vector.shape_cast %get3A_11 : vector<1x1024x64xf32> to vector<1024x64xf32>
    %get3A_13 = arith.constant 0 : index
    %get3A_14 = arith.constant 0 : index
    %get3A_15 = arith.constant 0 : index
    %get3A_16 = vector.load %arg2[%get3A_13, %get3A_14, %get3A_15] : memref<2x1024x64xf32, #tpu.memory_space<vmem>>, vector<1x1024x64xf32>
    %get3A_17 = vector.shape_cast %get3A_16 : vector<1x1024x64xf32> to vector<1024x64xf32>
    %add3A_18 = arith.addf %get3A_12, %get3A_17 : vector<1024x64xf32>
    %mul3A = vector.broadcast %rsqrt3A : vector<1024x1xf32> to vector<1024x64xf32>
    %mul3A_19 = arith.mulf %mul3A, %add3A_18 : vector<1024x64xf32>
    %get3A_20 = arith.constant 0 : index
    %get3A_21 = arith.constant 0 : index
    %get3A_22 = vector.load %arg5[%get3A_20, %get3A_21] : memref<1x128xf32, #tpu.memory_space<vmem>>, vector<1x64xf32>
    %add3A_23 = vector.broadcast %get3A_22 : vector<1x64xf32> to vector<1024x64xf32>
    %add3A_24 = arith.addf %mul3A_19, %add3A_23 : vector<1024x64xf32>
    %max3A = arith.constant 0.000000e+00 : f32
    %max3A_25 = vector.broadcast %max3A : f32 to vector<1024x64xf32>
    %max3A_26 = arith.maximumf %add3A_24, %max3A_25 : vector<1024x64xf32>
    %get3A_27 = arith.constant 1 : index
    %get3A_28 = arith.constant 0 : index
    %get3A_29 = arith.constant 0 : index
    %get3A_30 = vector.load %arg1[%get3A_27, %get3A_28, %get3A_29] : memref<2x1024x64xf32, #tpu.memory_space<vmem>>, vector<1x1024x64xf32>
    %get3A_31 = vector.shape_cast %get3A_30 : vector<1x1024x64xf32> to vector<1024x64xf32>
    %get3A_32 = arith.constant 1 : index
    %get3A_33 = arith.constant 0 : index
    %get3A_34 = arith.constant 0 : index
    %get3A_35 = vector.load %arg2[%get3A_32, %get3A_33, %get3A_34] : memref<2x1024x64xf32, #tpu.memory_space<vmem>>, vector<1x1024x64xf32>
    %get3A_36 = vector.shape_cast %get3A_35 : vector<1x1024x64xf32> to vector<1024x64xf32>
    %add3A_37 = arith.addf %get3A_31, %get3A_36 : vector<1024x64xf32>
    %mul3A_38 = vector.broadcast %rsqrt3A : vector<1024x1xf32> to vector<1024x64xf32>
    %mul3A_39 = arith.mulf %mul3A_38, %add3A_37 : vector<1024x64xf32>
    %get3A_40 = arith.constant 0 : index
    %get3A_41 = arith.constant 64 : index
    %get3A_42 = vector.load %arg5[%get3A_40, %get3A_41] : memref<1x128xf32, #tpu.memory_space<vmem>>, vector<1x64xf32>
    %add3A_43 = vector.broadcast %get3A_42 : vector<1x64xf32> to vector<1024x64xf32>
    %add3A_44 = arith.addf %mul3A_39, %add3A_43 : vector<1024x64xf32>
    %max3A_45 = arith.constant 0.000000e+00 : f32
    %max3A_46 = vector.broadcast %max3A_45 : f32 to vector<1024x64xf32>
    %max3A_47 = arith.maximumf %add3A_44, %max3A_46 : vector<1024x64xf32>
    %get3A_48 = arith.constant 0 : index
    %get3A_49 = arith.constant 0 : index
    %get3A_50 = vector.load %arg6[%get3A_48, %get3A_49] : memref<128x64xf32, #tpu.memory_space<vmem>>, vector<64x64xf32>
    %dot_general3A = arith.constant dense<0.000000e+00> : vector<1024x64xf32>
    %dot_general3A_51 = tpu.matmul %max3A_26, %get3A_50, %dot_general3A {dimension_numbers = #tpu.dot_dimension_numbers<[1], [0], [0], [1], [0, 0, 1, 1], [], []>, transpose_lhs_hint = false} : vector<1024x64xf32>, vector<64x64xf32>, vector<1024x64xf32> -> vector<1024x64xf32>
    %get3A_52 = arith.constant 64 : index
    %get3A_53 = arith.constant 0 : index
    %get3A_54 = vector.load %arg6[%get3A_52, %get3A_53] : memref<128x64xf32, #tpu.memory_space<vmem>>, vector<64x64xf32>
    %dot_general3A_55 = arith.constant dense<0.000000e+00> : vector<1024x64xf32>
    %dot_general3A_56 = tpu.matmul %max3A_47, %get3A_54, %dot_general3A_55 {dimension_numbers = #tpu.dot_dimension_numbers<[1], [0], [0], [1], [0, 0, 1, 1], [], []>, transpose_lhs_hint = false} : vector<1024x64xf32>, vector<64x64xf32>, vector<1024x64xf32> -> vector<1024x64xf32>
    %add3A_57 = arith.addf %dot_general3A_51, %dot_general3A_56 : vector<1024x64xf32>
    %slice3A = vector.extract_strided_slice %add3A_57 {offsets = [0, 0], sizes = [1024, 32], strides = [1, 1]} : vector<1024x64xf32> to vector<1024x32xf32>
    %mul3A_58 = vector.broadcast %rsqrt3A : vector<1024x1xf32> to vector<1024x32xf32>
    %mul3A_59 = arith.mulf %slice3A, %mul3A_58 : vector<1024x32xf32>
    %swap3A = arith.constant 0 : index
    %swap3A_60 = arith.constant 0 : index
    %swap3A_61 = arith.constant 0 : index
    %swap3A_62 = vector.load %arg7[%swap3A, %swap3A_60, %swap3A_61] : memref<2x1024x32xf32, #tpu.memory_space<vmem>>, vector<1x1024x32xf32>
    %swap3A_63 = vector.shape_cast %swap3A_62 : vector<1x1024x32xf32> to vector<1024x32xf32>
    %swap3A_64 = vector.shape_cast %mul3A_59 : vector<1024x32xf32> to vector<1x1024x32xf32>
    tpu.vector_store %arg7[%swap3A, %swap3A_60, %swap3A_61], %swap3A_64 {strides = array<i32>} : memref<2x1024x32xf32, #tpu.memory_space<vmem>>, vector<1x1024x32xf32>,
    %slice3A_65 = vector.extract_strided_slice %add3A_57 {offsets = [0, 32], sizes = [1024, 32], strides = [1, 1]} : vector<1024x64xf32> to vector<1024x32xf32>
    %mul3A_66 = vector.broadcast %rsqrt3A : vector<1024x1xf32> to vector<1024x32xf32>
    %mul3A_67 = arith.mulf %slice3A_65, %mul3A_66 : vector<1024x32xf32>
    %swap3A_68 = arith.constant 1 : index
    %swap3A_69 = arith.constant 0 : index
    %swap3A_70 = arith.constant 0 : index
    %swap3A_71 = vector.load %arg7[%swap3A_68, %swap3A_69, %swap3A_70] : memref<2x1024x32xf32, #tpu.memory_space<vmem>>, vector<1x1024x32xf32>
    %swap3A_72 = vector.shape_cast %swap3A_71 : vector<1x1024x32xf32> to vector<1024x32xf32>
    %swap3A_73 = vector.shape_cast %mul3A_67 : vector<1024x32xf32> to vector<1x1024x32xf32>
    tpu.vector_store %arg7[%swap3A_68, %swap3A_69, %swap3A_70], %swap3A_73 {strides = array<i32>} : memref<2x1024x32xf32, #tpu.memory_space<vmem>>, vector<1x1024x32xf32>,
    return
  }
  func.func @transform_0(%arg0: i32) -> (i32, i32, i32) {
    %c0_i32 = arith.constant 0 : i32
    %c0_i32_0 = arith.constant 0 : i32
    %c0_i32_1 = arith.constant 0 : i32
    return %c0_i32, %arg0, %c0_i32_0 : i32, i32, i32
  }
  func.func @transform_1(%arg0: i32) -> (i32, i32, i32) {
    %c0_i32 = arith.constant 0 : i32
    %c0_i32_0 = arith.constant 0 : i32
    %c0_i32_1 = arith.constant 0 : i32
    return %c0_i32, %arg0, %c0_i32_0 : i32, i32, i32
  }
  func.func @transform_2(%arg0: i32) -> (i32, i32) {
    %c0_i32 = arith.constant 0 : i32
    %c0_i32_0 = arith.constant 0 : i32
    return %arg0, %c0_i32 : i32, i32
  }
  func.func @transform_3(%arg0: i32) -> (i32, i32) {
    %c0_i32 = arith.constant 0 : i32
    %c0_i32_0 = arith.constant 0 : i32
    return %arg0, %c0_i32 : i32, i32
  }
  func.func @transform_4(%arg0: i32) -> (i32, i32) {
    %c0_i32 = arith.constant 0 : i32
    %c0_i32_0 = arith.constant 0 : i32
    %c0_i32_1 = arith.constant 0 : i32
    return %c0_i32, %c0_i32_0 : i32, i32
  }
  func.func @transform_5(%arg0: i32) -> (i32, i32) {
    %c0_i32 = arith.constant 0 : i32
    %c0_i32_0 = arith.constant 0 : i32
    %c0_i32_1 = arith.constant 0 : i32
    return %c0_i32, %c0_i32_0 : i32, i32
  }
  func.func @transform_6(%arg0: i32) -> (i32, i32, i32) {
    %c0_i32 = arith.constant 0 : i32
    %c0_i32_0 = arith.constant 0 : i32
    %c0_i32_1 = arith.constant 0 : i32
    return %c0_i32, %arg0, %c0_i32_0 : i32, i32, i32
  }
}

module attributes {stable_mosaic.version = 14 : i64} {
  func.func @body(%arg0: i32, %arg1: memref<2x1024x32xf32, #tpu.memory_space<vmem>>, %arg2: memref<2x1024x32xf32, #tpu.memory_space<vmem>>, %arg3: memref<1024x16xf32, #tpu.memory_space<vmem>>, %arg4: memref<1024x16xf32, #tpu.memory_space<vmem>>, %arg5: memref<1x64xf32, #tpu.memory_space<vmem>>, %arg6: memref<64x64xf32, #tpu.memory_space<vmem>>, %arg7: memref<1024x64xf32, #tpu.memory_space<vmem>>, %arg8: memref<2x1024x32xf32, #tpu.memory_space<vmem>>) attributes {dimension_semantics = [#tpu.dimension_semantics<arbitrary>], iteration_bounds = array<i64: 10>, scalar_prefetch = 0 : i64, scratch_operands = 0 : i64, tpu.core_type = #tpu.core_type<tc>, window_params = [{transform_indices = @transform_0, window_bounds = array<i64: 2, 1024, 32>}, {transform_indices = @transform_1, window_bounds = array<i64: 2, 1024, 32>}, {transform_indices = @transform_2, window_bounds = array<i64: 1024, 16>}, {transform_indices = @transform_3, window_bounds = array<i64: 1024, 16>}, {pipeline_mode = #tpu.pipeline_mode<synchronous>, transform_indices = @transform_4, window_bounds = array<i64: 1, 64>}, {pipeline_mode = #tpu.pipeline_mode<synchronous>, transform_indices = @transform_5, window_bounds = array<i64: 64, 64>}, {transform_indices = @transform_6, window_bounds = array<i64: 1024, 64>}, {transform_indices = @transform_7, window_bounds = array<i64: 2, 1024, 32>}]} {
    %get3A = arith.constant 0 : index
    %get3A_0 = arith.constant 0 : index
    %get3A_1 = vector.load %arg3[%get3A, %get3A_0] : memref<1024x16xf32, #tpu.memory_space<vmem>>, vector<1024x1xf32>
    %get3A_2 = arith.constant 0 : index
    %get3A_3 = arith.constant 0 : index
    %get3A_4 = vector.load %arg4[%get3A_2, %get3A_3] : memref<1024x16xf32, #tpu.memory_space<vmem>>, vector<1024x1xf32>
    %add3A = arith.addf %get3A_1, %get3A_4 : vector<1024x1xf32>
    %add3A_5 = arith.constant 1.000000e+00 : f32
    %add3A_6 = vector.broadcast %add3A_5 : f32 to vector<1024x1xf32>
    %add3A_7 = arith.addf %add3A, %add3A_6 : vector<1024x1xf32>
    %rsqrt3A = math.rsqrt %add3A_7 : vector<1024x1xf32>
    %get3A_8 = arith.constant 0 : index
    %get3A_9 = arith.constant 0 : index
    %get3A_10 = arith.constant 0 : index
    %get3A_11 = vector.load %arg1[%get3A_8, %get3A_9, %get3A_10] : memref<2x1024x32xf32, #tpu.memory_space<vmem>>, vector<1x1024x32xf32>
    %get3A_12 = vector.shape_cast %get3A_11 : vector<1x1024x32xf32> to vector<1024x32xf32>
    %get3A_13 = arith.constant 0 : index
    %get3A_14 = arith.constant 0 : index
    %get3A_15 = arith.constant 0 : index
    %get3A_16 = vector.load %arg2[%get3A_13, %get3A_14, %get3A_15] : memref<2x1024x32xf32, #tpu.memory_space<vmem>>, vector<1x1024x32xf32>
    %get3A_17 = vector.shape_cast %get3A_16 : vector<1x1024x32xf32> to vector<1024x32xf32>
    %add3A_18 = arith.addf %get3A_12, %get3A_17 : vector<1024x32xf32>
    %mul3A = vector.broadcast %rsqrt3A : vector<1024x1xf32> to vector<1024x32xf32>
    %mul3A_19 = arith.mulf %mul3A, %add3A_18 : vector<1024x32xf32>
    %get3A_20 = arith.constant 0 : index
    %get3A_21 = arith.constant 0 : index
    %get3A_22 = vector.load %arg5[%get3A_20, %get3A_21] : memref<1x64xf32, #tpu.memory_space<vmem>>, vector<1x32xf32>
    %add3A_23 = vector.broadcast %get3A_22 : vector<1x32xf32> to vector<1024x32xf32>
    %add3A_24 = arith.addf %mul3A_19, %add3A_23 : vector<1024x32xf32>
    %max3A = arith.constant 0.000000e+00 : f32
    %max3A_25 = vector.broadcast %max3A : f32 to vector<1024x32xf32>
    %max3A_26 = arith.maximumf %add3A_24, %max3A_25 : vector<1024x32xf32>
    %get3A_27 = arith.constant 1 : index
    %get3A_28 = arith.constant 0 : index
    %get3A_29 = arith.constant 0 : index
    %get3A_30 = vector.load %arg1[%get3A_27, %get3A_28, %get3A_29] : memref<2x1024x32xf32, #tpu.memory_space<vmem>>, vector<1x1024x32xf32>
    %get3A_31 = vector.shape_cast %get3A_30 : vector<1x1024x32xf32> to vector<1024x32xf32>
    %get3A_32 = arith.constant 1 : index
    %get3A_33 = arith.constant 0 : index
    %get3A_34 = arith.constant 0 : index
    %get3A_35 = vector.load %arg2[%get3A_32, %get3A_33, %get3A_34] : memref<2x1024x32xf32, #tpu.memory_space<vmem>>, vector<1x1024x32xf32>
    %get3A_36 = vector.shape_cast %get3A_35 : vector<1x1024x32xf32> to vector<1024x32xf32>
    %add3A_37 = arith.addf %get3A_31, %get3A_36 : vector<1024x32xf32>
    %mul3A_38 = vector.broadcast %rsqrt3A : vector<1024x1xf32> to vector<1024x32xf32>
    %mul3A_39 = arith.mulf %mul3A_38, %add3A_37 : vector<1024x32xf32>
    %get3A_40 = arith.constant 0 : index
    %get3A_41 = arith.constant 32 : index
    %get3A_42 = vector.load %arg5[%get3A_40, %get3A_41] : memref<1x64xf32, #tpu.memory_space<vmem>>, vector<1x32xf32>
    %add3A_43 = vector.broadcast %get3A_42 : vector<1x32xf32> to vector<1024x32xf32>
    %add3A_44 = arith.addf %mul3A_39, %add3A_43 : vector<1024x32xf32>
    %max3A_45 = arith.constant 0.000000e+00 : f32
    %max3A_46 = vector.broadcast %max3A_45 : f32 to vector<1024x32xf32>
    %max3A_47 = arith.maximumf %add3A_44, %max3A_46 : vector<1024x32xf32>
    %swap3A = arith.constant 0 : index
    %swap3A_48 = arith.constant 0 : index
    %swap3A_49 = vector.load %arg7[%swap3A, %swap3A_48] : memref<1024x64xf32, #tpu.memory_space<vmem>>, vector<1024x32xf32>
    tpu.vector_store %arg7[%swap3A, %swap3A_48], %max3A_26 {strides = array<i32>} : memref<1024x64xf32, #tpu.memory_space<vmem>>, vector<1024x32xf32>,
    %swap3A_50 = arith.constant 0 : index
    %swap3A_51 = arith.constant 32 : index
    %swap3A_52 = vector.load %arg7[%swap3A_50, %swap3A_51] : memref<1024x64xf32, #tpu.memory_space<vmem>>, vector<1024x32xf32>
    tpu.vector_store %arg7[%swap3A_50, %swap3A_51], %max3A_47 {strides = array<i32>} : memref<1024x64xf32, #tpu.memory_space<vmem>>, vector<1024x32xf32>,
    %get3A_53 = arith.constant 0 : index
    %get3A_54 = arith.constant 0 : index
    %get3A_55 = vector.load %arg6[%get3A_53, %get3A_54] : memref<64x64xf32, #tpu.memory_space<vmem>>, vector<32x64xf32>
    %dot_general3A = arith.constant dense<0.000000e+00> : vector<1024x64xf32>
    %dot_general3A_56 = tpu.matmul %max3A_26, %get3A_55, %dot_general3A {dimension_numbers = #tpu.dot_dimension_numbers<[1], [0], [0], [1], [0, 0, 1, 1], [], []>, transpose_lhs_hint = false} : vector<1024x32xf32>, vector<32x64xf32>, vector<1024x64xf32> -> vector<1024x64xf32>
    %get3A_57 = arith.constant 32 : index
    %get3A_58 = arith.constant 0 : index
    %get3A_59 = vector.load %arg6[%get3A_57, %get3A_58] : memref<64x64xf32, #tpu.memory_space<vmem>>, vector<32x64xf32>
    %dot_general3A_60 = arith.constant dense<0.000000e+00> : vector<1024x64xf32>
    %dot_general3A_61 = tpu.matmul %max3A_47, %get3A_59, %dot_general3A_60 {dimension_numbers = #tpu.dot_dimension_numbers<[1], [0], [0], [1], [0, 0, 1, 1], [], []>, transpose_lhs_hint = false} : vector<1024x32xf32>, vector<32x64xf32>, vector<1024x64xf32> -> vector<1024x64xf32>
    %add3A_62 = arith.addf %dot_general3A_56, %dot_general3A_61 : vector<1024x64xf32>
    %slice3A = vector.extract_strided_slice %add3A_62 {offsets = [0, 0], sizes = [1024, 32], strides = [1, 1]} : vector<1024x64xf32> to vector<1024x32xf32>
    %mul3A_63 = vector.broadcast %rsqrt3A : vector<1024x1xf32> to vector<1024x32xf32>
    %mul3A_64 = arith.mulf %slice3A, %mul3A_63 : vector<1024x32xf32>
    %swap3A_65 = arith.constant 0 : index
    %swap3A_66 = arith.constant 0 : index
    %swap3A_67 = arith.constant 0 : index
    %swap3A_68 = vector.load %arg8[%swap3A_65, %swap3A_66, %swap3A_67] : memref<2x1024x32xf32, #tpu.memory_space<vmem>>, vector<1x1024x32xf32>
    %swap3A_69 = vector.shape_cast %swap3A_68 : vector<1x1024x32xf32> to vector<1024x32xf32>
    %swap3A_70 = vector.shape_cast %mul3A_64 : vector<1024x32xf32> to vector<1x1024x32xf32>
    tpu.vector_store %arg8[%swap3A_65, %swap3A_66, %swap3A_67], %swap3A_70 {strides = array<i32>} : memref<2x1024x32xf32, #tpu.memory_space<vmem>>, vector<1x1024x32xf32>,
    %slice3A_71 = vector.extract_strided_slice %add3A_62 {offsets = [0, 32], sizes = [1024, 32], strides = [1, 1]} : vector<1024x64xf32> to vector<1024x32xf32>
    %mul3A_72 = vector.broadcast %rsqrt3A : vector<1024x1xf32> to vector<1024x32xf32>
    %mul3A_73 = arith.mulf %slice3A_71, %mul3A_72 : vector<1024x32xf32>
    %swap3A_74 = arith.constant 1 : index
    %swap3A_75 = arith.constant 0 : index
    %swap3A_76 = arith.constant 0 : index
    %swap3A_77 = vector.load %arg8[%swap3A_74, %swap3A_75, %swap3A_76] : memref<2x1024x32xf32, #tpu.memory_space<vmem>>, vector<1x1024x32xf32>
    %swap3A_78 = vector.shape_cast %swap3A_77 : vector<1x1024x32xf32> to vector<1024x32xf32>
    %swap3A_79 = vector.shape_cast %mul3A_73 : vector<1024x32xf32> to vector<1x1024x32xf32>
    tpu.vector_store %arg8[%swap3A_74, %swap3A_75, %swap3A_76], %swap3A_79 {strides = array<i32>} : memref<2x1024x32xf32, #tpu.memory_space<vmem>>, vector<1x1024x32xf32>,
    return
  }
  func.func @transform_0(%arg0: i32) -> (i32, i32, i32) {
    %c0_i32 = arith.constant 0 : i32
    %c0_i32_0 = arith.constant 0 : i32
    %c0_i32_1 = arith.constant 0 : i32
    return %c0_i32, %arg0, %c0_i32_0 : i32, i32, i32
  }
  func.func @transform_1(%arg0: i32) -> (i32, i32, i32) {
    %c0_i32 = arith.constant 0 : i32
    %c0_i32_0 = arith.constant 0 : i32
    %c0_i32_1 = arith.constant 0 : i32
    return %c0_i32, %arg0, %c0_i32_0 : i32, i32, i32
  }
  func.func @transform_2(%arg0: i32) -> (i32, i32) {
    %c0_i32 = arith.constant 0 : i32
    %c0_i32_0 = arith.constant 0 : i32
    return %arg0, %c0_i32 : i32, i32
  }
  func.func @transform_3(%arg0: i32) -> (i32, i32) {
    %c0_i32 = arith.constant 0 : i32
    %c0_i32_0 = arith.constant 0 : i32
    return %arg0, %c0_i32 : i32, i32
  }
  func.func @transform_4(%arg0: i32) -> (i32, i32) {
    %c0_i32 = arith.constant 0 : i32
    %c0_i32_0 = arith.constant 0 : i32
    %c0_i32_1 = arith.constant 0 : i32
    return %c0_i32, %c0_i32_0 : i32, i32
  }
  func.func @transform_5(%arg0: i32) -> (i32, i32) {
    %c0_i32 = arith.constant 0 : i32
    %c0_i32_0 = arith.constant 0 : i32
    %c0_i32_1 = arith.constant 0 : i32
    return %c0_i32, %c0_i32_0 : i32, i32
  }
  func.func @transform_6(%arg0: i32) -> (i32, i32) {
    %c0_i32 = arith.constant 0 : i32
    %c0_i32_0 = arith.constant 0 : i32
    return %arg0, %c0_i32 : i32, i32
  }
  func.func @transform_7(%arg0: i32) -> (i32, i32, i32) {
    %c0_i32 = arith.constant 0 : i32
    %c0_i32_0 = arith.constant 0 : i32
    %c0_i32_1 = arith.constant 0 : i32
    return %c0_i32, %arg0, %c0_i32_0 : i32, i32, i32
  }
}

module attributes {stable_mosaic.version = 14 : i64} {
  func.func @body(%arg0: i32, %arg1: memref<2x1024x32xf32, #tpu.memory_space<vmem>>, %arg2: memref<2x1024x32xf32, #tpu.memory_space<vmem>>, %arg3: memref<1024x16xf32, #tpu.memory_space<vmem>>, %arg4: memref<1024x16xf32, #tpu.memory_space<vmem>>, %arg5: memref<1x64xf32, #tpu.memory_space<vmem>>, %arg6: memref<1024x64xf32, #tpu.memory_space<vmem>>) attributes {dimension_semantics = [#tpu.dimension_semantics<arbitrary>], iteration_bounds = array<i64: 10>, scalar_prefetch = 0 : i64, scratch_operands = 0 : i64, tpu.core_type = #tpu.core_type<tc>, window_params = [{transform_indices = @transform_0, window_bounds = array<i64: 2, 1024, 32>}, {transform_indices = @transform_1, window_bounds = array<i64: 2, 1024, 32>}, {transform_indices = @transform_2, window_bounds = array<i64: 1024, 16>}, {transform_indices = @transform_3, window_bounds = array<i64: 1024, 16>}, {pipeline_mode = #tpu.pipeline_mode<synchronous>, transform_indices = @transform_4, window_bounds = array<i64: 1, 64>}, {transform_indices = @transform_5, window_bounds = array<i64: 1024, 64>}]} {
    %get3A = arith.constant 0 : index
    %get3A_0 = arith.constant 0 : index
    %get3A_1 = vector.load %arg3[%get3A, %get3A_0] : memref<1024x16xf32, #tpu.memory_space<vmem>>, vector<1024x1xf32>
    %get3A_2 = arith.constant 0 : index
    %get3A_3 = arith.constant 0 : index
    %get3A_4 = vector.load %arg4[%get3A_2, %get3A_3] : memref<1024x16xf32, #tpu.memory_space<vmem>>, vector<1024x1xf32>
    %add3A = arith.addf %get3A_1, %get3A_4 : vector<1024x1xf32>
    %add3A_5 = arith.constant 1.000000e+00 : f32
    %add3A_6 = vector.broadcast %add3A_5 : f32 to vector<1024x1xf32>
    %add3A_7 = arith.addf %add3A, %add3A_6 : vector<1024x1xf32>
    %rsqrt3A = math.rsqrt %add3A_7 : vector<1024x1xf32>
    %get3A_8 = arith.constant 0 : index
    %get3A_9 = arith.constant 0 : index
    %get3A_10 = arith.constant 0 : index
    %get3A_11 = vector.load %arg1[%get3A_8, %get3A_9, %get3A_10] : memref<2x1024x32xf32, #tpu.memory_space<vmem>>, vector<1x1024x32xf32>
    %get3A_12 = vector.shape_cast %get3A_11 : vector<1x1024x32xf32> to vector<1024x32xf32>
    %get3A_13 = arith.constant 0 : index
    %get3A_14 = arith.constant 0 : index
    %get3A_15 = arith.constant 0 : index
    %get3A_16 = vector.load %arg2[%get3A_13, %get3A_14, %get3A_15] : memref<2x1024x32xf32, #tpu.memory_space<vmem>>, vector<1x1024x32xf32>
    %get3A_17 = vector.shape_cast %get3A_16 : vector<1x1024x32xf32> to vector<1024x32xf32>
    %add3A_18 = arith.addf %get3A_12, %get3A_17 : vector<1024x32xf32>
    %mul3A = vector.broadcast %rsqrt3A : vector<1024x1xf32> to vector<1024x32xf32>
    %mul3A_19 = arith.mulf %mul3A, %add3A_18 : vector<1024x32xf32>
    %get3A_20 = arith.constant 0 : index
    %get3A_21 = arith.constant 0 : index
    %get3A_22 = vector.load %arg5[%get3A_20, %get3A_21] : memref<1x64xf32, #tpu.memory_space<vmem>>, vector<1x32xf32>
    %add3A_23 = vector.broadcast %get3A_22 : vector<1x32xf32> to vector<1024x32xf32>
    %add3A_24 = arith.addf %mul3A_19, %add3A_23 : vector<1024x32xf32>
    %swap3A = arith.constant 0 : index
    %swap3A_25 = arith.constant 0 : index
    %swap3A_26 = vector.load %arg6[%swap3A, %swap3A_25] : memref<1024x64xf32, #tpu.memory_space<vmem>>, vector<1024x32xf32>
    tpu.vector_store %arg6[%swap3A, %swap3A_25], %add3A_24 {strides = array<i32>} : memref<1024x64xf32, #tpu.memory_space<vmem>>, vector<1024x32xf32>,
    %get3A_27 = arith.constant 1 : index
    %get3A_28 = arith.constant 0 : index
    %get3A_29 = arith.constant 0 : index
    %get3A_30 = vector.load %arg1[%get3A_27, %get3A_28, %get3A_29] : memref<2x1024x32xf32, #tpu.memory_space<vmem>>, vector<1x1024x32xf32>
    %get3A_31 = vector.shape_cast %get3A_30 : vector<1x1024x32xf32> to vector<1024x32xf32>
    %get3A_32 = arith.constant 1 : index
    %get3A_33 = arith.constant 0 : index
    %get3A_34 = arith.constant 0 : index
    %get3A_35 = vector.load %arg2[%get3A_32, %get3A_33, %get3A_34] : memref<2x1024x32xf32, #tpu.memory_space<vmem>>, vector<1x1024x32xf32>
    %get3A_36 = vector.shape_cast %get3A_35 : vector<1x1024x32xf32> to vector<1024x32xf32>
    %add3A_37 = arith.addf %get3A_31, %get3A_36 : vector<1024x32xf32>
    %mul3A_38 = vector.broadcast %rsqrt3A : vector<1024x1xf32> to vector<1024x32xf32>
    %mul3A_39 = arith.mulf %mul3A_38, %add3A_37 : vector<1024x32xf32>
    %get3A_40 = arith.constant 0 : index
    %get3A_41 = arith.constant 32 : index
    %get3A_42 = vector.load %arg5[%get3A_40, %get3A_41] : memref<1x64xf32, #tpu.memory_space<vmem>>, vector<1x32xf32>
    %add3A_43 = vector.broadcast %get3A_42 : vector<1x32xf32> to vector<1024x32xf32>
    %add3A_44 = arith.addf %mul3A_39, %add3A_43 : vector<1024x32xf32>
    %swap3A_45 = arith.constant 0 : index
    %swap3A_46 = arith.constant 32 : index
    %swap3A_47 = vector.load %arg6[%swap3A_45, %swap3A_46] : memref<1024x64xf32, #tpu.memory_space<vmem>>, vector<1024x32xf32>
    tpu.vector_store %arg6[%swap3A_45, %swap3A_46], %add3A_44 {strides = array<i32>} : memref<1024x64xf32, #tpu.memory_space<vmem>>, vector<1024x32xf32>,
    return
  }
  func.func @transform_0(%arg0: i32) -> (i32, i32, i32) {
    %c0_i32 = arith.constant 0 : i32
    %c0_i32_0 = arith.constant 0 : i32
    %c0_i32_1 = arith.constant 0 : i32
    return %c0_i32, %arg0, %c0_i32_0 : i32, i32, i32
  }
  func.func @transform_1(%arg0: i32) -> (i32, i32, i32) {
    %c0_i32 = arith.constant 0 : i32
    %c0_i32_0 = arith.constant 0 : i32
    %c0_i32_1 = arith.constant 0 : i32
    return %c0_i32, %arg0, %c0_i32_0 : i32, i32, i32
  }
  func.func @transform_2(%arg0: i32) -> (i32, i32) {
    %c0_i32 = arith.constant 0 : i32
    %c0_i32_0 = arith.constant 0 : i32
    return %arg0, %c0_i32 : i32, i32
  }
  func.func @transform_3(%arg0: i32) -> (i32, i32) {
    %c0_i32 = arith.constant 0 : i32
    %c0_i32_0 = arith.constant 0 : i32
    return %arg0, %c0_i32 : i32, i32
  }
  func.func @transform_4(%arg0: i32) -> (i32, i32) {
    %c0_i32 = arith.constant 0 : i32
    %c0_i32_0 = arith.constant 0 : i32
    %c0_i32_1 = arith.constant 0 : i32
    return %c0_i32, %c0_i32_0 : i32, i32
  }
  func.func @transform_5(%arg0: i32) -> (i32, i32) {
    %c0_i32 = arith.constant 0 : i32
    %c0_i32_0 = arith.constant 0 : i32
    return %arg0, %c0_i32 : i32, i32
  }
}

</mosaic_0001>

<sc_bundles>
// kernel: kernel.10.cloned.1.call-start
scs
__scs_entry_jumppad:
0x0: {  	(pc) =	sbr.rel $0x88, $3  }
0x1: {  	(tag) =	ssettag $0x0;
	lr =	simm.s32 $0x1  }
0x2: {  	[smem:$0x3F99] =	sst lr;
	_ =	strace $0xD0000000  }
0x3: {  	_ = 	snop  }
0x4: {  	_ = 	snop  }
0x5: {  	_ = 	snop  }
0x6: {  	_ = 	snop  }
0x7: {  	_ = 	snop  }
__scs_overlays_trampoline_lowered:
0x8: {  	[smem:$0x3FA8] =	sst s0  }
0x9: {  	[smem:$0x3FA9] =	sst s1  }
0xa: {  	[smem:$0x3FAA] =	sst s2  }
0xb: {  	[smem:$0x3FAB] =	sst s3  }
0xc: {  	[smem:$0x3FAC] =	sst s4  }
0xd: {  	[smem:$0x3FAD] =	sst s5  }
0xe: {  	[smem:$0x3FAE] =	sst s6  }
0xf: {  	[smem:$0x3FAF] =	sst s7  }
0x10: {  	[smem:$0x3FB0] =	sst s8  }
0x11: {  	[smem:$0x3FB1] =	sst s9;
	s0 =	simm.s32 @!p0 $0x0  }
0x12: {  	s1 =	sld [smem:$0x3F97];
	s0 =	simm.s32 @p0 $0x1  }
0x13: {  	[smem:$0x3FB2] =	sst s0;
	s0 =	simm.s32 @!p1 $0x0  }
0x14: {  	s2 =	sld [smem:$0x3F96];
	s0 =	simm.s32 @p1 $0x1  }
0x15: {  	[smem:$0x3FB3] =	sst s0;
	s0 =	simm.s32 @!p2 $0x0  }
0x16: {  	s3 =	sld [smem:$0x3FDB];
	s0 =	simm.s32 @p2 $0x1  }
0x17: {  	s4 =	simm.s32 $0x1BF5;
	[smem:$0x3FB5] =	sst s0  }
0x18: {  	s0 =	sld [smem:$0x3F98];
	_ =	swait.ge [sflag:s4], $0x0  }
0x19: {  	s7 =	sld [smem:$0x3F99]  }
0x1a: {  	s8 =	sadd.s32 $0xFFFFE003, lr  }
0x1b: {  	s9 =	sadd.s32 $0xFFFFFEF7, lr;
	s5 =	simm.s32 $0xFFFFFFFF;
	p2 =	slt.u32 s8, $0xFFFFF086  }
0x1c: {  	p1 =	slt.u32 s9, $0xF7A;
	s5 =	simm.s32 @!p2 $0x0  }
0x1d: {  	s5 =	simm.s32 @p1 $0x1;
	p0 =	seq.s32 s7, s2  }
0x1e: {  	s7 =	smul.u32 @!p0 $0xF7A, s2;
	p2 =	seq.s32 @!p0 s5, $0x0  }
0x1f: {  	s9 =	smul.u32 $0xF7A, s1;
	s8 =	simm.s32 @!p0 $0x1BF5;
	p2 =	por !p2, p0  }
0x20: {  	[sflag:s8] =	ssyncset.s32 @!p0 $0xFFFFF086;
	s6 =	sadd.s32 @!p0 s3, s7;
	s7 =	simm.s32 @!p0 $0x108  }
0x21: {  	s3 =	sadd.s32 s3, s9;
	s6 =	sadd.s32 @!p0 $0x88, s6;
	s7 =	simm.s32 @p2 $0x1082  }
0x22: {  	[simem:s7], [sflag:s8] =	dma.local @!p0 [hbm:s6], $0xF7A  }
0x23: {  	s9 =	sor.u32 $0xD0000000, s2;
	s6 =	simm.s32 $0x108;
	_ =	swait.ge @!p0 [sflag:s8], $0x0  }
0x24: {  	s3 =	sadd.s32 $0x88, s3;
	s6 =	simm.s32 @!p1 $0x1082;
	[sflag:s4] =	ssyncset.s32 $0xFFFFF086  }
0x25: {  	[simem:s6], [sflag:s4] =	dma.local [hbm:s3], $0xF7A  }
0x26: {  	[smem:$0x3F99] =	sst s1;
	(tag) =	ssettag s2;
	_ =	strace s9  }
0x27: {  	s1 =	sld [smem:$0x3FA9]  }
0x28: {  	s2 =	sld [smem:$0x3FAA]  }
0x29: {  	s4 =	sld [smem:$0x3FAC]  }
0x2a: {  	p0 =	seq.s32 s5, $0x0;
	s5 =	sld [smem:$0x3FAD]  }
0x2b: {  	s6 =	sld [smem:$0x3FAE]  }
0x2c: {  	s7 =	sld [smem:$0x3FAF]  }
0x2d: {  	s3 =	simm.s32 $0x108;
	s8 =	sld [smem:$0x3FB0]  }
0x2e: {  	s3 =	simm.s32 @!p0 $0x1082;
	s9 =	sld [smem:$0x3FB1]  }
0x2f: {  	lr =	sadd.s32 s0, s3;
	s0 =	sld [smem:$0x3FA8]  }
0x30: {  	s3 =	sld [smem:$0x3FAB]  }
0x31: {  	[smem:$0x3FB4] =	sst s10  }
0x32: {  	s10 =	sld [smem:$0x3FB2];
	_ =	sdelay $0x3  }
0x33: {  	p0 =	seq.s32 s10, $0x1;
	s10 =	sld [smem:$0x3FB4];
	_ =	sdelay $0x3  }
0x34: {  	[smem:$0x3FB4] =	sst s10  }
0x35: {  	s10 =	sld [smem:$0x3FB3];
	_ =	sdelay $0x3  }
0x36: {  	p1 =	seq.s32 s10, $0x1;
	s10 =	sld [smem:$0x3FB4];
	_ =	sdelay $0x3  }
0x37: {  	[smem:$0x3FB4] =	sst s10  }
0x38: {  	s10 =	sld [smem:$0x3FB5]  }
0x39: {  	_ = 	snop;
	(pc) =	sbr.ind lr, $3  }
0x3a: {  	_ = 	snop  }
0x3b: {  	_ = 	snop  }
0x3c: {  	p2 =	seq.s32 s10, $0x1;
	s10 =	sld [smem:$0x3FB4]  }
0x3d: {  	_ =	shalt  }
0x3e: {  	_ =	shalt  }
0x3f: {  	_ =	shalt  }
0x40: {  	_ =	shalt  }
0x41: {  	_ =	shalt  }
0x42: {  	_ =	shalt  }
0x43: {  	_ =	shalt  }
0x44: {  	_ =	shalt  }
0x45: {  	_ =	shalt  }
0x46: {  	_ =	shalt  }
0x47: {  	_ =	shalt  }
0x48: {  	_ =	shalt  }
0x49: {  	_ =	shalt  }
0x4a: {  	_ =	shalt  }
0x4b: {  	_ =	shalt  }
0x4c: {  	_ =	shalt  }
0x4d: {  	_ =	shalt  }
0x4e: {  	_ =	shalt  }
0x4f: {  	_ =	shalt  }
0x50: {  	_ =	shalt  }
0x51: {  	_ =	shalt  }
0x52: {  	_ =	shalt  }
0x53: {  	_ =	shalt  }
0x54: {  	_ =	shalt  }
0x55: {  	_ =	shalt  }
0x56: {  	_ =	shalt  }
0x57: {  	_ =	shalt  }
0x58: {  	_ =	shalt  }
0x59: {  	_ =	shalt  }
0x5a: {  	_ =	shalt  }
0x5b: {  	_ =	shalt  }
0x5c: {  	_ =	shalt  }
0x5d: {  	_ =	shalt  }
0x5e: {  	_ =	shalt  }
0x5f: {  	_ =	shalt  }
0x60: {  	_ =	shalt  }
0x61: {  	_ =	shalt  }
0x62: {  	_ =	shalt  }
0x63: {  	_ =	shalt  }
0x64: {  	_ =	shalt  }
0x65: {  	_ =	shalt  }
0x66: {  	_ =	shalt  }
0x67: {  	_ =	shalt  }
0x68: {  	_ =	shalt  }
0x69: {  	_ =	shalt  }
0x6a: {  	_ =	shalt  }
0x6b: {  	_ =	shalt  }
0x6c: {  	_ =	shalt  }
0x6d: {  	_ =	shalt  }
0x6e: {  	_ =	shalt  }
0x6f: {  	_ =	shalt  }
0x70: {  	_ =	shalt  }
0x71: {  	_ =	shalt  }
0x72: {  	_ =	shalt  }
0x73: {  	_ =	shalt  }
0x74: {  	_ =	shalt  }
0x75: {  	_ =	shalt  }
0x76: {  	_ =	shalt  }
0x77: {  	_ =	shalt  }
0x78: {  	_ =	shalt  }
0x79: {  	_ =	shalt  }
0x7a: {  	_ =	shalt  }
0x7b: {  	_ =	shalt  }
0x7c: {  	_ =	shalt  }
0x7d: {  	_ =	shalt  }
0x7e: {  	_ =	shalt  }
0x7f: {  	_ =	shalt  }
0x80: {  	_ =	shalt  }
0x81: {  	_ =	shalt  }
0x82: {  	_ =	shalt  }
0x83: {  	_ =	shalt  }
0x84: {  	_ =	shalt  }
0x85: {  	_ =	shalt  }
0x86: {  	_ =	shalt  }
0x87: {  	_ =	shalt  }
.Lfunc_end0:
.L_simem_size_0:
called_computation_lowered:
.L_overlay_start_0:
0x88: {  	s2 =	sld [smem:$0x3FD9]  }
0x89: {  	s3 =	sld [smem:$0x3FFE];
	_ =	sdelay $0x1  }
0x8a: {  	s1 =	srdreg.scid  }
0x8b: {  	s0 =	sand.u32 $0x1, s1  }
0x8c: {  	s14 =	sshll.u32 s0, $0xA;
	s2 =	sadd.s32 s3, s2  }
0x8d: {  	s2 =	sadd.s32 s2, s14  }
0x8e: {  	[smem:$0x3FC0] =	sst s2  }
0x8f: {  	_ = 	snop  }
0x90: {  	s2 =	sld [smem:$0x3FD0];
	_ =	sdelay $0x2  }
0x91: {  	s15 =	simm.s32 $0xA;
	s4 =	simm.s32 $0x10  }
0x92: {  	[smem:s4], [sflag:s15] =	dma.local [hbm:s2], $0x1  }
0x93: {  	_ =	swait.eq [sflag:s15], $0x1  }
0x94: {  	[sflag:s15] =	ssyncset.done $0x0  }
0x95: {  	s16 =	sld [smem:$0x10];
	[sflag:s15] =	ssyncadd.s32 $0xFFFFFFFF  }
0x96: {  	s17 =	sld [smem:$0x11];
	(tm) =	ssettm $0x1  }
0x97: {  	s18 =	sld [smem:$0x3FFB];
	_ =	sdelay $0x3  }
0x98: {  	_ =	strace s18  }
0x99: {  	s4 =	sld [smem:$0x3FFC];
	_ =	sdelay $0x3  }
0x9a: {  	_ =	strace s4  }
0x9b: {  	s4 =	sld [smem:$0x3FFD];
	_ =	sdelay $0x3  }
0x9c: {  	_ =	strace s4  }
0x9d: {  	_ =	strace $0x8FFFFFFF  }
0x9e: {  	s19 =	sld [smem:$0x3FDB];
	_ =	sdelay $0x1  }
0x9f: {  	s5 =	simm.s32 $_scs_section_size  }
0xa0: {  	s6 =	simm.s32 $_size__tile_overlayer_lowered;
	s7 =	simm.s32 $_tile_overlayer_lowered  }
0xa1: {  	s22 =	simm.s32 $0x1BFF;
	s21 =	sshll.u32 s7, $0x1;
	s4 =	sadd.s32 s5, s19  }
0xa2: {  	s8 =	simm.s32 $0x0;
	s20 =	sshll.u32 s6, $0x1;
	s6 =	sadd.s32 s21, s4  }
0xa3: {  	[timem:s8], [sflag:s22] =	dma.local [hbm:s6], s20  }
0xa4: {  	_ =	swait.ge [sflag:s22], s20  }
0xa5: {  	s5 =	ssub.s32 $0x0, s20;
	[sflag:s22] =	ssyncset.done $0x0  }
0xa6: {  	[sflag:s22] =	ssyncadd.s32 s5;
	_ =	sdelay $0x1  }
0xa7: {  	s23 =	simm.s32 $0x1B8B  }
0xa8: {  	_ =	swait.ge [sflag:s23], $0x1  }
0xa9: {  	[sflag:s23] =	ssyncset.done $0x0  }
0xaa: {  	s25 =	simm.s32 $0x1B8E;
	s24 =	sld [smem:$0x3FFE];
	[sflag:s23] =	ssyncadd.s32 $0xFFFFFFFF  }
0xab: {  	s26 =	simm.s32 $execute0_lowered;
	[smem:$0x3FD2] =	sst s25  }
0xac: {  	s6 =	sshll.u32 s26, $0x1;
	_ =	strace $0x80000046;
	[dreg:$0x1] =	wrdreg $0xFFFFFFFF  }
0xad: {  	s28 =	simm.s32 $_size_execute0_lowered;
	s4 =	sadd.s32 s4, s6;
	[dreg:$0x0] =	wrdreg $0x0  }
0xae: {  	s6 =	sshll.u32 s28, $0x1;
	[dreg:$0x2] =	wrdreg s4  }
0xaf: {  	[dreg:$0x3] =	wrdreg s6  }
0xb0: {  	[dreg:$0x4] =	wrdreg $0xC0  }
0xb1: {  	_ =	task [dreg:s8], $0x5FFFF  }
0xb2: {  	[dreg:$0x1] =	wrdreg $0xFFFFFFFF  }
0xb3: {  	[dreg:$0x0] =	wrdreg $0x60  }
0xb4: {  	[dreg:$0x2] =	wrdreg s24  }
0xb5: {  	[dreg:$0x3] =	wrdreg s16  }
0xb6: {  	[dreg:$0x4] =	wrdreg s17  }
0xb7: {  	[dreg:$0x5] =	wrdreg $0x30000  }
0xb8: {  	[dreg:$0x6] =	wrdreg $0x9  }
0xb9: {  	_ =	task.clear_ibuf [dreg:s8], $0x7FFFF;
	_ =	strace $0x90000046  }
0xba: {  	s29 =	simm.s32 $0x9;
	_ =	strace $0x80000048  }
0xbb: {  	_ =	swait.ge [sflag:s29], $0x1  }
0xbc: {  	[sflag:s29] =	ssyncadd.s32 $0xFFFFFFFF  }
0xbd: {  	_ =	strace $0x90000048  }
0xbe: {  	_ =	sfence  }
0xbf: {  	s30 =	sld [smem:$0x0];
	_ =	sdelay $0x2  }
0xc0: {  	s31 =	sshll.u32 s1, $0xD;
	s1 =	sshrl.u32 s1, $0x2  }
0xc1: {  	s3 =	sand.u32 $0x4000, s31;
	s1 =	sadd.s32 s1, s30  }
0xc2: {  	s0 =	sor.u32 s3, s0;
	s1 =	sshll.u32 s1, $0x11  }
0xc3: {  	s0 =	sor.u32 s1, s0  }
0xc4: {  	s0 =	sadd.s32 $0x8F2B, s0  }
0xc5: {  	[sflag:s0] =	ssyncadd.remote.s32 $0x1  }
0xc6: {  	_ =	sfence.sel $0xFFFF  }
0xc7: {  	[dreg:$0x0] =	wrdreg $0xFFFFFFFF;
	(pc) =	sbr.abs _section_cstart, $3  }
0xc8: {  	[dreg:$0x1] =	wrdreg $0xFFFFFFFF  }
0xc9: {  	_ =	task.clear_ibuf [dreg:s8], $0x2FFFF;
	_ =	strace $0x9FFFFFFF  }
0xca: {  	(tm) =	ssettm $0x7FFFFFFF  }
0xcb: {  	_ =	shalt  }
tec
execute0_lowered:
.L_overlay_start_1:
0x0: {  	(tag) =	ssettag $0x1  }
0x1: {  	s5 =	rddreg [dreg:$0x0]  }
0x2: {  	s7 =	rddreg [dreg:$0x1]  }
0x3: {  	s8 =	rddreg [dreg:$0x2]  }
0x4: {  	s1 =	rddreg [dreg:$0x3]  }
0x5: {  	s0 =	rddreg [dreg:$0x4];
	s3 =	simm.s32 $0x0;
	s6 =	srdreg.scid  }
0x6: {  	s2 =	stileid.u32;
	s14 =	simm.s32 $0x0;
	[smem:$0x7FF] =	sst s3  }
0x7: {  	s4 =	sadd.s32 $0x2200, s5;
	s6 =	sand.u32 $0x1, s6;
	s9 =	smul.u32 $0x2800, s2  }
0x8: {  	s11 =	sshll.u32 s2, $0x1;
	s5 =	sadd.s32 $0x2400, s5;
	s30 =	sshll.u32 s2, $0x6  }
0x9: {  	s10 =	ssub.s32 $0x2, s6;
	s12 =	smul.u32 $0x28000, s6;
	s6 =	sor.u32 s6, s11  }
0xa: {  	_ =	strace $0x80000047;
	s13 =	sshrl.u32 s10, $0x1;
	s11 =	smul.u32 $0x500, s6  }
0xb: {  	s29 =	sadd.s32 s9, s1;
	s6 =	sor.u32 $0x1C01, s30;
	s10 =	ssub.s32 s10, s13  }
0xc: {  	s28 =	sadd.s32 s9, s12;
	s12 =	simm.s32 $0x2800;
	s13 =	simm.s32 $0x80  }
0xd: {  	s31 =	sshrl.u32 s28, $0x3;
	s7 =	sadd.s32 s7, s11;
	s9 =	smax.u32 s10, $0x1  }
0xe: {  	s10 =	sshrl.u32 s29, $0x3;
	s11 =	simm.s32 $0x1;
	s8 =	sadd.s32 s8, s31  }
.LBB2_1:
0xf: {  	[spmem:s10], [sflag:s6] =	dma.local [hbm:s5], $0x500  }
0x10: {  	_ =	swait.ge [sflag:s11], $0x500  }
0x11: {  	[sflag:s11] =	ssyncset.done $0x0  }
0x12: {  	[sflag:s11] =	ssyncadd.s32 $0xFFFFFB00  }
0x13: {  	[tilespmem:s3], [sflag:$0x1] =	stream.linear.gather [hbm4b:s7+s3], $0x2800, $0x38;
	[tilespmem:$0x5800] =	vst v63  }
0x14: {  	_ =	swait.ge [sflag:s11], $0x2800  }
0x15: {  	[sflag:s11] =	ssyncset.done $0x0  }
0x16: {  	[sflag:s11] =	ssyncadd.s32 $0xFFFFD800  }
0x17: {  	[tilespmem:s12], [sflag:$0x1] =	stream.linear.gather [hbm4b:s4+s3], $0x800, $0x38;
	[tilespmem:$0x5800] =	vst v63  }
0x18: {  	_ =	swait.ge [sflag:s11], $0x800  }
0x19: {  	[sflag:s11] =	ssyncset.done $0x0  }
0x1a: {  	[sflag:s11] =	ssyncadd.s32 $0xFFFFF800  }
0x1b: {  	s15 =	simm.s32 $0x0;
	[bflag:$0x0] =	sbarrier.arrive $0xFFFF  }
0x1c: {  	[spmem:s1] =	stream.indirect.scatter.add.f32 [tilespmem:s12], [sflag:$0x1], $0x10, s15, s13, $0xb8;
	[tilespmem:$0x5800] =	vst v63  }
0x1d: {  	_ =	swait.ge [sflag:s11], $0x800  }
0x1e: {  	s15 =	simm.s32 $0x200;
	[sflag:s11] =	ssyncset.done $0x0  }
.LBB2_2:
0x1f: {  	s16 =	sshra.s32 s15, $0x2;
	[sflag:s11] =	ssyncadd.s32 $0xFFFFF800;
	p0 =	sne.s32 s15, $0x9E00  }
0x20: {  	[spmem:s1] =	stream.indirect.scatter.add.f32 [tilespmem:s12], [sflag:$0x1], $0x10, s16, s13, $0xb8;
	[tilespmem:$0x5800] =	vst v63  }
.Ltmp0:
0x21: {  	_ = 	snop;
	(pc) =	sbr.rel @p0 .LBB2_2-.Ltmp0, $4  }
0x22: {  	_ = 	snop  }
0x23: {  	s15 =	sadd.s32 $0x200, s15  }
0x24: {  	_ =	swait.ge [sflag:s11], $0x800  }
0x25: {  	[sflag:s11] =	ssyncset.done $0x0  }
0x26: {  	s14 =	sadd.s32 $0x1, s14  }
0x27: {  	[sflag:s11] =	ssyncadd.s32 $0xFFFFF800;
	p0 =	sne.s32 s14, s9  }
.Ltmp1:
0x28: {  	[bflag:$0x0] =	sbarrier.arrive $0xFFFF;
	(pc) =	sbr.rel @p0 .LBB2_1-.Ltmp1, $4  }
0x29: {  	[hbm:s8], [sflag:s6] =	dma.local [spmem:s10], $0x500  }
0x2a: {  	_ =	swait.ge [sflag:s11], $0x500  }
0x2b: {  	[sflag:s11] =	ssyncset.done $0x0  }
0x2c: {  	[sflag:s11] =	ssyncadd.s32 $0xFFFFFB00  }
0x2d: {  	_ =	sfence.sel $0x180000  }
0x2e: {  	[bflag:$0x0] =	sbarrier.arrive $0xFFFF  }
0x2f: {  	p0 =	sne.s32 s2, $0x0;
	_ =	strace $0x90000047  }
0x30: {  	s0 =	sadd.s32 @!p0 $0x100000, s0;
	[bflag:$0x2] =	sbarrier.arrive $0xFFFF  }
0x31: {  	[sflag:s0] =	ssyncadd.tile.s32 @!p0 $0x1;
	_ =	shalt  }
.Lfunc_end2:
_tile_overlayer_lowered:
.L_overlay_start_2:
0x32: {  	(tag) =	ssettag $0x2  }
0x33: {  	s0 =	rddreg [dreg:$0x0];
	s2 =	stileid.u32  }
0x34: {  	s1 =	rddreg [dreg:$0x1];
	p0 =	sne.s32 s2, $0x0  }
0x35: {  	s3 =	rddreg [dreg:$0x2];
	[bflag:$0x3] =	sbarrier.arrive $0xFFFF;
	s2 =	simm.s32 @!p0 $0x1C01  }
0x36: {  	[timem:s3], [sflag:s2] =	dma.local @!p0 [hbm:s0], s1  }
0x37: {  	s0 =	simm.s32 @!p0 $0x1  }
0x38: {  	_ =	swait.ge @!p0 [sflag:s0], s1  }
0x39: {  	s1 =	ssub.s32 @!p0 $0x0, s1;
	[sflag:s0] =	ssyncset.done @!p0 $0x0  }
0x3a: {  	[sflag:s0] =	ssyncadd.s32 @!p0 s1  }
0x3b: {  	[bflag:$0x3] =	sbarrier.arrive $0xFFFF  }
0x3c: {  	_ =	shalt  }

// kernel: kernel.13.cloned.1.call-start
scs
__scs_entry_jumppad:
0x0: {  	(pc) =	sbr.rel $0x88, $3  }
0x1: {  	(tag) =	ssettag $0x0;
	lr =	simm.s32 $0x1  }
0x2: {  	[smem:$0x3F99] =	sst lr;
	_ =	strace $0xD0000000  }
0x3: {  	_ = 	snop  }
0x4: {  	_ = 	snop  }
0x5: {  	_ = 	snop  }
0x6: {  	_ = 	snop  }
0x7: {  	_ = 	snop  }
__scs_overlays_trampoline_lowered:
0x8: {  	[smem:$0x3FA8] =	sst s0  }
0x9: {  	[smem:$0x3FA9] =	sst s1  }
0xa: {  	[smem:$0x3FAA] =	sst s2  }
0xb: {  	[smem:$0x3FAB] =	sst s3  }
0xc: {  	[smem:$0x3FAC] =	sst s4  }
0xd: {  	[smem:$0x3FAD] =	sst s5  }
0xe: {  	[smem:$0x3FAE] =	sst s6  }
0xf: {  	[smem:$0x3FAF] =	sst s7  }
0x10: {  	[smem:$0x3FB0] =	sst s8  }
0x11: {  	[smem:$0x3FB1] =	sst s9;
	s0 =	simm.s32 @!p0 $0x0  }
0x12: {  	s1 =	sld [smem:$0x3F97];
	s0 =	simm.s32 @p0 $0x1  }
0x13: {  	[smem:$0x3FB2] =	sst s0;
	s0 =	simm.s32 @!p1 $0x0  }
0x14: {  	s2 =	sld [smem:$0x3F96];
	s0 =	simm.s32 @p1 $0x1  }
0x15: {  	[smem:$0x3FB3] =	sst s0;
	s0 =	simm.s32 @!p2 $0x0  }
0x16: {  	s3 =	sld [smem:$0x3FDB];
	s0 =	simm.s32 @p2 $0x1  }
0x17: {  	s4 =	simm.s32 $0x1BF5;
	[smem:$0x3FB5] =	sst s0  }
0x18: {  	s0 =	sld [smem:$0x3F98];
	_ =	swait.ge [sflag:s4], $0x0  }
0x19: {  	s7 =	sld [smem:$0x3F99]  }
0x1a: {  	s8 =	sadd.s32 $0xFFFFE003, lr  }
0x1b: {  	s9 =	sadd.s32 $0xFFFFFEF7, lr;
	s5 =	simm.s32 $0xFFFFFFFF;
	p2 =	slt.u32 s8, $0xFFFFF086  }
0x1c: {  	p1 =	slt.u32 s9, $0xF7A;
	s5 =	simm.s32 @!p2 $0x0  }
0x1d: {  	s5 =	simm.s32 @p1 $0x1;
	p0 =	seq.s32 s7, s2  }
0x1e: {  	s7 =	smul.u32 @!p0 $0xF7A, s2;
	p2 =	seq.s32 @!p0 s5, $0x0  }
0x1f: {  	s9 =	smul.u32 $0xF7A, s1;
	s8 =	simm.s32 @!p0 $0x1BF5;
	p2 =	por !p2, p0  }
0x20: {  	[sflag:s8] =	ssyncset.s32 @!p0 $0xFFFFF086;
	s6 =	sadd.s32 @!p0 s3, s7;
	s7 =	simm.s32 @!p0 $0x108  }
0x21: {  	s3 =	sadd.s32 s3, s9;
	s6 =	sadd.s32 @!p0 $0x88, s6;
	s7 =	simm.s32 @p2 $0x1082  }
0x22: {  	[simem:s7], [sflag:s8] =	dma.local @!p0 [hbm:s6], $0xF7A  }
0x23: {  	s9 =	sor.u32 $0xD0000000, s2;
	s6 =	simm.s32 $0x108;
	_ =	swait.ge @!p0 [sflag:s8], $0x0  }
0x24: {  	s3 =	sadd.s32 $0x88, s3;
	s6 =	simm.s32 @!p1 $0x1082;
	[sflag:s4] =	ssyncset.s32 $0xFFFFF086  }
0x25: {  	[simem:s6], [sflag:s4] =	dma.local [hbm:s3], $0xF7A  }
0x26: {  	[smem:$0x3F99] =	sst s1;
	(tag) =	ssettag s2;
	_ =	strace s9  }
0x27: {  	s1 =	sld [smem:$0x3FA9]  }
0x28: {  	s2 =	sld [smem:$0x3FAA]  }
0x29: {  	s4 =	sld [smem:$0x3FAC]  }
0x2a: {  	p0 =	seq.s32 s5, $0x0;
	s5 =	sld [smem:$0x3FAD]  }
0x2b: {  	s6 =	sld [smem:$0x3FAE]  }
0x2c: {  	s7 =	sld [smem:$0x3FAF]  }
0x2d: {  	s3 =	simm.s32 $0x108;
	s8 =	sld [smem:$0x3FB0]  }
0x2e: {  	s3 =	simm.s32 @!p0 $0x1082;
	s9 =	sld [smem:$0x3FB1]  }
0x2f: {  	lr =	sadd.s32 s0, s3;
	s0 =	sld [smem:$0x3FA8]  }
0x30: {  	s3 =	sld [smem:$0x3FAB]  }
0x31: {  	[smem:$0x3FB4] =	sst s10  }
0x32: {  	s10 =	sld [smem:$0x3FB2];
	_ =	sdelay $0x3  }
0x33: {  	p0 =	seq.s32 s10, $0x1;
	s10 =	sld [smem:$0x3FB4];
	_ =	sdelay $0x3  }
0x34: {  	[smem:$0x3FB4] =	sst s10  }
0x35: {  	s10 =	sld [smem:$0x3FB3];
	_ =	sdelay $0x3  }
0x36: {  	p1 =	seq.s32 s10, $0x1;
	s10 =	sld [smem:$0x3FB4];
	_ =	sdelay $0x3  }
0x37: {  	[smem:$0x3FB4] =	sst s10  }
0x38: {  	s10 =	sld [smem:$0x3FB5]  }
0x39: {  	_ = 	snop;
	(pc) =	sbr.ind lr, $3  }
0x3a: {  	_ = 	snop  }
0x3b: {  	_ = 	snop  }
0x3c: {  	p2 =	seq.s32 s10, $0x1;
	s10 =	sld [smem:$0x3FB4]  }
0x3d: {  	_ =	shalt  }
0x3e: {  	_ =	shalt  }
0x3f: {  	_ =	shalt  }
0x40: {  	_ =	shalt  }
0x41: {  	_ =	shalt  }
0x42: {  	_ =	shalt  }
0x43: {  	_ =	shalt  }
0x44: {  	_ =	shalt  }
0x45: {  	_ =	shalt  }
0x46: {  	_ =	shalt  }
0x47: {  	_ =	shalt  }
0x48: {  	_ =	shalt  }
0x49: {  	_ =	shalt  }
0x4a: {  	_ =	shalt  }
0x4b: {  	_ =	shalt  }
0x4c: {  	_ =	shalt  }
0x4d: {  	_ =	shalt  }
0x4e: {  	_ =	shalt  }
0x4f: {  	_ =	shalt  }
0x50: {  	_ =	shalt  }
0x51: {  	_ =	shalt  }
0x52: {  	_ =	shalt  }
0x53: {  	_ =	shalt  }
0x54: {  	_ =	shalt  }
0x55: {  	_ =	shalt  }
0x56: {  	_ =	shalt  }
0x57: {  	_ =	shalt  }
0x58: {  	_ =	shalt  }
0x59: {  	_ =	shalt  }
0x5a: {  	_ =	shalt  }
0x5b: {  	_ =	shalt  }
0x5c: {  	_ =	shalt  }
0x5d: {  	_ =	shalt  }
0x5e: {  	_ =	shalt  }
0x5f: {  	_ =	shalt  }
0x60: {  	_ =	shalt  }
0x61: {  	_ =	shalt  }
0x62: {  	_ =	shalt  }
0x63: {  	_ =	shalt  }
0x64: {  	_ =	shalt  }
0x65: {  	_ =	shalt  }
0x66: {  	_ =	shalt  }
0x67: {  	_ =	shalt  }
0x68: {  	_ =	shalt  }
0x69: {  	_ =	shalt  }
0x6a: {  	_ =	shalt  }
0x6b: {  	_ =	shalt  }
0x6c: {  	_ =	shalt  }
0x6d: {  	_ =	shalt  }
0x6e: {  	_ =	shalt  }
0x6f: {  	_ =	shalt  }
0x70: {  	_ =	shalt  }
0x71: {  	_ =	shalt  }
0x72: {  	_ =	shalt  }
0x73: {  	_ =	shalt  }
0x74: {  	_ =	shalt  }
0x75: {  	_ =	shalt  }
0x76: {  	_ =	shalt  }
0x77: {  	_ =	shalt  }
0x78: {  	_ =	shalt  }
0x79: {  	_ =	shalt  }
0x7a: {  	_ =	shalt  }
0x7b: {  	_ =	shalt  }
0x7c: {  	_ =	shalt  }
0x7d: {  	_ =	shalt  }
0x7e: {  	_ =	shalt  }
0x7f: {  	_ =	shalt  }
0x80: {  	_ =	shalt  }
0x81: {  	_ =	shalt  }
0x82: {  	_ =	shalt  }
0x83: {  	_ =	shalt  }
0x84: {  	_ =	shalt  }
0x85: {  	_ =	shalt  }
0x86: {  	_ =	shalt  }
0x87: {  	_ =	shalt  }
.Lfunc_end0:
.L_simem_size_0:
called_computation.1_lowered:
.L_overlay_start_0:
0x88: {  	s2 =	sld [smem:$0x3FD9]  }
0x89: {  	s3 =	sld [smem:$0x3FFE];
	_ =	sdelay $0x1  }
0x8a: {  	s1 =	srdreg.scid  }
0x8b: {  	s0 =	sand.u32 $0x1, s1  }
0x8c: {  	s14 =	sshll.u32 s0, $0xA;
	s2 =	sadd.s32 s3, s2  }
0x8d: {  	s2 =	sadd.s32 s2, s14  }
0x8e: {  	[smem:$0x3FC0] =	sst s2  }
0x8f: {  	_ = 	snop  }
0x90: {  	s2 =	sld [smem:$0x3FD0];
	_ =	sdelay $0x2  }
0x91: {  	s15 =	simm.s32 $0xA;
	s4 =	simm.s32 $0x10  }
0x92: {  	[smem:s4], [sflag:s15] =	dma.local [hbm:s2], $0x1  }
0x93: {  	_ =	swait.eq [sflag:s15], $0x1  }
0x94: {  	[sflag:s15] =	ssyncset.done $0x0  }
0x95: {  	s16 =	sld [smem:$0x10];
	[sflag:s15] =	ssyncadd.s32 $0xFFFFFFFF  }
0x96: {  	s17 =	sld [smem:$0x11];
	(tm) =	ssettm $0x1  }
0x97: {  	s18 =	sld [smem:$0x3FFB];
	_ =	sdelay $0x3  }
0x98: {  	_ =	strace s18  }
0x99: {  	s4 =	sld [smem:$0x3FFC];
	_ =	sdelay $0x3  }
0x9a: {  	_ =	strace s4  }
0x9b: {  	s4 =	sld [smem:$0x3FFD];
	_ =	sdelay $0x3  }
0x9c: {  	_ =	strace s4  }
0x9d: {  	_ =	strace $0x8FFFFFFF  }
0x9e: {  	s19 =	sld [smem:$0x3FDB];
	_ =	sdelay $0x1  }
0x9f: {  	s5 =	simm.s32 $_scs_section_size  }
0xa0: {  	s6 =	simm.s32 $_size__tile_overlayer_lowered;
	s7 =	simm.s32 $_tile_overlayer_lowered  }
0xa1: {  	s22 =	simm.s32 $0x1BFF;
	s21 =	sshll.u32 s7, $0x1;
	s4 =	sadd.s32 s5, s19  }
0xa2: {  	s8 =	simm.s32 $0x0;
	s20 =	sshll.u32 s6, $0x1;
	s6 =	sadd.s32 s21, s4  }
0xa3: {  	[timem:s8], [sflag:s22] =	dma.local [hbm:s6], s20  }
0xa4: {  	_ =	swait.ge [sflag:s22], s20  }
0xa5: {  	s5 =	ssub.s32 $0x0, s20;
	[sflag:s22] =	ssyncset.done $0x0  }
0xa6: {  	[sflag:s22] =	ssyncadd.s32 s5;
	_ =	sdelay $0x1  }
0xa7: {  	s23 =	simm.s32 $0x1B8B  }
0xa8: {  	_ =	swait.ge [sflag:s23], $0x1  }
0xa9: {  	[sflag:s23] =	ssyncset.done $0x0  }
0xaa: {  	s25 =	simm.s32 $0x1B8E;
	s24 =	sld [smem:$0x3FFE];
	[sflag:s23] =	ssyncadd.s32 $0xFFFFFFFF  }
0xab: {  	s26 =	simm.s32 $execute0_lowered;
	[smem:$0x3FD2] =	sst s25  }
0xac: {  	s6 =	sshll.u32 s26, $0x1;
	_ =	strace $0x80000049;
	[dreg:$0x1] =	wrdreg $0xFFFFFFFF  }
0xad: {  	s28 =	simm.s32 $_size_execute0_lowered;
	s4 =	sadd.s32 s4, s6;
	[dreg:$0x0] =	wrdreg $0x0  }
0xae: {  	s6 =	sshll.u32 s28, $0x1;
	[dreg:$0x2] =	wrdreg s4  }
0xaf: {  	[dreg:$0x3] =	wrdreg s6  }
0xb0: {  	[dreg:$0x4] =	wrdreg $0xC0  }
0xb1: {  	_ =	task [dreg:s8], $0x5FFFF  }
0xb2: {  	[dreg:$0x1] =	wrdreg $0xFFFFFFFF  }
0xb3: {  	[dreg:$0x0] =	wrdreg $0x60  }
0xb4: {  	[dreg:$0x2] =	wrdreg s24  }
0xb5: {  	[dreg:$0x3] =	wrdreg s16  }
0xb6: {  	[dreg:$0x4] =	wrdreg s17  }
0xb7: {  	[dreg:$0x5] =	wrdreg $0x120000  }
0xb8: {  	[dreg:$0x6] =	wrdreg $0x9  }
0xb9: {  	_ =	task.clear_ibuf [dreg:s8], $0x7FFFF;
	_ =	strace $0x90000049  }
0xba: {  	s29 =	simm.s32 $0x9;
	_ =	strace $0x8000004B  }
0xbb: {  	_ =	swait.ge [sflag:s29], $0x1  }
0xbc: {  	[sflag:s29] =	ssyncadd.s32 $0xFFFFFFFF  }
0xbd: {  	_ =	strace $0x9000004B  }
0xbe: {  	_ =	sfence  }
0xbf: {  	s30 =	sld [smem:$0x0];
	_ =	sdelay $0x2  }
0xc0: {  	s31 =	sshll.u32 s1, $0xD;
	s1 =	sshrl.u32 s1, $0x2  }
0xc1: {  	s3 =	sand.u32 $0x4000, s31;
	s1 =	sadd.s32 s1, s30  }
0xc2: {  	s0 =	sor.u32 s3, s0;
	s1 =	sshll.u32 s1, $0x11  }
0xc3: {  	s0 =	sor.u32 s1, s0  }
0xc4: {  	s0 =	sadd.s32 $0x8F2B, s0  }
0xc5: {  	[sflag:s0] =	ssyncadd.remote.s32 $0x1  }
0xc6: {  	_ =	sfence.sel $0xFFFF  }
0xc7: {  	[dreg:$0x0] =	wrdreg $0xFFFFFFFF;
	(pc) =	sbr.abs _section_cstart, $3  }
0xc8: {  	[dreg:$0x1] =	wrdreg $0xFFFFFFFF  }
0xc9: {  	_ =	task.clear_ibuf [dreg:s8], $0x2FFFF;
	_ =	strace $0x9FFFFFFF  }
0xca: {  	(tm) =	ssettm $0x7FFFFFFF  }
0xcb: {  	_ =	shalt  }
tec
execute0_lowered:
.L_overlay_start_1:
0x0: {  	(tag) =	ssettag $0x1  }
0x1: {  	s0 =	rddreg [dreg:$0x0]  }
0x2: {  	s1 =	rddreg [dreg:$0x1]  }
0x3: {  	s2 =	srdreg.scid;
	s3 =	rddreg [dreg:$0x3]  }
0x4: {  	s10 =	stileid.u32;
	s4 =	simm.s32 $0x0;
	s12 =	simm.s32 $0x9  }
0x5: {  	s13 =	simm.s32 $0x5000;
	s14 =	simm.s32 $0x80;
	s15 =	simm.s32 $0xA000  }
0x6: {  	s16 =	simm.s32 $0xC000;
	s18 =	simm.s32 $0xE000;
	s19 =	simm.s32 $0x1  }
0x7: {  	s21 =	simm.s32 $0x10000;
	s22 =	simm.s32 $0x2;
	s23 =	simm.s32 $0x5080  }
0x8: {  	s24 =	simm.s32 $0x5;
	s28 =	simm.s32 $0x4;
	s29 =	simm.s32 $0x7  }
0x9: {  	s30 =	simm.s32 $0x8;
	s31 =	simm.s32 $0x9F00;
	s6 =	smul.u32 $0xA000, s10  }
0xa: {  	s2 =	sand.u32 $0x1, s2;
	[smem:$0x7FF] =	sst s4;
	s8 =	smul.u32 $0xA00, s10  }
0xb: {  	s10 =	sshll.u32 s10, $0x6;
	s5 =	smul.u32 $0xA0000, s2;
	s2 =	ssub.s32 $0x2, s2  }
0xc: {  	_ =	strace $0x8000004A;
	s25 =	sadd.s32 s8, s0;
	s26 =	sshrl.u32 s2, $0x1  }
0xd: {  	s11 =	sadd.s32 s6, s3;
	s7 =	sshrl.u32 s5, $0x3;
	s5 =	sadd.s32 s6, s5  }
0xe: {  	s2 =	ssub.s32 s2, s26;
	s6 =	sadd.s32 $0x2A00, s25;
	s11 =	sshrl.u32 s11, $0x3  }
0xf: {  	s25 =	simm.s32 $0x3;
	s26 =	simm.s32 $0x6;
	s5 =	sshrl.u32 s5, $0x3  }
0x10: {  	s9 =	sadd.s32 s7, s0;
	s7 =	sadd.s32 s1, s8;
	s0 =	sadd.s32 s5, s0  }
0x11: {  	s5 =	sor.u32 $0x1C09, s10;
	s8 =	sadd.s32 $0x5CA00, s9;
	s10 =	smax.u32 s2, $0x1  }
0x12: {  	s2 =	simm.s32 $0x0;
	s9 =	sadd.s32 $0x84A00, s0;
	s0 =	simm.s32 $0x9F80  }
.LBB2_1:
0x13: {  	s1 =	rddreg [dreg:$0x2]  }
0x14: {  	[spmem:s11], [sflag:s5] =	dma.local [hbm:s1], $0x1400  }
0x15: {  	_ =	swait.ge [sflag:s12], $0x1400  }
0x16: {  	[sflag:s12] =	ssyncset.done $0x0  }
0x17: {  	[sflag:s12] =	ssyncadd.s32 $0xFFFFEC00  }
0x18: {  	[tilespmem:s4], [sflag:$0x9] =	stream.linear.gather [hbm4b:s6+s4], $0x5000, $0x38;
	[tilespmem:$0x1C000] =	vst v63  }
0x19: {  	_ =	swait.ge [sflag:s12], $0x5000  }
0x1a: {  	[sflag:s12] =	ssyncset.done $0x0  }
0x1b: {  	[sflag:s12] =	ssyncadd.s32 $0xFFFFB000  }
0x1c: {  	[tilespmem:s13], [sflag:$0x9] =	stream.linear.gather [hbm4b:s7+s4], $0x5000, $0x38;
	[tilespmem:$0x1C000] =	vst v63  }
0x1d: {  	_ =	swait.ge [sflag:s12], $0x5000  }
0x1e: {  	[sflag:s12] =	ssyncset.done $0x0  }
0x1f: {  	[sflag:s12] =	ssyncadd.s32 $0xFFFFB000  }
0x20: {  	[bflag:$0x0] =	sbarrier.arrive $0xFFFF  }
0x21: {  	[tilespmem:s15], [sflag:$0x1] =	stream.indirect.gather [hbm4b:s8+s14], $0x40, s4, s14, $0xb8;
	[tilespmem:$0x1C000] =	vst v63  }
0x22: {  	_ = 	snop  }
0x23: {  	[tilespmem:s16], [sflag:$0x2] =	stream.indirect.gather [hbm4b:s8+s14], $0x40, s14, s14, $0xb8;
	[tilespmem:$0x1C000] =	vst v63  }
0x24: {  	s20 =	simm.s32 $0x100  }
0x25: {  	[tilespmem:s18], [sflag:$0x3] =	stream.indirect.gather [hbm4b:s8+s14], $0x40, s20, s14, $0xb8;
	[tilespmem:$0x1C000] =	vst v63  }
0x26: {  	_ =	swait.ge [sflag:s19], $0x2000  }
0x27: {  	[sflag:s19] =	ssyncset.done $0x0  }
0x28: {  	[sflag:s19] =	ssyncadd.s32 $0xFFFFE000  }
0x29: {  	[spmem:s3] =	stream.indirect.scatter.add.f32 [tilespmem:s15], [sflag:$0x5], $0x40, s13, s14, $0xb8;
	[tilespmem:$0x1C000] =	vst v63  }
0x2a: {  	s17 =	simm.s32 $0x180  }
0x2b: {  	[tilespmem:s21], [sflag:$0x4] =	stream.indirect.gather [hbm4b:s8+s14], $0x40, s17, s14, $0xb8;
	[tilespmem:$0x1C000] =	vst v63  }
0x2c: {  	_ =	swait.ge [sflag:s22], $0x2000  }
0x2d: {  	[sflag:s22] =	ssyncset.done $0x0  }
0x2e: {  	[sflag:s22] =	ssyncadd.s32 $0xFFFFE000  }
0x2f: {  	[spmem:s3] =	stream.indirect.scatter.add.f32 [tilespmem:s16], [sflag:$0x6], $0x40, s23, s14, $0xb8;
	[tilespmem:$0x1C000] =	vst v63  }
0x30: {  	_ =	swait.ge [sflag:s24], $0x2000  }
0x31: {  	[sflag:s24] =	ssyncset.done $0x0  }
0x32: {  	s20 =	simm.s32 $0x200;
	[sflag:s24] =	ssyncadd.s32 $0xFFFFE000  }
0x33: {  	[tilespmem:s15], [sflag:$0x1] =	stream.indirect.gather [hbm4b:s8+s14], $0x40, s20, s14, $0xb8;
	[tilespmem:$0x1C000] =	vst v63  }
0x34: {  	_ =	swait.ge [sflag:s25], $0x2000  }
0x35: {  	[sflag:s25] =	ssyncset.done $0x0  }
0x36: {  	s17 =	simm.s32 $0x5100;
	[sflag:s25] =	ssyncadd.s32 $0xFFFFE000  }
0x37: {  	[spmem:s3] =	stream.indirect.scatter.add.f32 [tilespmem:s18], [sflag:$0x7], $0x40, s17, s14, $0xb8;
	[tilespmem:$0x1C000] =	vst v63  }
0x38: {  	_ =	swait.ge [sflag:s26], $0x2000  }
0x39: {  	[sflag:s26] =	ssyncset.done $0x0  }
0x3a: {  	s20 =	simm.s32 $0x280;
	[sflag:s26] =	ssyncadd.s32 $0xFFFFE000  }
0x3b: {  	[tilespmem:s16], [sflag:$0x2] =	stream.indirect.gather [hbm4b:s8+s14], $0x40, s20, s14, $0xb8;
	[tilespmem:$0x1C000] =	vst v63  }
0x3c: {  	_ =	swait.ge [sflag:s28], $0x2000  }
0x3d: {  	[sflag:s28] =	ssyncset.done $0x0  }
0x3e: {  	s17 =	simm.s32 $0x5180;
	[sflag:s28] =	ssyncadd.s32 $0xFFFFE000  }
0x3f: {  	[spmem:s3] =	stream.indirect.scatter.add.f32 [tilespmem:s21], [sflag:$0x8], $0x40, s17, s14, $0xb8;
	[tilespmem:$0x1C000] =	vst v63  }
0x40: {  	_ =	swait.ge [sflag:s29], $0x2000  }
0x41: {  	[sflag:s29] =	ssyncset.done $0x0  }
0x42: {  	s20 =	simm.s32 $0x300;
	[sflag:s29] =	ssyncadd.s32 $0xFFFFE000  }
0x43: {  	[tilespmem:s18], [sflag:$0x3] =	stream.indirect.gather [hbm4b:s8+s14], $0x40, s20, s14, $0xb8;
	[tilespmem:$0x1C000] =	vst v63  }
0x44: {  	_ =	swait.ge [sflag:s19], $0x2000  }
0x45: {  	[sflag:s19] =	ssyncset.done $0x0  }
0x46: {  	s17 =	simm.s32 $0x5200;
	[sflag:s19] =	ssyncadd.s32 $0xFFFFE000  }
0x47: {  	[spmem:s3] =	stream.indirect.scatter.add.f32 [tilespmem:s15], [sflag:$0x5], $0x40, s17, s14, $0xb8;
	[tilespmem:$0x1C000] =	vst v63  }
0x48: {  	_ =	swait.ge [sflag:s30], $0x2000  }
0x49: {  	[sflag:s30] =	ssyncset.done $0x0  }
0x4a: {  	s20 =	simm.s32 $0x380;
	[sflag:s30] =	ssyncadd.s32 $0xFFFFE000  }
0x4b: {  	[tilespmem:s21], [sflag:$0x4] =	stream.indirect.gather [hbm4b:s8+s14], $0x40, s20, s14, $0xb8;
	[tilespmem:$0x1C000] =	vst v63  }
0x4c: {  	_ =	swait.ge [sflag:s22], $0x2000  }
0x4d: {  	[sflag:s22] =	ssyncset.done $0x0  }
0x4e: {  	s1 =	simm.s32 $0x800;
	s17 =	simm.s32 $0x5280;
	[sflag:s22] =	ssyncadd.s32 $0xFFFFE000  }
.LBB2_2:
0x4f: {  	[spmem:s3] =	stream.indirect.scatter.add.f32 [tilespmem:s16], [sflag:$0x6], $0x40, s17, s14, $0xb8;
	[tilespmem:$0x1C000] =	vst v63  }
0x50: {  	s17 =	smov.u32 s1  }
0x51: {  	p0 =	sne.s32 s1, $0x13000;
	s1 =	sadd.s32 $0x800, s1;
	_ =	swait.ge [sflag:s24], $0x2000  }
0x52: {  	s17 =	sshra.s32 s17, $0x2;
	[sflag:s24] =	ssyncset.done $0x0  }
0x53: {  	s20 =	sadd.s32 $0x200, s17;
	[sflag:s24] =	ssyncadd.s32 $0xFFFFE000  }
0x54: {  	[tilespmem:s15], [sflag:$0x1] =	stream.indirect.gather [hbm4b:s8+s14], $0x40, s20, s14, $0xb8;
	[tilespmem:$0x1C000] =	vst v63  }
0x55: {  	_ =	swait.ge [sflag:s25], $0x2000  }
0x56: {  	[sflag:s25] =	ssyncset.done $0x0  }
0x57: {  	s20 =	sadd.s32 $0x5100, s17;
	[sflag:s25] =	ssyncadd.s32 $0xFFFFE000  }
0x58: {  	[spmem:s3] =	stream.indirect.scatter.add.f32 [tilespmem:s18], [sflag:$0x7], $0x40, s20, s14, $0xb8;
	[tilespmem:$0x1C000] =	vst v63  }
0x59: {  	_ =	swait.ge [sflag:s26], $0x2000  }
0x5a: {  	[sflag:s26] =	ssyncset.done $0x0  }
0x5b: {  	s20 =	sadd.s32 $0x280, s17;
	[sflag:s26] =	ssyncadd.s32 $0xFFFFE000  }
0x5c: {  	[tilespmem:s16], [sflag:$0x2] =	stream.indirect.gather [hbm4b:s8+s14], $0x40, s20, s14, $0xb8;
	[tilespmem:$0x1C000] =	vst v63  }
0x5d: {  	_ =	swait.ge [sflag:s28], $0x2000  }
0x5e: {  	[sflag:s28] =	ssyncset.done $0x0  }
0x5f: {  	s20 =	sadd.s32 $0x5180, s17;
	[sflag:s28] =	ssyncadd.s32 $0xFFFFE000  }
0x60: {  	[spmem:s3] =	stream.indirect.scatter.add.f32 [tilespmem:s21], [sflag:$0x8], $0x40, s20, s14, $0xb8;
	[tilespmem:$0x1C000] =	vst v63  }
0x61: {  	_ =	swait.ge [sflag:s29], $0x2000  }
0x62: {  	[sflag:s29] =	ssyncset.done $0x0  }
0x63: {  	s20 =	sadd.s32 $0x300, s17;
	[sflag:s29] =	ssyncadd.s32 $0xFFFFE000  }
0x64: {  	[tilespmem:s18], [sflag:$0x3] =	stream.indirect.gather [hbm4b:s8+s14], $0x40, s20, s14, $0xb8;
	[tilespmem:$0x1C000] =	vst v63  }
0x65: {  	_ =	swait.ge [sflag:s19], $0x2000  }
0x66: {  	[sflag:s19] =	ssyncset.done $0x0  }
0x67: {  	s20 =	sadd.s32 $0x5200, s17;
	[sflag:s19] =	ssyncadd.s32 $0xFFFFE000  }
0x68: {  	[spmem:s3] =	stream.indirect.scatter.add.f32 [tilespmem:s15], [sflag:$0x5], $0x40, s20, s14, $0xb8;
	[tilespmem:$0x1C000] =	vst v63  }
0x69: {  	_ =	swait.ge [sflag:s30], $0x2000  }
0x6a: {  	[sflag:s30] =	ssyncset.done $0x0  }
.Ltmp0:
0x6b: {  	s20 =	sadd.s32 $0x380, s17;
	[sflag:s30] =	ssyncadd.s32 $0xFFFFE000;
	(pc) =	sbr.rel @p0 .LBB2_2-.Ltmp0, $4  }
0x6c: {  	[tilespmem:s21], [sflag:$0x4] =	stream.indirect.gather [hbm4b:s8+s14], $0x40, s20, s14, $0xb8;
	[tilespmem:$0x1C000] =	vst v63  }
0x6d: {  	_ =	swait.ge [sflag:s22], $0x2000  }
0x6e: {  	[sflag:s22] =	ssyncset.done $0x0  }
0x6f: {  	s17 =	sadd.s32 $0x5280, s17;
	[sflag:s22] =	ssyncadd.s32 $0xFFFFE000  }
0x70: {  	[spmem:s3] =	stream.indirect.scatter.add.f32 [tilespmem:s16], [sflag:$0x6], $0x40, s17, s14, $0xb8;
	[tilespmem:$0x1C000] =	vst v63  }
0x71: {  	_ =	swait.ge [sflag:s24], $0x2000  }
0x72: {  	[sflag:s24] =	ssyncset.done $0x0  }
0x73: {  	[sflag:s24] =	ssyncadd.s32 $0xFFFFE000  }
0x74: {  	_ =	swait.ge [sflag:s25], $0x2000  }
0x75: {  	[sflag:s25] =	ssyncset.done $0x0  }
0x76: {  	[sflag:s25] =	ssyncadd.s32 $0xFFFFE000  }
0x77: {  	[spmem:s3] =	stream.indirect.scatter.add.f32 [tilespmem:s18], [sflag:$0x7], $0x40, s31, s14, $0xb8;
	[tilespmem:$0x1C000] =	vst v63  }
0x78: {  	_ =	swait.ge [sflag:s26], $0x2000  }
0x79: {  	[sflag:s26] =	ssyncset.done $0x0  }
0x7a: {  	[sflag:s26] =	ssyncadd.s32 $0xFFFFE000  }
0x7b: {  	_ =	swait.ge [sflag:s28], $0x2000  }
0x7c: {  	[sflag:s28] =	ssyncset.done $0x0  }
0x7d: {  	[sflag:s28] =	ssyncadd.s32 $0xFFFFE000  }
0x7e: {  	[spmem:s3] =	stream.indirect.scatter.add.f32 [tilespmem:s21], [sflag:$0x8], $0x40, s0, s14, $0xb8;
	[tilespmem:$0x1C000] =	vst v63  }
0x7f: {  	_ =	swait.ge [sflag:s29], $0x2000  }
0x80: {  	[sflag:s29] =	ssyncset.done $0x0  }
0x81: {  	[sflag:s29] =	ssyncadd.s32 $0xFFFFE000  }
0x82: {  	_ =	swait.ge [sflag:s30], $0x2000  }
0x83: {  	s2 =	sadd.s32 $0x1, s2;
	[sflag:s30] =	ssyncset.done $0x0  }
0x84: {  	p0 =	sne.s32 s2, s10;
	[sflag:s30] =	ssyncadd.s32 $0xFFFFE000  }
.Ltmp1:
0x85: {  	[bflag:$0x0] =	sbarrier.arrive $0xFFFF;
	(pc) =	sbr.rel @p0 .LBB2_1-.Ltmp1, $4  }
0x86: {  	[hbm:s9], [sflag:s5] =	dma.local [spmem:s11], $0x1400  }
0x87: {  	_ =	swait.ge [sflag:s12], $0x1400  }
0x88: {  	[sflag:s12] =	ssyncset.done $0x0  }
0x89: {  	[sflag:s12] =	ssyncadd.s32 $0xFFFFEC00  }
0x8a: {  	_ =	sfence.sel $0x180000  }
0x8b: {  	[bflag:$0x0] =	sbarrier.arrive $0xFFFF  }
0x8c: {  	_ =	strace $0x9000004A  }
0x8d: {  	s0 =	stileid.u32;
	[bflag:$0x2] =	sbarrier.arrive $0xFFFF  }
0x8e: {  	p0 =	sne.s32 s0, $0x0;
	s0 =	rddreg [dreg:$0x4]  }
0x8f: {  	s0 =	sadd.s32 @!p0 $0x100000, s0  }
0x90: {  	[sflag:s0] =	ssyncadd.tile.s32 @!p0 $0x1;
	_ =	shalt  }
.Lfunc_end2:
_tile_overlayer_lowered:
.L_overlay_start_2:
0x91: {  	(tag) =	ssettag $0x2  }
0x92: {  	s0 =	rddreg [dreg:$0x0];
	s2 =	stileid.u32  }
0x93: {  	s1 =	rddreg [dreg:$0x1];
	p0 =	sne.s32 s2, $0x0  }
0x94: {  	s3 =	rddreg [dreg:$0x2];
	[bflag:$0x3] =	sbarrier.arrive $0xFFFF;
	s2 =	simm.s32 @!p0 $0x1C09  }
0x95: {  	[timem:s3], [sflag:s2] =	dma.local @!p0 [hbm:s0], s1  }
0x96: {  	s0 =	simm.s32 @!p0 $0x9  }
0x97: {  	_ =	swait.ge @!p0 [sflag:s0], s1  }
0x98: {  	s1 =	ssub.s32 @!p0 $0x0, s1;
	[sflag:s0] =	ssyncset.done @!p0 $0x0  }
0x99: {  	[sflag:s0] =	ssyncadd.s32 @!p0 s1  }
0x9a: {  	[bflag:$0x3] =	sbarrier.arrive $0xFFFF  }
0x9b: {  	_ =	shalt  }

// kernel: kernel.16.cloned.1.call-start
scs
__scs_entry_jumppad:
0x0: {  	(pc) =	sbr.rel $0x88, $3  }
0x1: {  	(tag) =	ssettag $0x0;
	lr =	simm.s32 $0x1  }
0x2: {  	[smem:$0x3F99] =	sst lr;
	_ =	strace $0xD0000000  }
0x3: {  	_ = 	snop  }
0x4: {  	_ = 	snop  }
0x5: {  	_ = 	snop  }
0x6: {  	_ = 	snop  }
0x7: {  	_ = 	snop  }
__scs_overlays_trampoline_lowered:
0x8: {  	[smem:$0x3FA8] =	sst s0  }
0x9: {  	[smem:$0x3FA9] =	sst s1  }
0xa: {  	[smem:$0x3FAA] =	sst s2  }
0xb: {  	[smem:$0x3FAB] =	sst s3  }
0xc: {  	[smem:$0x3FAC] =	sst s4  }
0xd: {  	[smem:$0x3FAD] =	sst s5  }
0xe: {  	[smem:$0x3FAE] =	sst s6  }
0xf: {  	[smem:$0x3FAF] =	sst s7  }
0x10: {  	[smem:$0x3FB0] =	sst s8  }
0x11: {  	[smem:$0x3FB1] =	sst s9;
	s0 =	simm.s32 @!p0 $0x0  }
0x12: {  	s1 =	sld [smem:$0x3F97];
	s0 =	simm.s32 @p0 $0x1  }
0x13: {  	[smem:$0x3FB2] =	sst s0;
	s0 =	simm.s32 @!p1 $0x0  }
0x14: {  	s2 =	sld [smem:$0x3F96];
	s0 =	simm.s32 @p1 $0x1  }
0x15: {  	[smem:$0x3FB3] =	sst s0;
	s0 =	simm.s32 @!p2 $0x0  }
0x16: {  	s3 =	sld [smem:$0x3FDB];
	s0 =	simm.s32 @p2 $0x1  }
0x17: {  	s4 =	simm.s32 $0x1BF5;
	[smem:$0x3FB5] =	sst s0  }
0x18: {  	s0 =	sld [smem:$0x3F98];
	_ =	swait.ge [sflag:s4], $0x0  }
0x19: {  	s7 =	sld [smem:$0x3F99]  }
0x1a: {  	s8 =	sadd.s32 $0xFFFFE003, lr  }
0x1b: {  	s9 =	sadd.s32 $0xFFFFFEF7, lr;
	s5 =	simm.s32 $0xFFFFFFFF;
	p2 =	slt.u32 s8, $0xFFFFF086  }
0x1c: {  	p1 =	slt.u32 s9, $0xF7A;
	s5 =	simm.s32 @!p2 $0x0  }
0x1d: {  	s5 =	simm.s32 @p1 $0x1;
	p0 =	seq.s32 s7, s2  }
0x1e: {  	s7 =	smul.u32 @!p0 $0xF7A, s2;
	p2 =	seq.s32 @!p0 s5, $0x0  }
0x1f: {  	s9 =	smul.u32 $0xF7A, s1;
	s8 =	simm.s32 @!p0 $0x1BF5;
	p2 =	por !p2, p0  }
0x20: {  	[sflag:s8] =	ssyncset.s32 @!p0 $0xFFFFF086;
	s6 =	sadd.s32 @!p0 s3, s7;
	s7 =	simm.s32 @!p0 $0x108  }
0x21: {  	s3 =	sadd.s32 s3, s9;
	s6 =	sadd.s32 @!p0 $0x88, s6;
	s7 =	simm.s32 @p2 $0x1082  }
0x22: {  	[simem:s7], [sflag:s8] =	dma.local @!p0 [hbm:s6], $0xF7A  }
0x23: {  	s9 =	sor.u32 $0xD0000000, s2;
	s6 =	simm.s32 $0x108;
	_ =	swait.ge @!p0 [sflag:s8], $0x0  }
0x24: {  	s3 =	sadd.s32 $0x88, s3;
	s6 =	simm.s32 @!p1 $0x1082;
	[sflag:s4] =	ssyncset.s32 $0xFFFFF086  }
0x25: {  	[simem:s6], [sflag:s4] =	dma.local [hbm:s3], $0xF7A  }
0x26: {  	[smem:$0x3F99] =	sst s1;
	(tag) =	ssettag s2;
	_ =	strace s9  }
0x27: {  	s1 =	sld [smem:$0x3FA9]  }
0x28: {  	s2 =	sld [smem:$0x3FAA]  }
0x29: {  	s4 =	sld [smem:$0x3FAC]  }
0x2a: {  	p0 =	seq.s32 s5, $0x0;
	s5 =	sld [smem:$0x3FAD]  }
0x2b: {  	s6 =	sld [smem:$0x3FAE]  }
0x2c: {  	s7 =	sld [smem:$0x3FAF]  }
0x2d: {  	s3 =	simm.s32 $0x108;
	s8 =	sld [smem:$0x3FB0]  }
0x2e: {  	s3 =	simm.s32 @!p0 $0x1082;
	s9 =	sld [smem:$0x3FB1]  }
0x2f: {  	lr =	sadd.s32 s0, s3;
	s0 =	sld [smem:$0x3FA8]  }
0x30: {  	s3 =	sld [smem:$0x3FAB]  }
0x31: {  	[smem:$0x3FB4] =	sst s10  }
0x32: {  	s10 =	sld [smem:$0x3FB2];
	_ =	sdelay $0x3  }
0x33: {  	p0 =	seq.s32 s10, $0x1;
	s10 =	sld [smem:$0x3FB4];
	_ =	sdelay $0x3  }
0x34: {  	[smem:$0x3FB4] =	sst s10  }
0x35: {  	s10 =	sld [smem:$0x3FB3];
	_ =	sdelay $0x3  }
0x36: {  	p1 =	seq.s32 s10, $0x1;
	s10 =	sld [smem:$0x3FB4];
	_ =	sdelay $0x3  }
0x37: {  	[smem:$0x3FB4] =	sst s10  }
0x38: {  	s10 =	sld [smem:$0x3FB5]  }
0x39: {  	_ = 	snop;
	(pc) =	sbr.ind lr, $3  }
0x3a: {  	_ = 	snop  }
0x3b: {  	_ = 	snop  }
0x3c: {  	p2 =	seq.s32 s10, $0x1;
	s10 =	sld [smem:$0x3FB4]  }
0x3d: {  	_ =	shalt  }
0x3e: {  	_ =	shalt  }
0x3f: {  	_ =	shalt  }
0x40: {  	_ =	shalt  }
0x41: {  	_ =	shalt  }
0x42: {  	_ =	shalt  }
0x43: {  	_ =	shalt  }
0x44: {  	_ =	shalt  }
0x45: {  	_ =	shalt  }
0x46: {  	_ =	shalt  }
0x47: {  	_ =	shalt  }
0x48: {  	_ =	shalt  }
0x49: {  	_ =	shalt  }
0x4a: {  	_ =	shalt  }
0x4b: {  	_ =	shalt  }
0x4c: {  	_ =	shalt  }
0x4d: {  	_ =	shalt  }
0x4e: {  	_ =	shalt  }
0x4f: {  	_ =	shalt  }
0x50: {  	_ =	shalt  }
0x51: {  	_ =	shalt  }
0x52: {  	_ =	shalt  }
0x53: {  	_ =	shalt  }
0x54: {  	_ =	shalt  }
0x55: {  	_ =	shalt  }
0x56: {  	_ =	shalt  }
0x57: {  	_ =	shalt  }
0x58: {  	_ =	shalt  }
0x59: {  	_ =	shalt  }
0x5a: {  	_ =	shalt  }
0x5b: {  	_ =	shalt  }
0x5c: {  	_ =	shalt  }
0x5d: {  	_ =	shalt  }
0x5e: {  	_ =	shalt  }
0x5f: {  	_ =	shalt  }
0x60: {  	_ =	shalt  }
0x61: {  	_ =	shalt  }
0x62: {  	_ =	shalt  }
0x63: {  	_ =	shalt  }
0x64: {  	_ =	shalt  }
0x65: {  	_ =	shalt  }
0x66: {  	_ =	shalt  }
0x67: {  	_ =	shalt  }
0x68: {  	_ =	shalt  }
0x69: {  	_ =	shalt  }
0x6a: {  	_ =	shalt  }
0x6b: {  	_ =	shalt  }
0x6c: {  	_ =	shalt  }
0x6d: {  	_ =	shalt  }
0x6e: {  	_ =	shalt  }
0x6f: {  	_ =	shalt  }
0x70: {  	_ =	shalt  }
0x71: {  	_ =	shalt  }
0x72: {  	_ =	shalt  }
0x73: {  	_ =	shalt  }
0x74: {  	_ =	shalt  }
0x75: {  	_ =	shalt  }
0x76: {  	_ =	shalt  }
0x77: {  	_ =	shalt  }
0x78: {  	_ =	shalt  }
0x79: {  	_ =	shalt  }
0x7a: {  	_ =	shalt  }
0x7b: {  	_ =	shalt  }
0x7c: {  	_ =	shalt  }
0x7d: {  	_ =	shalt  }
0x7e: {  	_ =	shalt  }
0x7f: {  	_ =	shalt  }
0x80: {  	_ =	shalt  }
0x81: {  	_ =	shalt  }
0x82: {  	_ =	shalt  }
0x83: {  	_ =	shalt  }
0x84: {  	_ =	shalt  }
0x85: {  	_ =	shalt  }
0x86: {  	_ =	shalt  }
0x87: {  	_ =	shalt  }
.Lfunc_end0:
.L_simem_size_0:
called_computation.2_lowered:
.L_overlay_start_0:
0x88: {  	s2 =	sld [smem:$0x3FD9]  }
0x89: {  	s3 =	sld [smem:$0x3FFE];
	_ =	sdelay $0x1  }
0x8a: {  	s1 =	srdreg.scid  }
0x8b: {  	s0 =	sand.u32 $0x1, s1  }
0x8c: {  	s14 =	sshll.u32 s0, $0xA;
	s2 =	sadd.s32 s3, s2  }
0x8d: {  	s2 =	sadd.s32 s2, s14  }
0x8e: {  	[smem:$0x3FC0] =	sst s2  }
0x8f: {  	_ = 	snop  }
0x90: {  	s2 =	sld [smem:$0x3FD0];
	_ =	sdelay $0x2  }
0x91: {  	s15 =	simm.s32 $0xA;
	s4 =	simm.s32 $0x10  }
0x92: {  	[smem:s4], [sflag:s15] =	dma.local [hbm:s2], $0x1  }
0x93: {  	_ =	swait.eq [sflag:s15], $0x1  }
0x94: {  	[sflag:s15] =	ssyncset.done $0x0  }
0x95: {  	[sflag:s15] =	ssyncadd.s32 $0xFFFFFFFF  }
0x96: {  	s16 =	sld [smem:$0x10];
	(tm) =	ssettm $0x1  }
0x97: {  	s17 =	sld [smem:$0x3FFB];
	_ =	sdelay $0x3  }
0x98: {  	_ =	strace s17  }
0x99: {  	s3 =	sld [smem:$0x3FFC];
	_ =	sdelay $0x3  }
0x9a: {  	_ =	strace s3  }
0x9b: {  	s3 =	sld [smem:$0x3FFD];
	_ =	sdelay $0x3  }
0x9c: {  	_ =	strace s3  }
0x9d: {  	_ =	strace $0x8FFFFFFF  }
0x9e: {  	s18 =	sld [smem:$0x3FDB];
	_ =	sdelay $0x1  }
0x9f: {  	s19 =	simm.s32 $_scs_section_size  }
0xa0: {  	s5 =	simm.s32 $_size__tile_overlayer_lowered;
	s6 =	simm.s32 $_tile_overlayer_lowered  }
0xa1: {  	s22 =	simm.s32 $0x1BFF;
	s21 =	sshll.u32 s6, $0x1;
	s3 =	sadd.s32 s19, s18  }
0xa2: {  	s7 =	simm.s32 $0x0;
	s20 =	sshll.u32 s5, $0x1;
	s5 =	sadd.s32 s21, s3  }
0xa3: {  	[timem:s7], [sflag:s22] =	dma.local [hbm:s5], s20  }
0xa4: {  	_ =	swait.ge [sflag:s22], s20  }
0xa5: {  	s4 =	ssub.s32 $0x0, s20;
	[sflag:s22] =	ssyncset.done $0x0  }
0xa6: {  	[sflag:s22] =	ssyncadd.s32 s4;
	_ =	sdelay $0x1  }
0xa7: {  	s23 =	simm.s32 $0x1B8B  }
0xa8: {  	_ =	swait.ge [sflag:s23], $0x1  }
0xa9: {  	[sflag:s23] =	ssyncset.done $0x0  }
0xaa: {  	s25 =	simm.s32 $0x1B8E;
	s24 =	sld [smem:$0x3FFE];
	[sflag:s23] =	ssyncadd.s32 $0xFFFFFFFF  }
0xab: {  	s26 =	simm.s32 $execute0_lowered;
	[smem:$0x3FD2] =	sst s25  }
0xac: {  	s5 =	sshll.u32 s26, $0x1;
	_ =	strace $0x8000004C;
	[dreg:$0x1] =	wrdreg $0xFFFFFFFF  }
0xad: {  	s28 =	simm.s32 $_size_execute0_lowered;
	s3 =	sadd.s32 s3, s5;
	[dreg:$0x0] =	wrdreg $0x0  }
0xae: {  	s5 =	sshll.u32 s28, $0x1;
	[dreg:$0x2] =	wrdreg s3  }
0xaf: {  	[dreg:$0x3] =	wrdreg s5  }
0xb0: {  	[dreg:$0x4] =	wrdreg $0xC0  }
0xb1: {  	_ =	task [dreg:s7], $0x5FFFF  }
0xb2: {  	[dreg:$0x1] =	wrdreg $0xFFFFFFFF  }
0xb3: {  	[dreg:$0x0] =	wrdreg $0x60  }
0xb4: {  	[dreg:$0x2] =	wrdreg s24  }
0xb5: {  	[dreg:$0x3] =	wrdreg s16  }
0xb6: {  	[dreg:$0x4] =	wrdreg $0xE0000  }
0xb7: {  	[dreg:$0x5] =	wrdreg $0x9  }
0xb8: {  	_ =	task.clear_ibuf [dreg:s7], $0x6FFFF;
	_ =	strace $0x9000004C  }
0xb9: {  	s29 =	simm.s32 $0x9;
	_ =	strace $0x8000004E  }
0xba: {  	_ =	swait.ge [sflag:s29], $0x1  }
0xbb: {  	[sflag:s29] =	ssyncadd.s32 $0xFFFFFFFF  }
0xbc: {  	_ =	strace $0x9000004E  }
0xbd: {  	_ =	sfence  }
0xbe: {  	s30 =	sld [smem:$0x0];
	_ =	sdelay $0x2  }
0xbf: {  	s31 =	sshll.u32 s1, $0xD;
	s1 =	sshrl.u32 s1, $0x2  }
0xc0: {  	s3 =	sand.u32 $0x4000, s31;
	s1 =	sadd.s32 s1, s30  }
0xc1: {  	s0 =	sor.u32 s3, s0;
	s1 =	sshll.u32 s1, $0x11  }
0xc2: {  	s0 =	sor.u32 s1, s0  }
0xc3: {  	s0 =	sadd.s32 $0x8F2B, s0  }
0xc4: {  	[sflag:s0] =	ssyncadd.remote.s32 $0x1  }
0xc5: {  	_ =	sfence.sel $0xFFFF  }
0xc6: {  	[dreg:$0x0] =	wrdreg $0xFFFFFFFF;
	(pc) =	sbr.abs _section_cstart, $3  }
0xc7: {  	[dreg:$0x1] =	wrdreg $0xFFFFFFFF  }
0xc8: {  	_ =	task.clear_ibuf [dreg:s7], $0x2FFFF;
	_ =	strace $0x9FFFFFFF  }
0xc9: {  	(tm) =	ssettm $0x7FFFFFFF  }
tec
execute0_lowered:
.L_overlay_start_1:
0x0: {  	(tag) =	ssettag $0x1  }
0x1: {  	s0 =	rddreg [dreg:$0x0]  }
0x2: {  	s1 =	rddreg [dreg:$0x1]  }
0x3: {  	s3 =	srdreg.scid;
	s2 =	rddreg [dreg:$0x2]  }
0x4: {  	s11 =	stileid.u32;
	s13 =	simm.s32 $0x5000;
	s14 =	simm.s32 $0x80  }
0x5: {  	s15 =	simm.s32 $0xA000;
	s16 =	simm.s32 $0xB000;
	s18 =	simm.s32 $0xC000  }
0x6: {  	s19 =	simm.s32 $0x1;
	s21 =	simm.s32 $0xD000;
	s22 =	simm.s32 $0x2  }
0x7: {  	s24 =	simm.s32 $0x5;
	s25 =	simm.s32 $0x3;
	s28 =	simm.s32 $0x4  }
0x8: {  	s29 =	simm.s32 $0x7;
	s30 =	simm.s32 $0x8;
	s31 =	simm.s32 $0x9F00  }
0x9: {  	s5 =	sand.u32 $0x1, s3;
	s3 =	simm.s32 $0x0;
	s7 =	smul.u32 $0xA00, s11  }
0xa: {  	s6 =	smul.u32 $0x5000, s11;
	s11 =	sshll.u32 s11, $0x6;
	[smem:$0x7FF] =	sst s3  }
0xb: {  	s4 =	smul.u32 $0x50000, s5;
	s5 =	ssub.s32 $0x2, s5;
	_ =	strace $0x8000004D  }
0xc: {  	s9 =	sadd.s32 s7, s0;
	s26 =	sshrl.u32 s5, $0x1;
	s12 =	sadd.s32 s6, s2  }
0xd: {  	s7 =	sadd.s32 s1, s7;
	s1 =	simm.s32 $0x0;
	s10 =	sadd.s32 s6, s4  }
0xe: {  	s8 =	sshrl.u32 s4, $0x3;
	s4 =	sadd.s32 $0x70A00, s0;
	s10 =	sshrl.u32 s10, $0x3  }
0xf: {  	s6 =	sadd.s32 $0x2A00, s9;
	s8 =	sadd.s32 s8, s0;
	s0 =	sadd.s32 s10, s0  }
0x10: {  	s10 =	ssub.s32 s5, s26;
	s5 =	sor.u32 $0x1C09, s11;
	s8 =	sadd.s32 $0x5CA00, s8  }
0x11: {  	s11 =	sshrl.u32 s12, $0x3;
	s12 =	simm.s32 $0x9;
	s26 =	simm.s32 $0x6  }
0x12: {  	s9 =	sadd.s32 $0x71400, s0;
	s10 =	smax.u32 s10, $0x1;
	s0 =	simm.s32 $0x9F80  }
.LBB2_1:
0x13: {  	[spmem:s11], [sflag:s5] =	dma.local [hbm:s4], $0xA00  }
0x14: {  	_ =	swait.ge [sflag:s12], $0xA00  }
0x15: {  	[sflag:s12] =	ssyncset.done $0x0  }
0x16: {  	[sflag:s12] =	ssyncadd.s32 $0xFFFFF600  }
0x17: {  	[tilespmem:s3], [sflag:$0x9] =	stream.linear.gather [hbm4b:s6+s3], $0x5000, $0x38;
	[tilespmem:$0x13000] =	vst v63  }
0x18: {  	_ =	swait.ge [sflag:s12], $0x5000  }
0x19: {  	[sflag:s12] =	ssyncset.done $0x0  }
0x1a: {  	[sflag:s12] =	ssyncadd.s32 $0xFFFFB000  }
0x1b: {  	[tilespmem:s13], [sflag:$0x9] =	stream.linear.gather [hbm4b:s7+s3], $0x5000, $0x38;
	[tilespmem:$0x13000] =	vst v63  }
0x1c: {  	_ =	swait.ge [sflag:s12], $0x5000  }
0x1d: {  	[sflag:s12] =	ssyncset.done $0x0  }
0x1e: {  	[sflag:s12] =	ssyncadd.s32 $0xFFFFB000  }
0x1f: {  	[bflag:$0x0] =	sbarrier.arrive $0xFFFF  }
0x20: {  	[tilespmem:s15], [sflag:$0x1] =	stream.indirect.gather [hbm4b:s8+s14], $0x20, s3, s14, $0xb8;
	[tilespmem:$0x13000] =	vst v63  }
0x21: {  	_ = 	snop  }
0x22: {  	[tilespmem:s16], [sflag:$0x2] =	stream.indirect.gather [hbm4b:s8+s14], $0x20, s14, s14, $0xb8;
	[tilespmem:$0x13000] =	vst v63  }
0x23: {  	s17 =	simm.s32 $0x100  }
0x24: {  	[tilespmem:s18], [sflag:$0x3] =	stream.indirect.gather [hbm4b:s8+s14], $0x20, s17, s14, $0xb8;
	[tilespmem:$0x13000] =	vst v63  }
0x25: {  	_ =	swait.ge [sflag:s19], $0x1000  }
0x26: {  	[sflag:s19] =	ssyncset.done $0x0  }
0x27: {  	[sflag:s19] =	ssyncadd.s32 $0xFFFFF000  }
0x28: {  	[spmem:s2] =	stream.indirect.scatter.add.f32 [tilespmem:s15], [sflag:$0x5], $0x20, s13, s14, $0xb8;
	[tilespmem:$0x13000] =	vst v63  }
0x29: {  	s23 =	simm.s32 $0x180  }
0x2a: {  	[tilespmem:s21], [sflag:$0x4] =	stream.indirect.gather [hbm4b:s8+s14], $0x20, s23, s14, $0xb8;
	[tilespmem:$0x13000] =	vst v63  }
0x2b: {  	_ =	swait.ge [sflag:s22], $0x1000  }
0x2c: {  	[sflag:s22] =	ssyncset.done $0x0  }
0x2d: {  	s20 =	simm.s32 $0x5080;
	[sflag:s22] =	ssyncadd.s32 $0xFFFFF000  }
0x2e: {  	[spmem:s2] =	stream.indirect.scatter.add.f32 [tilespmem:s16], [sflag:$0x6], $0x20, s20, s14, $0xb8;
	[tilespmem:$0x13000] =	vst v63  }
0x2f: {  	_ =	swait.ge [sflag:s24], $0x1000  }
0x30: {  	[sflag:s24] =	ssyncset.done $0x0  }
0x31: {  	s23 =	simm.s32 $0x200;
	[sflag:s24] =	ssyncadd.s32 $0xFFFFF000  }
0x32: {  	[tilespmem:s15], [sflag:$0x1] =	stream.indirect.gather [hbm4b:s8+s14], $0x20, s23, s14, $0xb8;
	[tilespmem:$0x13000] =	vst v63  }
0x33: {  	_ =	swait.ge [sflag:s25], $0x1000  }
0x34: {  	[sflag:s25] =	ssyncset.done $0x0  }
0x35: {  	s20 =	simm.s32 $0x5100;
	[sflag:s25] =	ssyncadd.s32 $0xFFFFF000  }
0x36: {  	[spmem:s2] =	stream.indirect.scatter.add.f32 [tilespmem:s18], [sflag:$0x7], $0x20, s20, s14, $0xb8;
	[tilespmem:$0x13000] =	vst v63  }
0x37: {  	_ =	swait.ge [sflag:s26], $0x1000  }
0x38: {  	[sflag:s26] =	ssyncset.done $0x0  }
0x39: {  	s23 =	simm.s32 $0x280;
	[sflag:s26] =	ssyncadd.s32 $0xFFFFF000  }
0x3a: {  	[tilespmem:s16], [sflag:$0x2] =	stream.indirect.gather [hbm4b:s8+s14], $0x20, s23, s14, $0xb8;
	[tilespmem:$0x13000] =	vst v63  }
0x3b: {  	_ =	swait.ge [sflag:s28], $0x1000  }
0x3c: {  	[sflag:s28] =	ssyncset.done $0x0  }
0x3d: {  	s20 =	simm.s32 $0x5180;
	[sflag:s28] =	ssyncadd.s32 $0xFFFFF000  }
0x3e: {  	[spmem:s2] =	stream.indirect.scatter.add.f32 [tilespmem:s21], [sflag:$0x8], $0x20, s20, s14, $0xb8;
	[tilespmem:$0x13000] =	vst v63  }
0x3f: {  	_ =	swait.ge [sflag:s29], $0x1000  }
0x40: {  	[sflag:s29] =	ssyncset.done $0x0  }
0x41: {  	s23 =	simm.s32 $0x300;
	[sflag:s29] =	ssyncadd.s32 $0xFFFFF000  }
0x42: {  	[tilespmem:s18], [sflag:$0x3] =	stream.indirect.gather [hbm4b:s8+s14], $0x20, s23, s14, $0xb8;
	[tilespmem:$0x13000] =	vst v63  }
0x43: {  	_ =	swait.ge [sflag:s19], $0x1000  }
0x44: {  	[sflag:s19] =	ssyncset.done $0x0  }
0x45: {  	s20 =	simm.s32 $0x5200;
	[sflag:s19] =	ssyncadd.s32 $0xFFFFF000  }
0x46: {  	[spmem:s2] =	stream.indirect.scatter.add.f32 [tilespmem:s15], [sflag:$0x5], $0x20, s20, s14, $0xb8;
	[tilespmem:$0x13000] =	vst v63  }
0x47: {  	_ =	swait.ge [sflag:s30], $0x1000  }
0x48: {  	[sflag:s30] =	ssyncset.done $0x0  }
0x49: {  	s23 =	simm.s32 $0x380;
	[sflag:s30] =	ssyncadd.s32 $0xFFFFF000  }
0x4a: {  	[tilespmem:s21], [sflag:$0x4] =	stream.indirect.gather [hbm4b:s8+s14], $0x20, s23, s14, $0xb8;
	[tilespmem:$0x13000] =	vst v63  }
0x4b: {  	_ =	swait.ge [sflag:s22], $0x1000  }
0x4c: {  	[sflag:s22] =	ssyncset.done $0x0  }
0x4d: {  	s17 =	simm.s32 $0x800;
	s20 =	simm.s32 $0x5280;
	[sflag:s22] =	ssyncadd.s32 $0xFFFFF000  }
.LBB2_2:
0x4e: {  	[spmem:s2] =	stream.indirect.scatter.add.f32 [tilespmem:s16], [sflag:$0x6], $0x20, s20, s14, $0xb8;
	[tilespmem:$0x13000] =	vst v63  }
0x4f: {  	s20 =	smov.u32 s17  }
0x50: {  	p0 =	sne.s32 s17, $0x13000;
	s17 =	sadd.s32 $0x800, s17;
	_ =	swait.ge [sflag:s24], $0x1000  }
0x51: {  	s20 =	sshra.s32 s20, $0x2;
	[sflag:s24] =	ssyncset.done $0x0  }
0x52: {  	s23 =	sadd.s32 $0x200, s20;
	[sflag:s24] =	ssyncadd.s32 $0xFFFFF000  }
0x53: {  	[tilespmem:s15], [sflag:$0x1] =	stream.indirect.gather [hbm4b:s8+s14], $0x20, s23, s14, $0xb8;
	[tilespmem:$0x13000] =	vst v63  }
0x54: {  	_ =	swait.ge [sflag:s25], $0x1000  }
0x55: {  	[sflag:s25] =	ssyncset.done $0x0  }
0x56: {  	s23 =	sadd.s32 $0x5100, s20;
	[sflag:s25] =	ssyncadd.s32 $0xFFFFF000  }
0x57: {  	[spmem:s2] =	stream.indirect.scatter.add.f32 [tilespmem:s18], [sflag:$0x7], $0x20, s23, s14, $0xb8;
	[tilespmem:$0x13000] =	vst v63  }
0x58: {  	_ =	swait.ge [sflag:s26], $0x1000  }
0x59: {  	[sflag:s26] =	ssyncset.done $0x0  }
0x5a: {  	s23 =	sadd.s32 $0x280, s20;
	[sflag:s26] =	ssyncadd.s32 $0xFFFFF000  }
0x5b: {  	[tilespmem:s16], [sflag:$0x2] =	stream.indirect.gather [hbm4b:s8+s14], $0x20, s23, s14, $0xb8;
	[tilespmem:$0x13000] =	vst v63  }
0x5c: {  	_ =	swait.ge [sflag:s28], $0x1000  }
0x5d: {  	[sflag:s28] =	ssyncset.done $0x0  }
0x5e: {  	s23 =	sadd.s32 $0x5180, s20;
	[sflag:s28] =	ssyncadd.s32 $0xFFFFF000  }
0x5f: {  	[spmem:s2] =	stream.indirect.scatter.add.f32 [tilespmem:s21], [sflag:$0x8], $0x20, s23, s14, $0xb8;
	[tilespmem:$0x13000] =	vst v63  }
0x60: {  	_ =	swait.ge [sflag:s29], $0x1000  }
0x61: {  	[sflag:s29] =	ssyncset.done $0x0  }
0x62: {  	s23 =	sadd.s32 $0x300, s20;
	[sflag:s29] =	ssyncadd.s32 $0xFFFFF000  }
0x63: {  	[tilespmem:s18], [sflag:$0x3] =	stream.indirect.gather [hbm4b:s8+s14], $0x20, s23, s14, $0xb8;
	[tilespmem:$0x13000] =	vst v63  }
0x64: {  	_ =	swait.ge [sflag:s19], $0x1000  }
0x65: {  	[sflag:s19] =	ssyncset.done $0x0  }
0x66: {  	s23 =	sadd.s32 $0x5200, s20;
	[sflag:s19] =	ssyncadd.s32 $0xFFFFF000  }
0x67: {  	[spmem:s2] =	stream.indirect.scatter.add.f32 [tilespmem:s15], [sflag:$0x5], $0x20, s23, s14, $0xb8;
	[tilespmem:$0x13000] =	vst v63  }
0x68: {  	_ =	swait.ge [sflag:s30], $0x1000  }
0x69: {  	[sflag:s30] =	ssyncset.done $0x0  }
.Ltmp0:
0x6a: {  	s23 =	sadd.s32 $0x380, s20;
	[sflag:s30] =	ssyncadd.s32 $0xFFFFF000;
	(pc) =	sbr.rel @p0 .LBB2_2-.Ltmp0, $4  }
0x6b: {  	[tilespmem:s21], [sflag:$0x4] =	stream.indirect.gather [hbm4b:s8+s14], $0x20, s23, s14, $0xb8;
	[tilespmem:$0x13000] =	vst v63  }
0x6c: {  	_ =	swait.ge [sflag:s22], $0x1000  }
0x6d: {  	[sflag:s22] =	ssyncset.done $0x0  }
0x6e: {  	s20 =	sadd.s32 $0x5280, s20;
	[sflag:s22] =	ssyncadd.s32 $0xFFFFF000  }
0x6f: {  	[spmem:s2] =	stream.indirect.scatter.add.f32 [tilespmem:s16], [sflag:$0x6], $0x20, s20, s14, $0xb8;
	[tilespmem:$0x13000] =	vst v63  }
0x70: {  	_ =	swait.ge [sflag:s24], $0x1000  }
0x71: {  	[sflag:s24] =	ssyncset.done $0x0  }
0x72: {  	[sflag:s24] =	ssyncadd.s32 $0xFFFFF000  }
0x73: {  	_ =	swait.ge [sflag:s25], $0x1000  }
0x74: {  	[sflag:s25] =	ssyncset.done $0x0  }
0x75: {  	[sflag:s25] =	ssyncadd.s32 $0xFFFFF000  }
0x76: {  	[spmem:s2] =	stream.indirect.scatter.add.f32 [tilespmem:s18], [sflag:$0x7], $0x20, s31, s14, $0xb8;
	[tilespmem:$0x13000] =	vst v63  }
0x77: {  	_ =	swait.ge [sflag:s26], $0x1000  }
0x78: {  	[sflag:s26] =	ssyncset.done $0x0  }
0x79: {  	[sflag:s26] =	ssyncadd.s32 $0xFFFFF000  }
0x7a: {  	_ =	swait.ge [sflag:s28], $0x1000  }
0x7b: {  	[sflag:s28] =	ssyncset.done $0x0  }
0x7c: {  	[sflag:s28] =	ssyncadd.s32 $0xFFFFF000  }
0x7d: {  	[spmem:s2] =	stream.indirect.scatter.add.f32 [tilespmem:s21], [sflag:$0x8], $0x20, s0, s14, $0xb8;
	[tilespmem:$0x13000] =	vst v63  }
0x7e: {  	_ =	swait.ge [sflag:s29], $0x1000  }
0x7f: {  	[sflag:s29] =	ssyncset.done $0x0  }
0x80: {  	[sflag:s29] =	ssyncadd.s32 $0xFFFFF000  }
0x81: {  	_ =	swait.ge [sflag:s30], $0x1000  }
0x82: {  	s1 =	sadd.s32 $0x1, s1;
	[sflag:s30] =	ssyncset.done $0x0  }
0x83: {  	p0 =	sne.s32 s1, s10;
	[sflag:s30] =	ssyncadd.s32 $0xFFFFF000  }
.Ltmp1:
0x84: {  	[bflag:$0x0] =	sbarrier.arrive $0xFFFF;
	(pc) =	sbr.rel @p0 .LBB2_1-.Ltmp1, $4  }
0x85: {  	[hbm:s9], [sflag:s5] =	dma.local [spmem:s11], $0xA00  }
0x86: {  	_ =	swait.ge [sflag:s12], $0xA00  }
0x87: {  	[sflag:s12] =	ssyncset.done $0x0  }
0x88: {  	[sflag:s12] =	ssyncadd.s32 $0xFFFFF600  }
0x89: {  	_ =	sfence.sel $0x180000  }
0x8a: {  	[bflag:$0x0] =	sbarrier.arrive $0xFFFF  }
0x8b: {  	_ =	strace $0x9000004D  }
0x8c: {  	s0 =	stileid.u32;
	[bflag:$0x2] =	sbarrier.arrive $0xFFFF  }
0x8d: {  	p0 =	sne.s32 s0, $0x0;
	s0 =	rddreg [dreg:$0x3]  }
0x8e: {  	s0 =	sadd.s32 @!p0 $0x100000, s0  }
0x8f: {  	[sflag:s0] =	ssyncadd.tile.s32 @!p0 $0x1;
	_ =	shalt  }
.Lfunc_end2:
_tile_overlayer_lowered:
.L_overlay_start_2:
0x90: {  	(tag) =	ssettag $0x2  }
0x91: {  	s0 =	rddreg [dreg:$0x0];
	s2 =	stileid.u32  }
0x92: {  	s1 =	rddreg [dreg:$0x1];
	p0 =	sne.s32 s2, $0x0  }
0x93: {  	s3 =	rddreg [dreg:$0x2];
	[bflag:$0x3] =	sbarrier.arrive $0xFFFF;
	s2 =	simm.s32 @!p0 $0x1C09  }
0x94: {  	[timem:s3], [sflag:s2] =	dma.local @!p0 [hbm:s0], s1  }
0x95: {  	s0 =	simm.s32 @!p0 $0x9  }
0x96: {  	_ =	swait.ge @!p0 [sflag:s0], s1  }
0x97: {  	s1 =	ssub.s32 @!p0 $0x0, s1;
	[sflag:s0] =	ssyncset.done @!p0 $0x0  }
0x98: {  	[sflag:s0] =	ssyncadd.s32 @!p0 s1  }
0x99: {  	[bflag:$0x3] =	sbarrier.arrive $0xFFFF  }
0x9a: {  	_ =	shalt  }

// kernel: kernel.19.cloned.1.call-start
scs
__scs_entry_jumppad:
0x0: {  	(pc) =	sbr.rel $0x88, $3  }
0x1: {  	(tag) =	ssettag $0x0;
	lr =	simm.s32 $0x1  }
0x2: {  	[smem:$0x3F99] =	sst lr;
	_ =	strace $0xD0000000  }
0x3: {  	_ = 	snop  }
0x4: {  	_ = 	snop  }
0x5: {  	_ = 	snop  }
0x6: {  	_ = 	snop  }
0x7: {  	_ = 	snop  }
__scs_overlays_trampoline_lowered:
0x8: {  	[smem:$0x3FA8] =	sst s0  }
0x9: {  	[smem:$0x3FA9] =	sst s1  }
0xa: {  	[smem:$0x3FAA] =	sst s2  }
0xb: {  	[smem:$0x3FAB] =	sst s3  }
0xc: {  	[smem:$0x3FAC] =	sst s4  }
0xd: {  	[smem:$0x3FAD] =	sst s5  }
0xe: {  	[smem:$0x3FAE] =	sst s6  }
0xf: {  	[smem:$0x3FAF] =	sst s7  }
0x10: {  	[smem:$0x3FB0] =	sst s8  }
0x11: {  	[smem:$0x3FB1] =	sst s9;
	s0 =	simm.s32 @!p0 $0x0  }
0x12: {  	s1 =	sld [smem:$0x3F97];
	s0 =	simm.s32 @p0 $0x1  }
0x13: {  	[smem:$0x3FB2] =	sst s0;
	s0 =	simm.s32 @!p1 $0x0  }
0x14: {  	s2 =	sld [smem:$0x3F96];
	s0 =	simm.s32 @p1 $0x1  }
0x15: {  	[smem:$0x3FB3] =	sst s0;
	s0 =	simm.s32 @!p2 $0x0  }
0x16: {  	s3 =	sld [smem:$0x3FDB];
	s0 =	simm.s32 @p2 $0x1  }
0x17: {  	s4 =	simm.s32 $0x1BF5;
	[smem:$0x3FB5] =	sst s0  }
0x18: {  	s0 =	sld [smem:$0x3F98];
	_ =	swait.ge [sflag:s4], $0x0  }
0x19: {  	s7 =	sld [smem:$0x3F99]  }
0x1a: {  	s8 =	sadd.s32 $0xFFFFE003, lr  }
0x1b: {  	s9 =	sadd.s32 $0xFFFFFEF7, lr;
	s5 =	simm.s32 $0xFFFFFFFF;
	p2 =	slt.u32 s8, $0xFFFFF086  }
0x1c: {  	p1 =	slt.u32 s9, $0xF7A;
	s5 =	simm.s32 @!p2 $0x0  }
0x1d: {  	s5 =	simm.s32 @p1 $0x1;
	p0 =	seq.s32 s7, s2  }
0x1e: {  	s7 =	smul.u32 @!p0 $0xF7A, s2;
	p2 =	seq.s32 @!p0 s5, $0x0  }
0x1f: {  	s9 =	smul.u32 $0xF7A, s1;
	s8 =	simm.s32 @!p0 $0x1BF5;
	p2 =	por !p2, p0  }
0x20: {  	[sflag:s8] =	ssyncset.s32 @!p0 $0xFFFFF086;
	s6 =	sadd.s32 @!p0 s3, s7;
	s7 =	simm.s32 @!p0 $0x108  }
0x21: {  	s3 =	sadd.s32 s3, s9;
	s6 =	sadd.s32 @!p0 $0x88, s6;
	s7 =	simm.s32 @p2 $0x1082  }
0x22: {  	[simem:s7], [sflag:s8] =	dma.local @!p0 [hbm:s6], $0xF7A  }
0x23: {  	s9 =	sor.u32 $0xD0000000, s2;
	s6 =	simm.s32 $0x108;
	_ =	swait.ge @!p0 [sflag:s8], $0x0  }
0x24: {  	s3 =	sadd.s32 $0x88, s3;
	s6 =	simm.s32 @!p1 $0x1082;
	[sflag:s4] =	ssyncset.s32 $0xFFFFF086  }
0x25: {  	[simem:s6], [sflag:s4] =	dma.local [hbm:s3], $0xF7A  }
0x26: {  	[smem:$0x3F99] =	sst s1;
	(tag) =	ssettag s2;
	_ =	strace s9  }
0x27: {  	s1 =	sld [smem:$0x3FA9]  }
0x28: {  	s2 =	sld [smem:$0x3FAA]  }
0x29: {  	s4 =	sld [smem:$0x3FAC]  }
0x2a: {  	p0 =	seq.s32 s5, $0x0;
	s5 =	sld [smem:$0x3FAD]  }
0x2b: {  	s6 =	sld [smem:$0x3FAE]  }
0x2c: {  	s7 =	sld [smem:$0x3FAF]  }
0x2d: {  	s3 =	simm.s32 $0x108;
	s8 =	sld [smem:$0x3FB0]  }
0x2e: {  	s3 =	simm.s32 @!p0 $0x1082;
	s9 =	sld [smem:$0x3FB1]  }
0x2f: {  	lr =	sadd.s32 s0, s3;
	s0 =	sld [smem:$0x3FA8]  }
0x30: {  	s3 =	sld [smem:$0x3FAB]  }
0x31: {  	[smem:$0x3FB4] =	sst s10  }
0x32: {  	s10 =	sld [smem:$0x3FB2];
	_ =	sdelay $0x3  }
0x33: {  	p0 =	seq.s32 s10, $0x1;
	s10 =	sld [smem:$0x3FB4];
	_ =	sdelay $0x3  }
0x34: {  	[smem:$0x3FB4] =	sst s10  }
0x35: {  	s10 =	sld [smem:$0x3FB3];
	_ =	sdelay $0x3  }
0x36: {  	p1 =	seq.s32 s10, $0x1;
	s10 =	sld [smem:$0x3FB4];
	_ =	sdelay $0x3  }
0x37: {  	[smem:$0x3FB4] =	sst s10  }
0x38: {  	s10 =	sld [smem:$0x3FB5]  }
0x39: {  	_ = 	snop;
	(pc) =	sbr.ind lr, $3  }
0x3a: {  	_ = 	snop  }
0x3b: {  	_ = 	snop  }
0x3c: {  	p2 =	seq.s32 s10, $0x1;
	s10 =	sld [smem:$0x3FB4]  }
0x3d: {  	_ =	shalt  }
0x3e: {  	_ =	shalt  }
0x3f: {  	_ =	shalt  }
0x40: {  	_ =	shalt  }
0x41: {  	_ =	shalt  }
0x42: {  	_ =	shalt  }
0x43: {  	_ =	shalt  }
0x44: {  	_ =	shalt  }
0x45: {  	_ =	shalt  }
0x46: {  	_ =	shalt  }
0x47: {  	_ =	shalt  }
0x48: {  	_ =	shalt  }
0x49: {  	_ =	shalt  }
0x4a: {  	_ =	shalt  }
0x4b: {  	_ =	shalt  }
0x4c: {  	_ =	shalt  }
0x4d: {  	_ =	shalt  }
0x4e: {  	_ =	shalt  }
0x4f: {  	_ =	shalt  }
0x50: {  	_ =	shalt  }
0x51: {  	_ =	shalt  }
0x52: {  	_ =	shalt  }
0x53: {  	_ =	shalt  }
0x54: {  	_ =	shalt  }
0x55: {  	_ =	shalt  }
0x56: {  	_ =	shalt  }
0x57: {  	_ =	shalt  }
0x58: {  	_ =	shalt  }
0x59: {  	_ =	shalt  }
0x5a: {  	_ =	shalt  }
0x5b: {  	_ =	shalt  }
0x5c: {  	_ =	shalt  }
0x5d: {  	_ =	shalt  }
0x5e: {  	_ =	shalt  }
0x5f: {  	_ =	shalt  }
0x60: {  	_ =	shalt  }
0x61: {  	_ =	shalt  }
0x62: {  	_ =	shalt  }
0x63: {  	_ =	shalt  }
0x64: {  	_ =	shalt  }
0x65: {  	_ =	shalt  }
0x66: {  	_ =	shalt  }
0x67: {  	_ =	shalt  }
0x68: {  	_ =	shalt  }
0x69: {  	_ =	shalt  }
0x6a: {  	_ =	shalt  }
0x6b: {  	_ =	shalt  }
0x6c: {  	_ =	shalt  }
0x6d: {  	_ =	shalt  }
0x6e: {  	_ =	shalt  }
0x6f: {  	_ =	shalt  }
0x70: {  	_ =	shalt  }
0x71: {  	_ =	shalt  }
0x72: {  	_ =	shalt  }
0x73: {  	_ =	shalt  }
0x74: {  	_ =	shalt  }
0x75: {  	_ =	shalt  }
0x76: {  	_ =	shalt  }
0x77: {  	_ =	shalt  }
0x78: {  	_ =	shalt  }
0x79: {  	_ =	shalt  }
0x7a: {  	_ =	shalt  }
0x7b: {  	_ =	shalt  }
0x7c: {  	_ =	shalt  }
0x7d: {  	_ =	shalt  }
0x7e: {  	_ =	shalt  }
0x7f: {  	_ =	shalt  }
0x80: {  	_ =	shalt  }
0x81: {  	_ =	shalt  }
0x82: {  	_ =	shalt  }
0x83: {  	_ =	shalt  }
0x84: {  	_ =	shalt  }
0x85: {  	_ =	shalt  }
0x86: {  	_ =	shalt  }
0x87: {  	_ =	shalt  }
.Lfunc_end0:
.L_simem_size_0:
called_computation.3_lowered:
.L_overlay_start_0:
0x88: {  	s2 =	sld [smem:$0x3FD9]  }
0x89: {  	s3 =	sld [smem:$0x3FFE];
	_ =	sdelay $0x1  }
0x8a: {  	s1 =	srdreg.scid  }
0x8b: {  	s0 =	sand.u32 $0x1, s1  }
0x8c: {  	s14 =	sshll.u32 s0, $0xA;
	s2 =	sadd.s32 s3, s2  }
0x8d: {  	s2 =	sadd.s32 s2, s14  }
0x8e: {  	[smem:$0x3FC0] =	sst s2  }
0x8f: {  	_ = 	snop  }
0x90: {  	s2 =	sld [smem:$0x3FD0];
	_ =	sdelay $0x2  }
0x91: {  	s15 =	simm.s32 $0xA;
	s4 =	simm.s32 $0x10  }
0x92: {  	[smem:s4], [sflag:s15] =	dma.local [hbm:s2], $0x1  }
0x93: {  	_ =	swait.eq [sflag:s15], $0x1  }
0x94: {  	[sflag:s15] =	ssyncset.done $0x0  }
0x95: {  	[sflag:s15] =	ssyncadd.s32 $0xFFFFFFFF  }
0x96: {  	s16 =	sld [smem:$0x10];
	(tm) =	ssettm $0x1  }
0x97: {  	s17 =	sld [smem:$0x3FFB];
	_ =	sdelay $0x3  }
0x98: {  	_ =	strace s17  }
0x99: {  	s3 =	sld [smem:$0x3FFC];
	_ =	sdelay $0x3  }
0x9a: {  	_ =	strace s3  }
0x9b: {  	s3 =	sld [smem:$0x3FFD];
	_ =	sdelay $0x3  }
0x9c: {  	_ =	strace s3  }
0x9d: {  	_ =	strace $0x8FFFFFFF  }
0x9e: {  	s18 =	sld [smem:$0x3FDB];
	_ =	sdelay $0x1  }
0x9f: {  	s19 =	simm.s32 $_scs_section_size  }
0xa0: {  	s5 =	simm.s32 $_size__tile_overlayer_lowered;
	s6 =	simm.s32 $_tile_overlayer_lowered  }
0xa1: {  	s22 =	simm.s32 $0x1BFF;
	s21 =	sshll.u32 s6, $0x1;
	s3 =	sadd.s32 s19, s18  }
0xa2: {  	s7 =	simm.s32 $0x0;
	s20 =	sshll.u32 s5, $0x1;
	s5 =	sadd.s32 s21, s3  }
0xa3: {  	[timem:s7], [sflag:s22] =	dma.local [hbm:s5], s20  }
0xa4: {  	_ =	swait.ge [sflag:s22], s20  }
0xa5: {  	s4 =	ssub.s32 $0x0, s20;
	[sflag:s22] =	ssyncset.done $0x0  }
0xa6: {  	[sflag:s22] =	ssyncadd.s32 s4;
	_ =	sdelay $0x1  }
0xa7: {  	s23 =	simm.s32 $0x1B8B  }
0xa8: {  	_ =	swait.ge [sflag:s23], $0x1  }
0xa9: {  	[sflag:s23] =	ssyncset.done $0x0  }
0xaa: {  	s25 =	simm.s32 $0x1B8E;
	s24 =	sld [smem:$0x3FFE];
	[sflag:s23] =	ssyncadd.s32 $0xFFFFFFFF  }
0xab: {  	s26 =	simm.s32 $execute0_lowered;
	[smem:$0x3FD2] =	sst s25  }
0xac: {  	s5 =	sshll.u32 s26, $0x1;
	_ =	strace $0x8000004F;
	[dreg:$0x1] =	wrdreg $0xFFFFFFFF  }
0xad: {  	s28 =	simm.s32 $_size_execute0_lowered;
	s3 =	sadd.s32 s3, s5;
	[dreg:$0x0] =	wrdreg $0x0  }
0xae: {  	s5 =	sshll.u32 s28, $0x1;
	[dreg:$0x2] =	wrdreg s3  }
0xaf: {  	[dreg:$0x3] =	wrdreg s5  }
0xb0: {  	[dreg:$0x4] =	wrdreg $0xC0  }
0xb1: {  	_ =	task [dreg:s7], $0x5FFFF  }
0xb2: {  	[dreg:$0x1] =	wrdreg $0xFFFFFFFF  }
0xb3: {  	[dreg:$0x0] =	wrdreg $0x60  }
0xb4: {  	[dreg:$0x2] =	wrdreg s24  }
0xb5: {  	[dreg:$0x3] =	wrdreg s16  }
0xb6: {  	[dreg:$0x4] =	wrdreg $0xE0000  }
0xb7: {  	[dreg:$0x5] =	wrdreg $0x9  }
0xb8: {  	_ =	task.clear_ibuf [dreg:s7], $0x6FFFF;
	_ =	strace $0x9000004F  }
0xb9: {  	s29 =	simm.s32 $0x9;
	_ =	strace $0x80000051  }
0xba: {  	_ =	swait.ge [sflag:s29], $0x1  }
0xbb: {  	[sflag:s29] =	ssyncadd.s32 $0xFFFFFFFF  }
0xbc: {  	_ =	strace $0x90000051  }
0xbd: {  	_ =	sfence  }
0xbe: {  	s30 =	sld [smem:$0x0];
	_ =	sdelay $0x2  }
0xbf: {  	s31 =	sshll.u32 s1, $0xD;
	s1 =	sshrl.u32 s1, $0x2  }
0xc0: {  	s3 =	sand.u32 $0x4000, s31;
	s1 =	sadd.s32 s1, s30  }
0xc1: {  	s0 =	sor.u32 s3, s0;
	s1 =	sshll.u32 s1, $0x11  }
0xc2: {  	s0 =	sor.u32 s1, s0  }
0xc3: {  	s0 =	sadd.s32 $0x8F2B, s0  }
0xc4: {  	[sflag:s0] =	ssyncadd.remote.s32 $0x1  }
0xc5: {  	_ =	sfence.sel $0xFFFF  }
0xc6: {  	[dreg:$0x0] =	wrdreg $0xFFFFFFFF;
	(pc) =	sbr.abs _section_cstart, $3  }
0xc7: {  	[dreg:$0x1] =	wrdreg $0xFFFFFFFF  }
0xc8: {  	_ =	task.clear_ibuf [dreg:s7], $0x2FFFF;
	_ =	strace $0x9FFFFFFF  }
0xc9: {  	(tm) =	ssettm $0x7FFFFFFF  }
tec
execute0_lowered:
.L_overlay_start_1:
0x0: {  	(tag) =	ssettag $0x1  }
0x1: {  	s0 =	rddreg [dreg:$0x0]  }
0x2: {  	s1 =	rddreg [dreg:$0x1]  }
0x3: {  	s3 =	srdreg.scid;
	s2 =	rddreg [dreg:$0x2]  }
0x4: {  	s11 =	stileid.u32;
	s13 =	simm.s32 $0x5000;
	s14 =	simm.s32 $0x80  }
0x5: {  	s15 =	simm.s32 $0xA000;
	s16 =	simm.s32 $0xB000;
	s18 =	simm.s32 $0xC000  }
0x6: {  	s19 =	simm.s32 $0x1;
	s21 =	simm.s32 $0xD000;
	s22 =	simm.s32 $0x2  }
0x7: {  	s24 =	simm.s32 $0x5;
	s25 =	simm.s32 $0x3;
	s28 =	simm.s32 $0x4  }
0x8: {  	s29 =	simm.s32 $0x7;
	s30 =	simm.s32 $0x8;
	s31 =	simm.s32 $0x9F00  }
0x9: {  	s5 =	sand.u32 $0x1, s3;
	s3 =	simm.s32 $0x0;
	s7 =	smul.u32 $0xA00, s11  }
0xa: {  	s6 =	smul.u32 $0x5000, s11;
	s11 =	sshll.u32 s11, $0x6;
	[smem:$0x7FF] =	sst s3  }
0xb: {  	s4 =	smul.u32 $0x50000, s5;
	s5 =	ssub.s32 $0x2, s5;
	_ =	strace $0x80000050  }
0xc: {  	s9 =	sadd.s32 s7, s0;
	s26 =	sshrl.u32 s5, $0x1;
	s12 =	sadd.s32 s6, s2  }
0xd: {  	s7 =	sadd.s32 s1, s7;
	s1 =	simm.s32 $0x0;
	s10 =	sadd.s32 s6, s4  }
0xe: {  	s8 =	sshrl.u32 s4, $0x3;
	s4 =	sadd.s32 $0x70A00, s0;
	s10 =	sshrl.u32 s10, $0x3  }
0xf: {  	s6 =	sadd.s32 $0x2A00, s9;
	s8 =	sadd.s32 s8, s0;
	s0 =	sadd.s32 s10, s0  }
0x10: {  	s10 =	ssub.s32 s5, s26;
	s5 =	sor.u32 $0x1C09, s11;
	s8 =	sadd.s32 $0xCA00, s8  }
0x11: {  	s11 =	sshrl.u32 s12, $0x3;
	s12 =	simm.s32 $0x9;
	s26 =	simm.s32 $0x6  }
0x12: {  	s9 =	sadd.s32 $0x20A00, s0;
	s10 =	smax.u32 s10, $0x1;
	s0 =	simm.s32 $0x9F80  }
.LBB2_1:
0x13: {  	[spmem:s11], [sflag:s5] =	dma.local [hbm:s4], $0xA00  }
0x14: {  	_ =	swait.ge [sflag:s12], $0xA00  }
0x15: {  	[sflag:s12] =	ssyncset.done $0x0  }
0x16: {  	[sflag:s12] =	ssyncadd.s32 $0xFFFFF600  }
0x17: {  	[tilespmem:s3], [sflag:$0x9] =	stream.linear.gather [hbm4b:s6+s3], $0x5000, $0x38;
	[tilespmem:$0x13000] =	vst v63  }
0x18: {  	_ =	swait.ge [sflag:s12], $0x5000  }
0x19: {  	[sflag:s12] =	ssyncset.done $0x0  }
0x1a: {  	[sflag:s12] =	ssyncadd.s32 $0xFFFFB000  }
0x1b: {  	[tilespmem:s13], [sflag:$0x9] =	stream.linear.gather [hbm4b:s7+s3], $0x5000, $0x38;
	[tilespmem:$0x13000] =	vst v63  }
0x1c: {  	_ =	swait.ge [sflag:s12], $0x5000  }
0x1d: {  	[sflag:s12] =	ssyncset.done $0x0  }
0x1e: {  	[sflag:s12] =	ssyncadd.s32 $0xFFFFB000  }
0x1f: {  	[bflag:$0x0] =	sbarrier.arrive $0xFFFF  }
0x20: {  	[tilespmem:s15], [sflag:$0x1] =	stream.indirect.gather [hbm4b:s8+s14], $0x20, s3, s14, $0xb8;
	[tilespmem:$0x13000] =	vst v63  }
0x21: {  	_ = 	snop  }
0x22: {  	[tilespmem:s16], [sflag:$0x2] =	stream.indirect.gather [hbm4b:s8+s14], $0x20, s14, s14, $0xb8;
	[tilespmem:$0x13000] =	vst v63  }
0x23: {  	s17 =	simm.s32 $0x100  }
0x24: {  	[tilespmem:s18], [sflag:$0x3] =	stream.indirect.gather [hbm4b:s8+s14], $0x20, s17, s14, $0xb8;
	[tilespmem:$0x13000] =	vst v63  }
0x25: {  	_ =	swait.ge [sflag:s19], $0x1000  }
0x26: {  	[sflag:s19] =	ssyncset.done $0x0  }
0x27: {  	[sflag:s19] =	ssyncadd.s32 $0xFFFFF000  }
0x28: {  	[spmem:s2] =	stream.indirect.scatter.add.f32 [tilespmem:s15], [sflag:$0x5], $0x20, s13, s14, $0xb8;
	[tilespmem:$0x13000] =	vst v63  }
0x29: {  	s23 =	simm.s32 $0x180  }
0x2a: {  	[tilespmem:s21], [sflag:$0x4] =	stream.indirect.gather [hbm4b:s8+s14], $0x20, s23, s14, $0xb8;
	[tilespmem:$0x13000] =	vst v63  }
0x2b: {  	_ =	swait.ge [sflag:s22], $0x1000  }
0x2c: {  	[sflag:s22] =	ssyncset.done $0x0  }
0x2d: {  	s20 =	simm.s32 $0x5080;
	[sflag:s22] =	ssyncadd.s32 $0xFFFFF000  }
0x2e: {  	[spmem:s2] =	stream.indirect.scatter.add.f32 [tilespmem:s16], [sflag:$0x6], $0x20, s20, s14, $0xb8;
	[tilespmem:$0x13000] =	vst v63  }
0x2f: {  	_ =	swait.ge [sflag:s24], $0x1000  }
0x30: {  	[sflag:s24] =	ssyncset.done $0x0  }
0x31: {  	s23 =	simm.s32 $0x200;
	[sflag:s24] =	ssyncadd.s32 $0xFFFFF000  }
0x32: {  	[tilespmem:s15], [sflag:$0x1] =	stream.indirect.gather [hbm4b:s8+s14], $0x20, s23, s14, $0xb8;
	[tilespmem:$0x13000] =	vst v63  }
0x33: {  	_ =	swait.ge [sflag:s25], $0x1000  }
0x34: {  	[sflag:s25] =	ssyncset.done $0x0  }
0x35: {  	s20 =	simm.s32 $0x5100;
	[sflag:s25] =	ssyncadd.s32 $0xFFFFF000  }
0x36: {  	[spmem:s2] =	stream.indirect.scatter.add.f32 [tilespmem:s18], [sflag:$0x7], $0x20, s20, s14, $0xb8;
	[tilespmem:$0x13000] =	vst v63  }
0x37: {  	_ =	swait.ge [sflag:s26], $0x1000  }
0x38: {  	[sflag:s26] =	ssyncset.done $0x0  }
0x39: {  	s23 =	simm.s32 $0x280;
	[sflag:s26] =	ssyncadd.s32 $0xFFFFF000  }
0x3a: {  	[tilespmem:s16], [sflag:$0x2] =	stream.indirect.gather [hbm4b:s8+s14], $0x20, s23, s14, $0xb8;
	[tilespmem:$0x13000] =	vst v63  }
0x3b: {  	_ =	swait.ge [sflag:s28], $0x1000  }
0x3c: {  	[sflag:s28] =	ssyncset.done $0x0  }
0x3d: {  	s20 =	simm.s32 $0x5180;
	[sflag:s28] =	ssyncadd.s32 $0xFFFFF000  }
0x3e: {  	[spmem:s2] =	stream.indirect.scatter.add.f32 [tilespmem:s21], [sflag:$0x8], $0x20, s20, s14, $0xb8;
	[tilespmem:$0x13000] =	vst v63  }
0x3f: {  	_ =	swait.ge [sflag:s29], $0x1000  }
0x40: {  	[sflag:s29] =	ssyncset.done $0x0  }
0x41: {  	s23 =	simm.s32 $0x300;
	[sflag:s29] =	ssyncadd.s32 $0xFFFFF000  }
0x42: {  	[tilespmem:s18], [sflag:$0x3] =	stream.indirect.gather [hbm4b:s8+s14], $0x20, s23, s14, $0xb8;
	[tilespmem:$0x13000] =	vst v63  }
0x43: {  	_ =	swait.ge [sflag:s19], $0x1000  }
0x44: {  	[sflag:s19] =	ssyncset.done $0x0  }
0x45: {  	s20 =	simm.s32 $0x5200;
	[sflag:s19] =	ssyncadd.s32 $0xFFFFF000  }
0x46: {  	[spmem:s2] =	stream.indirect.scatter.add.f32 [tilespmem:s15], [sflag:$0x5], $0x20, s20, s14, $0xb8;
	[tilespmem:$0x13000] =	vst v63  }
0x47: {  	_ =	swait.ge [sflag:s30], $0x1000  }
0x48: {  	[sflag:s30] =	ssyncset.done $0x0  }
0x49: {  	s23 =	simm.s32 $0x380;
	[sflag:s30] =	ssyncadd.s32 $0xFFFFF000  }
0x4a: {  	[tilespmem:s21], [sflag:$0x4] =	stream.indirect.gather [hbm4b:s8+s14], $0x20, s23, s14, $0xb8;
	[tilespmem:$0x13000] =	vst v63  }
0x4b: {  	_ =	swait.ge [sflag:s22], $0x1000  }
0x4c: {  	[sflag:s22] =	ssyncset.done $0x0  }
0x4d: {  	s17 =	simm.s32 $0x800;
	s20 =	simm.s32 $0x5280;
	[sflag:s22] =	ssyncadd.s32 $0xFFFFF000  }
.LBB2_2:
0x4e: {  	[spmem:s2] =	stream.indirect.scatter.add.f32 [tilespmem:s16], [sflag:$0x6], $0x20, s20, s14, $0xb8;
	[tilespmem:$0x13000] =	vst v63  }
0x4f: {  	s20 =	smov.u32 s17  }
0x50: {  	p0 =	sne.s32 s17, $0x13000;
	s17 =	sadd.s32 $0x800, s17;
	_ =	swait.ge [sflag:s24], $0x1000  }
0x51: {  	s20 =	sshra.s32 s20, $0x2;
	[sflag:s24] =	ssyncset.done $0x0  }
0x52: {  	s23 =	sadd.s32 $0x200, s20;
	[sflag:s24] =	ssyncadd.s32 $0xFFFFF000  }
0x53: {  	[tilespmem:s15], [sflag:$0x1] =	stream.indirect.gather [hbm4b:s8+s14], $0x20, s23, s14, $0xb8;
	[tilespmem:$0x13000] =	vst v63  }
0x54: {  	_ =	swait.ge [sflag:s25], $0x1000  }
0x55: {  	[sflag:s25] =	ssyncset.done $0x0  }
0x56: {  	s23 =	sadd.s32 $0x5100, s20;
	[sflag:s25] =	ssyncadd.s32 $0xFFFFF000  }
0x57: {  	[spmem:s2] =	stream.indirect.scatter.add.f32 [tilespmem:s18], [sflag:$0x7], $0x20, s23, s14, $0xb8;
	[tilespmem:$0x13000] =	vst v63  }
0x58: {  	_ =	swait.ge [sflag:s26], $0x1000  }
0x59: {  	[sflag:s26] =	ssyncset.done $0x0  }
0x5a: {  	s23 =	sadd.s32 $0x280, s20;
	[sflag:s26] =	ssyncadd.s32 $0xFFFFF000  }
0x5b: {  	[tilespmem:s16], [sflag:$0x2] =	stream.indirect.gather [hbm4b:s8+s14], $0x20, s23, s14, $0xb8;
	[tilespmem:$0x13000] =	vst v63  }
0x5c: {  	_ =	swait.ge [sflag:s28], $0x1000  }
0x5d: {  	[sflag:s28] =	ssyncset.done $0x0  }
0x5e: {  	s23 =	sadd.s32 $0x5180, s20;
	[sflag:s28] =	ssyncadd.s32 $0xFFFFF000  }
0x5f: {  	[spmem:s2] =	stream.indirect.scatter.add.f32 [tilespmem:s21], [sflag:$0x8], $0x20, s23, s14, $0xb8;
	[tilespmem:$0x13000] =	vst v63  }
0x60: {  	_ =	swait.ge [sflag:s29], $0x1000  }
0x61: {  	[sflag:s29] =	ssyncset.done $0x0  }
0x62: {  	s23 =	sadd.s32 $0x300, s20;
	[sflag:s29] =	ssyncadd.s32 $0xFFFFF000  }
0x63: {  	[tilespmem:s18], [sflag:$0x3] =	stream.indirect.gather [hbm4b:s8+s14], $0x20, s23, s14, $0xb8;
	[tilespmem:$0x13000] =	vst v63  }
0x64: {  	_ =	swait.ge [sflag:s19], $0x1000  }
0x65: {  	[sflag:s19] =	ssyncset.done $0x0  }
0x66: {  	s23 =	sadd.s32 $0x5200, s20;
	[sflag:s19] =	ssyncadd.s32 $0xFFFFF000  }
0x67: {  	[spmem:s2] =	stream.indirect.scatter.add.f32 [tilespmem:s15], [sflag:$0x5], $0x20, s23, s14, $0xb8;
	[tilespmem:$0x13000] =	vst v63  }
0x68: {  	_ =	swait.ge [sflag:s30], $0x1000  }
0x69: {  	[sflag:s30] =	ssyncset.done $0x0  }
.Ltmp0:
0x6a: {  	s23 =	sadd.s32 $0x380, s20;
	[sflag:s30] =	ssyncadd.s32 $0xFFFFF000;
	(pc) =	sbr.rel @p0 .LBB2_2-.Ltmp0, $4  }
0x6b: {  	[tilespmem:s21], [sflag:$0x4] =	stream.indirect.gather [hbm4b:s8+s14], $0x20, s23, s14, $0xb8;
	[tilespmem:$0x13000] =	vst v63  }
0x6c: {  	_ =	swait.ge [sflag:s22], $0x1000  }
0x6d: {  	[sflag:s22] =	ssyncset.done $0x0  }
0x6e: {  	s20 =	sadd.s32 $0x5280, s20;
	[sflag:s22] =	ssyncadd.s32 $0xFFFFF000  }
0x6f: {  	[spmem:s2] =	stream.indirect.scatter.add.f32 [tilespmem:s16], [sflag:$0x6], $0x20, s20, s14, $0xb8;
	[tilespmem:$0x13000] =	vst v63  }
0x70: {  	_ =	swait.ge [sflag:s24], $0x1000  }
0x71: {  	[sflag:s24] =	ssyncset.done $0x0  }
0x72: {  	[sflag:s24] =	ssyncadd.s32 $0xFFFFF000  }
0x73: {  	_ =	swait.ge [sflag:s25], $0x1000  }
0x74: {  	[sflag:s25] =	ssyncset.done $0x0  }
0x75: {  	[sflag:s25] =	ssyncadd.s32 $0xFFFFF000  }
0x76: {  	[spmem:s2] =	stream.indirect.scatter.add.f32 [tilespmem:s18], [sflag:$0x7], $0x20, s31, s14, $0xb8;
	[tilespmem:$0x13000] =	vst v63  }
0x77: {  	_ =	swait.ge [sflag:s26], $0x1000  }
0x78: {  	[sflag:s26] =	ssyncset.done $0x0  }
0x79: {  	[sflag:s26] =	ssyncadd.s32 $0xFFFFF000  }
0x7a: {  	_ =	swait.ge [sflag:s28], $0x1000  }
0x7b: {  	[sflag:s28] =	ssyncset.done $0x0  }
0x7c: {  	[sflag:s28] =	ssyncadd.s32 $0xFFFFF000  }
0x7d: {  	[spmem:s2] =	stream.indirect.scatter.add.f32 [tilespmem:s21], [sflag:$0x8], $0x20, s0, s14, $0xb8;
	[tilespmem:$0x13000] =	vst v63  }
0x7e: {  	_ =	swait.ge [sflag:s29], $0x1000  }
0x7f: {  	[sflag:s29] =	ssyncset.done $0x0  }
0x80: {  	[sflag:s29] =	ssyncadd.s32 $0xFFFFF000  }
0x81: {  	_ =	swait.ge [sflag:s30], $0x1000  }
0x82: {  	s1 =	sadd.s32 $0x1, s1;
	[sflag:s30] =	ssyncset.done $0x0  }
0x83: {  	p0 =	sne.s32 s1, s10;
	[sflag:s30] =	ssyncadd.s32 $0xFFFFF000  }
.Ltmp1:
0x84: {  	[bflag:$0x0] =	sbarrier.arrive $0xFFFF;
	(pc) =	sbr.rel @p0 .LBB2_1-.Ltmp1, $4  }
0x85: {  	[hbm:s9], [sflag:s5] =	dma.local [spmem:s11], $0xA00  }
0x86: {  	_ =	swait.ge [sflag:s12], $0xA00  }
0x87: {  	[sflag:s12] =	ssyncset.done $0x0  }
0x88: {  	[sflag:s12] =	ssyncadd.s32 $0xFFFFF600  }
0x89: {  	_ =	sfence.sel $0x180000  }
0x8a: {  	[bflag:$0x0] =	sbarrier.arrive $0xFFFF  }
0x8b: {  	_ =	strace $0x90000050  }
0x8c: {  	s0 =	stileid.u32;
	[bflag:$0x2] =	sbarrier.arrive $0xFFFF  }
0x8d: {  	p0 =	sne.s32 s0, $0x0;
	s0 =	rddreg [dreg:$0x3]  }
0x8e: {  	s0 =	sadd.s32 @!p0 $0x100000, s0  }
0x8f: {  	[sflag:s0] =	ssyncadd.tile.s32 @!p0 $0x1;
	_ =	shalt  }
.Lfunc_end2:
_tile_overlayer_lowered:
.L_overlay_start_2:
0x90: {  	(tag) =	ssettag $0x2  }
0x91: {  	s0 =	rddreg [dreg:$0x0];
	s2 =	stileid.u32  }
0x92: {  	s1 =	rddreg [dreg:$0x1];
	p0 =	sne.s32 s2, $0x0  }
0x93: {  	s3 =	rddreg [dreg:$0x2];
	[bflag:$0x3] =	sbarrier.arrive $0xFFFF;
	s2 =	simm.s32 @!p0 $0x1C09  }
0x94: {  	[timem:s3], [sflag:s2] =	dma.local @!p0 [hbm:s0], s1  }
0x95: {  	s0 =	simm.s32 @!p0 $0x9  }
0x96: {  	_ =	swait.ge @!p0 [sflag:s0], s1  }
0x97: {  	s1 =	ssub.s32 @!p0 $0x0, s1;
	[sflag:s0] =	ssyncset.done @!p0 $0x0  }
0x98: {  	[sflag:s0] =	ssyncadd.s32 @!p0 s1  }
0x99: {  	[bflag:$0x3] =	sbarrier.arrive $0xFFFF  }
0x9a: {  	_ =	shalt  }

</sc_bundles>
